<compile_context>
chip_gen: v7x
topology: tpu7x:2x2x1
jax: 0.10.2.dev20260603
libtpu: 0.0.44.dev20260713+nightly
codegen_flags: <defaults>
</compile_context>

<pallas_src>
import functools
import jax
import jax.numpy as jnp
from jax import lax
from jax.experimental import pallas as pl
from jax.experimental.pallas import tpu as pltpu
from jax.experimental.pallas import tpu_sc as plsc

N = 10000
E = 320000
G = 64
H = 10
NW = 32
EPW = E // NW
BE = 6400
BN = 2000
F32 = jnp.float32
I32 = jnp.int32
TRT = (((1,), (1,)), ((), ()))
HI = lax.Precision.HIGHEST
BF = jnp.bfloat16


def _bf16r(v):
    i = lax.bitcast_convert_type(v, I32)
    i = i + jnp.int32(0x7FFF) + lax.shift_right_logical(i, 16).astype(I32) % 2
    i = lax.bitwise_and(i, jnp.int32(-65536))
    return lax.bitcast_convert_type(i, F32)


def _a1_body(eT_ref, gT_ref, w_ref, wg_ref, be1_ref, out_ref, gp_ref):
    out_ref[...] = jnp.dot(w_ref[...], eT_ref[...],
                           preferred_element_type=F32)

    @pl.when(pl.program_id(0) == 0)
    def _():
        gp_ref[...] = (jnp.dot(wg_ref[...], gT_ref[...],
                               preferred_element_type=F32) + be1_ref[...])


def _a2_body(x_ref, w_ref, out_ref):
    out_ref[...] = lax.dot_general(w_ref[...], x_ref[...], TRT,
                                   preferred_element_type=F32)


def _b_body(baseT, xallT, srch, dsth, eidxh, wth, gpfh,
            eo, e2np, e2gp,
            src_v, dst_v, eidx_v, acc_v,
            base0, base1, xs0, xs1, xd0, xd1,
            e2n_v, e2g_v, wt_v, gp_v, sem0, sem1):
    wid = lax.axis_index("s") * 2 + lax.axis_index("c")
    be = wid * EPW
    pltpu.sync_copy(srch.at[pl.ds(be, EPW)], src_v)
    pltpu.sync_copy(dsth.at[pl.ds(be, EPW)], dst_v)
    pltpu.sync_copy(eidxh.at[pl.ds(be, EPW)], eidx_v)
    pltpu.sync_copy(wth, wt_v)
    pltpu.sync_copy(gpfh, gp_v)
    nch = EPW // 16

    b_vec = wt_v[H, :]

    @plsc.parallel_loop(0, nch, unroll=8)
    def zacc(i):
        acc_v[pl.ds(i * 16, 16)] = b_vec

    zero = jnp.zeros((16,), F32)

    @plsc.parallel_loop(0, N // 16, unroll=8)
    def zn(i):
        e2n_v[pl.ds(i * 16, 16)] = zero

    for j in range(G // 16):
        e2g_v[pl.ds(j * 16, 16)] = zero

    bufs = [(base0, xs0, xd0, sem0), (base1, xs1, xd1, sem1)]

    def start(d):
        bb, b1, b2, sm = bufs[d % 2]
        return [pltpu.async_copy(baseT.at[d, pl.ds(be, EPW)], bb, sm),
                pltpu.async_copy(xallT.at[d], b1, sm),
                pltpu.async_copy(xallT.at[H + d], b2, sm)]

    cps = start(0)
    for d in range(H):
        for c in cps:
            c.wait()
        if d < H - 1:
            cps = start(d + 1)
        base_v, xs_v, xd_v, _ = bufs[d % 2]
        w_vec = wt_v[d, :]
        off = jnp.full((16,), d * G, I32)

        @plsc.parallel_loop(0, nch, unroll=4)
        def ebody(i):
            ds_ = pl.ds(i * 16, 16)
            hh = (base_v[ds_]
                  + plsc.load_gather(xs_v, [src_v[ds_]])
                  + plsc.load_gather(xd_v, [dst_v[ds_]])
                  + plsc.load_gather(gp_v, [eidx_v[ds_] + off]))
            acc_v[ds_] = acc_v[ds_] + _bf16r(jnp.maximum(hh, 0.0)) * w_vec

    pltpu.sync_copy(acc_v, eo.at[pl.ds(be, EPW)])

    def sbody(i, c):
        ds_ = pl.ds(i * 16, 16)
        v = acc_v[ds_]
        plsc.addupdate_scatter(e2n_v, [dst_v[ds_]], v)
        plsc.addupdate_scatter(e2g_v, [eidx_v[ds_]], v)
        return c
    lax.fori_loop(0, nch, sbody, 0)

    pltpu.sync_copy(e2n_v, e2np.at[wid])
    pltpu.sync_copy(e2g_v, e2gp.at[wid])


def _c_body(x_ref, gT_ref, parts_ref, nrow_ref,
            wnx_ref, bn_ref, wng_ref, wcol_ref, lng_ref, lnb_ref, wn2_ref,
            nout_ref, n2g_ref):
    h = lax.dot_general(wnx_ref[...], x_ref[...], TRT,
                        preferred_element_type=F32) + bn_ref[...]
    gnT = jnp.dot(wng_ref[...], gT_ref[...], preferred_element_type=F32)
    ohg = (lax.broadcasted_iota(I32, (G, N), 0).astype(F32)
           == nrow_ref[...]).astype(F32)
    h = h + jnp.dot(gnT, ohg, precision=HI, preferred_element_type=F32)
    e2n_row = jnp.sum(parts_ref[...], axis=0, keepdims=True)
    e2n_row = e2n_row.astype(BF).astype(F32)
    h = h + wcol_ref[...] * e2n_row
    mu = jnp.mean(h, axis=0, keepdims=True)
    d0 = h - mu
    var = jnp.mean(d0 * d0, axis=0, keepdims=True)
    y = d0 * lax.rsqrt(var + 1e-5) * lng_ref[...] + lnb_ref[...]
    r = jnp.maximum(y, 0.0)
    r1 = jnp.concatenate([r, jnp.ones((1, N), F32)], axis=0).astype(BF)
    no = jnp.dot(wn2_ref[...], r1, preferred_element_type=F32)
    nout_ref[...] = no
    n2g_ref[...] = lax.dot_general(no, ohg, TRT, precision=HI,
                                   preferred_element_type=F32)


def _d_body(gT_ref, n2g_ref, e2gp_ref, wg1_ref, wg2_ref, wg3_ref, out_ref):
    e2g_row = jnp.sum(e2gp_ref[...], axis=0, keepdims=True)
    ones = jnp.ones((1, G), F32)
    gin = jnp.concatenate([gT_ref[...], n2g_ref[...], e2g_row, ones],
                          axis=0).astype(BF)
    h1 = jnp.maximum(jnp.dot(wg1_ref[...], gin, preferred_element_type=F32), 0.0)
    h1 = jnp.concatenate([h1, ones], axis=0).astype(BF)
    h2 = jnp.maximum(jnp.dot(wg2_ref[...], h1, preferred_element_type=F32), 0.0)
    h2 = jnp.concatenate([h2, ones], axis=0).astype(BF)
    out_ref[...] = jnp.dot(wg3_ref[...], h2, preferred_element_type=F32)


@jax.jit
def kernel(x, e, g, edges, node_idx, edge_idx, W_e1, b_e1, W_e2, b_e2,
           W_n1, b_n1, ln_g, ln_b, W_n2, b_n2,
           W_g1, b_g1, W_g2, b_g2, W_g3, b_g3):
    src = edges[0]
    dst = edges[1]

    eT = e.T.astype(BF)
    x_bf = x.astype(BF)
    gT = g.T
    gT_bf = gT.astype(BF)
    nrow = node_idx.astype(F32)[None, :]

    WE = jnp.zeros((16, 16), F32).at[:H].set(W_e1[:16].T).astype(BF)
    WA2 = jnp.concatenate([W_e1[16:144].T, W_e1[144:272].T], axis=0)
    WA2 = jnp.pad(WA2, ((0, 4), (0, 0))).astype(BF)
    WNX = W_n1[:128].T.astype(BF)
    bn_col = b_n1[:, None]
    WNG = W_n1[128:160].T.astype(BF)
    wcol = W_n1[160].astype(BF).astype(F32)[:, None]
    lng = ln_g[:, None]
    lnb = ln_b[:, None]
    WN2 = jnp.concatenate([W_n2.T, b_n2[None, :]], axis=1).astype(BF)
    WG1 = jnp.concatenate([W_g1.T, b_g1[:, None]], axis=1).astype(BF)
    WG2 = jnp.concatenate([W_g2.T, b_g2[:, None]], axis=1).astype(BF)
    WG3 = jnp.concatenate([W_g3.T, b_g3[:, None]], axis=1).astype(BF)
    wtab = jnp.zeros((32,), F32).at[:H].set(
        W_e2[:, 0].astype(BF).astype(F32)).at[H].set(b_e2[0])
    wtab = jnp.tile(wtab[:, None], (1, 16))
    WG16 = jnp.zeros((16, 32), F32).at[:H].set(W_e1[272:304].T).astype(BF)
    be1c = jnp.zeros((16, 1), F32).at[:H, 0].set(b_e1)

    baseT, gpb = pl.pallas_call(
        _a1_body,
        grid=(E // BE,),
        in_specs=[
            pl.BlockSpec((16, BE), lambda i: (0, i)),
            pl.BlockSpec((32, G), lambda i: (0, 0)),
            pl.BlockSpec((16, 16), lambda i: (0, 0)),
            pl.BlockSpec((16, 32), lambda i: (0, 0)),
            pl.BlockSpec((16, 1), lambda i: (0, 0)),
        ],
        out_specs=[
            pl.BlockSpec((16, BE), lambda i: (0, i)),
            pl.BlockSpec((16, G), lambda i: (0, 0)),
        ],
        out_shape=[
            jax.ShapeDtypeStruct((16, E), F32),
            jax.ShapeDtypeStruct((16, G), F32),
        ],
    )(eT, gT_bf, WE, WG16, be1c)
    gpf = gpb.reshape(-1)

    xallT = pl.pallas_call(
        _a2_body,
        grid=(1,),
        in_specs=[
            pl.BlockSpec((N, 128), lambda i: (0, 0)),
            pl.BlockSpec((24, 128), lambda i: (0, 0)),
        ],
        out_specs=pl.BlockSpec((24, N), lambda i: (0, 0)),
        out_shape=jax.ShapeDtypeStruct((24, N), F32),
    )(x_bf, WA2)

    mesh = plsc.VectorSubcoreMesh(core_axis_name="c", subcore_axis_name="s")
    scb = functools.partial(
        pl.kernel,
        out_type=[
            jax.ShapeDtypeStruct((E,), F32),
            jax.ShapeDtypeStruct((NW, N), F32),
            jax.ShapeDtypeStruct((NW, G), F32),
        ],
        mesh=mesh,
        compiler_params=pltpu.CompilerParams(
            use_tc_tiling_on_sc=False, needs_layout_passes=False),
        scratch_types=[
            pltpu.VMEM((EPW,), I32),
            pltpu.VMEM((EPW,), I32),
            pltpu.VMEM((EPW,), I32),
            pltpu.VMEM((EPW,), F32),
            pltpu.VMEM((EPW,), F32),
            pltpu.VMEM((EPW,), F32),
            pltpu.VMEM((N,), F32),
            pltpu.VMEM((N,), F32),
            pltpu.VMEM((N,), F32),
            pltpu.VMEM((N,), F32),
            pltpu.VMEM((N,), F32),
            pltpu.VMEM((G,), F32),
            pltpu.VMEM((32, 16), F32),
            pltpu.VMEM((16 * G,), F32),
            pltpu.SemaphoreType.DMA,
            pltpu.SemaphoreType.DMA,
        ],
    )
    edge_out_flat, e2n_parts, e2g_parts = scb(_b_body)(
        baseT, xallT, src, dst, edge_idx, wtab, gpf)

    node_outT, n2g = pl.pallas_call(
        _c_body,
        grid=(1,),
        in_specs=[
            pl.BlockSpec((N, 128), lambda i: (0, 0)),
            pl.BlockSpec((32, G), lambda i: (0, 0)),
            pl.BlockSpec((NW, N), lambda i: (0, 0)),
            pl.BlockSpec((1, N), lambda i: (0, 0)),
            pl.BlockSpec((H, 128), lambda i: (0, 0)),
            pl.BlockSpec((H, 1), lambda i: (0, 0)),
            pl.BlockSpec((H, 32), lambda i: (0, 0)),
            pl.BlockSpec((H, 1), lambda i: (0, 0)),
            pl.BlockSpec((H, 1), lambda i: (0, 0)),
            pl.BlockSpec((H, 1), lambda i: (0, 0)),
            pl.BlockSpec((1, H + 1), lambda i: (0, 0)),
        ],
        out_specs=[
            pl.BlockSpec((1, N), lambda i: (0, 0)),
            pl.BlockSpec((1, G), lambda i: (0, 0)),
        ],
        out_shape=[
            jax.ShapeDtypeStruct((1, N), F32),
            jax.ShapeDtypeStruct((1, G), F32),
        ],
    )(x_bf, gT_bf, e2n_parts, nrow, WNX, bn_col, WNG, wcol, lng, lnb, WN2)

    globT = pl.pallas_call(
        _d_body,
        grid=(1,),
        in_specs=[
            pl.BlockSpec((32, G), lambda i: (0, 0)),
            pl.BlockSpec((1, G), lambda i: (0, 0)),
            pl.BlockSpec((NW, G), lambda i: (0, 0)),
            pl.BlockSpec((H, 35), lambda i: (0, 0)),
            pl.BlockSpec((H, H + 1), lambda i: (0, 0)),
            pl.BlockSpec((1, H + 1), lambda i: (0, 0)),
        ],
        out_specs=pl.BlockSpec((1, G), lambda i: (0, 0)),
        out_shape=jax.ShapeDtypeStruct((1, G), F32),
    )(gT, n2g, e2g_parts, WG1, WG2, WG3)

    edge_out = edge_out_flat[:, None]
    node_out = node_outT.reshape(N, 1)
    glob_out = globT.reshape(G, 1)
    return (edge_out, node_out, glob_out)

# --- scband reference (transcript-rebuilt; emitter-appended) ---
"""Pipeline reference for scband-flow-43447889166593 (READ-ONLY COPY).

The authoritative reference and input builder live on the scoring server;
editing this copy changes nothing except your own understanding.
"""

import jax, jax.numpy as jnp
import numpy as np

N = 10000
E = 320000
G = 64
DX = 128
DE = 16
DG = 32
H = 10


def _ln(h, gamma, beta, eps=1e-5):
    mu = jnp.mean(h, axis=-1, keepdims=True)
    var = jnp.var(h, axis=-1, keepdims=True)
    return (h - mu) / jnp.sqrt(var + eps) * gamma + beta


def setup_inputs(seed: int = 0) -> dict:
    key = jax.random.key(seed)
    ks = jax.random.split(key, 16)
    x = jax.random.normal(ks[0], (N, DX), dtype=jnp.float32)
    e = jax.random.normal(ks[1], (E, DE), dtype=jnp.float32)
    g = jax.random.normal(ks[2], (G, DG), dtype=jnp.float32)
    edges = jax.random.randint(ks[3], (2, E), 0, N, dtype=jnp.int32)
    node_idx = jnp.sort(jax.random.randint(ks[4], (N,), 0, G, dtype=jnp.int32))
    edge_idx = jnp.sort(jax.random.randint(ks[5], (E,), 0, G, dtype=jnp.int32))

    def lin(k, fin, fout):
        return (jax.random.normal(k, (fin, fout), dtype=jnp.float32) / np.sqrt(fin)).astype(jnp.float32)

    EIN = DE + 2 * DX + DG
    NIN = DX + DG + 1
    GIN = DG + 2
    inp = {
        "x": x, "e": e, "g": g,
        "edges": edges, "node_idx": node_idx, "edge_idx": edge_idx,
        "W_e1": lin(ks[6], EIN, H), "b_e1": jnp.zeros((H,), jnp.float32),
        "W_e2": lin(ks[7], H, 1), "b_e2": jnp.zeros((1,), jnp.float32),
        "W_n1": lin(ks[8], NIN, H), "b_n1": jnp.zeros((H,), jnp.float32),
        "ln_g": jnp.ones((H,), jnp.float32), "ln_b": jnp.zeros((H,), jnp.float32),
        "W_n2": lin(ks[9], H, 1), "b_n2": jnp.zeros((1,), jnp.float32),
        "W_g1": lin(ks[10], GIN, H), "b_g1": jnp.zeros((H,), jnp.float32),
        "W_g2": lin(ks[11], H, H), "b_g2": jnp.zeros((H,), jnp.float32),
        "W_g3": lin(ks[12], H, 1), "b_g3": jnp.zeros((1,), jnp.float32),
    }
    return inp


def reference(x, e, g, edges, node_idx, edge_idx,
              W_e1, b_e1, W_e2, b_e2,
              W_n1, b_n1, ln_g, ln_b, W_n2, b_n2,
              W_g1, b_g1, W_g2, b_g2, W_g3, b_g3):
    src = edges[0]
    dst = edges[1]
    # edge update: cat([e, x[src], x[dst], g[edge_idx]]) -> Dense(.,10,1)
    edge_in = jnp.concatenate([e, x[src], x[dst], g[edge_idx]], axis=1)
    edge_h = jnp.maximum(edge_in @ W_e1 + b_e1, 0.0)
    edge_out = edge_h @ W_e2 + b_e2
    # edge->node aggregation (scatter add by dst)
    e2n = jax.ops.segment_sum(edge_out, dst, num_segments=N)
    # node update: cat([x, g[node_idx], e2n]) -> Dense(.,10,1, layer_norm=True)
    node_in = jnp.concatenate([x, g[node_idx], e2n], axis=1)
    node_h = jnp.maximum(_ln(node_in @ W_n1 + b_n1, ln_g, ln_b), 0.0)
    node_out = node_h @ W_n2 + b_n2
    # node->glob and edge->glob aggregations (scatter add by graph id)
    n2g = jax.ops.segment_sum(node_out, node_idx, num_segments=G)
    e2g = jax.ops.segment_sum(edge_out, edge_idx, num_segments=G)
    # global update: cat([g, n2g, e2g]) -> Dense(.,10,10,1)
    glob_in = jnp.concatenate([g, n2g, e2g], axis=1)
    gh = jnp.maximum(glob_in @ W_g1 + b_g1, 0.0)
    gh = jnp.maximum(gh @ W_g2 + b_g2, 0.0)
    glob_out = gh @ W_g3 + b_g3
    return (edge_out, node_out, glob_out)

if __name__ == "__main__":
    import jax
    _d = setup_inputs()
    print(jax.jit(kernel)(*tuple(_d.values())))

</pallas_src>

<mosaic_0001>
#map = affine_map<(d0, d1) -> (0, 0)>
#map1 = affine_map<(d0, d1) -> (0)>
module attributes {stable_mosaic.version = 14 : i64} {
  func.func @_b_body(%arg0: i32, %arg1: i32, %arg2: memref<16x320000xf32, #tpu.memory_space<hbm>>, %arg3: memref<24x10000xf32, #tpu.memory_space<hbm>>, %arg4: memref<320000xi32, #tpu.memory_space<hbm>>, %arg5: memref<320000xi32, #tpu.memory_space<hbm>>, %arg6: memref<320000xi32, #tpu.memory_space<hbm>>, %arg7: memref<32x16xf32, #tpu.memory_space<hbm>>, %arg8: memref<1024xf32, #tpu.memory_space<hbm>>, %arg9: memref<320000xf32, #tpu.memory_space<hbm>>, %arg10: memref<32x10000xf32, #tpu.memory_space<hbm>>, %arg11: memref<32x64xf32, #tpu.memory_space<hbm>>, %arg12: memref<10000xi32, #tpu.memory_space<vmem>>, %arg13: memref<10000xi32, #tpu.memory_space<vmem>>, %arg14: memref<10000xi32, #tpu.memory_space<vmem>>, %arg15: memref<10000xf32, #tpu.memory_space<vmem>>, %arg16: memref<10000xf32, #tpu.memory_space<vmem>>, %arg17: memref<10000xf32, #tpu.memory_space<vmem>>, %arg18: memref<10000xf32, #tpu.memory_space<vmem>>, %arg19: memref<10000xf32, #tpu.memory_space<vmem>>, %arg20: memref<10000xf32, #tpu.memory_space<vmem>>, %arg21: memref<10000xf32, #tpu.memory_space<vmem>>, %arg22: memref<10000xf32, #tpu.memory_space<vmem>>, %arg23: memref<64xf32, #tpu.memory_space<vmem>>, %arg24: memref<32x16xf32, #tpu.memory_space<vmem>>, %arg25: memref<1024xf32, #tpu.memory_space<vmem>>, %arg26: memref<!tpu.dma_semaphore, #tpu.memory_space<semaphore_mem>>, %arg27: memref<!tpu.dma_semaphore, #tpu.memory_space<semaphore_mem>>) attributes {dimension_semantics = [#tpu.dimension_semantics<core_parallel>, #tpu.dimension_semantics<subcore_parallel>], iteration_bounds = array<i64: 2, 16>, scalar_prefetch = 0 : i64, scratch_operands = 16 : i64, tpu.core_type = #tpu.core_type<sc_vector_subcore>, window_params = [{transform_indices = #map}, {transform_indices = #map}, {transform_indices = #map1}, {transform_indices = #map1}, {transform_indices = #map1}, {transform_indices = #map}, {transform_indices = #map1}, {transform_indices = #map1}, {transform_indices = #map}, {transform_indices = #map}]} {
    %mul3A = arith.constant 2 : i32
    %mul3A_0 = arith.muli %arg1, %mul3A : i32
    %add3A = arith.addi %mul3A_0, %arg0 : i32
    %mul3A_1 = arith.constant 10000 : i32
    %mul3A_2 = arith.muli %add3A, %mul3A_1 : i32
    "tpu.region"() ({
      %run_scoped3A = tpu.sem_alloc : memref<!tpu.dma_semaphore, #tpu.memory_space<semaphore_mem>>
      %dma_start3A_492 = tpu.memref_slice %arg4[%mul3A_2] : memref<320000xi32, #tpu.memory_space<hbm>> -> memref<10000xi32, #tpu.memory_space<hbm>>
      %dma_start3A_493 = tpu.memref_slice %arg4[%mul3A_2] : memref<320000xi32, #tpu.memory_space<hbm>> -> memref<10000xi32, #tpu.memory_space<hbm>>
      tpu.enqueue_dma source(%dma_start3A_493 : memref<10000xi32, #tpu.memory_space<hbm>>) target(%arg12 : memref<10000xi32, #tpu.memory_space<vmem>>) target_semaphore(%run_scoped3A : memref<!tpu.dma_semaphore, #tpu.memory_space<semaphore_mem>>)
      %dma_wait3A_494 = tpu.memref_slice %arg4[%mul3A_2] : memref<320000xi32, #tpu.memory_space<hbm>> -> memref<10000xi32, #tpu.memory_space<hbm>>
      %dma_wait3A_495 = tpu.memref_slice %arg4[%mul3A_2] : memref<320000xi32, #tpu.memory_space<hbm>> -> memref<10000xi32, #tpu.memory_space<hbm>>
      tpu.wait_dma2 semaphore(%run_scoped3A : memref<!tpu.dma_semaphore, #tpu.memory_space<semaphore_mem>>) src(%dma_wait3A_495 : memref<10000xi32, #tpu.memory_space<hbm>>) dst(%arg12 : memref<10000xi32, #tpu.memory_space<vmem>>)
      tpu.yield
    }) : () -> ()
    "tpu.region"() ({
      %run_scoped3A = tpu.sem_alloc : memref<!tpu.dma_semaphore, #tpu.memory_space<semaphore_mem>>
      %dma_start3A_492 = tpu.memref_slice %arg5[%mul3A_2] : memref<320000xi32, #tpu.memory_space<hbm>> -> memref<10000xi32, #tpu.memory_space<hbm>>
      %dma_start3A_493 = tpu.memref_slice %arg5[%mul3A_2] : memref<320000xi32, #tpu.memory_space<hbm>> -> memref<10000xi32, #tpu.memory_space<hbm>>
      tpu.enqueue_dma source(%dma_start3A_493 : memref<10000xi32, #tpu.memory_space<hbm>>) target(%arg13 : memref<10000xi32, #tpu.memory_space<vmem>>) target_semaphore(%run_scoped3A : memref<!tpu.dma_semaphore, #tpu.memory_space<semaphore_mem>>)
      %dma_wait3A_494 = tpu.memref_slice %arg5[%mul3A_2] : memref<320000xi32, #tpu.memory_space<hbm>> -> memref<10000xi32, #tpu.memory_space<hbm>>
      %dma_wait3A_495 = tpu.memref_slice %arg5[%mul3A_2] : memref<320000xi32, #tpu.memory_space<hbm>> -> memref<10000xi32, #tpu.memory_space<hbm>>
      tpu.wait_dma2 semaphore(%run_scoped3A : memref<!tpu.dma_semaphore, #tpu.memory_space<semaphore_mem>>) src(%dma_wait3A_495 : memref<10000xi32, #tpu.memory_space<hbm>>) dst(%arg13 : memref<10000xi32, #tpu.memory_space<vmem>>)
      tpu.yield
    }) : () -> ()
    "tpu.region"() ({
      %run_scoped3A = tpu.sem_alloc : memref<!tpu.dma_semaphore, #tpu.memory_space<semaphore_mem>>
      %dma_start3A_492 = tpu.memref_slice %arg6[%mul3A_2] : memref<320000xi32, #tpu.memory_space<hbm>> -> memref<10000xi32, #tpu.memory_space<hbm>>
      %dma_start3A_493 = tpu.memref_slice %arg6[%mul3A_2] : memref<320000xi32, #tpu.memory_space<hbm>> -> memref<10000xi32, #tpu.memory_space<hbm>>
      tpu.enqueue_dma source(%dma_start3A_493 : memref<10000xi32, #tpu.memory_space<hbm>>) target(%arg14 : memref<10000xi32, #tpu.memory_space<vmem>>) target_semaphore(%run_scoped3A : memref<!tpu.dma_semaphore, #tpu.memory_space<semaphore_mem>>)
      %dma_wait3A_494 = tpu.memref_slice %arg6[%mul3A_2] : memref<320000xi32, #tpu.memory_space<hbm>> -> memref<10000xi32, #tpu.memory_space<hbm>>
      %dma_wait3A_495 = tpu.memref_slice %arg6[%mul3A_2] : memref<320000xi32, #tpu.memory_space<hbm>> -> memref<10000xi32, #tpu.memory_space<hbm>>
      tpu.wait_dma2 semaphore(%run_scoped3A : memref<!tpu.dma_semaphore, #tpu.memory_space<semaphore_mem>>) src(%dma_wait3A_495 : memref<10000xi32, #tpu.memory_space<hbm>>) dst(%arg14 : memref<10000xi32, #tpu.memory_space<vmem>>)
      tpu.yield
    }) : () -> ()
    "tpu.region"() ({
      %run_scoped3A = tpu.sem_alloc : memref<!tpu.dma_semaphore, #tpu.memory_space<semaphore_mem>>
      tpu.enqueue_dma source(%arg7 : memref<32x16xf32, #tpu.memory_space<hbm>>) target(%arg24 : memref<32x16xf32, #tpu.memory_space<vmem>>) target_semaphore(%run_scoped3A : memref<!tpu.dma_semaphore, #tpu.memory_space<semaphore_mem>>)
      tpu.wait_dma2 semaphore(%run_scoped3A : memref<!tpu.dma_semaphore, #tpu.memory_space<semaphore_mem>>) src(%arg7 : memref<32x16xf32, #tpu.memory_space<hbm>>) dst(%arg24 : memref<32x16xf32, #tpu.memory_space<vmem>>)
      tpu.yield
    }) : () -> ()
    "tpu.region"() ({
      %run_scoped3A = tpu.sem_alloc : memref<!tpu.dma_semaphore, #tpu.memory_space<semaphore_mem>>
      tpu.enqueue_dma source(%arg8 : memref<1024xf32, #tpu.memory_space<hbm>>) target(%arg25 : memref<1024xf32, #tpu.memory_space<vmem>>) target_semaphore(%run_scoped3A : memref<!tpu.dma_semaphore, #tpu.memory_space<semaphore_mem>>)
      tpu.wait_dma2 semaphore(%run_scoped3A : memref<!tpu.dma_semaphore, #tpu.memory_space<semaphore_mem>>) src(%arg8 : memref<1024xf32, #tpu.memory_space<hbm>>) dst(%arg25 : memref<1024xf32, #tpu.memory_space<vmem>>)
      tpu.yield
    }) : () -> ()
    %get3A = arith.constant 10 : i32
    %get3A_3 = arith.index_cast %get3A : i32 to index
    %get3A_4 = arith.constant 0 : index
    %get3A_5 = tpu.vector_load %arg24[%get3A_3, %get3A_4] {strides = array<i32>} : memref<32x16xf32, #tpu.memory_space<vmem>>, vector<16xf32>,
    %parallel_loop3A = arith.constant 0 : i32
    %parallel_loop3A_6 = arith.constant 625 : i32
    %parallel_loop3A_7 = arith.constant 1 : i32
    scf.for %parallel_loop3A_492 = %parallel_loop3A to %parallel_loop3A_6 step %parallel_loop3A_7  : i32 {
      %parallel_loop3A_493 = arith.constant 16 : i32
      %parallel_loop3A_494 = arith.muli %parallel_loop3A_492, %parallel_loop3A_493 : i32
      %parallel_loop3A_495 = arith.index_cast %parallel_loop3A_494 : i32 to index
      %parallel_loop3A_496 = tpu.vector_load %arg15[%parallel_loop3A_495] {strides = array<i32>} : memref<10000xf32, #tpu.memory_space<vmem>>, vector<16xf32>,
      tpu.vector_store %arg15[%parallel_loop3A_495], %get3A_5 {strides = array<i32>} : memref<10000xf32, #tpu.memory_space<vmem>>, vector<16xf32>,
    } {sc.loop_unroll_factor = 8 : i64, sc.parallel_access}
    %broadcast_in_dim3A = arith.constant 0.000000e+00 : f32
    %broadcast_in_dim3A_8 = vector.broadcast %broadcast_in_dim3A : f32 to vector<16xf32>
    %parallel_loop3A_9 = arith.constant 0 : i32
    %parallel_loop3A_10 = arith.constant 625 : i32
    %parallel_loop3A_11 = arith.constant 1 : i32
    scf.for %parallel_loop3A_492 = %parallel_loop3A_9 to %parallel_loop3A_10 step %parallel_loop3A_11  : i32 {
      %parallel_loop3A_493 = arith.constant 16 : i32
      %parallel_loop3A_494 = arith.muli %parallel_loop3A_492, %parallel_loop3A_493 : i32
      %parallel_loop3A_495 = arith.index_cast %parallel_loop3A_494 : i32 to index
      %parallel_loop3A_496 = tpu.vector_load %arg22[%parallel_loop3A_495] {strides = array<i32>} : memref<10000xf32, #tpu.memory_space<vmem>>, vector<16xf32>,
      tpu.vector_store %arg22[%parallel_loop3A_495], %broadcast_in_dim3A_8 {strides = array<i32>} : memref<10000xf32, #tpu.memory_space<vmem>>, vector<16xf32>,
    } {sc.loop_unroll_factor = 8 : i64, sc.parallel_access}
    %swap3A = arith.constant 0 : index
    %swap3A_12 = tpu.vector_load %arg23[%swap3A] {strides = array<i32>} : memref<64xf32, #tpu.memory_space<vmem>>, vector<16xf32>,
    tpu.vector_store %arg23[%swap3A], %broadcast_in_dim3A_8 {strides = array<i32>} : memref<64xf32, #tpu.memory_space<vmem>>, vector<16xf32>,
    %swap3A_13 = arith.constant 16 : index
    %swap3A_14 = tpu.vector_load %arg23[%swap3A_13] {strides = array<i32>} : memref<64xf32, #tpu.memory_space<vmem>>, vector<16xf32>,
    tpu.vector_store %arg23[%swap3A_13], %broadcast_in_dim3A_8 {strides = array<i32>} : memref<64xf32, #tpu.memory_space<vmem>>, vector<16xf32>,
    %swap3A_15 = arith.constant 32 : index
    %swap3A_16 = tpu.vector_load %arg23[%swap3A_15] {strides = array<i32>} : memref<64xf32, #tpu.memory_space<vmem>>, vector<16xf32>,
    tpu.vector_store %arg23[%swap3A_15], %broadcast_in_dim3A_8 {strides = array<i32>} : memref<64xf32, #tpu.memory_space<vmem>>, vector<16xf32>,
    %swap3A_17 = arith.constant 48 : index
    %swap3A_18 = tpu.vector_load %arg23[%swap3A_17] {strides = array<i32>} : memref<64xf32, #tpu.memory_space<vmem>>, vector<16xf32>,
    tpu.vector_store %arg23[%swap3A_17], %broadcast_in_dim3A_8 {strides = array<i32>} : memref<64xf32, #tpu.memory_space<vmem>>, vector<16xf32>,
    %dma_start3A = arith.constant 0 : i32
    %dma_start3A_19 = tpu.memref_slice %arg2[%dma_start3A, %mul3A_2] : memref<16x320000xf32, #tpu.memory_space<hbm>> -> memref<1x10000xf32, #tpu.memory_space<hbm>>
    %dma_start3A_20 = tpu.memref_squeeze %dma_start3A_19 : memref<1x10000xf32, #tpu.memory_space<hbm>> -> memref<10000xf32, #tpu.memory_space<hbm>>
    %dma_start3A_21 = tpu.memref_slice %arg2[%dma_start3A, %mul3A_2] : memref<16x320000xf32, #tpu.memory_space<hbm>> -> memref<1x10000xf32, #tpu.memory_space<hbm>>
    %dma_start3A_22 = tpu.memref_squeeze %dma_start3A_21 : memref<1x10000xf32, #tpu.memory_space<hbm>> -> memref<10000xf32, #tpu.memory_space<hbm>>
    tpu.enqueue_dma source(%dma_start3A_22 : memref<10000xf32, #tpu.memory_space<hbm>>) target(%arg16 : memref<10000xf32, #tpu.memory_space<vmem>>) target_semaphore(%arg26 : memref<!tpu.dma_semaphore, #tpu.memory_space<semaphore_mem>>)
    %dma_start3A_23 = arith.constant 0 : i32
    %dma_start3A_24 = arith.constant 0 : i32
    %dma_start3A_25 = tpu.memref_slice %arg3[%dma_start3A_23, %dma_start3A_24] : memref<24x10000xf32, #tpu.memory_space<hbm>> -> memref<1x10000xf32, #tpu.memory_space<hbm>>
    %dma_start3A_26 = tpu.memref_squeeze %dma_start3A_25 : memref<1x10000xf32, #tpu.memory_space<hbm>> -> memref<10000xf32, #tpu.memory_space<hbm>>
    %dma_start3A_27 = arith.constant 0 : i32
    %dma_start3A_28 = tpu.memref_slice %arg3[%dma_start3A_23, %dma_start3A_27] : memref<24x10000xf32, #tpu.memory_space<hbm>> -> memref<1x10000xf32, #tpu.memory_space<hbm>>
    %dma_start3A_29 = tpu.memref_squeeze %dma_start3A_28 : memref<1x10000xf32, #tpu.memory_space<hbm>> -> memref<10000xf32, #tpu.memory_space<hbm>>
    tpu.enqueue_dma source(%dma_start3A_29 : memref<10000xf32, #tpu.memory_space<hbm>>) target(%arg18 : memref<10000xf32, #tpu.memory_space<vmem>>) target_semaphore(%arg26 : memref<!tpu.dma_semaphore, #tpu.memory_space<semaphore_mem>>)
    %dma_start3A_30 = arith.constant 10 : i32
    %dma_start3A_31 = arith.constant 0 : i32
    %dma_start3A_32 = tpu.memref_slice %arg3[%dma_start3A_30, %dma_start3A_31] : memref<24x10000xf32, #tpu.memory_space<hbm>> -> memref<1x10000xf32, #tpu.memory_space<hbm>>
    %dma_start3A_33 = tpu.memref_squeeze %dma_start3A_32 : memref<1x10000xf32, #tpu.memory_space<hbm>> -> memref<10000xf32, #tpu.memory_space<hbm>>
    %dma_start3A_34 = arith.constant 0 : i32
    %dma_start3A_35 = tpu.memref_slice %arg3[%dma_start3A_30, %dma_start3A_34] : memref<24x10000xf32, #tpu.memory_space<hbm>> -> memref<1x10000xf32, #tpu.memory_space<hbm>>
    %dma_start3A_36 = tpu.memref_squeeze %dma_start3A_35 : memref<1x10000xf32, #tpu.memory_space<hbm>> -> memref<10000xf32, #tpu.memory_space<hbm>>
    tpu.enqueue_dma source(%dma_start3A_36 : memref<10000xf32, #tpu.memory_space<hbm>>) target(%arg20 : memref<10000xf32, #tpu.memory_space<vmem>>) target_semaphore(%arg26 : memref<!tpu.dma_semaphore, #tpu.memory_space<semaphore_mem>>)
    %dma_wait3A = arith.constant 0 : i32
    %dma_wait3A_37 = tpu.memref_slice %arg2[%dma_wait3A, %mul3A_2] : memref<16x320000xf32, #tpu.memory_space<hbm>> -> memref<1x10000xf32, #tpu.memory_space<hbm>>
    %dma_wait3A_38 = tpu.memref_squeeze %dma_wait3A_37 : memref<1x10000xf32, #tpu.memory_space<hbm>> -> memref<10000xf32, #tpu.memory_space<hbm>>
    %dma_wait3A_39 = tpu.memref_slice %arg2[%dma_wait3A, %mul3A_2] : memref<16x320000xf32, #tpu.memory_space<hbm>> -> memref<1x10000xf32, #tpu.memory_space<hbm>>
    %dma_wait3A_40 = tpu.memref_squeeze %dma_wait3A_39 : memref<1x10000xf32, #tpu.memory_space<hbm>> -> memref<10000xf32, #tpu.memory_space<hbm>>
    tpu.wait_dma2 semaphore(%arg26 : memref<!tpu.dma_semaphore, #tpu.memory_space<semaphore_mem>>) src(%dma_wait3A_40 : memref<10000xf32, #tpu.memory_space<hbm>>) dst(%arg16 : memref<10000xf32, #tpu.memory_space<vmem>>)
    %dma_wait3A_41 = arith.constant 0 : i32
    %dma_wait3A_42 = arith.constant 0 : i32
    %dma_wait3A_43 = tpu.memref_slice %arg3[%dma_wait3A_41, %dma_wait3A_42] : memref<24x10000xf32, #tpu.memory_space<hbm>> -> memref<1x10000xf32, #tpu.memory_space<hbm>>
    %dma_wait3A_44 = tpu.memref_squeeze %dma_wait3A_43 : memref<1x10000xf32, #tpu.memory_space<hbm>> -> memref<10000xf32, #tpu.memory_space<hbm>>
    %dma_wait3A_45 = arith.constant 0 : i32
    %dma_wait3A_46 = tpu.memref_slice %arg3[%dma_wait3A_41, %dma_wait3A_45] : memref<24x10000xf32, #tpu.memory_space<hbm>> -> memref<1x10000xf32, #tpu.memory_space<hbm>>
    %dma_wait3A_47 = tpu.memref_squeeze %dma_wait3A_46 : memref<1x10000xf32, #tpu.memory_space<hbm>> -> memref<10000xf32, #tpu.memory_space<hbm>>
    tpu.wait_dma2 semaphore(%arg26 : memref<!tpu.dma_semaphore, #tpu.memory_space<semaphore_mem>>) src(%dma_wait3A_47 : memref<10000xf32, #tpu.memory_space<hbm>>) dst(%arg18 : memref<10000xf32, #tpu.memory_space<vmem>>)
    %dma_wait3A_48 = arith.constant 10 : i32
    %dma_wait3A_49 = arith.constant 0 : i32
    %dma_wait3A_50 = tpu.memref_slice %arg3[%dma_wait3A_48, %dma_wait3A_49] : memref<24x10000xf32, #tpu.memory_space<hbm>> -> memref<1x10000xf32, #tpu.memory_space<hbm>>
    %dma_wait3A_51 = tpu.memref_squeeze %dma_wait3A_50 : memref<1x10000xf32, #tpu.memory_space<hbm>> -> memref<10000xf32, #tpu.memory_space<hbm>>
    %dma_wait3A_52 = arith.constant 0 : i32
    %dma_wait3A_53 = tpu.memref_slice %arg3[%dma_wait3A_48, %dma_wait3A_52] : memref<24x10000xf32, #tpu.memory_space<hbm>> -> memref<1x10000xf32, #tpu.memory_space<hbm>>
    %dma_wait3A_54 = tpu.memref_squeeze %dma_wait3A_53 : memref<1x10000xf32, #tpu.memory_space<hbm>> -> memref<10000xf32, #tpu.memory_space<hbm>>
    tpu.wait_dma2 semaphore(%arg26 : memref<!tpu.dma_semaphore, #tpu.memory_space<semaphore_mem>>) src(%dma_wait3A_54 : memref<10000xf32, #tpu.memory_space<hbm>>) dst(%arg20 : memref<10000xf32, #tpu.memory_space<vmem>>)
    %dma_start3A_55 = arith.constant 1 : i32
    %dma_start3A_56 = tpu.memref_slice %arg2[%dma_start3A_55, %mul3A_2] : memref<16x320000xf32, #tpu.memory_space<hbm>> -> memref<1x10000xf32, #tpu.memory_space<hbm>>
    %dma_start3A_57 = tpu.memref_squeeze %dma_start3A_56 : memref<1x10000xf32, #tpu.memory_space<hbm>> -> memref<10000xf32, #tpu.memory_space<hbm>>
    %dma_start3A_58 = tpu.memref_slice %arg2[%dma_start3A_55, %mul3A_2] : memref<16x320000xf32, #tpu.memory_space<hbm>> -> memref<1x10000xf32, #tpu.memory_space<hbm>>
    %dma_start3A_59 = tpu.memref_squeeze %dma_start3A_58 : memref<1x10000xf32, #tpu.memory_space<hbm>> -> memref<10000xf32, #tpu.memory_space<hbm>>
    tpu.enqueue_dma source(%dma_start3A_59 : memref<10000xf32, #tpu.memory_space<hbm>>) target(%arg17 : memref<10000xf32, #tpu.memory_space<vmem>>) target_semaphore(%arg27 : memref<!tpu.dma_semaphore, #tpu.memory_space<semaphore_mem>>)
    %dma_start3A_60 = arith.constant 1 : i32
    %dma_start3A_61 = arith.constant 0 : i32
    %dma_start3A_62 = tpu.memref_slice %arg3[%dma_start3A_60, %dma_start3A_61] : memref<24x10000xf32, #tpu.memory_space<hbm>> -> memref<1x10000xf32, #tpu.memory_space<hbm>>
    %dma_start3A_63 = tpu.memref_squeeze %dma_start3A_62 : memref<1x10000xf32, #tpu.memory_space<hbm>> -> memref<10000xf32, #tpu.memory_space<hbm>>
    %dma_start3A_64 = arith.constant 0 : i32
    %dma_start3A_65 = tpu.memref_slice %arg3[%dma_start3A_60, %dma_start3A_64] : memref<24x10000xf32, #tpu.memory_space<hbm>> -> memref<1x10000xf32, #tpu.memory_space<hbm>>
    %dma_start3A_66 = tpu.memref_squeeze %dma_start3A_65 : memref<1x10000xf32, #tpu.memory_space<hbm>> -> memref<10000xf32, #tpu.memory_space<hbm>>
    tpu.enqueue_dma source(%dma_start3A_66 : memref<10000xf32, #tpu.memory_space<hbm>>) target(%arg19 : memref<10000xf32, #tpu.memory_space<vmem>>) target_semaphore(%arg27 : memref<!tpu.dma_semaphore, #tpu.memory_space<semaphore_mem>>)
    %dma_start3A_67 = arith.constant 11 : i32
    %dma_start3A_68 = arith.constant 0 : i32
    %dma_start3A_69 = tpu.memref_slice %arg3[%dma_start3A_67, %dma_start3A_68] : memref<24x10000xf32, #tpu.memory_space<hbm>> -> memref<1x10000xf32, #tpu.memory_space<hbm>>
    %dma_start3A_70 = tpu.memref_squeeze %dma_start3A_69 : memref<1x10000xf32, #tpu.memory_space<hbm>> -> memref<10000xf32, #tpu.memory_space<hbm>>
    %dma_start3A_71 = arith.constant 0 : i32
    %dma_start3A_72 = tpu.memref_slice %arg3[%dma_start3A_67, %dma_start3A_71] : memref<24x10000xf32, #tpu.memory_space<hbm>> -> memref<1x10000xf32, #tpu.memory_space<hbm>>
    %dma_start3A_73 = tpu.memref_squeeze %dma_start3A_72 : memref<1x10000xf32, #tpu.memory_space<hbm>> -> memref<10000xf32, #tpu.memory_space<hbm>>
    tpu.enqueue_dma source(%dma_start3A_73 : memref<10000xf32, #tpu.memory_space<hbm>>) target(%arg21 : memref<10000xf32, #tpu.memory_space<vmem>>) target_semaphore(%arg27 : memref<!tpu.dma_semaphore, #tpu.memory_space<semaphore_mem>>)
    %get3A_74 = arith.constant 0 : i32
    %get3A_75 = arith.index_cast %get3A_74 : i32 to index
    %get3A_76 = arith.constant 0 : index
    %get3A_77 = tpu.vector_load %arg24[%get3A_75, %get3A_76] {strides = array<i32>} : memref<32x16xf32, #tpu.memory_space<vmem>>, vector<16xf32>,
    %broadcast_in_dim3A_78 = arith.constant 0 : i32
    %broadcast_in_dim3A_79 = vector.broadcast %broadcast_in_dim3A_78 : i32 to vector<16xi32>
    %parallel_loop3A_80 = arith.constant 0 : i32
    %parallel_loop3A_81 = arith.constant 625 : i32
    %parallel_loop3A_82 = arith.constant 1 : i32
    scf.for %parallel_loop3A_492 = %parallel_loop3A_80 to %parallel_loop3A_81 step %parallel_loop3A_82  : i32 {
      %parallel_loop3A_493 = arith.constant 16 : i32
      %parallel_loop3A_494 = arith.muli %parallel_loop3A_492, %parallel_loop3A_493 : i32
      %parallel_loop3A_495 = arith.index_cast %parallel_loop3A_494 : i32 to index
      %parallel_loop3A_496 = tpu.vector_load %arg16[%parallel_loop3A_495] {strides = array<i32>} : memref<10000xf32, #tpu.memory_space<vmem>>, vector<16xf32>,
      %parallel_loop3A_497 = arith.index_cast %parallel_loop3A_494 : i32 to index
      %parallel_loop3A_498 = tpu.vector_load %arg12[%parallel_loop3A_497] {strides = array<i32>} : memref<10000xi32, #tpu.memory_space<vmem>>, vector<16xi32>,
      %parallel_loop3A_499 = tpu.vector_load_idx %arg18[%parallel_loop3A_498] : memref<10000xf32, #tpu.memory_space<vmem>>[vector<16xi32>], vector<16xf32>,
      %parallel_loop3A_500 = arith.addf %parallel_loop3A_496, %parallel_loop3A_499 : vector<16xf32>
      %parallel_loop3A_501 = arith.index_cast %parallel_loop3A_494 : i32 to index
      %parallel_loop3A_502 = tpu.vector_load %arg13[%parallel_loop3A_501] {strides = array<i32>} : memref<10000xi32, #tpu.memory_space<vmem>>, vector<16xi32>,
      %parallel_loop3A_503 = tpu.vector_load_idx %arg20[%parallel_loop3A_502] : memref<10000xf32, #tpu.memory_space<vmem>>[vector<16xi32>], vector<16xf32>,
      %parallel_loop3A_504 = arith.addf %parallel_loop3A_500, %parallel_loop3A_503 : vector<16xf32>
      %parallel_loop3A_505 = arith.index_cast %parallel_loop3A_494 : i32 to index
      %parallel_loop3A_506 = tpu.vector_load %arg14[%parallel_loop3A_505] {strides = array<i32>} : memref<10000xi32, #tpu.memory_space<vmem>>, vector<16xi32>,
      %parallel_loop3A_507 = arith.addi %parallel_loop3A_506, %broadcast_in_dim3A_79 : vector<16xi32>
      %parallel_loop3A_508 = tpu.vector_load_idx %arg25[%parallel_loop3A_507] : memref<1024xf32, #tpu.memory_space<vmem>>[vector<16xi32>], vector<16xf32>,
      %parallel_loop3A_509 = arith.addf %parallel_loop3A_504, %parallel_loop3A_508 : vector<16xf32>
      %parallel_loop3A_510 = arith.index_cast %parallel_loop3A_494 : i32 to index
      %parallel_loop3A_511 = tpu.vector_load %arg15[%parallel_loop3A_510] {strides = array<i32>} : memref<10000xf32, #tpu.memory_space<vmem>>, vector<16xf32>,
      %parallel_loop3A_512 = arith.constant 0.000000e+00 : f32
      %parallel_loop3A_513 = vector.broadcast %parallel_loop3A_512 : f32 to vector<16xf32>
      %parallel_loop3A_514 = arith.maximumf %parallel_loop3A_509, %parallel_loop3A_513 : vector<16xf32>
      %parallel_loop3A_515 = tpu.bitcast %parallel_loop3A_514 : vector<16xf32> -> vector<16xi32>
      %parallel_loop3A_516 = arith.constant 32767 : i32
      %parallel_loop3A_517 = vector.broadcast %parallel_loop3A_516 : i32 to vector<16xi32>
      %parallel_loop3A_518 = arith.addi %parallel_loop3A_515, %parallel_loop3A_517 : vector<16xi32>
      %parallel_loop3A_519 = arith.constant 16 : i32
      %parallel_loop3A_520 = vector.broadcast %parallel_loop3A_519 : i32 to vector<16xi32>
      %parallel_loop3A_521 = arith.shrui %parallel_loop3A_515, %parallel_loop3A_520 : vector<16xi32>
      %parallel_loop3A_522 = arith.constant 2 : i32
      %parallel_loop3A_523 = arith.constant 0 : i32
      %parallel_loop3A_524 = arith.cmpi eq, %parallel_loop3A_522, %parallel_loop3A_523 : i32
      %parallel_loop3A_525 = arith.constant 1 : i32
      %parallel_loop3A_526 = arith.select %parallel_loop3A_524, %parallel_loop3A_525, %parallel_loop3A_522 : i32
      %parallel_loop3A_527 = vector.broadcast %parallel_loop3A_526 : i32 to vector<16xi32>
      %parallel_loop3A_528 = arith.remsi %parallel_loop3A_521, %parallel_loop3A_527 : vector<16xi32>
      %parallel_loop3A_529 = arith.constant 0 : i32
      %parallel_loop3A_530 = vector.broadcast %parallel_loop3A_529 : i32 to vector<16xi32>
      %parallel_loop3A_531 = arith.cmpi ne, %parallel_loop3A_528, %parallel_loop3A_530 : vector<16xi32>
      %parallel_loop3A_532 = arith.constant 0 : i32
      %parallel_loop3A_533 = vector.broadcast %parallel_loop3A_532 : i32 to vector<16xi32>
      %parallel_loop3A_534 = arith.cmpi slt, %parallel_loop3A_528, %parallel_loop3A_533 : vector<16xi32>
      %parallel_loop3A_535 = arith.constant 0 : i32
      %parallel_loop3A_536 = arith.cmpi slt, %parallel_loop3A_526, %parallel_loop3A_535 : i32
      %parallel_loop3A_537 = vector.broadcast %parallel_loop3A_536 : i1 to vector<16xi1>
      %parallel_loop3A_538 = vector.broadcast %parallel_loop3A_537 : vector<16xi1> to vector<16xi1>
      %parallel_loop3A_539 = arith.xori %parallel_loop3A_534, %parallel_loop3A_538 : vector<16xi1>
      %parallel_loop3A_540 = arith.andi %parallel_loop3A_539, %parallel_loop3A_531 : vector<16xi1>
      %parallel_loop3A_541 = vector.broadcast %parallel_loop3A_526 : i32 to vector<16xi32>
      %parallel_loop3A_542 = arith.addi %parallel_loop3A_528, %parallel_loop3A_541 : vector<16xi32>
      %parallel_loop3A_543 = arith.select %parallel_loop3A_540, %parallel_loop3A_542, %parallel_loop3A_528 : vector<16xi1>, vector<16xi32>
      %parallel_loop3A_544 = arith.addi %parallel_loop3A_518, %parallel_loop3A_543 : vector<16xi32>
      %parallel_loop3A_545 = arith.constant -65536 : i32
      %parallel_loop3A_546 = vector.broadcast %parallel_loop3A_545 : i32 to vector<16xi32>
      %parallel_loop3A_547 = arith.andi %parallel_loop3A_544, %parallel_loop3A_546 : vector<16xi32>
      %parallel_loop3A_548 = tpu.bitcast %parallel_loop3A_547 : vector<16xi32> -> vector<16xf32>
      %parallel_loop3A_549 = arith.mulf %parallel_loop3A_548, %get3A_77 : vector<16xf32>
      %parallel_loop3A_550 = arith.addf %parallel_loop3A_511, %parallel_loop3A_549 : vector<16xf32>
      %parallel_loop3A_551 = arith.index_cast %parallel_loop3A_494 : i32 to index
      %parallel_loop3A_552 = tpu.vector_load %arg15[%parallel_loop3A_551] {strides = array<i32>} : memref<10000xf32, #tpu.memory_space<vmem>>, vector<16xf32>,
      tpu.vector_store %arg15[%parallel_loop3A_551], %parallel_loop3A_550 {strides = array<i32>} : memref<10000xf32, #tpu.memory_space<vmem>>, vector<16xf32>,
    } {sc.loop_unroll_factor = 4 : i64, sc.parallel_access}
    %dma_wait3A_83 = arith.constant 1 : i32
    %dma_wait3A_84 = tpu.memref_slice %arg2[%dma_wait3A_83, %mul3A_2] : memref<16x320000xf32, #tpu.memory_space<hbm>> -> memref<1x10000xf32, #tpu.memory_space<hbm>>
    %dma_wait3A_85 = tpu.memref_squeeze %dma_wait3A_84 : memref<1x10000xf32, #tpu.memory_space<hbm>> -> memref<10000xf32, #tpu.memory_space<hbm>>
    %dma_wait3A_86 = tpu.memref_slice %arg2[%dma_wait3A_83, %mul3A_2] : memref<16x320000xf32, #tpu.memory_space<hbm>> -> memref<1x10000xf32, #tpu.memory_space<hbm>>
    %dma_wait3A_87 = tpu.memref_squeeze %dma_wait3A_86 : memref<1x10000xf32, #tpu.memory_space<hbm>> -> memref<10000xf32, #tpu.memory_space<hbm>>
    tpu.wait_dma2 semaphore(%arg27 : memref<!tpu.dma_semaphore, #tpu.memory_space<semaphore_mem>>) src(%dma_wait3A_87 : memref<10000xf32, #tpu.memory_space<hbm>>) dst(%arg17 : memref<10000xf32, #tpu.memory_space<vmem>>)
    %dma_wait3A_88 = arith.constant 1 : i32
    %dma_wait3A_89 = arith.constant 0 : i32
    %dma_wait3A_90 = tpu.memref_slice %arg3[%dma_wait3A_88, %dma_wait3A_89] : memref<24x10000xf32, #tpu.memory_space<hbm>> -> memref<1x10000xf32, #tpu.memory_space<hbm>>
    %dma_wait3A_91 = tpu.memref_squeeze %dma_wait3A_90 : memref<1x10000xf32, #tpu.memory_space<hbm>> -> memref<10000xf32, #tpu.memory_space<hbm>>
    %dma_wait3A_92 = arith.constant 0 : i32
    %dma_wait3A_93 = tpu.memref_slice %arg3[%dma_wait3A_88, %dma_wait3A_92] : memref<24x10000xf32, #tpu.memory_space<hbm>> -> memref<1x10000xf32, #tpu.memory_space<hbm>>
    %dma_wait3A_94 = tpu.memref_squeeze %dma_wait3A_93 : memref<1x10000xf32, #tpu.memory_space<hbm>> -> memref<10000xf32, #tpu.memory_space<hbm>>
    tpu.wait_dma2 semaphore(%arg27 : memref<!tpu.dma_semaphore, #tpu.memory_space<semaphore_mem>>) src(%dma_wait3A_94 : memref<10000xf32, #tpu.memory_space<hbm>>) dst(%arg19 : memref<10000xf32, #tpu.memory_space<vmem>>)
    %dma_wait3A_95 = arith.constant 11 : i32
    %dma_wait3A_96 = arith.constant 0 : i32
    %dma_wait3A_97 = tpu.memref_slice %arg3[%dma_wait3A_95, %dma_wait3A_96] : memref<24x10000xf32, #tpu.memory_space<hbm>> -> memref<1x10000xf32, #tpu.memory_space<hbm>>
    %dma_wait3A_98 = tpu.memref_squeeze %dma_wait3A_97 : memref<1x10000xf32, #tpu.memory_space<hbm>> -> memref<10000xf32, #tpu.memory_space<hbm>>
    %dma_wait3A_99 = arith.constant 0 : i32
    %dma_wait3A_100 = tpu.memref_slice %arg3[%dma_wait3A_95, %dma_wait3A_99] : memref<24x10000xf32, #tpu.memory_space<hbm>> -> memref<1x10000xf32, #tpu.memory_space<hbm>>
    %dma_wait3A_101 = tpu.memref_squeeze %dma_wait3A_100 : memref<1x10000xf32, #tpu.memory_space<hbm>> -> memref<10000xf32, #tpu.memory_space<hbm>>
    tpu.wait_dma2 semaphore(%arg27 : memref<!tpu.dma_semaphore, #tpu.memory_space<semaphore_mem>>) src(%dma_wait3A_101 : memref<10000xf32, #tpu.memory_space<hbm>>) dst(%arg21 : memref<10000xf32, #tpu.memory_space<vmem>>)
    %dma_start3A_102 = arith.constant 2 : i32
    %dma_start3A_103 = tpu.memref_slice %arg2[%dma_start3A_102, %mul3A_2] : memref<16x320000xf32, #tpu.memory_space<hbm>> -> memref<1x10000xf32, #tpu.memory_space<hbm>>
    %dma_start3A_104 = tpu.memref_squeeze %dma_start3A_103 : memref<1x10000xf32, #tpu.memory_space<hbm>> -> memref<10000xf32, #tpu.memory_space<hbm>>
    %dma_start3A_105 = tpu.memref_slice %arg2[%dma_start3A_102, %mul3A_2] : memref<16x320000xf32, #tpu.memory_space<hbm>> -> memref<1x10000xf32, #tpu.memory_space<hbm>>
    %dma_start3A_106 = tpu.memref_squeeze %dma_start3A_105 : memref<1x10000xf32, #tpu.memory_space<hbm>> -> memref<10000xf32, #tpu.memory_space<hbm>>
    tpu.enqueue_dma source(%dma_start3A_106 : memref<10000xf32, #tpu.memory_space<hbm>>) target(%arg16 : memref<10000xf32, #tpu.memory_space<vmem>>) target_semaphore(%arg26 : memref<!tpu.dma_semaphore, #tpu.memory_space<semaphore_mem>>)
    %dma_start3A_107 = arith.constant 2 : i32
    %dma_start3A_108 = arith.constant 0 : i32
    %dma_start3A_109 = tpu.memref_slice %arg3[%dma_start3A_107, %dma_start3A_108] : memref<24x10000xf32, #tpu.memory_space<hbm>> -> memref<1x10000xf32, #tpu.memory_space<hbm>>
    %dma_start3A_110 = tpu.memref_squeeze %dma_start3A_109 : memref<1x10000xf32, #tpu.memory_space<hbm>> -> memref<10000xf32, #tpu.memory_space<hbm>>
    %dma_start3A_111 = arith.constant 0 : i32
    %dma_start3A_112 = tpu.memref_slice %arg3[%dma_start3A_107, %dma_start3A_111] : memref<24x10000xf32, #tpu.memory_space<hbm>> -> memref<1x10000xf32, #tpu.memory_space<hbm>>
    %dma_start3A_113 = tpu.memref_squeeze %dma_start3A_112 : memref<1x10000xf32, #tpu.memory_space<hbm>> -> memref<10000xf32, #tpu.memory_space<hbm>>
    tpu.enqueue_dma source(%dma_start3A_113 : memref<10000xf32, #tpu.memory_space<hbm>>) target(%arg18 : memref<10000xf32, #tpu.memory_space<vmem>>) target_semaphore(%arg26 : memref<!tpu.dma_semaphore, #tpu.memory_space<semaphore_mem>>)
    %dma_start3A_114 = arith.constant 12 : i32
    %dma_start3A_115 = arith.constant 0 : i32
    %dma_start3A_116 = tpu.memref_slice %arg3[%dma_start3A_114, %dma_start3A_115] : memref<24x10000xf32, #tpu.memory_space<hbm>> -> memref<1x10000xf32, #tpu.memory_space<hbm>>
    %dma_start3A_117 = tpu.memref_squeeze %dma_start3A_116 : memref<1x10000xf32, #tpu.memory_space<hbm>> -> memref<10000xf32, #tpu.memory_space<hbm>>
    %dma_start3A_118 = arith.constant 0 : i32
    %dma_start3A_119 = tpu.memref_slice %arg3[%dma_start3A_114, %dma_start3A_118] : memref<24x10000xf32, #tpu.memory_space<hbm>> -> memref<1x10000xf32, #tpu.memory_space<hbm>>
    %dma_start3A_120 = tpu.memref_squeeze %dma_start3A_119 : memref<1x10000xf32, #tpu.memory_space<hbm>> -> memref<10000xf32, #tpu.memory_space<hbm>>
    tpu.enqueue_dma source(%dma_start3A_120 : memref<10000xf32, #tpu.memory_space<hbm>>) target(%arg20 : memref<10000xf32, #tpu.memory_space<vmem>>) target_semaphore(%arg26 : memref<!tpu.dma_semaphore, #tpu.memory_space<semaphore_mem>>)
    %get3A_121 = arith.constant 1 : i32
    %get3A_122 = arith.index_cast %get3A_121 : i32 to index
    %get3A_123 = arith.constant 0 : index
    %get3A_124 = tpu.vector_load %arg24[%get3A_122, %get3A_123] {strides = array<i32>} : memref<32x16xf32, #tpu.memory_space<vmem>>, vector<16xf32>,
    %broadcast_in_dim3A_125 = arith.constant 64 : i32
    %broadcast_in_dim3A_126 = vector.broadcast %broadcast_in_dim3A_125 : i32 to vector<16xi32>
    %parallel_loop3A_127 = arith.constant 0 : i32
    %parallel_loop3A_128 = arith.constant 625 : i32
    %parallel_loop3A_129 = arith.constant 1 : i32
    scf.for %parallel_loop3A_492 = %parallel_loop3A_127 to %parallel_loop3A_128 step %parallel_loop3A_129  : i32 {
      %parallel_loop3A_493 = arith.constant 16 : i32
      %parallel_loop3A_494 = arith.muli %parallel_loop3A_492, %parallel_loop3A_493 : i32
      %parallel_loop3A_495 = arith.index_cast %parallel_loop3A_494 : i32 to index
      %parallel_loop3A_496 = tpu.vector_load %arg17[%parallel_loop3A_495] {strides = array<i32>} : memref<10000xf32, #tpu.memory_space<vmem>>, vector<16xf32>,
      %parallel_loop3A_497 = arith.index_cast %parallel_loop3A_494 : i32 to index
      %parallel_loop3A_498 = tpu.vector_load %arg12[%parallel_loop3A_497] {strides = array<i32>} : memref<10000xi32, #tpu.memory_space<vmem>>, vector<16xi32>,
      %parallel_loop3A_499 = tpu.vector_load_idx %arg19[%parallel_loop3A_498] : memref<10000xf32, #tpu.memory_space<vmem>>[vector<16xi32>], vector<16xf32>,
      %parallel_loop3A_500 = arith.addf %parallel_loop3A_496, %parallel_loop3A_499 : vector<16xf32>
      %parallel_loop3A_501 = arith.index_cast %parallel_loop3A_494 : i32 to index
      %parallel_loop3A_502 = tpu.vector_load %arg13[%parallel_loop3A_501] {strides = array<i32>} : memref<10000xi32, #tpu.memory_space<vmem>>, vector<16xi32>,
      %parallel_loop3A_503 = tpu.vector_load_idx %arg21[%parallel_loop3A_502] : memref<10000xf32, #tpu.memory_space<vmem>>[vector<16xi32>], vector<16xf32>,
      %parallel_loop3A_504 = arith.addf %parallel_loop3A_500, %parallel_loop3A_503 : vector<16xf32>
      %parallel_loop3A_505 = arith.index_cast %parallel_loop3A_494 : i32 to index
      %parallel_loop3A_506 = tpu.vector_load %arg14[%parallel_loop3A_505] {strides = array<i32>} : memref<10000xi32, #tpu.memory_space<vmem>>, vector<16xi32>,
      %parallel_loop3A_507 = arith.addi %parallel_loop3A_506, %broadcast_in_dim3A_126 : vector<16xi32>
      %parallel_loop3A_508 = tpu.vector_load_idx %arg25[%parallel_loop3A_507] : memref<1024xf32, #tpu.memory_space<vmem>>[vector<16xi32>], vector<16xf32>,
      %parallel_loop3A_509 = arith.addf %parallel_loop3A_504, %parallel_loop3A_508 : vector<16xf32>
      %parallel_loop3A_510 = arith.index_cast %parallel_loop3A_494 : i32 to index
      %parallel_loop3A_511 = tpu.vector_load %arg15[%parallel_loop3A_510] {strides = array<i32>} : memref<10000xf32, #tpu.memory_space<vmem>>, vector<16xf32>,
      %parallel_loop3A_512 = arith.constant 0.000000e+00 : f32
      %parallel_loop3A_513 = vector.broadcast %parallel_loop3A_512 : f32 to vector<16xf32>
      %parallel_loop3A_514 = arith.maximumf %parallel_loop3A_509, %parallel_loop3A_513 : vector<16xf32>
      %parallel_loop3A_515 = tpu.bitcast %parallel_loop3A_514 : vector<16xf32> -> vector<16xi32>
      %parallel_loop3A_516 = arith.constant 32767 : i32
      %parallel_loop3A_517 = vector.broadcast %parallel_loop3A_516 : i32 to vector<16xi32>
      %parallel_loop3A_518 = arith.addi %parallel_loop3A_515, %parallel_loop3A_517 : vector<16xi32>
      %parallel_loop3A_519 = arith.constant 16 : i32
      %parallel_loop3A_520 = vector.broadcast %parallel_loop3A_519 : i32 to vector<16xi32>
      %parallel_loop3A_521 = arith.shrui %parallel_loop3A_515, %parallel_loop3A_520 : vector<16xi32>
      %parallel_loop3A_522 = arith.constant 2 : i32
      %parallel_loop3A_523 = arith.constant 0 : i32
      %parallel_loop3A_524 = arith.cmpi eq, %parallel_loop3A_522, %parallel_loop3A_523 : i32
      %parallel_loop3A_525 = arith.constant 1 : i32
      %parallel_loop3A_526 = arith.select %parallel_loop3A_524, %parallel_loop3A_525, %parallel_loop3A_522 : i32
      %parallel_loop3A_527 = vector.broadcast %parallel_loop3A_526 : i32 to vector<16xi32>
      %parallel_loop3A_528 = arith.remsi %parallel_loop3A_521, %parallel_loop3A_527 : vector<16xi32>
      %parallel_loop3A_529 = arith.constant 0 : i32
      %parallel_loop3A_530 = vector.broadcast %parallel_loop3A_529 : i32 to vector<16xi32>
      %parallel_loop3A_531 = arith.cmpi ne, %parallel_loop3A_528, %parallel_loop3A_530 : vector<16xi32>
      %parallel_loop3A_532 = arith.constant 0 : i32
      %parallel_loop3A_533 = vector.broadcast %parallel_loop3A_532 : i32 to vector<16xi32>
      %parallel_loop3A_534 = arith.cmpi slt, %parallel_loop3A_528, %parallel_loop3A_533 : vector<16xi32>
      %parallel_loop3A_535 = arith.constant 0 : i32
      %parallel_loop3A_536 = arith.cmpi slt, %parallel_loop3A_526, %parallel_loop3A_535 : i32
      %parallel_loop3A_537 = vector.broadcast %parallel_loop3A_536 : i1 to vector<16xi1>
      %parallel_loop3A_538 = vector.broadcast %parallel_loop3A_537 : vector<16xi1> to vector<16xi1>
      %parallel_loop3A_539 = arith.xori %parallel_loop3A_534, %parallel_loop3A_538 : vector<16xi1>
      %parallel_loop3A_540 = arith.andi %parallel_loop3A_539, %parallel_loop3A_531 : vector<16xi1>
      %parallel_loop3A_541 = vector.broadcast %parallel_loop3A_526 : i32 to vector<16xi32>
      %parallel_loop3A_542 = arith.addi %parallel_loop3A_528, %parallel_loop3A_541 : vector<16xi32>
      %parallel_loop3A_543 = arith.select %parallel_loop3A_540, %parallel_loop3A_542, %parallel_loop3A_528 : vector<16xi1>, vector<16xi32>
      %parallel_loop3A_544 = arith.addi %parallel_loop3A_518, %parallel_loop3A_543 : vector<16xi32>
      %parallel_loop3A_545 = arith.constant -65536 : i32
      %parallel_loop3A_546 = vector.broadcast %parallel_loop3A_545 : i32 to vector<16xi32>
      %parallel_loop3A_547 = arith.andi %parallel_loop3A_544, %parallel_loop3A_546 : vector<16xi32>
      %parallel_loop3A_548 = tpu.bitcast %parallel_loop3A_547 : vector<16xi32> -> vector<16xf32>
      %parallel_loop3A_549 = arith.mulf %parallel_loop3A_548, %get3A_124 : vector<16xf32>
      %parallel_loop3A_550 = arith.addf %parallel_loop3A_511, %parallel_loop3A_549 : vector<16xf32>
      %parallel_loop3A_551 = arith.index_cast %parallel_loop3A_494 : i32 to index
      %parallel_loop3A_552 = tpu.vector_load %arg15[%parallel_loop3A_551] {strides = array<i32>} : memref<10000xf32, #tpu.memory_space<vmem>>, vector<16xf32>,
      tpu.vector_store %arg15[%parallel_loop3A_551], %parallel_loop3A_550 {strides = array<i32>} : memref<10000xf32, #tpu.memory_space<vmem>>, vector<16xf32>,
    } {sc.loop_unroll_factor = 4 : i64, sc.parallel_access}
    %dma_wait3A_130 = arith.constant 2 : i32
    %dma_wait3A_131 = tpu.memref_slice %arg2[%dma_wait3A_130, %mul3A_2] : memref<16x320000xf32, #tpu.memory_space<hbm>> -> memref<1x10000xf32, #tpu.memory_space<hbm>>
    %dma_wait3A_132 = tpu.memref_squeeze %dma_wait3A_131 : memref<1x10000xf32, #tpu.memory_space<hbm>> -> memref<10000xf32, #tpu.memory_space<hbm>>
    %dma_wait3A_133 = tpu.memref_slice %arg2[%dma_wait3A_130, %mul3A_2] : memref<16x320000xf32, #tpu.memory_space<hbm>> -> memref<1x10000xf32, #tpu.memory_space<hbm>>
    %dma_wait3A_134 = tpu.memref_squeeze %dma_wait3A_133 : memref<1x10000xf32, #tpu.memory_space<hbm>> -> memref<10000xf32, #tpu.memory_space<hbm>>
    tpu.wait_dma2 semaphore(%arg26 : memref<!tpu.dma_semaphore, #tpu.memory_space<semaphore_mem>>) src(%dma_wait3A_134 : memref<10000xf32, #tpu.memory_space<hbm>>) dst(%arg16 : memref<10000xf32, #tpu.memory_space<vmem>>)
    %dma_wait3A_135 = arith.constant 2 : i32
    %dma_wait3A_136 = arith.constant 0 : i32
    %dma_wait3A_137 = tpu.memref_slice %arg3[%dma_wait3A_135, %dma_wait3A_136] : memref<24x10000xf32, #tpu.memory_space<hbm>> -> memref<1x10000xf32, #tpu.memory_space<hbm>>
    %dma_wait3A_138 = tpu.memref_squeeze %dma_wait3A_137 : memref<1x10000xf32, #tpu.memory_space<hbm>> -> memref<10000xf32, #tpu.memory_space<hbm>>
    %dma_wait3A_139 = arith.constant 0 : i32
    %dma_wait3A_140 = tpu.memref_slice %arg3[%dma_wait3A_135, %dma_wait3A_139] : memref<24x10000xf32, #tpu.memory_space<hbm>> -> memref<1x10000xf32, #tpu.memory_space<hbm>>
    %dma_wait3A_141 = tpu.memref_squeeze %dma_wait3A_140 : memref<1x10000xf32, #tpu.memory_space<hbm>> -> memref<10000xf32, #tpu.memory_space<hbm>>
    tpu.wait_dma2 semaphore(%arg26 : memref<!tpu.dma_semaphore, #tpu.memory_space<semaphore_mem>>) src(%dma_wait3A_141 : memref<10000xf32, #tpu.memory_space<hbm>>) dst(%arg18 : memref<10000xf32, #tpu.memory_space<vmem>>)
    %dma_wait3A_142 = arith.constant 12 : i32
    %dma_wait3A_143 = arith.constant 0 : i32
    %dma_wait3A_144 = tpu.memref_slice %arg3[%dma_wait3A_142, %dma_wait3A_143] : memref<24x10000xf32, #tpu.memory_space<hbm>> -> memref<1x10000xf32, #tpu.memory_space<hbm>>
    %dma_wait3A_145 = tpu.memref_squeeze %dma_wait3A_144 : memref<1x10000xf32, #tpu.memory_space<hbm>> -> memref<10000xf32, #tpu.memory_space<hbm>>
    %dma_wait3A_146 = arith.constant 0 : i32
    %dma_wait3A_147 = tpu.memref_slice %arg3[%dma_wait3A_142, %dma_wait3A_146] : memref<24x10000xf32, #tpu.memory_space<hbm>> -> memref<1x10000xf32, #tpu.memory_space<hbm>>
    %dma_wait3A_148 = tpu.memref_squeeze %dma_wait3A_147 : memref<1x10000xf32, #tpu.memory_space<hbm>> -> memref<10000xf32, #tpu.memory_space<hbm>>
    tpu.wait_dma2 semaphore(%arg26 : memref<!tpu.dma_semaphore, #tpu.memory_space<semaphore_mem>>) src(%dma_wait3A_148 : memref<10000xf32, #tpu.memory_space<hbm>>) dst(%arg20 : memref<10000xf32, #tpu.memory_space<vmem>>)
    %dma_start3A_149 = arith.constant 3 : i32
    %dma_start3A_150 = tpu.memref_slice %arg2[%dma_start3A_149, %mul3A_2] : memref<16x320000xf32, #tpu.memory_space<hbm>> -> memref<1x10000xf32, #tpu.memory_space<hbm>>
    %dma_start3A_151 = tpu.memref_squeeze %dma_start3A_150 : memref<1x10000xf32, #tpu.memory_space<hbm>> -> memref<10000xf32, #tpu.memory_space<hbm>>
    %dma_start3A_152 = tpu.memref_slice %arg2[%dma_start3A_149, %mul3A_2] : memref<16x320000xf32, #tpu.memory_space<hbm>> -> memref<1x10000xf32, #tpu.memory_space<hbm>>
    %dma_start3A_153 = tpu.memref_squeeze %dma_start3A_152 : memref<1x10000xf32, #tpu.memory_space<hbm>> -> memref<10000xf32, #tpu.memory_space<hbm>>
    tpu.enqueue_dma source(%dma_start3A_153 : memref<10000xf32, #tpu.memory_space<hbm>>) target(%arg17 : memref<10000xf32, #tpu.memory_space<vmem>>) target_semaphore(%arg27 : memref<!tpu.dma_semaphore, #tpu.memory_space<semaphore_mem>>)
    %dma_start3A_154 = arith.constant 3 : i32
    %dma_start3A_155 = arith.constant 0 : i32
    %dma_start3A_156 = tpu.memref_slice %arg3[%dma_start3A_154, %dma_start3A_155] : memref<24x10000xf32, #tpu.memory_space<hbm>> -> memref<1x10000xf32, #tpu.memory_space<hbm>>
    %dma_start3A_157 = tpu.memref_squeeze %dma_start3A_156 : memref<1x10000xf32, #tpu.memory_space<hbm>> -> memref<10000xf32, #tpu.memory_space<hbm>>
    %dma_start3A_158 = arith.constant 0 : i32
    %dma_start3A_159 = tpu.memref_slice %arg3[%dma_start3A_154, %dma_start3A_158] : memref<24x10000xf32, #tpu.memory_space<hbm>> -> memref<1x10000xf32, #tpu.memory_space<hbm>>
    %dma_start3A_160 = tpu.memref_squeeze %dma_start3A_159 : memref<1x10000xf32, #tpu.memory_space<hbm>> -> memref<10000xf32, #tpu.memory_space<hbm>>
    tpu.enqueue_dma source(%dma_start3A_160 : memref<10000xf32, #tpu.memory_space<hbm>>) target(%arg19 : memref<10000xf32, #tpu.memory_space<vmem>>) target_semaphore(%arg27 : memref<!tpu.dma_semaphore, #tpu.memory_space<semaphore_mem>>)
    %dma_start3A_161 = arith.constant 13 : i32
    %dma_start3A_162 = arith.constant 0 : i32
    %dma_start3A_163 = tpu.memref_slice %arg3[%dma_start3A_161, %dma_start3A_162] : memref<24x10000xf32, #tpu.memory_space<hbm>> -> memref<1x10000xf32, #tpu.memory_space<hbm>>
    %dma_start3A_164 = tpu.memref_squeeze %dma_start3A_163 : memref<1x10000xf32, #tpu.memory_space<hbm>> -> memref<10000xf32, #tpu.memory_space<hbm>>
    %dma_start3A_165 = arith.constant 0 : i32
    %dma_start3A_166 = tpu.memref_slice %arg3[%dma_start3A_161, %dma_start3A_165] : memref<24x10000xf32, #tpu.memory_space<hbm>> -> memref<1x10000xf32, #tpu.memory_space<hbm>>
    %dma_start3A_167 = tpu.memref_squeeze %dma_start3A_166 : memref<1x10000xf32, #tpu.memory_space<hbm>> -> memref<10000xf32, #tpu.memory_space<hbm>>
    tpu.enqueue_dma source(%dma_start3A_167 : memref<10000xf32, #tpu.memory_space<hbm>>) target(%arg21 : memref<10000xf32, #tpu.memory_space<vmem>>) target_semaphore(%arg27 : memref<!tpu.dma_semaphore, #tpu.memory_space<semaphore_mem>>)
    %get3A_168 = arith.constant 2 : i32
    %get3A_169 = arith.index_cast %get3A_168 : i32 to index
    %get3A_170 = arith.constant 0 : index
    %get3A_171 = tpu.vector_load %arg24[%get3A_169, %get3A_170] {strides = array<i32>} : memref<32x16xf32, #tpu.memory_space<vmem>>, vector<16xf32>,
    %broadcast_in_dim3A_172 = arith.constant 128 : i32
    %broadcast_in_dim3A_173 = vector.broadcast %broadcast_in_dim3A_172 : i32 to vector<16xi32>
    %parallel_loop3A_174 = arith.constant 0 : i32
    %parallel_loop3A_175 = arith.constant 625 : i32
    %parallel_loop3A_176 = arith.constant 1 : i32
    scf.for %parallel_loop3A_492 = %parallel_loop3A_174 to %parallel_loop3A_175 step %parallel_loop3A_176  : i32 {
      %parallel_loop3A_493 = arith.constant 16 : i32
      %parallel_loop3A_494 = arith.muli %parallel_loop3A_492, %parallel_loop3A_493 : i32
      %parallel_loop3A_495 = arith.index_cast %parallel_loop3A_494 : i32 to index
      %parallel_loop3A_496 = tpu.vector_load %arg16[%parallel_loop3A_495] {strides = array<i32>} : memref<10000xf32, #tpu.memory_space<vmem>>, vector<16xf32>,
      %parallel_loop3A_497 = arith.index_cast %parallel_loop3A_494 : i32 to index
      %parallel_loop3A_498 = tpu.vector_load %arg12[%parallel_loop3A_497] {strides = array<i32>} : memref<10000xi32, #tpu.memory_space<vmem>>, vector<16xi32>,
      %parallel_loop3A_499 = tpu.vector_load_idx %arg18[%parallel_loop3A_498] : memref<10000xf32, #tpu.memory_space<vmem>>[vector<16xi32>], vector<16xf32>,
      %parallel_loop3A_500 = arith.addf %parallel_loop3A_496, %parallel_loop3A_499 : vector<16xf32>
      %parallel_loop3A_501 = arith.index_cast %parallel_loop3A_494 : i32 to index
      %parallel_loop3A_502 = tpu.vector_load %arg13[%parallel_loop3A_501] {strides = array<i32>} : memref<10000xi32, #tpu.memory_space<vmem>>, vector<16xi32>,
      %parallel_loop3A_503 = tpu.vector_load_idx %arg20[%parallel_loop3A_502] : memref<10000xf32, #tpu.memory_space<vmem>>[vector<16xi32>], vector<16xf32>,
      %parallel_loop3A_504 = arith.addf %parallel_loop3A_500, %parallel_loop3A_503 : vector<16xf32>
      %parallel_loop3A_505 = arith.index_cast %parallel_loop3A_494 : i32 to index
      %parallel_loop3A_506 = tpu.vector_load %arg14[%parallel_loop3A_505] {strides = array<i32>} : memref<10000xi32, #tpu.memory_space<vmem>>, vector<16xi32>,
      %parallel_loop3A_507 = arith.addi %parallel_loop3A_506, %broadcast_in_dim3A_173 : vector<16xi32>
      %parallel_loop3A_508 = tpu.vector_load_idx %arg25[%parallel_loop3A_507] : memref<1024xf32, #tpu.memory_space<vmem>>[vector<16xi32>], vector<16xf32>,
      %parallel_loop3A_509 = arith.addf %parallel_loop3A_504, %parallel_loop3A_508 : vector<16xf32>
      %parallel_loop3A_510 = arith.index_cast %parallel_loop3A_494 : i32 to index
      %parallel_loop3A_511 = tpu.vector_load %arg15[%parallel_loop3A_510] {strides = array<i32>} : memref<10000xf32, #tpu.memory_space<vmem>>, vector<16xf32>,
      %parallel_loop3A_512 = arith.constant 0.000000e+00 : f32
      %parallel_loop3A_513 = vector.broadcast %parallel_loop3A_512 : f32 to vector<16xf32>
      %parallel_loop3A_514 = arith.maximumf %parallel_loop3A_509, %parallel_loop3A_513 : vector<16xf32>
      %parallel_loop3A_515 = tpu.bitcast %parallel_loop3A_514 : vector<16xf32> -> vector<16xi32>
      %parallel_loop3A_516 = arith.constant 32767 : i32
      %parallel_loop3A_517 = vector.broadcast %parallel_loop3A_516 : i32 to vector<16xi32>
      %parallel_loop3A_518 = arith.addi %parallel_loop3A_515, %parallel_loop3A_517 : vector<16xi32>
      %parallel_loop3A_519 = arith.constant 16 : i32
      %parallel_loop3A_520 = vector.broadcast %parallel_loop3A_519 : i32 to vector<16xi32>
      %parallel_loop3A_521 = arith.shrui %parallel_loop3A_515, %parallel_loop3A_520 : vector<16xi32>
      %parallel_loop3A_522 = arith.constant 2 : i32
      %parallel_loop3A_523 = arith.constant 0 : i32
      %parallel_loop3A_524 = arith.cmpi eq, %parallel_loop3A_522, %parallel_loop3A_523 : i32
      %parallel_loop3A_525 = arith.constant 1 : i32
      %parallel_loop3A_526 = arith.select %parallel_loop3A_524, %parallel_loop3A_525, %parallel_loop3A_522 : i32
      %parallel_loop3A_527 = vector.broadcast %parallel_loop3A_526 : i32 to vector<16xi32>
      %parallel_loop3A_528 = arith.remsi %parallel_loop3A_521, %parallel_loop3A_527 : vector<16xi32>
      %parallel_loop3A_529 = arith.constant 0 : i32
      %parallel_loop3A_530 = vector.broadcast %parallel_loop3A_529 : i32 to vector<16xi32>
      %parallel_loop3A_531 = arith.cmpi ne, %parallel_loop3A_528, %parallel_loop3A_530 : vector<16xi32>
      %parallel_loop3A_532 = arith.constant 0 : i32
      %parallel_loop3A_533 = vector.broadcast %parallel_loop3A_532 : i32 to vector<16xi32>
      %parallel_loop3A_534 = arith.cmpi slt, %parallel_loop3A_528, %parallel_loop3A_533 : vector<16xi32>
      %parallel_loop3A_535 = arith.constant 0 : i32
      %parallel_loop3A_536 = arith.cmpi slt, %parallel_loop3A_526, %parallel_loop3A_535 : i32
      %parallel_loop3A_537 = vector.broadcast %parallel_loop3A_536 : i1 to vector<16xi1>
      %parallel_loop3A_538 = vector.broadcast %parallel_loop3A_537 : vector<16xi1> to vector<16xi1>
      %parallel_loop3A_539 = arith.xori %parallel_loop3A_534, %parallel_loop3A_538 : vector<16xi1>
      %parallel_loop3A_540 = arith.andi %parallel_loop3A_539, %parallel_loop3A_531 : vector<16xi1>
      %parallel_loop3A_541 = vector.broadcast %parallel_loop3A_526 : i32 to vector<16xi32>
      %parallel_loop3A_542 = arith.addi %parallel_loop3A_528, %parallel_loop3A_541 : vector<16xi32>
      %parallel_loop3A_543 = arith.select %parallel_loop3A_540, %parallel_loop3A_542, %parallel_loop3A_528 : vector<16xi1>, vector<16xi32>
      %parallel_loop3A_544 = arith.addi %parallel_loop3A_518, %parallel_loop3A_543 : vector<16xi32>
      %parallel_loop3A_545 = arith.constant -65536 : i32
      %parallel_loop3A_546 = vector.broadcast %parallel_loop3A_545 : i32 to vector<16xi32>
      %parallel_loop3A_547 = arith.andi %parallel_loop3A_544, %parallel_loop3A_546 : vector<16xi32>
      %parallel_loop3A_548 = tpu.bitcast %parallel_loop3A_547 : vector<16xi32> -> vector<16xf32>
      %parallel_loop3A_549 = arith.mulf %parallel_loop3A_548, %get3A_171 : vector<16xf32>
      %parallel_loop3A_550 = arith.addf %parallel_loop3A_511, %parallel_loop3A_549 : vector<16xf32>
      %parallel_loop3A_551 = arith.index_cast %parallel_loop3A_494 : i32 to index
      %parallel_loop3A_552 = tpu.vector_load %arg15[%parallel_loop3A_551] {strides = array<i32>} : memref<10000xf32, #tpu.memory_space<vmem>>, vector<16xf32>,
      tpu.vector_store %arg15[%parallel_loop3A_551], %parallel_loop3A_550 {strides = array<i32>} : memref<10000xf32, #tpu.memory_space<vmem>>, vector<16xf32>,
    } {sc.loop_unroll_factor = 4 : i64, sc.parallel_access}
    %dma_wait3A_177 = arith.constant 3 : i32
    %dma_wait3A_178 = tpu.memref_slice %arg2[%dma_wait3A_177, %mul3A_2] : memref<16x320000xf32, #tpu.memory_space<hbm>> -> memref<1x10000xf32, #tpu.memory_space<hbm>>
    %dma_wait3A_179 = tpu.memref_squeeze %dma_wait3A_178 : memref<1x10000xf32, #tpu.memory_space<hbm>> -> memref<10000xf32, #tpu.memory_space<hbm>>
    %dma_wait3A_180 = tpu.memref_slice %arg2[%dma_wait3A_177, %mul3A_2] : memref<16x320000xf32, #tpu.memory_space<hbm>> -> memref<1x10000xf32, #tpu.memory_space<hbm>>
    %dma_wait3A_181 = tpu.memref_squeeze %dma_wait3A_180 : memref<1x10000xf32, #tpu.memory_space<hbm>> -> memref<10000xf32, #tpu.memory_space<hbm>>
    tpu.wait_dma2 semaphore(%arg27 : memref<!tpu.dma_semaphore, #tpu.memory_space<semaphore_mem>>) src(%dma_wait3A_181 : memref<10000xf32, #tpu.memory_space<hbm>>) dst(%arg17 : memref<10000xf32, #tpu.memory_space<vmem>>)
    %dma_wait3A_182 = arith.constant 3 : i32
    %dma_wait3A_183 = arith.constant 0 : i32
    %dma_wait3A_184 = tpu.memref_slice %arg3[%dma_wait3A_182, %dma_wait3A_183] : memref<24x10000xf32, #tpu.memory_space<hbm>> -> memref<1x10000xf32, #tpu.memory_space<hbm>>
    %dma_wait3A_185 = tpu.memref_squeeze %dma_wait3A_184 : memref<1x10000xf32, #tpu.memory_space<hbm>> -> memref<10000xf32, #tpu.memory_space<hbm>>
    %dma_wait3A_186 = arith.constant 0 : i32
    %dma_wait3A_187 = tpu.memref_slice %arg3[%dma_wait3A_182, %dma_wait3A_186] : memref<24x10000xf32, #tpu.memory_space<hbm>> -> memref<1x10000xf32, #tpu.memory_space<hbm>>
    %dma_wait3A_188 = tpu.memref_squeeze %dma_wait3A_187 : memref<1x10000xf32, #tpu.memory_space<hbm>> -> memref<10000xf32, #tpu.memory_space<hbm>>
    tpu.wait_dma2 semaphore(%arg27 : memref<!tpu.dma_semaphore, #tpu.memory_space<semaphore_mem>>) src(%dma_wait3A_188 : memref<10000xf32, #tpu.memory_space<hbm>>) dst(%arg19 : memref<10000xf32, #tpu.memory_space<vmem>>)
    %dma_wait3A_189 = arith.constant 13 : i32
    %dma_wait3A_190 = arith.constant 0 : i32
    %dma_wait3A_191 = tpu.memref_slice %arg3[%dma_wait3A_189, %dma_wait3A_190] : memref<24x10000xf32, #tpu.memory_space<hbm>> -> memref<1x10000xf32, #tpu.memory_space<hbm>>
    %dma_wait3A_192 = tpu.memref_squeeze %dma_wait3A_191 : memref<1x10000xf32, #tpu.memory_space<hbm>> -> memref<10000xf32, #tpu.memory_space<hbm>>
    %dma_wait3A_193 = arith.constant 0 : i32
    %dma_wait3A_194 = tpu.memref_slice %arg3[%dma_wait3A_189, %dma_wait3A_193] : memref<24x10000xf32, #tpu.memory_space<hbm>> -> memref<1x10000xf32, #tpu.memory_space<hbm>>
    %dma_wait3A_195 = tpu.memref_squeeze %dma_wait3A_194 : memref<1x10000xf32, #tpu.memory_space<hbm>> -> memref<10000xf32, #tpu.memory_space<hbm>>
    tpu.wait_dma2 semaphore(%arg27 : memref<!tpu.dma_semaphore, #tpu.memory_space<semaphore_mem>>) src(%dma_wait3A_195 : memref<10000xf32, #tpu.memory_space<hbm>>) dst(%arg21 : memref<10000xf32, #tpu.memory_space<vmem>>)
    %dma_start3A_196 = arith.constant 4 : i32
    %dma_start3A_197 = tpu.memref_slice %arg2[%dma_start3A_196, %mul3A_2] : memref<16x320000xf32, #tpu.memory_space<hbm>> -> memref<1x10000xf32, #tpu.memory_space<hbm>>
    %dma_start3A_198 = tpu.memref_squeeze %dma_start3A_197 : memref<1x10000xf32, #tpu.memory_space<hbm>> -> memref<10000xf32, #tpu.memory_space<hbm>>
    %dma_start3A_199 = tpu.memref_slice %arg2[%dma_start3A_196, %mul3A_2] : memref<16x320000xf32, #tpu.memory_space<hbm>> -> memref<1x10000xf32, #tpu.memory_space<hbm>>
    %dma_start3A_200 = tpu.memref_squeeze %dma_start3A_199 : memref<1x10000xf32, #tpu.memory_space<hbm>> -> memref<10000xf32, #tpu.memory_space<hbm>>
    tpu.enqueue_dma source(%dma_start3A_200 : memref<10000xf32, #tpu.memory_space<hbm>>) target(%arg16 : memref<10000xf32, #tpu.memory_space<vmem>>) target_semaphore(%arg26 : memref<!tpu.dma_semaphore, #tpu.memory_space<semaphore_mem>>)
    %dma_start3A_201 = arith.constant 4 : i32
    %dma_start3A_202 = arith.constant 0 : i32
    %dma_start3A_203 = tpu.memref_slice %arg3[%dma_start3A_201, %dma_start3A_202] : memref<24x10000xf32, #tpu.memory_space<hbm>> -> memref<1x10000xf32, #tpu.memory_space<hbm>>
    %dma_start3A_204 = tpu.memref_squeeze %dma_start3A_203 : memref<1x10000xf32, #tpu.memory_space<hbm>> -> memref<10000xf32, #tpu.memory_space<hbm>>
    %dma_start3A_205 = arith.constant 0 : i32
    %dma_start3A_206 = tpu.memref_slice %arg3[%dma_start3A_201, %dma_start3A_205] : memref<24x10000xf32, #tpu.memory_space<hbm>> -> memref<1x10000xf32, #tpu.memory_space<hbm>>
    %dma_start3A_207 = tpu.memref_squeeze %dma_start3A_206 : memref<1x10000xf32, #tpu.memory_space<hbm>> -> memref<10000xf32, #tpu.memory_space<hbm>>
    tpu.enqueue_dma source(%dma_start3A_207 : memref<10000xf32, #tpu.memory_space<hbm>>) target(%arg18 : memref<10000xf32, #tpu.memory_space<vmem>>) target_semaphore(%arg26 : memref<!tpu.dma_semaphore, #tpu.memory_space<semaphore_mem>>)
    %dma_start3A_208 = arith.constant 14 : i32
    %dma_start3A_209 = arith.constant 0 : i32
    %dma_start3A_210 = tpu.memref_slice %arg3[%dma_start3A_208, %dma_start3A_209] : memref<24x10000xf32, #tpu.memory_space<hbm>> -> memref<1x10000xf32, #tpu.memory_space<hbm>>
    %dma_start3A_211 = tpu.memref_squeeze %dma_start3A_210 : memref<1x10000xf32, #tpu.memory_space<hbm>> -> memref<10000xf32, #tpu.memory_space<hbm>>
    %dma_start3A_212 = arith.constant 0 : i32
    %dma_start3A_213 = tpu.memref_slice %arg3[%dma_start3A_208, %dma_start3A_212] : memref<24x10000xf32, #tpu.memory_space<hbm>> -> memref<1x10000xf32, #tpu.memory_space<hbm>>
    %dma_start3A_214 = tpu.memref_squeeze %dma_start3A_213 : memref<1x10000xf32, #tpu.memory_space<hbm>> -> memref<10000xf32, #tpu.memory_space<hbm>>
    tpu.enqueue_dma source(%dma_start3A_214 : memref<10000xf32, #tpu.memory_space<hbm>>) target(%arg20 : memref<10000xf32, #tpu.memory_space<vmem>>) target_semaphore(%arg26 : memref<!tpu.dma_semaphore, #tpu.memory_space<semaphore_mem>>)
    %get3A_215 = arith.constant 3 : i32
    %get3A_216 = arith.index_cast %get3A_215 : i32 to index
    %get3A_217 = arith.constant 0 : index
    %get3A_218 = tpu.vector_load %arg24[%get3A_216, %get3A_217] {strides = array<i32>} : memref<32x16xf32, #tpu.memory_space<vmem>>, vector<16xf32>,
    %broadcast_in_dim3A_219 = arith.constant 192 : i32
    %broadcast_in_dim3A_220 = vector.broadcast %broadcast_in_dim3A_219 : i32 to vector<16xi32>
    %parallel_loop3A_221 = arith.constant 0 : i32
    %parallel_loop3A_222 = arith.constant 625 : i32
    %parallel_loop3A_223 = arith.constant 1 : i32
    scf.for %parallel_loop3A_492 = %parallel_loop3A_221 to %parallel_loop3A_222 step %parallel_loop3A_223  : i32 {
      %parallel_loop3A_493 = arith.constant 16 : i32
      %parallel_loop3A_494 = arith.muli %parallel_loop3A_492, %parallel_loop3A_493 : i32
      %parallel_loop3A_495 = arith.index_cast %parallel_loop3A_494 : i32 to index
      %parallel_loop3A_496 = tpu.vector_load %arg17[%parallel_loop3A_495] {strides = array<i32>} : memref<10000xf32, #tpu.memory_space<vmem>>, vector<16xf32>,
      %parallel_loop3A_497 = arith.index_cast %parallel_loop3A_494 : i32 to index
      %parallel_loop3A_498 = tpu.vector_load %arg12[%parallel_loop3A_497] {strides = array<i32>} : memref<10000xi32, #tpu.memory_space<vmem>>, vector<16xi32>,
      %parallel_loop3A_499 = tpu.vector_load_idx %arg19[%parallel_loop3A_498] : memref<10000xf32, #tpu.memory_space<vmem>>[vector<16xi32>], vector<16xf32>,
      %parallel_loop3A_500 = arith.addf %parallel_loop3A_496, %parallel_loop3A_499 : vector<16xf32>
      %parallel_loop3A_501 = arith.index_cast %parallel_loop3A_494 : i32 to index
      %parallel_loop3A_502 = tpu.vector_load %arg13[%parallel_loop3A_501] {strides = array<i32>} : memref<10000xi32, #tpu.memory_space<vmem>>, vector<16xi32>,
      %parallel_loop3A_503 = tpu.vector_load_idx %arg21[%parallel_loop3A_502] : memref<10000xf32, #tpu.memory_space<vmem>>[vector<16xi32>], vector<16xf32>,
      %parallel_loop3A_504 = arith.addf %parallel_loop3A_500, %parallel_loop3A_503 : vector<16xf32>
      %parallel_loop3A_505 = arith.index_cast %parallel_loop3A_494 : i32 to index
      %parallel_loop3A_506 = tpu.vector_load %arg14[%parallel_loop3A_505] {strides = array<i32>} : memref<10000xi32, #tpu.memory_space<vmem>>, vector<16xi32>,
      %parallel_loop3A_507 = arith.addi %parallel_loop3A_506, %broadcast_in_dim3A_220 : vector<16xi32>
      %parallel_loop3A_508 = tpu.vector_load_idx %arg25[%parallel_loop3A_507] : memref<1024xf32, #tpu.memory_space<vmem>>[vector<16xi32>], vector<16xf32>,
      %parallel_loop3A_509 = arith.addf %parallel_loop3A_504, %parallel_loop3A_508 : vector<16xf32>
      %parallel_loop3A_510 = arith.index_cast %parallel_loop3A_494 : i32 to index
      %parallel_loop3A_511 = tpu.vector_load %arg15[%parallel_loop3A_510] {strides = array<i32>} : memref<10000xf32, #tpu.memory_space<vmem>>, vector<16xf32>,
      %parallel_loop3A_512 = arith.constant 0.000000e+00 : f32
      %parallel_loop3A_513 = vector.broadcast %parallel_loop3A_512 : f32 to vector<16xf32>
      %parallel_loop3A_514 = arith.maximumf %parallel_loop3A_509, %parallel_loop3A_513 : vector<16xf32>
      %parallel_loop3A_515 = tpu.bitcast %parallel_loop3A_514 : vector<16xf32> -> vector<16xi32>
      %parallel_loop3A_516 = arith.constant 32767 : i32
      %parallel_loop3A_517 = vector.broadcast %parallel_loop3A_516 : i32 to vector<16xi32>
      %parallel_loop3A_518 = arith.addi %parallel_loop3A_515, %parallel_loop3A_517 : vector<16xi32>
      %parallel_loop3A_519 = arith.constant 16 : i32
      %parallel_loop3A_520 = vector.broadcast %parallel_loop3A_519 : i32 to vector<16xi32>
      %parallel_loop3A_521 = arith.shrui %parallel_loop3A_515, %parallel_loop3A_520 : vector<16xi32>
      %parallel_loop3A_522 = arith.constant 2 : i32
      %parallel_loop3A_523 = arith.constant 0 : i32
      %parallel_loop3A_524 = arith.cmpi eq, %parallel_loop3A_522, %parallel_loop3A_523 : i32
      %parallel_loop3A_525 = arith.constant 1 : i32
      %parallel_loop3A_526 = arith.select %parallel_loop3A_524, %parallel_loop3A_525, %parallel_loop3A_522 : i32
      %parallel_loop3A_527 = vector.broadcast %parallel_loop3A_526 : i32 to vector<16xi32>
      %parallel_loop3A_528 = arith.remsi %parallel_loop3A_521, %parallel_loop3A_527 : vector<16xi32>
      %parallel_loop3A_529 = arith.constant 0 : i32
      %parallel_loop3A_530 = vector.broadcast %parallel_loop3A_529 : i32 to vector<16xi32>
      %parallel_loop3A_531 = arith.cmpi ne, %parallel_loop3A_528, %parallel_loop3A_530 : vector<16xi32>
      %parallel_loop3A_532 = arith.constant 0 : i32
      %parallel_loop3A_533 = vector.broadcast %parallel_loop3A_532 : i32 to vector<16xi32>
      %parallel_loop3A_534 = arith.cmpi slt, %parallel_loop3A_528, %parallel_loop3A_533 : vector<16xi32>
      %parallel_loop3A_535 = arith.constant 0 : i32
      %parallel_loop3A_536 = arith.cmpi slt, %parallel_loop3A_526, %parallel_loop3A_535 : i32
      %parallel_loop3A_537 = vector.broadcast %parallel_loop3A_536 : i1 to vector<16xi1>
      %parallel_loop3A_538 = vector.broadcast %parallel_loop3A_537 : vector<16xi1> to vector<16xi1>
      %parallel_loop3A_539 = arith.xori %parallel_loop3A_534, %parallel_loop3A_538 : vector<16xi1>
      %parallel_loop3A_540 = arith.andi %parallel_loop3A_539, %parallel_loop3A_531 : vector<16xi1>
      %parallel_loop3A_541 = vector.broadcast %parallel_loop3A_526 : i32 to vector<16xi32>
      %parallel_loop3A_542 = arith.addi %parallel_loop3A_528, %parallel_loop3A_541 : vector<16xi32>
      %parallel_loop3A_543 = arith.select %parallel_loop3A_540, %parallel_loop3A_542, %parallel_loop3A_528 : vector<16xi1>, vector<16xi32>
      %parallel_loop3A_544 = arith.addi %parallel_loop3A_518, %parallel_loop3A_543 : vector<16xi32>
      %parallel_loop3A_545 = arith.constant -65536 : i32
      %parallel_loop3A_546 = vector.broadcast %parallel_loop3A_545 : i32 to vector<16xi32>
      %parallel_loop3A_547 = arith.andi %parallel_loop3A_544, %parallel_loop3A_546 : vector<16xi32>
      %parallel_loop3A_548 = tpu.bitcast %parallel_loop3A_547 : vector<16xi32> -> vector<16xf32>
      %parallel_loop3A_549 = arith.mulf %parallel_loop3A_548, %get3A_218 : vector<16xf32>
      %parallel_loop3A_550 = arith.addf %parallel_loop3A_511, %parallel_loop3A_549 : vector<16xf32>
      %parallel_loop3A_551 = arith.index_cast %parallel_loop3A_494 : i32 to index
      %parallel_loop3A_552 = tpu.vector_load %arg15[%parallel_loop3A_551] {strides = array<i32>} : memref<10000xf32, #tpu.memory_space<vmem>>, vector<16xf32>,
      tpu.vector_store %arg15[%parallel_loop3A_551], %parallel_loop3A_550 {strides = array<i32>} : memref<10000xf32, #tpu.memory_space<vmem>>, vector<16xf32>,
    } {sc.loop_unroll_factor = 4 : i64, sc.parallel_access}
    %dma_wait3A_224 = arith.constant 4 : i32
    %dma_wait3A_225 = tpu.memref_slice %arg2[%dma_wait3A_224, %mul3A_2] : memref<16x320000xf32, #tpu.memory_space<hbm>> -> memref<1x10000xf32, #tpu.memory_space<hbm>>
    %dma_wait3A_226 = tpu.memref_squeeze %dma_wait3A_225 : memref<1x10000xf32, #tpu.memory_space<hbm>> -> memref<10000xf32, #tpu.memory_space<hbm>>
    %dma_wait3A_227 = tpu.memref_slice %arg2[%dma_wait3A_224, %mul3A_2] : memref<16x320000xf32, #tpu.memory_space<hbm>> -> memref<1x10000xf32, #tpu.memory_space<hbm>>
    %dma_wait3A_228 = tpu.memref_squeeze %dma_wait3A_227 : memref<1x10000xf32, #tpu.memory_space<hbm>> -> memref<10000xf32, #tpu.memory_space<hbm>>
    tpu.wait_dma2 semaphore(%arg26 : memref<!tpu.dma_semaphore, #tpu.memory_space<semaphore_mem>>) src(%dma_wait3A_228 : memref<10000xf32, #tpu.memory_space<hbm>>) dst(%arg16 : memref<10000xf32, #tpu.memory_space<vmem>>)
    %dma_wait3A_229 = arith.constant 4 : i32
    %dma_wait3A_230 = arith.constant 0 : i32
    %dma_wait3A_231 = tpu.memref_slice %arg3[%dma_wait3A_229, %dma_wait3A_230] : memref<24x10000xf32, #tpu.memory_space<hbm>> -> memref<1x10000xf32, #tpu.memory_space<hbm>>
    %dma_wait3A_232 = tpu.memref_squeeze %dma_wait3A_231 : memref<1x10000xf32, #tpu.memory_space<hbm>> -> memref<10000xf32, #tpu.memory_space<hbm>>
    %dma_wait3A_233 = arith.constant 0 : i32
    %dma_wait3A_234 = tpu.memref_slice %arg3[%dma_wait3A_229, %dma_wait3A_233] : memref<24x10000xf32, #tpu.memory_space<hbm>> -> memref<1x10000xf32, #tpu.memory_space<hbm>>
    %dma_wait3A_235 = tpu.memref_squeeze %dma_wait3A_234 : memref<1x10000xf32, #tpu.memory_space<hbm>> -> memref<10000xf32, #tpu.memory_space<hbm>>
    tpu.wait_dma2 semaphore(%arg26 : memref<!tpu.dma_semaphore, #tpu.memory_space<semaphore_mem>>) src(%dma_wait3A_235 : memref<10000xf32, #tpu.memory_space<hbm>>) dst(%arg18 : memref<10000xf32, #tpu.memory_space<vmem>>)
    %dma_wait3A_236 = arith.constant 14 : i32
    %dma_wait3A_237 = arith.constant 0 : i32
    %dma_wait3A_238 = tpu.memref_slice %arg3[%dma_wait3A_236, %dma_wait3A_237] : memref<24x10000xf32, #tpu.memory_space<hbm>> -> memref<1x10000xf32, #tpu.memory_space<hbm>>
    %dma_wait3A_239 = tpu.memref_squeeze %dma_wait3A_238 : memref<1x10000xf32, #tpu.memory_space<hbm>> -> memref<10000xf32, #tpu.memory_space<hbm>>
    %dma_wait3A_240 = arith.constant 0 : i32
    %dma_wait3A_241 = tpu.memref_slice %arg3[%dma_wait3A_236, %dma_wait3A_240] : memref<24x10000xf32, #tpu.memory_space<hbm>> -> memref<1x10000xf32, #tpu.memory_space<hbm>>
    %dma_wait3A_242 = tpu.memref_squeeze %dma_wait3A_241 : memref<1x10000xf32, #tpu.memory_space<hbm>> -> memref<10000xf32, #tpu.memory_space<hbm>>
    tpu.wait_dma2 semaphore(%arg26 : memref<!tpu.dma_semaphore, #tpu.memory_space<semaphore_mem>>) src(%dma_wait3A_242 : memref<10000xf32, #tpu.memory_space<hbm>>) dst(%arg20 : memref<10000xf32, #tpu.memory_space<vmem>>)
    %dma_start3A_243 = arith.constant 5 : i32
    %dma_start3A_244 = tpu.memref_slice %arg2[%dma_start3A_243, %mul3A_2] : memref<16x320000xf32, #tpu.memory_space<hbm>> -> memref<1x10000xf32, #tpu.memory_space<hbm>>
    %dma_start3A_245 = tpu.memref_squeeze %dma_start3A_244 : memref<1x10000xf32, #tpu.memory_space<hbm>> -> memref<10000xf32, #tpu.memory_space<hbm>>
    %dma_start3A_246 = tpu.memref_slice %arg2[%dma_start3A_243, %mul3A_2] : memref<16x320000xf32, #tpu.memory_space<hbm>> -> memref<1x10000xf32, #tpu.memory_space<hbm>>
    %dma_start3A_247 = tpu.memref_squeeze %dma_start3A_246 : memref<1x10000xf32, #tpu.memory_space<hbm>> -> memref<10000xf32, #tpu.memory_space<hbm>>
    tpu.enqueue_dma source(%dma_start3A_247 : memref<10000xf32, #tpu.memory_space<hbm>>) target(%arg17 : memref<10000xf32, #tpu.memory_space<vmem>>) target_semaphore(%arg27 : memref<!tpu.dma_semaphore, #tpu.memory_space<semaphore_mem>>)
    %dma_start3A_248 = arith.constant 5 : i32
    %dma_start3A_249 = arith.constant 0 : i32
    %dma_start3A_250 = tpu.memref_slice %arg3[%dma_start3A_248, %dma_start3A_249] : memref<24x10000xf32, #tpu.memory_space<hbm>> -> memref<1x10000xf32, #tpu.memory_space<hbm>>
    %dma_start3A_251 = tpu.memref_squeeze %dma_start3A_250 : memref<1x10000xf32, #tpu.memory_space<hbm>> -> memref<10000xf32, #tpu.memory_space<hbm>>
    %dma_start3A_252 = arith.constant 0 : i32
    %dma_start3A_253 = tpu.memref_slice %arg3[%dma_start3A_248, %dma_start3A_252] : memref<24x10000xf32, #tpu.memory_space<hbm>> -> memref<1x10000xf32, #tpu.memory_space<hbm>>
    %dma_start3A_254 = tpu.memref_squeeze %dma_start3A_253 : memref<1x10000xf32, #tpu.memory_space<hbm>> -> memref<10000xf32, #tpu.memory_space<hbm>>
    tpu.enqueue_dma source(%dma_start3A_254 : memref<10000xf32, #tpu.memory_space<hbm>>) target(%arg19 : memref<10000xf32, #tpu.memory_space<vmem>>) target_semaphore(%arg27 : memref<!tpu.dma_semaphore, #tpu.memory_space<semaphore_mem>>)
    %dma_start3A_255 = arith.constant 15 : i32
    %dma_start3A_256 = arith.constant 0 : i32
    %dma_start3A_257 = tpu.memref_slice %arg3[%dma_start3A_255, %dma_start3A_256] : memref<24x10000xf32, #tpu.memory_space<hbm>> -> memref<1x10000xf32, #tpu.memory_space<hbm>>
    %dma_start3A_258 = tpu.memref_squeeze %dma_start3A_257 : memref<1x10000xf32, #tpu.memory_space<hbm>> -> memref<10000xf32, #tpu.memory_space<hbm>>
    %dma_start3A_259 = arith.constant 0 : i32
    %dma_start3A_260 = tpu.memref_slice %arg3[%dma_start3A_255, %dma_start3A_259] : memref<24x10000xf32, #tpu.memory_space<hbm>> -> memref<1x10000xf32, #tpu.memory_space<hbm>>
    %dma_start3A_261 = tpu.memref_squeeze %dma_start3A_260 : memref<1x10000xf32, #tpu.memory_space<hbm>> -> memref<10000xf32, #tpu.memory_space<hbm>>
    tpu.enqueue_dma source(%dma_start3A_261 : memref<10000xf32, #tpu.memory_space<hbm>>) target(%arg21 : memref<10000xf32, #tpu.memory_space<vmem>>) target_semaphore(%arg27 : memref<!tpu.dma_semaphore, #tpu.memory_space<semaphore_mem>>)
    %get3A_262 = arith.constant 4 : i32
    %get3A_263 = arith.index_cast %get3A_262 : i32 to index
    %get3A_264 = arith.constant 0 : index
    %get3A_265 = tpu.vector_load %arg24[%get3A_263, %get3A_264] {strides = array<i32>} : memref<32x16xf32, #tpu.memory_space<vmem>>, vector<16xf32>,
    %broadcast_in_dim3A_266 = arith.constant 256 : i32
    %broadcast_in_dim3A_267 = vector.broadcast %broadcast_in_dim3A_266 : i32 to vector<16xi32>
    %parallel_loop3A_268 = arith.constant 0 : i32
    %parallel_loop3A_269 = arith.constant 625 : i32
    %parallel_loop3A_270 = arith.constant 1 : i32
    scf.for %parallel_loop3A_492 = %parallel_loop3A_268 to %parallel_loop3A_269 step %parallel_loop3A_270  : i32 {
      %parallel_loop3A_493 = arith.constant 16 : i32
      %parallel_loop3A_494 = arith.muli %parallel_loop3A_492, %parallel_loop3A_493 : i32
      %parallel_loop3A_495 = arith.index_cast %parallel_loop3A_494 : i32 to index
      %parallel_loop3A_496 = tpu.vector_load %arg16[%parallel_loop3A_495] {strides = array<i32>} : memref<10000xf32, #tpu.memory_space<vmem>>, vector<16xf32>,
      %parallel_loop3A_497 = arith.index_cast %parallel_loop3A_494 : i32 to index
      %parallel_loop3A_498 = tpu.vector_load %arg12[%parallel_loop3A_497] {strides = array<i32>} : memref<10000xi32, #tpu.memory_space<vmem>>, vector<16xi32>,
      %parallel_loop3A_499 = tpu.vector_load_idx %arg18[%parallel_loop3A_498] : memref<10000xf32, #tpu.memory_space<vmem>>[vector<16xi32>], vector<16xf32>,
      %parallel_loop3A_500 = arith.addf %parallel_loop3A_496, %parallel_loop3A_499 : vector<16xf32>
      %parallel_loop3A_501 = arith.index_cast %parallel_loop3A_494 : i32 to index
      %parallel_loop3A_502 = tpu.vector_load %arg13[%parallel_loop3A_501] {strides = array<i32>} : memref<10000xi32, #tpu.memory_space<vmem>>, vector<16xi32>,
      %parallel_loop3A_503 = tpu.vector_load_idx %arg20[%parallel_loop3A_502] : memref<10000xf32, #tpu.memory_space<vmem>>[vector<16xi32>], vector<16xf32>,
      %parallel_loop3A_504 = arith.addf %parallel_loop3A_500, %parallel_loop3A_503 : vector<16xf32>
      %parallel_loop3A_505 = arith.index_cast %parallel_loop3A_494 : i32 to index
      %parallel_loop3A_506 = tpu.vector_load %arg14[%parallel_loop3A_505] {strides = array<i32>} : memref<10000xi32, #tpu.memory_space<vmem>>, vector<16xi32>,
      %parallel_loop3A_507 = arith.addi %parallel_loop3A_506, %broadcast_in_dim3A_267 : vector<16xi32>
      %parallel_loop3A_508 = tpu.vector_load_idx %arg25[%parallel_loop3A_507] : memref<1024xf32, #tpu.memory_space<vmem>>[vector<16xi32>], vector<16xf32>,
      %parallel_loop3A_509 = arith.addf %parallel_loop3A_504, %parallel_loop3A_508 : vector<16xf32>
      %parallel_loop3A_510 = arith.index_cast %parallel_loop3A_494 : i32 to index
      %parallel_loop3A_511 = tpu.vector_load %arg15[%parallel_loop3A_510] {strides = array<i32>} : memref<10000xf32, #tpu.memory_space<vmem>>, vector<16xf32>,
      %parallel_loop3A_512 = arith.constant 0.000000e+00 : f32
      %parallel_loop3A_513 = vector.broadcast %parallel_loop3A_512 : f32 to vector<16xf32>
      %parallel_loop3A_514 = arith.maximumf %parallel_loop3A_509, %parallel_loop3A_513 : vector<16xf32>
      %parallel_loop3A_515 = tpu.bitcast %parallel_loop3A_514 : vector<16xf32> -> vector<16xi32>
      %parallel_loop3A_516 = arith.constant 32767 : i32
      %parallel_loop3A_517 = vector.broadcast %parallel_loop3A_516 : i32 to vector<16xi32>
      %parallel_loop3A_518 = arith.addi %parallel_loop3A_515, %parallel_loop3A_517 : vector<16xi32>
      %parallel_loop3A_519 = arith.constant 16 : i32
      %parallel_loop3A_520 = vector.broadcast %parallel_loop3A_519 : i32 to vector<16xi32>
      %parallel_loop3A_521 = arith.shrui %parallel_loop3A_515, %parallel_loop3A_520 : vector<16xi32>
      %parallel_loop3A_522 = arith.constant 2 : i32
      %parallel_loop3A_523 = arith.constant 0 : i32
      %parallel_loop3A_524 = arith.cmpi eq, %parallel_loop3A_522, %parallel_loop3A_523 : i32
      %parallel_loop3A_525 = arith.constant 1 : i32
      %parallel_loop3A_526 = arith.select %parallel_loop3A_524, %parallel_loop3A_525, %parallel_loop3A_522 : i32
      %parallel_loop3A_527 = vector.broadcast %parallel_loop3A_526 : i32 to vector<16xi32>
      %parallel_loop3A_528 = arith.remsi %parallel_loop3A_521, %parallel_loop3A_527 : vector<16xi32>
      %parallel_loop3A_529 = arith.constant 0 : i32
      %parallel_loop3A_530 = vector.broadcast %parallel_loop3A_529 : i32 to vector<16xi32>
      %parallel_loop3A_531 = arith.cmpi ne, %parallel_loop3A_528, %parallel_loop3A_530 : vector<16xi32>
      %parallel_loop3A_532 = arith.constant 0 : i32
      %parallel_loop3A_533 = vector.broadcast %parallel_loop3A_532 : i32 to vector<16xi32>
      %parallel_loop3A_534 = arith.cmpi slt, %parallel_loop3A_528, %parallel_loop3A_533 : vector<16xi32>
      %parallel_loop3A_535 = arith.constant 0 : i32
      %parallel_loop3A_536 = arith.cmpi slt, %parallel_loop3A_526, %parallel_loop3A_535 : i32
      %parallel_loop3A_537 = vector.broadcast %parallel_loop3A_536 : i1 to vector<16xi1>
      %parallel_loop3A_538 = vector.broadcast %parallel_loop3A_537 : vector<16xi1> to vector<16xi1>
      %parallel_loop3A_539 = arith.xori %parallel_loop3A_534, %parallel_loop3A_538 : vector<16xi1>
      %parallel_loop3A_540 = arith.andi %parallel_loop3A_539, %parallel_loop3A_531 : vector<16xi1>
      %parallel_loop3A_541 = vector.broadcast %parallel_loop3A_526 : i32 to vector<16xi32>
      %parallel_loop3A_542 = arith.addi %parallel_loop3A_528, %parallel_loop3A_541 : vector<16xi32>
      %parallel_loop3A_543 = arith.select %parallel_loop3A_540, %parallel_loop3A_542, %parallel_loop3A_528 : vector<16xi1>, vector<16xi32>
      %parallel_loop3A_544 = arith.addi %parallel_loop3A_518, %parallel_loop3A_543 : vector<16xi32>
      %parallel_loop3A_545 = arith.constant -65536 : i32
      %parallel_loop3A_546 = vector.broadcast %parallel_loop3A_545 : i32 to vector<16xi32>
      %parallel_loop3A_547 = arith.andi %parallel_loop3A_544, %parallel_loop3A_546 : vector<16xi32>
      %parallel_loop3A_548 = tpu.bitcast %parallel_loop3A_547 : vector<16xi32> -> vector<16xf32>
      %parallel_loop3A_549 = arith.mulf %parallel_loop3A_548, %get3A_265 : vector<16xf32>
      %parallel_loop3A_550 = arith.addf %parallel_loop3A_511, %parallel_loop3A_549 : vector<16xf32>
      %parallel_loop3A_551 = arith.index_cast %parallel_loop3A_494 : i32 to index
      %parallel_loop3A_552 = tpu.vector_load %arg15[%parallel_loop3A_551] {strides = array<i32>} : memref<10000xf32, #tpu.memory_space<vmem>>, vector<16xf32>,
      tpu.vector_store %arg15[%parallel_loop3A_551], %parallel_loop3A_550 {strides = array<i32>} : memref<10000xf32, #tpu.memory_space<vmem>>, vector<16xf32>,
    } {sc.loop_unroll_factor = 4 : i64, sc.parallel_access}
    %dma_wait3A_271 = arith.constant 5 : i32
    %dma_wait3A_272 = tpu.memref_slice %arg2[%dma_wait3A_271, %mul3A_2] : memref<16x320000xf32, #tpu.memory_space<hbm>> -> memref<1x10000xf32, #tpu.memory_space<hbm>>
    %dma_wait3A_273 = tpu.memref_squeeze %dma_wait3A_272 : memref<1x10000xf32, #tpu.memory_space<hbm>> -> memref<10000xf32, #tpu.memory_space<hbm>>
    %dma_wait3A_274 = tpu.memref_slice %arg2[%dma_wait3A_271, %mul3A_2] : memref<16x320000xf32, #tpu.memory_space<hbm>> -> memref<1x10000xf32, #tpu.memory_space<hbm>>
    %dma_wait3A_275 = tpu.memref_squeeze %dma_wait3A_274 : memref<1x10000xf32, #tpu.memory_space<hbm>> -> memref<10000xf32, #tpu.memory_space<hbm>>
    tpu.wait_dma2 semaphore(%arg27 : memref<!tpu.dma_semaphore, #tpu.memory_space<semaphore_mem>>) src(%dma_wait3A_275 : memref<10000xf32, #tpu.memory_space<hbm>>) dst(%arg17 : memref<10000xf32, #tpu.memory_space<vmem>>)
    %dma_wait3A_276 = arith.constant 5 : i32
    %dma_wait3A_277 = arith.constant 0 : i32
    %dma_wait3A_278 = tpu.memref_slice %arg3[%dma_wait3A_276, %dma_wait3A_277] : memref<24x10000xf32, #tpu.memory_space<hbm>> -> memref<1x10000xf32, #tpu.memory_space<hbm>>
    %dma_wait3A_279 = tpu.memref_squeeze %dma_wait3A_278 : memref<1x10000xf32, #tpu.memory_space<hbm>> -> memref<10000xf32, #tpu.memory_space<hbm>>
    %dma_wait3A_280 = arith.constant 0 : i32
    %dma_wait3A_281 = tpu.memref_slice %arg3[%dma_wait3A_276, %dma_wait3A_280] : memref<24x10000xf32, #tpu.memory_space<hbm>> -> memref<1x10000xf32, #tpu.memory_space<hbm>>
    %dma_wait3A_282 = tpu.memref_squeeze %dma_wait3A_281 : memref<1x10000xf32, #tpu.memory_space<hbm>> -> memref<10000xf32, #tpu.memory_space<hbm>>
    tpu.wait_dma2 semaphore(%arg27 : memref<!tpu.dma_semaphore, #tpu.memory_space<semaphore_mem>>) src(%dma_wait3A_282 : memref<10000xf32, #tpu.memory_space<hbm>>) dst(%arg19 : memref<10000xf32, #tpu.memory_space<vmem>>)
    %dma_wait3A_283 = arith.constant 15 : i32
    %dma_wait3A_284 = arith.constant 0 : i32
    %dma_wait3A_285 = tpu.memref_slice %arg3[%dma_wait3A_283, %dma_wait3A_284] : memref<24x10000xf32, #tpu.memory_space<hbm>> -> memref<1x10000xf32, #tpu.memory_space<hbm>>
    %dma_wait3A_286 = tpu.memref_squeeze %dma_wait3A_285 : memref<1x10000xf32, #tpu.memory_space<hbm>> -> memref<10000xf32, #tpu.memory_space<hbm>>
    %dma_wait3A_287 = arith.constant 0 : i32
    %dma_wait3A_288 = tpu.memref_slice %arg3[%dma_wait3A_283, %dma_wait3A_287] : memref<24x10000xf32, #tpu.memory_space<hbm>> -> memref<1x10000xf32, #tpu.memory_space<hbm>>
    %dma_wait3A_289 = tpu.memref_squeeze %dma_wait3A_288 : memref<1x10000xf32, #tpu.memory_space<hbm>> -> memref<10000xf32, #tpu.memory_space<hbm>>
    tpu.wait_dma2 semaphore(%arg27 : memref<!tpu.dma_semaphore, #tpu.memory_space<semaphore_mem>>) src(%dma_wait3A_289 : memref<10000xf32, #tpu.memory_space<hbm>>) dst(%arg21 : memref<10000xf32, #tpu.memory_space<vmem>>)
    %dma_start3A_290 = arith.constant 6 : i32
    %dma_start3A_291 = tpu.memref_slice %arg2[%dma_start3A_290, %mul3A_2] : memref<16x320000xf32, #tpu.memory_space<hbm>> -> memref<1x10000xf32, #tpu.memory_space<hbm>>
    %dma_start3A_292 = tpu.memref_squeeze %dma_start3A_291 : memref<1x10000xf32, #tpu.memory_space<hbm>> -> memref<10000xf32, #tpu.memory_space<hbm>>
    %dma_start3A_293 = tpu.memref_slice %arg2[%dma_start3A_290, %mul3A_2] : memref<16x320000xf32, #tpu.memory_space<hbm>> -> memref<1x10000xf32, #tpu.memory_space<hbm>>
    %dma_start3A_294 = tpu.memref_squeeze %dma_start3A_293 : memref<1x10000xf32, #tpu.memory_space<hbm>> -> memref<10000xf32, #tpu.memory_space<hbm>>
    tpu.enqueue_dma source(%dma_start3A_294 : memref<10000xf32, #tpu.memory_space<hbm>>) target(%arg16 : memref<10000xf32, #tpu.memory_space<vmem>>) target_semaphore(%arg26 : memref<!tpu.dma_semaphore, #tpu.memory_space<semaphore_mem>>)
    %dma_start3A_295 = arith.constant 6 : i32
    %dma_start3A_296 = arith.constant 0 : i32
    %dma_start3A_297 = tpu.memref_slice %arg3[%dma_start3A_295, %dma_start3A_296] : memref<24x10000xf32, #tpu.memory_space<hbm>> -> memref<1x10000xf32, #tpu.memory_space<hbm>>
    %dma_start3A_298 = tpu.memref_squeeze %dma_start3A_297 : memref<1x10000xf32, #tpu.memory_space<hbm>> -> memref<10000xf32, #tpu.memory_space<hbm>>
    %dma_start3A_299 = arith.constant 0 : i32
    %dma_start3A_300 = tpu.memref_slice %arg3[%dma_start3A_295, %dma_start3A_299] : memref<24x10000xf32, #tpu.memory_space<hbm>> -> memref<1x10000xf32, #tpu.memory_space<hbm>>
    %dma_start3A_301 = tpu.memref_squeeze %dma_start3A_300 : memref<1x10000xf32, #tpu.memory_space<hbm>> -> memref<10000xf32, #tpu.memory_space<hbm>>
    tpu.enqueue_dma source(%dma_start3A_301 : memref<10000xf32, #tpu.memory_space<hbm>>) target(%arg18 : memref<10000xf32, #tpu.memory_space<vmem>>) target_semaphore(%arg26 : memref<!tpu.dma_semaphore, #tpu.memory_space<semaphore_mem>>)
    %dma_start3A_302 = arith.constant 16 : i32
    %dma_start3A_303 = arith.constant 0 : i32
    %dma_start3A_304 = tpu.memref_slice %arg3[%dma_start3A_302, %dma_start3A_303] : memref<24x10000xf32, #tpu.memory_space<hbm>> -> memref<1x10000xf32, #tpu.memory_space<hbm>>
    %dma_start3A_305 = tpu.memref_squeeze %dma_start3A_304 : memref<1x10000xf32, #tpu.memory_space<hbm>> -> memref<10000xf32, #tpu.memory_space<hbm>>
    %dma_start3A_306 = arith.constant 0 : i32
    %dma_start3A_307 = tpu.memref_slice %arg3[%dma_start3A_302, %dma_start3A_306] : memref<24x10000xf32, #tpu.memory_space<hbm>> -> memref<1x10000xf32, #tpu.memory_space<hbm>>
    %dma_start3A_308 = tpu.memref_squeeze %dma_start3A_307 : memref<1x10000xf32, #tpu.memory_space<hbm>> -> memref<10000xf32, #tpu.memory_space<hbm>>
    tpu.enqueue_dma source(%dma_start3A_308 : memref<10000xf32, #tpu.memory_space<hbm>>) target(%arg20 : memref<10000xf32, #tpu.memory_space<vmem>>) target_semaphore(%arg26 : memref<!tpu.dma_semaphore, #tpu.memory_space<semaphore_mem>>)
    %get3A_309 = arith.constant 5 : i32
    %get3A_310 = arith.index_cast %get3A_309 : i32 to index
    %get3A_311 = arith.constant 0 : index
    %get3A_312 = tpu.vector_load %arg24[%get3A_310, %get3A_311] {strides = array<i32>} : memref<32x16xf32, #tpu.memory_space<vmem>>, vector<16xf32>,
    %broadcast_in_dim3A_313 = arith.constant 320 : i32
    %broadcast_in_dim3A_314 = vector.broadcast %broadcast_in_dim3A_313 : i32 to vector<16xi32>
    %parallel_loop3A_315 = arith.constant 0 : i32
    %parallel_loop3A_316 = arith.constant 625 : i32
    %parallel_loop3A_317 = arith.constant 1 : i32
    scf.for %parallel_loop3A_492 = %parallel_loop3A_315 to %parallel_loop3A_316 step %parallel_loop3A_317  : i32 {
      %parallel_loop3A_493 = arith.constant 16 : i32
      %parallel_loop3A_494 = arith.muli %parallel_loop3A_492, %parallel_loop3A_493 : i32
      %parallel_loop3A_495 = arith.index_cast %parallel_loop3A_494 : i32 to index
      %parallel_loop3A_496 = tpu.vector_load %arg17[%parallel_loop3A_495] {strides = array<i32>} : memref<10000xf32, #tpu.memory_space<vmem>>, vector<16xf32>,
      %parallel_loop3A_497 = arith.index_cast %parallel_loop3A_494 : i32 to index
      %parallel_loop3A_498 = tpu.vector_load %arg12[%parallel_loop3A_497] {strides = array<i32>} : memref<10000xi32, #tpu.memory_space<vmem>>, vector<16xi32>,
      %parallel_loop3A_499 = tpu.vector_load_idx %arg19[%parallel_loop3A_498] : memref<10000xf32, #tpu.memory_space<vmem>>[vector<16xi32>], vector<16xf32>,
      %parallel_loop3A_500 = arith.addf %parallel_loop3A_496, %parallel_loop3A_499 : vector<16xf32>
      %parallel_loop3A_501 = arith.index_cast %parallel_loop3A_494 : i32 to index
      %parallel_loop3A_502 = tpu.vector_load %arg13[%parallel_loop3A_501] {strides = array<i32>} : memref<10000xi32, #tpu.memory_space<vmem>>, vector<16xi32>,
      %parallel_loop3A_503 = tpu.vector_load_idx %arg21[%parallel_loop3A_502] : memref<10000xf32, #tpu.memory_space<vmem>>[vector<16xi32>], vector<16xf32>,
      %parallel_loop3A_504 = arith.addf %parallel_loop3A_500, %parallel_loop3A_503 : vector<16xf32>
      %parallel_loop3A_505 = arith.index_cast %parallel_loop3A_494 : i32 to index
      %parallel_loop3A_506 = tpu.vector_load %arg14[%parallel_loop3A_505] {strides = array<i32>} : memref<10000xi32, #tpu.memory_space<vmem>>, vector<16xi32>,
      %parallel_loop3A_507 = arith.addi %parallel_loop3A_506, %broadcast_in_dim3A_314 : vector<16xi32>
      %parallel_loop3A_508 = tpu.vector_load_idx %arg25[%parallel_loop3A_507] : memref<1024xf32, #tpu.memory_space<vmem>>[vector<16xi32>], vector<16xf32>,
      %parallel_loop3A_509 = arith.addf %parallel_loop3A_504, %parallel_loop3A_508 : vector<16xf32>
      %parallel_loop3A_510 = arith.index_cast %parallel_loop3A_494 : i32 to index
      %parallel_loop3A_511 = tpu.vector_load %arg15[%parallel_loop3A_510] {strides = array<i32>} : memref<10000xf32, #tpu.memory_space<vmem>>, vector<16xf32>,
      %parallel_loop3A_512 = arith.constant 0.000000e+00 : f32
      %parallel_loop3A_513 = vector.broadcast %parallel_loop3A_512 : f32 to vector<16xf32>
      %parallel_loop3A_514 = arith.maximumf %parallel_loop3A_509, %parallel_loop3A_513 : vector<16xf32>
      %parallel_loop3A_515 = tpu.bitcast %parallel_loop3A_514 : vector<16xf32> -> vector<16xi32>
      %parallel_loop3A_516 = arith.constant 32767 : i32
      %parallel_loop3A_517 = vector.broadcast %parallel_loop3A_516 : i32 to vector<16xi32>
      %parallel_loop3A_518 = arith.addi %parallel_loop3A_515, %parallel_loop3A_517 : vector<16xi32>
      %parallel_loop3A_519 = arith.constant 16 : i32
      %parallel_loop3A_520 = vector.broadcast %parallel_loop3A_519 : i32 to vector<16xi32>
      %parallel_loop3A_521 = arith.shrui %parallel_loop3A_515, %parallel_loop3A_520 : vector<16xi32>
      %parallel_loop3A_522 = arith.constant 2 : i32
      %parallel_loop3A_523 = arith.constant 0 : i32
      %parallel_loop3A_524 = arith.cmpi eq, %parallel_loop3A_522, %parallel_loop3A_523 : i32
      %parallel_loop3A_525 = arith.constant 1 : i32
      %parallel_loop3A_526 = arith.select %parallel_loop3A_524, %parallel_loop3A_525, %parallel_loop3A_522 : i32
      %parallel_loop3A_527 = vector.broadcast %parallel_loop3A_526 : i32 to vector<16xi32>
      %parallel_loop3A_528 = arith.remsi %parallel_loop3A_521, %parallel_loop3A_527 : vector<16xi32>
      %parallel_loop3A_529 = arith.constant 0 : i32
      %parallel_loop3A_530 = vector.broadcast %parallel_loop3A_529 : i32 to vector<16xi32>
      %parallel_loop3A_531 = arith.cmpi ne, %parallel_loop3A_528, %parallel_loop3A_530 : vector<16xi32>
      %parallel_loop3A_532 = arith.constant 0 : i32
      %parallel_loop3A_533 = vector.broadcast %parallel_loop3A_532 : i32 to vector<16xi32>
      %parallel_loop3A_534 = arith.cmpi slt, %parallel_loop3A_528, %parallel_loop3A_533 : vector<16xi32>
      %parallel_loop3A_535 = arith.constant 0 : i32
      %parallel_loop3A_536 = arith.cmpi slt, %parallel_loop3A_526, %parallel_loop3A_535 : i32
      %parallel_loop3A_537 = vector.broadcast %parallel_loop3A_536 : i1 to vector<16xi1>
      %parallel_loop3A_538 = vector.broadcast %parallel_loop3A_537 : vector<16xi1> to vector<16xi1>
      %parallel_loop3A_539 = arith.xori %parallel_loop3A_534, %parallel_loop3A_538 : vector<16xi1>
      %parallel_loop3A_540 = arith.andi %parallel_loop3A_539, %parallel_loop3A_531 : vector<16xi1>
      %parallel_loop3A_541 = vector.broadcast %parallel_loop3A_526 : i32 to vector<16xi32>
      %parallel_loop3A_542 = arith.addi %parallel_loop3A_528, %parallel_loop3A_541 : vector<16xi32>
      %parallel_loop3A_543 = arith.select %parallel_loop3A_540, %parallel_loop3A_542, %parallel_loop3A_528 : vector<16xi1>, vector<16xi32>
      %parallel_loop3A_544 = arith.addi %parallel_loop3A_518, %parallel_loop3A_543 : vector<16xi32>
      %parallel_loop3A_545 = arith.constant -65536 : i32
      %parallel_loop3A_546 = vector.broadcast %parallel_loop3A_545 : i32 to vector<16xi32>
      %parallel_loop3A_547 = arith.andi %parallel_loop3A_544, %parallel_loop3A_546 : vector<16xi32>
      %parallel_loop3A_548 = tpu.bitcast %parallel_loop3A_547 : vector<16xi32> -> vector<16xf32>
      %parallel_loop3A_549 = arith.mulf %parallel_loop3A_548, %get3A_312 : vector<16xf32>
      %parallel_loop3A_550 = arith.addf %parallel_loop3A_511, %parallel_loop3A_549 : vector<16xf32>
      %parallel_loop3A_551 = arith.index_cast %parallel_loop3A_494 : i32 to index
      %parallel_loop3A_552 = tpu.vector_load %arg15[%parallel_loop3A_551] {strides = array<i32>} : memref<10000xf32, #tpu.memory_space<vmem>>, vector<16xf32>,
      tpu.vector_store %arg15[%parallel_loop3A_551], %parallel_loop3A_550 {strides = array<i32>} : memref<10000xf32, #tpu.memory_space<vmem>>, vector<16xf32>,
    } {sc.loop_unroll_factor = 4 : i64, sc.parallel_access}
    %dma_wait3A_318 = arith.constant 6 : i32
    %dma_wait3A_319 = tpu.memref_slice %arg2[%dma_wait3A_318, %mul3A_2] : memref<16x320000xf32, #tpu.memory_space<hbm>> -> memref<1x10000xf32, #tpu.memory_space<hbm>>
    %dma_wait3A_320 = tpu.memref_squeeze %dma_wait3A_319 : memref<1x10000xf32, #tpu.memory_space<hbm>> -> memref<10000xf32, #tpu.memory_space<hbm>>
    %dma_wait3A_321 = tpu.memref_slice %arg2[%dma_wait3A_318, %mul3A_2] : memref<16x320000xf32, #tpu.memory_space<hbm>> -> memref<1x10000xf32, #tpu.memory_space<hbm>>
    %dma_wait3A_322 = tpu.memref_squeeze %dma_wait3A_321 : memref<1x10000xf32, #tpu.memory_space<hbm>> -> memref<10000xf32, #tpu.memory_space<hbm>>
    tpu.wait_dma2 semaphore(%arg26 : memref<!tpu.dma_semaphore, #tpu.memory_space<semaphore_mem>>) src(%dma_wait3A_322 : memref<10000xf32, #tpu.memory_space<hbm>>) dst(%arg16 : memref<10000xf32, #tpu.memory_space<vmem>>)
    %dma_wait3A_323 = arith.constant 6 : i32
    %dma_wait3A_324 = arith.constant 0 : i32
    %dma_wait3A_325 = tpu.memref_slice %arg3[%dma_wait3A_323, %dma_wait3A_324] : memref<24x10000xf32, #tpu.memory_space<hbm>> -> memref<1x10000xf32, #tpu.memory_space<hbm>>
    %dma_wait3A_326 = tpu.memref_squeeze %dma_wait3A_325 : memref<1x10000xf32, #tpu.memory_space<hbm>> -> memref<10000xf32, #tpu.memory_space<hbm>>
    %dma_wait3A_327 = arith.constant 0 : i32
    %dma_wait3A_328 = tpu.memref_slice %arg3[%dma_wait3A_323, %dma_wait3A_327] : memref<24x10000xf32, #tpu.memory_space<hbm>> -> memref<1x10000xf32, #tpu.memory_space<hbm>>
    %dma_wait3A_329 = tpu.memref_squeeze %dma_wait3A_328 : memref<1x10000xf32, #tpu.memory_space<hbm>> -> memref<10000xf32, #tpu.memory_space<hbm>>
    tpu.wait_dma2 semaphore(%arg26 : memref<!tpu.dma_semaphore, #tpu.memory_space<semaphore_mem>>) src(%dma_wait3A_329 : memref<10000xf32, #tpu.memory_space<hbm>>) dst(%arg18 : memref<10000xf32, #tpu.memory_space<vmem>>)
    %dma_wait3A_330 = arith.constant 16 : i32
    %dma_wait3A_331 = arith.constant 0 : i32
    %dma_wait3A_332 = tpu.memref_slice %arg3[%dma_wait3A_330, %dma_wait3A_331] : memref<24x10000xf32, #tpu.memory_space<hbm>> -> memref<1x10000xf32, #tpu.memory_space<hbm>>
    %dma_wait3A_333 = tpu.memref_squeeze %dma_wait3A_332 : memref<1x10000xf32, #tpu.memory_space<hbm>> -> memref<10000xf32, #tpu.memory_space<hbm>>
    %dma_wait3A_334 = arith.constant 0 : i32
    %dma_wait3A_335 = tpu.memref_slice %arg3[%dma_wait3A_330, %dma_wait3A_334] : memref<24x10000xf32, #tpu.memory_space<hbm>> -> memref<1x10000xf32, #tpu.memory_space<hbm>>
    %dma_wait3A_336 = tpu.memref_squeeze %dma_wait3A_335 : memref<1x10000xf32, #tpu.memory_space<hbm>> -> memref<10000xf32, #tpu.memory_space<hbm>>
    tpu.wait_dma2 semaphore(%arg26 : memref<!tpu.dma_semaphore, #tpu.memory_space<semaphore_mem>>) src(%dma_wait3A_336 : memref<10000xf32, #tpu.memory_space<hbm>>) dst(%arg20 : memref<10000xf32, #tpu.memory_space<vmem>>)
    %dma_start3A_337 = arith.constant 7 : i32
    %dma_start3A_338 = tpu.memref_slice %arg2[%dma_start3A_337, %mul3A_2] : memref<16x320000xf32, #tpu.memory_space<hbm>> -> memref<1x10000xf32, #tpu.memory_space<hbm>>
    %dma_start3A_339 = tpu.memref_squeeze %dma_start3A_338 : memref<1x10000xf32, #tpu.memory_space<hbm>> -> memref<10000xf32, #tpu.memory_space<hbm>>
    %dma_start3A_340 = tpu.memref_slice %arg2[%dma_start3A_337, %mul3A_2] : memref<16x320000xf32, #tpu.memory_space<hbm>> -> memref<1x10000xf32, #tpu.memory_space<hbm>>
    %dma_start3A_341 = tpu.memref_squeeze %dma_start3A_340 : memref<1x10000xf32, #tpu.memory_space<hbm>> -> memref<10000xf32, #tpu.memory_space<hbm>>
    tpu.enqueue_dma source(%dma_start3A_341 : memref<10000xf32, #tpu.memory_space<hbm>>) target(%arg17 : memref<10000xf32, #tpu.memory_space<vmem>>) target_semaphore(%arg27 : memref<!tpu.dma_semaphore, #tpu.memory_space<semaphore_mem>>)
    %dma_start3A_342 = arith.constant 7 : i32
    %dma_start3A_343 = arith.constant 0 : i32
    %dma_start3A_344 = tpu.memref_slice %arg3[%dma_start3A_342, %dma_start3A_343] : memref<24x10000xf32, #tpu.memory_space<hbm>> -> memref<1x10000xf32, #tpu.memory_space<hbm>>
    %dma_start3A_345 = tpu.memref_squeeze %dma_start3A_344 : memref<1x10000xf32, #tpu.memory_space<hbm>> -> memref<10000xf32, #tpu.memory_space<hbm>>
    %dma_start3A_346 = arith.constant 0 : i32
    %dma_start3A_347 = tpu.memref_slice %arg3[%dma_start3A_342, %dma_start3A_346] : memref<24x10000xf32, #tpu.memory_space<hbm>> -> memref<1x10000xf32, #tpu.memory_space<hbm>>
    %dma_start3A_348 = tpu.memref_squeeze %dma_start3A_347 : memref<1x10000xf32, #tpu.memory_space<hbm>> -> memref<10000xf32, #tpu.memory_space<hbm>>
    tpu.enqueue_dma source(%dma_start3A_348 : memref<10000xf32, #tpu.memory_space<hbm>>) target(%arg19 : memref<10000xf32, #tpu.memory_space<vmem>>) target_semaphore(%arg27 : memref<!tpu.dma_semaphore, #tpu.memory_space<semaphore_mem>>)
    %dma_start3A_349 = arith.constant 17 : i32
    %dma_start3A_350 = arith.constant 0 : i32
    %dma_start3A_351 = tpu.memref_slice %arg3[%dma_start3A_349, %dma_start3A_350] : memref<24x10000xf32, #tpu.memory_space<hbm>> -> memref<1x10000xf32, #tpu.memory_space<hbm>>
    %dma_start3A_352 = tpu.memref_squeeze %dma_start3A_351 : memref<1x10000xf32, #tpu.memory_space<hbm>> -> memref<10000xf32, #tpu.memory_space<hbm>>
    %dma_start3A_353 = arith.constant 0 : i32
    %dma_start3A_354 = tpu.memref_slice %arg3[%dma_start3A_349, %dma_start3A_353] : memref<24x10000xf32, #tpu.memory_space<hbm>> -> memref<1x10000xf32, #tpu.memory_space<hbm>>
    %dma_start3A_355 = tpu.memref_squeeze %dma_start3A_354 : memref<1x10000xf32, #tpu.memory_space<hbm>> -> memref<10000xf32, #tpu.memory_space<hbm>>
    tpu.enqueue_dma source(%dma_start3A_355 : memref<10000xf32, #tpu.memory_space<hbm>>) target(%arg21 : memref<10000xf32, #tpu.memory_space<vmem>>) target_semaphore(%arg27 : memref<!tpu.dma_semaphore, #tpu.memory_space<semaphore_mem>>)
    %get3A_356 = arith.constant 6 : i32
    %get3A_357 = arith.index_cast %get3A_356 : i32 to index
    %get3A_358 = arith.constant 0 : index
    %get3A_359 = tpu.vector_load %arg24[%get3A_357, %get3A_358] {strides = array<i32>} : memref<32x16xf32, #tpu.memory_space<vmem>>, vector<16xf32>,
    %broadcast_in_dim3A_360 = arith.constant 384 : i32
    %broadcast_in_dim3A_361 = vector.broadcast %broadcast_in_dim3A_360 : i32 to vector<16xi32>
    %parallel_loop3A_362 = arith.constant 0 : i32
    %parallel_loop3A_363 = arith.constant 625 : i32
    %parallel_loop3A_364 = arith.constant 1 : i32
    scf.for %parallel_loop3A_492 = %parallel_loop3A_362 to %parallel_loop3A_363 step %parallel_loop3A_364  : i32 {
      %parallel_loop3A_493 = arith.constant 16 : i32
      %parallel_loop3A_494 = arith.muli %parallel_loop3A_492, %parallel_loop3A_493 : i32
      %parallel_loop3A_495 = arith.index_cast %parallel_loop3A_494 : i32 to index
      %parallel_loop3A_496 = tpu.vector_load %arg16[%parallel_loop3A_495] {strides = array<i32>} : memref<10000xf32, #tpu.memory_space<vmem>>, vector<16xf32>,
      %parallel_loop3A_497 = arith.index_cast %parallel_loop3A_494 : i32 to index
      %parallel_loop3A_498 = tpu.vector_load %arg12[%parallel_loop3A_497] {strides = array<i32>} : memref<10000xi32, #tpu.memory_space<vmem>>, vector<16xi32>,
      %parallel_loop3A_499 = tpu.vector_load_idx %arg18[%parallel_loop3A_498] : memref<10000xf32, #tpu.memory_space<vmem>>[vector<16xi32>], vector<16xf32>,
      %parallel_loop3A_500 = arith.addf %parallel_loop3A_496, %parallel_loop3A_499 : vector<16xf32>
      %parallel_loop3A_501 = arith.index_cast %parallel_loop3A_494 : i32 to index
      %parallel_loop3A_502 = tpu.vector_load %arg13[%parallel_loop3A_501] {strides = array<i32>} : memref<10000xi32, #tpu.memory_space<vmem>>, vector<16xi32>,
      %parallel_loop3A_503 = tpu.vector_load_idx %arg20[%parallel_loop3A_502] : memref<10000xf32, #tpu.memory_space<vmem>>[vector<16xi32>], vector<16xf32>,
      %parallel_loop3A_504 = arith.addf %parallel_loop3A_500, %parallel_loop3A_503 : vector<16xf32>
      %parallel_loop3A_505 = arith.index_cast %parallel_loop3A_494 : i32 to index
      %parallel_loop3A_506 = tpu.vector_load %arg14[%parallel_loop3A_505] {strides = array<i32>} : memref<10000xi32, #tpu.memory_space<vmem>>, vector<16xi32>,
      %parallel_loop3A_507 = arith.addi %parallel_loop3A_506, %broadcast_in_dim3A_361 : vector<16xi32>
      %parallel_loop3A_508 = tpu.vector_load_idx %arg25[%parallel_loop3A_507] : memref<1024xf32, #tpu.memory_space<vmem>>[vector<16xi32>], vector<16xf32>,
      %parallel_loop3A_509 = arith.addf %parallel_loop3A_504, %parallel_loop3A_508 : vector<16xf32>
      %parallel_loop3A_510 = arith.index_cast %parallel_loop3A_494 : i32 to index
      %parallel_loop3A_511 = tpu.vector_load %arg15[%parallel_loop3A_510] {strides = array<i32>} : memref<10000xf32, #tpu.memory_space<vmem>>, vector<16xf32>,
      %parallel_loop3A_512 = arith.constant 0.000000e+00 : f32
      %parallel_loop3A_513 = vector.broadcast %parallel_loop3A_512 : f32 to vector<16xf32>
      %parallel_loop3A_514 = arith.maximumf %parallel_loop3A_509, %parallel_loop3A_513 : vector<16xf32>
      %parallel_loop3A_515 = tpu.bitcast %parallel_loop3A_514 : vector<16xf32> -> vector<16xi32>
      %parallel_loop3A_516 = arith.constant 32767 : i32
      %parallel_loop3A_517 = vector.broadcast %parallel_loop3A_516 : i32 to vector<16xi32>
      %parallel_loop3A_518 = arith.addi %parallel_loop3A_515, %parallel_loop3A_517 : vector<16xi32>
      %parallel_loop3A_519 = arith.constant 16 : i32
      %parallel_loop3A_520 = vector.broadcast %parallel_loop3A_519 : i32 to vector<16xi32>
      %parallel_loop3A_521 = arith.shrui %parallel_loop3A_515, %parallel_loop3A_520 : vector<16xi32>
      %parallel_loop3A_522 = arith.constant 2 : i32
      %parallel_loop3A_523 = arith.constant 0 : i32
      %parallel_loop3A_524 = arith.cmpi eq, %parallel_loop3A_522, %parallel_loop3A_523 : i32
      %parallel_loop3A_525 = arith.constant 1 : i32
      %parallel_loop3A_526 = arith.select %parallel_loop3A_524, %parallel_loop3A_525, %parallel_loop3A_522 : i32
      %parallel_loop3A_527 = vector.broadcast %parallel_loop3A_526 : i32 to vector<16xi32>
      %parallel_loop3A_528 = arith.remsi %parallel_loop3A_521, %parallel_loop3A_527 : vector<16xi32>
      %parallel_loop3A_529 = arith.constant 0 : i32
      %parallel_loop3A_530 = vector.broadcast %parallel_loop3A_529 : i32 to vector<16xi32>
      %parallel_loop3A_531 = arith.cmpi ne, %parallel_loop3A_528, %parallel_loop3A_530 : vector<16xi32>
      %parallel_loop3A_532 = arith.constant 0 : i32
      %parallel_loop3A_533 = vector.broadcast %parallel_loop3A_532 : i32 to vector<16xi32>
      %parallel_loop3A_534 = arith.cmpi slt, %parallel_loop3A_528, %parallel_loop3A_533 : vector<16xi32>
      %parallel_loop3A_535 = arith.constant 0 : i32
      %parallel_loop3A_536 = arith.cmpi slt, %parallel_loop3A_526, %parallel_loop3A_535 : i32
      %parallel_loop3A_537 = vector.broadcast %parallel_loop3A_536 : i1 to vector<16xi1>
      %parallel_loop3A_538 = vector.broadcast %parallel_loop3A_537 : vector<16xi1> to vector<16xi1>
      %parallel_loop3A_539 = arith.xori %parallel_loop3A_534, %parallel_loop3A_538 : vector<16xi1>
      %parallel_loop3A_540 = arith.andi %parallel_loop3A_539, %parallel_loop3A_531 : vector<16xi1>
      %parallel_loop3A_541 = vector.broadcast %parallel_loop3A_526 : i32 to vector<16xi32>
      %parallel_loop3A_542 = arith.addi %parallel_loop3A_528, %parallel_loop3A_541 : vector<16xi32>
      %parallel_loop3A_543 = arith.select %parallel_loop3A_540, %parallel_loop3A_542, %parallel_loop3A_528 : vector<16xi1>, vector<16xi32>
      %parallel_loop3A_544 = arith.addi %parallel_loop3A_518, %parallel_loop3A_543 : vector<16xi32>
      %parallel_loop3A_545 = arith.constant -65536 : i32
      %parallel_loop3A_546 = vector.broadcast %parallel_loop3A_545 : i32 to vector<16xi32>
      %parallel_loop3A_547 = arith.andi %parallel_loop3A_544, %parallel_loop3A_546 : vector<16xi32>
      %parallel_loop3A_548 = tpu.bitcast %parallel_loop3A_547 : vector<16xi32> -> vector<16xf32>
      %parallel_loop3A_549 = arith.mulf %parallel_loop3A_548, %get3A_359 : vector<16xf32>
      %parallel_loop3A_550 = arith.addf %parallel_loop3A_511, %parallel_loop3A_549 : vector<16xf32>
      %parallel_loop3A_551 = arith.index_cast %parallel_loop3A_494 : i32 to index
      %parallel_loop3A_552 = tpu.vector_load %arg15[%parallel_loop3A_551] {strides = array<i32>} : memref<10000xf32, #tpu.memory_space<vmem>>, vector<16xf32>,
      tpu.vector_store %arg15[%parallel_loop3A_551], %parallel_loop3A_550 {strides = array<i32>} : memref<10000xf32, #tpu.memory_space<vmem>>, vector<16xf32>,
    } {sc.loop_unroll_factor = 4 : i64, sc.parallel_access}
    %dma_wait3A_365 = arith.constant 7 : i32
    %dma_wait3A_366 = tpu.memref_slice %arg2[%dma_wait3A_365, %mul3A_2] : memref<16x320000xf32, #tpu.memory_space<hbm>> -> memref<1x10000xf32, #tpu.memory_space<hbm>>
    %dma_wait3A_367 = tpu.memref_squeeze %dma_wait3A_366 : memref<1x10000xf32, #tpu.memory_space<hbm>> -> memref<10000xf32, #tpu.memory_space<hbm>>
    %dma_wait3A_368 = tpu.memref_slice %arg2[%dma_wait3A_365, %mul3A_2] : memref<16x320000xf32, #tpu.memory_space<hbm>> -> memref<1x10000xf32, #tpu.memory_space<hbm>>
    %dma_wait3A_369 = tpu.memref_squeeze %dma_wait3A_368 : memref<1x10000xf32, #tpu.memory_space<hbm>> -> memref<10000xf32, #tpu.memory_space<hbm>>
    tpu.wait_dma2 semaphore(%arg27 : memref<!tpu.dma_semaphore, #tpu.memory_space<semaphore_mem>>) src(%dma_wait3A_369 : memref<10000xf32, #tpu.memory_space<hbm>>) dst(%arg17 : memref<10000xf32, #tpu.memory_space<vmem>>)
    %dma_wait3A_370 = arith.constant 7 : i32
    %dma_wait3A_371 = arith.constant 0 : i32
    %dma_wait3A_372 = tpu.memref_slice %arg3[%dma_wait3A_370, %dma_wait3A_371] : memref<24x10000xf32, #tpu.memory_space<hbm>> -> memref<1x10000xf32, #tpu.memory_space<hbm>>
    %dma_wait3A_373 = tpu.memref_squeeze %dma_wait3A_372 : memref<1x10000xf32, #tpu.memory_space<hbm>> -> memref<10000xf32, #tpu.memory_space<hbm>>
    %dma_wait3A_374 = arith.constant 0 : i32
    %dma_wait3A_375 = tpu.memref_slice %arg3[%dma_wait3A_370, %dma_wait3A_374] : memref<24x10000xf32, #tpu.memory_space<hbm>> -> memref<1x10000xf32, #tpu.memory_space<hbm>>
    %dma_wait3A_376 = tpu.memref_squeeze %dma_wait3A_375 : memref<1x10000xf32, #tpu.memory_space<hbm>> -> memref<10000xf32, #tpu.memory_space<hbm>>
    tpu.wait_dma2 semaphore(%arg27 : memref<!tpu.dma_semaphore, #tpu.memory_space<semaphore_mem>>) src(%dma_wait3A_376 : memref<10000xf32, #tpu.memory_space<hbm>>) dst(%arg19 : memref<10000xf32, #tpu.memory_space<vmem>>)
    %dma_wait3A_377 = arith.constant 17 : i32
    %dma_wait3A_378 = arith.constant 0 : i32
    %dma_wait3A_379 = tpu.memref_slice %arg3[%dma_wait3A_377, %dma_wait3A_378] : memref<24x10000xf32, #tpu.memory_space<hbm>> -> memref<1x10000xf32, #tpu.memory_space<hbm>>
    %dma_wait3A_380 = tpu.memref_squeeze %dma_wait3A_379 : memref<1x10000xf32, #tpu.memory_space<hbm>> -> memref<10000xf32, #tpu.memory_space<hbm>>
    %dma_wait3A_381 = arith.constant 0 : i32
    %dma_wait3A_382 = tpu.memref_slice %arg3[%dma_wait3A_377, %dma_wait3A_381] : memref<24x10000xf32, #tpu.memory_space<hbm>> -> memref<1x10000xf32, #tpu.memory_space<hbm>>
    %dma_wait3A_383 = tpu.memref_squeeze %dma_wait3A_382 : memref<1x10000xf32, #tpu.memory_space<hbm>> -> memref<10000xf32, #tpu.memory_space<hbm>>
    tpu.wait_dma2 semaphore(%arg27 : memref<!tpu.dma_semaphore, #tpu.memory_space<semaphore_mem>>) src(%dma_wait3A_383 : memref<10000xf32, #tpu.memory_space<hbm>>) dst(%arg21 : memref<10000xf32, #tpu.memory_space<vmem>>)
    %dma_start3A_384 = arith.constant 8 : i32
    %dma_start3A_385 = tpu.memref_slice %arg2[%dma_start3A_384, %mul3A_2] : memref<16x320000xf32, #tpu.memory_space<hbm>> -> memref<1x10000xf32, #tpu.memory_space<hbm>>
    %dma_start3A_386 = tpu.memref_squeeze %dma_start3A_385 : memref<1x10000xf32, #tpu.memory_space<hbm>> -> memref<10000xf32, #tpu.memory_space<hbm>>
    %dma_start3A_387 = tpu.memref_slice %arg2[%dma_start3A_384, %mul3A_2] : memref<16x320000xf32, #tpu.memory_space<hbm>> -> memref<1x10000xf32, #tpu.memory_space<hbm>>
    %dma_start3A_388 = tpu.memref_squeeze %dma_start3A_387 : memref<1x10000xf32, #tpu.memory_space<hbm>> -> memref<10000xf32, #tpu.memory_space<hbm>>
    tpu.enqueue_dma source(%dma_start3A_388 : memref<10000xf32, #tpu.memory_space<hbm>>) target(%arg16 : memref<10000xf32, #tpu.memory_space<vmem>>) target_semaphore(%arg26 : memref<!tpu.dma_semaphore, #tpu.memory_space<semaphore_mem>>)
    %dma_start3A_389 = arith.constant 8 : i32
    %dma_start3A_390 = arith.constant 0 : i32
    %dma_start3A_391 = tpu.memref_slice %arg3[%dma_start3A_389, %dma_start3A_390] : memref<24x10000xf32, #tpu.memory_space<hbm>> -> memref<1x10000xf32, #tpu.memory_space<hbm>>
    %dma_start3A_392 = tpu.memref_squeeze %dma_start3A_391 : memref<1x10000xf32, #tpu.memory_space<hbm>> -> memref<10000xf32, #tpu.memory_space<hbm>>
    %dma_start3A_393 = arith.constant 0 : i32
    %dma_start3A_394 = tpu.memref_slice %arg3[%dma_start3A_389, %dma_start3A_393] : memref<24x10000xf32, #tpu.memory_space<hbm>> -> memref<1x10000xf32, #tpu.memory_space<hbm>>
    %dma_start3A_395 = tpu.memref_squeeze %dma_start3A_394 : memref<1x10000xf32, #tpu.memory_space<hbm>> -> memref<10000xf32, #tpu.memory_space<hbm>>
    tpu.enqueue_dma source(%dma_start3A_395 : memref<10000xf32, #tpu.memory_space<hbm>>) target(%arg18 : memref<10000xf32, #tpu.memory_space<vmem>>) target_semaphore(%arg26 : memref<!tpu.dma_semaphore, #tpu.memory_space<semaphore_mem>>)
    %dma_start3A_396 = arith.constant 18 : i32
    %dma_start3A_397 = arith.constant 0 : i32
    %dma_start3A_398 = tpu.memref_slice %arg3[%dma_start3A_396, %dma_start3A_397] : memref<24x10000xf32, #tpu.memory_space<hbm>> -> memref<1x10000xf32, #tpu.memory_space<hbm>>
    %dma_start3A_399 = tpu.memref_squeeze %dma_start3A_398 : memref<1x10000xf32, #tpu.memory_space<hbm>> -> memref<10000xf32, #tpu.memory_space<hbm>>
    %dma_start3A_400 = arith.constant 0 : i32
    %dma_start3A_401 = tpu.memref_slice %arg3[%dma_start3A_396, %dma_start3A_400] : memref<24x10000xf32, #tpu.memory_space<hbm>> -> memref<1x10000xf32, #tpu.memory_space<hbm>>
    %dma_start3A_402 = tpu.memref_squeeze %dma_start3A_401 : memref<1x10000xf32, #tpu.memory_space<hbm>> -> memref<10000xf32, #tpu.memory_space<hbm>>
    tpu.enqueue_dma source(%dma_start3A_402 : memref<10000xf32, #tpu.memory_space<hbm>>) target(%arg20 : memref<10000xf32, #tpu.memory_space<vmem>>) target_semaphore(%arg26 : memref<!tpu.dma_semaphore, #tpu.memory_space<semaphore_mem>>)
    %get3A_403 = arith.constant 7 : i32
    %get3A_404 = arith.index_cast %get3A_403 : i32 to index
    %get3A_405 = arith.constant 0 : index
    %get3A_406 = tpu.vector_load %arg24[%get3A_404, %get3A_405] {strides = array<i32>} : memref<32x16xf32, #tpu.memory_space<vmem>>, vector<16xf32>,
    %broadcast_in_dim3A_407 = arith.constant 448 : i32
    %broadcast_in_dim3A_408 = vector.broadcast %broadcast_in_dim3A_407 : i32 to vector<16xi32>
    %parallel_loop3A_409 = arith.constant 0 : i32
    %parallel_loop3A_410 = arith.constant 625 : i32
    %parallel_loop3A_411 = arith.constant 1 : i32
    scf.for %parallel_loop3A_492 = %parallel_loop3A_409 to %parallel_loop3A_410 step %parallel_loop3A_411  : i32 {
      %parallel_loop3A_493 = arith.constant 16 : i32
      %parallel_loop3A_494 = arith.muli %parallel_loop3A_492, %parallel_loop3A_493 : i32
      %parallel_loop3A_495 = arith.index_cast %parallel_loop3A_494 : i32 to index
      %parallel_loop3A_496 = tpu.vector_load %arg17[%parallel_loop3A_495] {strides = array<i32>} : memref<10000xf32, #tpu.memory_space<vmem>>, vector<16xf32>,
      %parallel_loop3A_497 = arith.index_cast %parallel_loop3A_494 : i32 to index
      %parallel_loop3A_498 = tpu.vector_load %arg12[%parallel_loop3A_497] {strides = array<i32>} : memref<10000xi32, #tpu.memory_space<vmem>>, vector<16xi32>,
      %parallel_loop3A_499 = tpu.vector_load_idx %arg19[%parallel_loop3A_498] : memref<10000xf32, #tpu.memory_space<vmem>>[vector<16xi32>], vector<16xf32>,
      %parallel_loop3A_500 = arith.addf %parallel_loop3A_496, %parallel_loop3A_499 : vector<16xf32>
      %parallel_loop3A_501 = arith.index_cast %parallel_loop3A_494 : i32 to index
      %parallel_loop3A_502 = tpu.vector_load %arg13[%parallel_loop3A_501] {strides = array<i32>} : memref<10000xi32, #tpu.memory_space<vmem>>, vector<16xi32>,
      %parallel_loop3A_503 = tpu.vector_load_idx %arg21[%parallel_loop3A_502] : memref<10000xf32, #tpu.memory_space<vmem>>[vector<16xi32>], vector<16xf32>,
      %parallel_loop3A_504 = arith.addf %parallel_loop3A_500, %parallel_loop3A_503 : vector<16xf32>
      %parallel_loop3A_505 = arith.index_cast %parallel_loop3A_494 : i32 to index
      %parallel_loop3A_506 = tpu.vector_load %arg14[%parallel_loop3A_505] {strides = array<i32>} : memref<10000xi32, #tpu.memory_space<vmem>>, vector<16xi32>,
      %parallel_loop3A_507 = arith.addi %parallel_loop3A_506, %broadcast_in_dim3A_408 : vector<16xi32>
      %parallel_loop3A_508 = tpu.vector_load_idx %arg25[%parallel_loop3A_507] : memref<1024xf32, #tpu.memory_space<vmem>>[vector<16xi32>], vector<16xf32>,
      %parallel_loop3A_509 = arith.addf %parallel_loop3A_504, %parallel_loop3A_508 : vector<16xf32>
      %parallel_loop3A_510 = arith.index_cast %parallel_loop3A_494 : i32 to index
      %parallel_loop3A_511 = tpu.vector_load %arg15[%parallel_loop3A_510] {strides = array<i32>} : memref<10000xf32, #tpu.memory_space<vmem>>, vector<16xf32>,
      %parallel_loop3A_512 = arith.constant 0.000000e+00 : f32
      %parallel_loop3A_513 = vector.broadcast %parallel_loop3A_512 : f32 to vector<16xf32>
      %parallel_loop3A_514 = arith.maximumf %parallel_loop3A_509, %parallel_loop3A_513 : vector<16xf32>
      %parallel_loop3A_515 = tpu.bitcast %parallel_loop3A_514 : vector<16xf32> -> vector<16xi32>
      %parallel_loop3A_516 = arith.constant 32767 : i32
      %parallel_loop3A_517 = vector.broadcast %parallel_loop3A_516 : i32 to vector<16xi32>
      %parallel_loop3A_518 = arith.addi %parallel_loop3A_515, %parallel_loop3A_517 : vector<16xi32>
      %parallel_loop3A_519 = arith.constant 16 : i32
      %parallel_loop3A_520 = vector.broadcast %parallel_loop3A_519 : i32 to vector<16xi32>
      %parallel_loop3A_521 = arith.shrui %parallel_loop3A_515, %parallel_loop3A_520 : vector<16xi32>
      %parallel_loop3A_522 = arith.constant 2 : i32
      %parallel_loop3A_523 = arith.constant 0 : i32
      %parallel_loop3A_524 = arith.cmpi eq, %parallel_loop3A_522, %parallel_loop3A_523 : i32
      %parallel_loop3A_525 = arith.constant 1 : i32
      %parallel_loop3A_526 = arith.select %parallel_loop3A_524, %parallel_loop3A_525, %parallel_loop3A_522 : i32
      %parallel_loop3A_527 = vector.broadcast %parallel_loop3A_526 : i32 to vector<16xi32>
      %parallel_loop3A_528 = arith.remsi %parallel_loop3A_521, %parallel_loop3A_527 : vector<16xi32>
      %parallel_loop3A_529 = arith.constant 0 : i32
      %parallel_loop3A_530 = vector.broadcast %parallel_loop3A_529 : i32 to vector<16xi32>
      %parallel_loop3A_531 = arith.cmpi ne, %parallel_loop3A_528, %parallel_loop3A_530 : vector<16xi32>
      %parallel_loop3A_532 = arith.constant 0 : i32
      %parallel_loop3A_533 = vector.broadcast %parallel_loop3A_532 : i32 to vector<16xi32>
      %parallel_loop3A_534 = arith.cmpi slt, %parallel_loop3A_528, %parallel_loop3A_533 : vector<16xi32>
      %parallel_loop3A_535 = arith.constant 0 : i32
      %parallel_loop3A_536 = arith.cmpi slt, %parallel_loop3A_526, %parallel_loop3A_535 : i32
      %parallel_loop3A_537 = vector.broadcast %parallel_loop3A_536 : i1 to vector<16xi1>
      %parallel_loop3A_538 = vector.broadcast %parallel_loop3A_537 : vector<16xi1> to vector<16xi1>
      %parallel_loop3A_539 = arith.xori %parallel_loop3A_534, %parallel_loop3A_538 : vector<16xi1>
      %parallel_loop3A_540 = arith.andi %parallel_loop3A_539, %parallel_loop3A_531 : vector<16xi1>
      %parallel_loop3A_541 = vector.broadcast %parallel_loop3A_526 : i32 to vector<16xi32>
      %parallel_loop3A_542 = arith.addi %parallel_loop3A_528, %parallel_loop3A_541 : vector<16xi32>
      %parallel_loop3A_543 = arith.select %parallel_loop3A_540, %parallel_loop3A_542, %parallel_loop3A_528 : vector<16xi1>, vector<16xi32>
      %parallel_loop3A_544 = arith.addi %parallel_loop3A_518, %parallel_loop3A_543 : vector<16xi32>
      %parallel_loop3A_545 = arith.constant -65536 : i32
      %parallel_loop3A_546 = vector.broadcast %parallel_loop3A_545 : i32 to vector<16xi32>
      %parallel_loop3A_547 = arith.andi %parallel_loop3A_544, %parallel_loop3A_546 : vector<16xi32>
      %parallel_loop3A_548 = tpu.bitcast %parallel_loop3A_547 : vector<16xi32> -> vector<16xf32>
      %parallel_loop3A_549 = arith.mulf %parallel_loop3A_548, %get3A_406 : vector<16xf32>
      %parallel_loop3A_550 = arith.addf %parallel_loop3A_511, %parallel_loop3A_549 : vector<16xf32>
      %parallel_loop3A_551 = arith.index_cast %parallel_loop3A_494 : i32 to index
      %parallel_loop3A_552 = tpu.vector_load %arg15[%parallel_loop3A_551] {strides = array<i32>} : memref<10000xf32, #tpu.memory_space<vmem>>, vector<16xf32>,
      tpu.vector_store %arg15[%parallel_loop3A_551], %parallel_loop3A_550 {strides = array<i32>} : memref<10000xf32, #tpu.memory_space<vmem>>, vector<16xf32>,
    } {sc.loop_unroll_factor = 4 : i64, sc.parallel_access}
    %dma_wait3A_412 = arith.constant 8 : i32
    %dma_wait3A_413 = tpu.memref_slice %arg2[%dma_wait3A_412, %mul3A_2] : memref<16x320000xf32, #tpu.memory_space<hbm>> -> memref<1x10000xf32, #tpu.memory_space<hbm>>
    %dma_wait3A_414 = tpu.memref_squeeze %dma_wait3A_413 : memref<1x10000xf32, #tpu.memory_space<hbm>> -> memref<10000xf32, #tpu.memory_space<hbm>>
    %dma_wait3A_415 = tpu.memref_slice %arg2[%dma_wait3A_412, %mul3A_2] : memref<16x320000xf32, #tpu.memory_space<hbm>> -> memref<1x10000xf32, #tpu.memory_space<hbm>>
    %dma_wait3A_416 = tpu.memref_squeeze %dma_wait3A_415 : memref<1x10000xf32, #tpu.memory_space<hbm>> -> memref<10000xf32, #tpu.memory_space<hbm>>
    tpu.wait_dma2 semaphore(%arg26 : memref<!tpu.dma_semaphore, #tpu.memory_space<semaphore_mem>>) src(%dma_wait3A_416 : memref<10000xf32, #tpu.memory_space<hbm>>) dst(%arg16 : memref<10000xf32, #tpu.memory_space<vmem>>)
    %dma_wait3A_417 = arith.constant 8 : i32
    %dma_wait3A_418 = arith.constant 0 : i32
    %dma_wait3A_419 = tpu.memref_slice %arg3[%dma_wait3A_417, %dma_wait3A_418] : memref<24x10000xf32, #tpu.memory_space<hbm>> -> memref<1x10000xf32, #tpu.memory_space<hbm>>
    %dma_wait3A_420 = tpu.memref_squeeze %dma_wait3A_419 : memref<1x10000xf32, #tpu.memory_space<hbm>> -> memref<10000xf32, #tpu.memory_space<hbm>>
    %dma_wait3A_421 = arith.constant 0 : i32
    %dma_wait3A_422 = tpu.memref_slice %arg3[%dma_wait3A_417, %dma_wait3A_421] : memref<24x10000xf32, #tpu.memory_space<hbm>> -> memref<1x10000xf32, #tpu.memory_space<hbm>>
    %dma_wait3A_423 = tpu.memref_squeeze %dma_wait3A_422 : memref<1x10000xf32, #tpu.memory_space<hbm>> -> memref<10000xf32, #tpu.memory_space<hbm>>
    tpu.wait_dma2 semaphore(%arg26 : memref<!tpu.dma_semaphore, #tpu.memory_space<semaphore_mem>>) src(%dma_wait3A_423 : memref<10000xf32, #tpu.memory_space<hbm>>) dst(%arg18 : memref<10000xf32, #tpu.memory_space<vmem>>)
    %dma_wait3A_424 = arith.constant 18 : i32
    %dma_wait3A_425 = arith.constant 0 : i32
    %dma_wait3A_426 = tpu.memref_slice %arg3[%dma_wait3A_424, %dma_wait3A_425] : memref<24x10000xf32, #tpu.memory_space<hbm>> -> memref<1x10000xf32, #tpu.memory_space<hbm>>
    %dma_wait3A_427 = tpu.memref_squeeze %dma_wait3A_426 : memref<1x10000xf32, #tpu.memory_space<hbm>> -> memref<10000xf32, #tpu.memory_space<hbm>>
    %dma_wait3A_428 = arith.constant 0 : i32
    %dma_wait3A_429 = tpu.memref_slice %arg3[%dma_wait3A_424, %dma_wait3A_428] : memref<24x10000xf32, #tpu.memory_space<hbm>> -> memref<1x10000xf32, #tpu.memory_space<hbm>>
    %dma_wait3A_430 = tpu.memref_squeeze %dma_wait3A_429 : memref<1x10000xf32, #tpu.memory_space<hbm>> -> memref<10000xf32, #tpu.memory_space<hbm>>
    tpu.wait_dma2 semaphore(%arg26 : memref<!tpu.dma_semaphore, #tpu.memory_space<semaphore_mem>>) src(%dma_wait3A_430 : memref<10000xf32, #tpu.memory_space<hbm>>) dst(%arg20 : memref<10000xf32, #tpu.memory_space<vmem>>)
    %dma_start3A_431 = arith.constant 9 : i32
    %dma_start3A_432 = tpu.memref_slice %arg2[%dma_start3A_431, %mul3A_2] : memref<16x320000xf32, #tpu.memory_space<hbm>> -> memref<1x10000xf32, #tpu.memory_space<hbm>>
    %dma_start3A_433 = tpu.memref_squeeze %dma_start3A_432 : memref<1x10000xf32, #tpu.memory_space<hbm>> -> memref<10000xf32, #tpu.memory_space<hbm>>
    %dma_start3A_434 = tpu.memref_slice %arg2[%dma_start3A_431, %mul3A_2] : memref<16x320000xf32, #tpu.memory_space<hbm>> -> memref<1x10000xf32, #tpu.memory_space<hbm>>
    %dma_start3A_435 = tpu.memref_squeeze %dma_start3A_434 : memref<1x10000xf32, #tpu.memory_space<hbm>> -> memref<10000xf32, #tpu.memory_space<hbm>>
    tpu.enqueue_dma source(%dma_start3A_435 : memref<10000xf32, #tpu.memory_space<hbm>>) target(%arg17 : memref<10000xf32, #tpu.memory_space<vmem>>) target_semaphore(%arg27 : memref<!tpu.dma_semaphore, #tpu.memory_space<semaphore_mem>>)
    %dma_start3A_436 = arith.constant 9 : i32
    %dma_start3A_437 = arith.constant 0 : i32
    %dma_start3A_438 = tpu.memref_slice %arg3[%dma_start3A_436, %dma_start3A_437] : memref<24x10000xf32, #tpu.memory_space<hbm>> -> memref<1x10000xf32, #tpu.memory_space<hbm>>
    %dma_start3A_439 = tpu.memref_squeeze %dma_start3A_438 : memref<1x10000xf32, #tpu.memory_space<hbm>> -> memref<10000xf32, #tpu.memory_space<hbm>>
    %dma_start3A_440 = arith.constant 0 : i32
    %dma_start3A_441 = tpu.memref_slice %arg3[%dma_start3A_436, %dma_start3A_440] : memref<24x10000xf32, #tpu.memory_space<hbm>> -> memref<1x10000xf32, #tpu.memory_space<hbm>>
    %dma_start3A_442 = tpu.memref_squeeze %dma_start3A_441 : memref<1x10000xf32, #tpu.memory_space<hbm>> -> memref<10000xf32, #tpu.memory_space<hbm>>
    tpu.enqueue_dma source(%dma_start3A_442 : memref<10000xf32, #tpu.memory_space<hbm>>) target(%arg19 : memref<10000xf32, #tpu.memory_space<vmem>>) target_semaphore(%arg27 : memref<!tpu.dma_semaphore, #tpu.memory_space<semaphore_mem>>)
    %dma_start3A_443 = arith.constant 19 : i32
    %dma_start3A_444 = arith.constant 0 : i32
    %dma_start3A_445 = tpu.memref_slice %arg3[%dma_start3A_443, %dma_start3A_444] : memref<24x10000xf32, #tpu.memory_space<hbm>> -> memref<1x10000xf32, #tpu.memory_space<hbm>>
    %dma_start3A_446 = tpu.memref_squeeze %dma_start3A_445 : memref<1x10000xf32, #tpu.memory_space<hbm>> -> memref<10000xf32, #tpu.memory_space<hbm>>
    %dma_start3A_447 = arith.constant 0 : i32
    %dma_start3A_448 = tpu.memref_slice %arg3[%dma_start3A_443, %dma_start3A_447] : memref<24x10000xf32, #tpu.memory_space<hbm>> -> memref<1x10000xf32, #tpu.memory_space<hbm>>
    %dma_start3A_449 = tpu.memref_squeeze %dma_start3A_448 : memref<1x10000xf32, #tpu.memory_space<hbm>> -> memref<10000xf32, #tpu.memory_space<hbm>>
    tpu.enqueue_dma source(%dma_start3A_449 : memref<10000xf32, #tpu.memory_space<hbm>>) target(%arg21 : memref<10000xf32, #tpu.memory_space<vmem>>) target_semaphore(%arg27 : memref<!tpu.dma_semaphore, #tpu.memory_space<semaphore_mem>>)
    %get3A_450 = arith.constant 8 : i32
    %get3A_451 = arith.index_cast %get3A_450 : i32 to index
    %get3A_452 = arith.constant 0 : index
    %get3A_453 = tpu.vector_load %arg24[%get3A_451, %get3A_452] {strides = array<i32>} : memref<32x16xf32, #tpu.memory_space<vmem>>, vector<16xf32>,
    %broadcast_in_dim3A_454 = arith.constant 512 : i32
    %broadcast_in_dim3A_455 = vector.broadcast %broadcast_in_dim3A_454 : i32 to vector<16xi32>
    %parallel_loop3A_456 = arith.constant 0 : i32
    %parallel_loop3A_457 = arith.constant 625 : i32
    %parallel_loop3A_458 = arith.constant 1 : i32
    scf.for %parallel_loop3A_492 = %parallel_loop3A_456 to %parallel_loop3A_457 step %parallel_loop3A_458  : i32 {
      %parallel_loop3A_493 = arith.constant 16 : i32
      %parallel_loop3A_494 = arith.muli %parallel_loop3A_492, %parallel_loop3A_493 : i32
      %parallel_loop3A_495 = arith.index_cast %parallel_loop3A_494 : i32 to index
      %parallel_loop3A_496 = tpu.vector_load %arg16[%parallel_loop3A_495] {strides = array<i32>} : memref<10000xf32, #tpu.memory_space<vmem>>, vector<16xf32>,
      %parallel_loop3A_497 = arith.index_cast %parallel_loop3A_494 : i32 to index
      %parallel_loop3A_498 = tpu.vector_load %arg12[%parallel_loop3A_497] {strides = array<i32>} : memref<10000xi32, #tpu.memory_space<vmem>>, vector<16xi32>,
      %parallel_loop3A_499 = tpu.vector_load_idx %arg18[%parallel_loop3A_498] : memref<10000xf32, #tpu.memory_space<vmem>>[vector<16xi32>], vector<16xf32>,
      %parallel_loop3A_500 = arith.addf %parallel_loop3A_496, %parallel_loop3A_499 : vector<16xf32>
      %parallel_loop3A_501 = arith.index_cast %parallel_loop3A_494 : i32 to index
      %parallel_loop3A_502 = tpu.vector_load %arg13[%parallel_loop3A_501] {strides = array<i32>} : memref<10000xi32, #tpu.memory_space<vmem>>, vector<16xi32>,
      %parallel_loop3A_503 = tpu.vector_load_idx %arg20[%parallel_loop3A_502] : memref<10000xf32, #tpu.memory_space<vmem>>[vector<16xi32>], vector<16xf32>,
      %parallel_loop3A_504 = arith.addf %parallel_loop3A_500, %parallel_loop3A_503 : vector<16xf32>
      %parallel_loop3A_505 = arith.index_cast %parallel_loop3A_494 : i32 to index
      %parallel_loop3A_506 = tpu.vector_load %arg14[%parallel_loop3A_505] {strides = array<i32>} : memref<10000xi32, #tpu.memory_space<vmem>>, vector<16xi32>,
      %parallel_loop3A_507 = arith.addi %parallel_loop3A_506, %broadcast_in_dim3A_455 : vector<16xi32>
      %parallel_loop3A_508 = tpu.vector_load_idx %arg25[%parallel_loop3A_507] : memref<1024xf32, #tpu.memory_space<vmem>>[vector<16xi32>], vector<16xf32>,
      %parallel_loop3A_509 = arith.addf %parallel_loop3A_504, %parallel_loop3A_508 : vector<16xf32>
      %parallel_loop3A_510 = arith.index_cast %parallel_loop3A_494 : i32 to index
      %parallel_loop3A_511 = tpu.vector_load %arg15[%parallel_loop3A_510] {strides = array<i32>} : memref<10000xf32, #tpu.memory_space<vmem>>, vector<16xf32>,
      %parallel_loop3A_512 = arith.constant 0.000000e+00 : f32
      %parallel_loop3A_513 = vector.broadcast %parallel_loop3A_512 : f32 to vector<16xf32>
      %parallel_loop3A_514 = arith.maximumf %parallel_loop3A_509, %parallel_loop3A_513 : vector<16xf32>
      %parallel_loop3A_515 = tpu.bitcast %parallel_loop3A_514 : vector<16xf32> -> vector<16xi32>
      %parallel_loop3A_516 = arith.constant 32767 : i32
      %parallel_loop3A_517 = vector.broadcast %parallel_loop3A_516 : i32 to vector<16xi32>
      %parallel_loop3A_518 = arith.addi %parallel_loop3A_515, %parallel_loop3A_517 : vector<16xi32>
      %parallel_loop3A_519 = arith.constant 16 : i32
      %parallel_loop3A_520 = vector.broadcast %parallel_loop3A_519 : i32 to vector<16xi32>
      %parallel_loop3A_521 = arith.shrui %parallel_loop3A_515, %parallel_loop3A_520 : vector<16xi32>
      %parallel_loop3A_522 = arith.constant 2 : i32
      %parallel_loop3A_523 = arith.constant 0 : i32
      %parallel_loop3A_524 = arith.cmpi eq, %parallel_loop3A_522, %parallel_loop3A_523 : i32
      %parallel_loop3A_525 = arith.constant 1 : i32
      %parallel_loop3A_526 = arith.select %parallel_loop3A_524, %parallel_loop3A_525, %parallel_loop3A_522 : i32
      %parallel_loop3A_527 = vector.broadcast %parallel_loop3A_526 : i32 to vector<16xi32>
      %parallel_loop3A_528 = arith.remsi %parallel_loop3A_521, %parallel_loop3A_527 : vector<16xi32>
      %parallel_loop3A_529 = arith.constant 0 : i32
      %parallel_loop3A_530 = vector.broadcast %parallel_loop3A_529 : i32 to vector<16xi32>
      %parallel_loop3A_531 = arith.cmpi ne, %parallel_loop3A_528, %parallel_loop3A_530 : vector<16xi32>
      %parallel_loop3A_532 = arith.constant 0 : i32
      %parallel_loop3A_533 = vector.broadcast %parallel_loop3A_532 : i32 to vector<16xi32>
      %parallel_loop3A_534 = arith.cmpi slt, %parallel_loop3A_528, %parallel_loop3A_533 : vector<16xi32>
      %parallel_loop3A_535 = arith.constant 0 : i32
      %parallel_loop3A_536 = arith.cmpi slt, %parallel_loop3A_526, %parallel_loop3A_535 : i32
      %parallel_loop3A_537 = vector.broadcast %parallel_loop3A_536 : i1 to vector<16xi1>
      %parallel_loop3A_538 = vector.broadcast %parallel_loop3A_537 : vector<16xi1> to vector<16xi1>
      %parallel_loop3A_539 = arith.xori %parallel_loop3A_534, %parallel_loop3A_538 : vector<16xi1>
      %parallel_loop3A_540 = arith.andi %parallel_loop3A_539, %parallel_loop3A_531 : vector<16xi1>
      %parallel_loop3A_541 = vector.broadcast %parallel_loop3A_526 : i32 to vector<16xi32>
      %parallel_loop3A_542 = arith.addi %parallel_loop3A_528, %parallel_loop3A_541 : vector<16xi32>
      %parallel_loop3A_543 = arith.select %parallel_loop3A_540, %parallel_loop3A_542, %parallel_loop3A_528 : vector<16xi1>, vector<16xi32>
      %parallel_loop3A_544 = arith.addi %parallel_loop3A_518, %parallel_loop3A_543 : vector<16xi32>
      %parallel_loop3A_545 = arith.constant -65536 : i32
      %parallel_loop3A_546 = vector.broadcast %parallel_loop3A_545 : i32 to vector<16xi32>
      %parallel_loop3A_547 = arith.andi %parallel_loop3A_544, %parallel_loop3A_546 : vector<16xi32>
      %parallel_loop3A_548 = tpu.bitcast %parallel_loop3A_547 : vector<16xi32> -> vector<16xf32>
      %parallel_loop3A_549 = arith.mulf %parallel_loop3A_548, %get3A_453 : vector<16xf32>
      %parallel_loop3A_550 = arith.addf %parallel_loop3A_511, %parallel_loop3A_549 : vector<16xf32>
      %parallel_loop3A_551 = arith.index_cast %parallel_loop3A_494 : i32 to index
      %parallel_loop3A_552 = tpu.vector_load %arg15[%parallel_loop3A_551] {strides = array<i32>} : memref<10000xf32, #tpu.memory_space<vmem>>, vector<16xf32>,
      tpu.vector_store %arg15[%parallel_loop3A_551], %parallel_loop3A_550 {strides = array<i32>} : memref<10000xf32, #tpu.memory_space<vmem>>, vector<16xf32>,
    } {sc.loop_unroll_factor = 4 : i64, sc.parallel_access}
    %dma_wait3A_459 = arith.constant 9 : i32
    %dma_wait3A_460 = tpu.memref_slice %arg2[%dma_wait3A_459, %mul3A_2] : memref<16x320000xf32, #tpu.memory_space<hbm>> -> memref<1x10000xf32, #tpu.memory_space<hbm>>
    %dma_wait3A_461 = tpu.memref_squeeze %dma_wait3A_460 : memref<1x10000xf32, #tpu.memory_space<hbm>> -> memref<10000xf32, #tpu.memory_space<hbm>>
    %dma_wait3A_462 = tpu.memref_slice %arg2[%dma_wait3A_459, %mul3A_2] : memref<16x320000xf32, #tpu.memory_space<hbm>> -> memref<1x10000xf32, #tpu.memory_space<hbm>>
    %dma_wait3A_463 = tpu.memref_squeeze %dma_wait3A_462 : memref<1x10000xf32, #tpu.memory_space<hbm>> -> memref<10000xf32, #tpu.memory_space<hbm>>
    tpu.wait_dma2 semaphore(%arg27 : memref<!tpu.dma_semaphore, #tpu.memory_space<semaphore_mem>>) src(%dma_wait3A_463 : memref<10000xf32, #tpu.memory_space<hbm>>) dst(%arg17 : memref<10000xf32, #tpu.memory_space<vmem>>)
    %dma_wait3A_464 = arith.constant 9 : i32
    %dma_wait3A_465 = arith.constant 0 : i32
    %dma_wait3A_466 = tpu.memref_slice %arg3[%dma_wait3A_464, %dma_wait3A_465] : memref<24x10000xf32, #tpu.memory_space<hbm>> -> memref<1x10000xf32, #tpu.memory_space<hbm>>
    %dma_wait3A_467 = tpu.memref_squeeze %dma_wait3A_466 : memref<1x10000xf32, #tpu.memory_space<hbm>> -> memref<10000xf32, #tpu.memory_space<hbm>>
    %dma_wait3A_468 = arith.constant 0 : i32
    %dma_wait3A_469 = tpu.memref_slice %arg3[%dma_wait3A_464, %dma_wait3A_468] : memref<24x10000xf32, #tpu.memory_space<hbm>> -> memref<1x10000xf32, #tpu.memory_space<hbm>>
    %dma_wait3A_470 = tpu.memref_squeeze %dma_wait3A_469 : memref<1x10000xf32, #tpu.memory_space<hbm>> -> memref<10000xf32, #tpu.memory_space<hbm>>
    tpu.wait_dma2 semaphore(%arg27 : memref<!tpu.dma_semaphore, #tpu.memory_space<semaphore_mem>>) src(%dma_wait3A_470 : memref<10000xf32, #tpu.memory_space<hbm>>) dst(%arg19 : memref<10000xf32, #tpu.memory_space<vmem>>)
    %dma_wait3A_471 = arith.constant 19 : i32
    %dma_wait3A_472 = arith.constant 0 : i32
    %dma_wait3A_473 = tpu.memref_slice %arg3[%dma_wait3A_471, %dma_wait3A_472] : memref<24x10000xf32, #tpu.memory_space<hbm>> -> memref<1x10000xf32, #tpu.memory_space<hbm>>
    %dma_wait3A_474 = tpu.memref_squeeze %dma_wait3A_473 : memref<1x10000xf32, #tpu.memory_space<hbm>> -> memref<10000xf32, #tpu.memory_space<hbm>>
    %dma_wait3A_475 = arith.constant 0 : i32
    %dma_wait3A_476 = tpu.memref_slice %arg3[%dma_wait3A_471, %dma_wait3A_475] : memref<24x10000xf32, #tpu.memory_space<hbm>> -> memref<1x10000xf32, #tpu.memory_space<hbm>>
    %dma_wait3A_477 = tpu.memref_squeeze %dma_wait3A_476 : memref<1x10000xf32, #tpu.memory_space<hbm>> -> memref<10000xf32, #tpu.memory_space<hbm>>
    tpu.wait_dma2 semaphore(%arg27 : memref<!tpu.dma_semaphore, #tpu.memory_space<semaphore_mem>>) src(%dma_wait3A_477 : memref<10000xf32, #tpu.memory_space<hbm>>) dst(%arg21 : memref<10000xf32, #tpu.memory_space<vmem>>)
    %get3A_478 = arith.constant 9 : i32
    %get3A_479 = arith.index_cast %get3A_478 : i32 to index
    %get3A_480 = arith.constant 0 : index
    %get3A_481 = tpu.vector_load %arg24[%get3A_479, %get3A_480] {strides = array<i32>} : memref<32x16xf32, #tpu.memory_space<vmem>>, vector<16xf32>,
    %broadcast_in_dim3A_482 = arith.constant 576 : i32
    %broadcast_in_dim3A_483 = vector.broadcast %broadcast_in_dim3A_482 : i32 to vector<16xi32>
    %parallel_loop3A_484 = arith.constant 0 : i32
    %parallel_loop3A_485 = arith.constant 625 : i32
    %parallel_loop3A_486 = arith.constant 1 : i32
    scf.for %parallel_loop3A_492 = %parallel_loop3A_484 to %parallel_loop3A_485 step %parallel_loop3A_486  : i32 {
      %parallel_loop3A_493 = arith.constant 16 : i32
      %parallel_loop3A_494 = arith.muli %parallel_loop3A_492, %parallel_loop3A_493 : i32
      %parallel_loop3A_495 = arith.index_cast %parallel_loop3A_494 : i32 to index
      %parallel_loop3A_496 = tpu.vector_load %arg17[%parallel_loop3A_495] {strides = array<i32>} : memref<10000xf32, #tpu.memory_space<vmem>>, vector<16xf32>,
      %parallel_loop3A_497 = arith.index_cast %parallel_loop3A_494 : i32 to index
      %parallel_loop3A_498 = tpu.vector_load %arg12[%parallel_loop3A_497] {strides = array<i32>} : memref<10000xi32, #tpu.memory_space<vmem>>, vector<16xi32>,
      %parallel_loop3A_499 = tpu.vector_load_idx %arg19[%parallel_loop3A_498] : memref<10000xf32, #tpu.memory_space<vmem>>[vector<16xi32>], vector<16xf32>,
      %parallel_loop3A_500 = arith.addf %parallel_loop3A_496, %parallel_loop3A_499 : vector<16xf32>
      %parallel_loop3A_501 = arith.index_cast %parallel_loop3A_494 : i32 to index
      %parallel_loop3A_502 = tpu.vector_load %arg13[%parallel_loop3A_501] {strides = array<i32>} : memref<10000xi32, #tpu.memory_space<vmem>>, vector<16xi32>,
      %parallel_loop3A_503 = tpu.vector_load_idx %arg21[%parallel_loop3A_502] : memref<10000xf32, #tpu.memory_space<vmem>>[vector<16xi32>], vector<16xf32>,
      %parallel_loop3A_504 = arith.addf %parallel_loop3A_500, %parallel_loop3A_503 : vector<16xf32>
      %parallel_loop3A_505 = arith.index_cast %parallel_loop3A_494 : i32 to index
      %parallel_loop3A_506 = tpu.vector_load %arg14[%parallel_loop3A_505] {strides = array<i32>} : memref<10000xi32, #tpu.memory_space<vmem>>, vector<16xi32>,
      %parallel_loop3A_507 = arith.addi %parallel_loop3A_506, %broadcast_in_dim3A_483 : vector<16xi32>
      %parallel_loop3A_508 = tpu.vector_load_idx %arg25[%parallel_loop3A_507] : memref<1024xf32, #tpu.memory_space<vmem>>[vector<16xi32>], vector<16xf32>,
      %parallel_loop3A_509 = arith.addf %parallel_loop3A_504, %parallel_loop3A_508 : vector<16xf32>
      %parallel_loop3A_510 = arith.index_cast %parallel_loop3A_494 : i32 to index
      %parallel_loop3A_511 = tpu.vector_load %arg15[%parallel_loop3A_510] {strides = array<i32>} : memref<10000xf32, #tpu.memory_space<vmem>>, vector<16xf32>,
      %parallel_loop3A_512 = arith.constant 0.000000e+00 : f32
      %parallel_loop3A_513 = vector.broadcast %parallel_loop3A_512 : f32 to vector<16xf32>
      %parallel_loop3A_514 = arith.maximumf %parallel_loop3A_509, %parallel_loop3A_513 : vector<16xf32>
      %parallel_loop3A_515 = tpu.bitcast %parallel_loop3A_514 : vector<16xf32> -> vector<16xi32>
      %parallel_loop3A_516 = arith.constant 32767 : i32
      %parallel_loop3A_517 = vector.broadcast %parallel_loop3A_516 : i32 to vector<16xi32>
      %parallel_loop3A_518 = arith.addi %parallel_loop3A_515, %parallel_loop3A_517 : vector<16xi32>
      %parallel_loop3A_519 = arith.constant 16 : i32
      %parallel_loop3A_520 = vector.broadcast %parallel_loop3A_519 : i32 to vector<16xi32>
      %parallel_loop3A_521 = arith.shrui %parallel_loop3A_515, %parallel_loop3A_520 : vector<16xi32>
      %parallel_loop3A_522 = arith.constant 2 : i32
      %parallel_loop3A_523 = arith.constant 0 : i32
      %parallel_loop3A_524 = arith.cmpi eq, %parallel_loop3A_522, %parallel_loop3A_523 : i32
      %parallel_loop3A_525 = arith.constant 1 : i32
      %parallel_loop3A_526 = arith.select %parallel_loop3A_524, %parallel_loop3A_525, %parallel_loop3A_522 : i32
      %parallel_loop3A_527 = vector.broadcast %parallel_loop3A_526 : i32 to vector<16xi32>
      %parallel_loop3A_528 = arith.remsi %parallel_loop3A_521, %parallel_loop3A_527 : vector<16xi32>
      %parallel_loop3A_529 = arith.constant 0 : i32
      %parallel_loop3A_530 = vector.broadcast %parallel_loop3A_529 : i32 to vector<16xi32>
      %parallel_loop3A_531 = arith.cmpi ne, %parallel_loop3A_528, %parallel_loop3A_530 : vector<16xi32>
      %parallel_loop3A_532 = arith.constant 0 : i32
      %parallel_loop3A_533 = vector.broadcast %parallel_loop3A_532 : i32 to vector<16xi32>
      %parallel_loop3A_534 = arith.cmpi slt, %parallel_loop3A_528, %parallel_loop3A_533 : vector<16xi32>
      %parallel_loop3A_535 = arith.constant 0 : i32
      %parallel_loop3A_536 = arith.cmpi slt, %parallel_loop3A_526, %parallel_loop3A_535 : i32
      %parallel_loop3A_537 = vector.broadcast %parallel_loop3A_536 : i1 to vector<16xi1>
      %parallel_loop3A_538 = vector.broadcast %parallel_loop3A_537 : vector<16xi1> to vector<16xi1>
      %parallel_loop3A_539 = arith.xori %parallel_loop3A_534, %parallel_loop3A_538 : vector<16xi1>
      %parallel_loop3A_540 = arith.andi %parallel_loop3A_539, %parallel_loop3A_531 : vector<16xi1>
      %parallel_loop3A_541 = vector.broadcast %parallel_loop3A_526 : i32 to vector<16xi32>
      %parallel_loop3A_542 = arith.addi %parallel_loop3A_528, %parallel_loop3A_541 : vector<16xi32>
      %parallel_loop3A_543 = arith.select %parallel_loop3A_540, %parallel_loop3A_542, %parallel_loop3A_528 : vector<16xi1>, vector<16xi32>
      %parallel_loop3A_544 = arith.addi %parallel_loop3A_518, %parallel_loop3A_543 : vector<16xi32>
      %parallel_loop3A_545 = arith.constant -65536 : i32
      %parallel_loop3A_546 = vector.broadcast %parallel_loop3A_545 : i32 to vector<16xi32>
      %parallel_loop3A_547 = arith.andi %parallel_loop3A_544, %parallel_loop3A_546 : vector<16xi32>
      %parallel_loop3A_548 = tpu.bitcast %parallel_loop3A_547 : vector<16xi32> -> vector<16xf32>
      %parallel_loop3A_549 = arith.mulf %parallel_loop3A_548, %get3A_481 : vector<16xf32>
      %parallel_loop3A_550 = arith.addf %parallel_loop3A_511, %parallel_loop3A_549 : vector<16xf32>
      %parallel_loop3A_551 = arith.index_cast %parallel_loop3A_494 : i32 to index
      %parallel_loop3A_552 = tpu.vector_load %arg15[%parallel_loop3A_551] {strides = array<i32>} : memref<10000xf32, #tpu.memory_space<vmem>>, vector<16xf32>,
      tpu.vector_store %arg15[%parallel_loop3A_551], %parallel_loop3A_550 {strides = array<i32>} : memref<10000xf32, #tpu.memory_space<vmem>>, vector<16xf32>,
    } {sc.loop_unroll_factor = 4 : i64, sc.parallel_access}
    "tpu.region"() ({
      %run_scoped3A = tpu.sem_alloc : memref<!tpu.dma_semaphore, #tpu.memory_space<semaphore_mem>>
      %dma_start3A_492 = tpu.memref_slice %arg9[%mul3A_2] : memref<320000xf32, #tpu.memory_space<hbm>> -> memref<10000xf32, #tpu.memory_space<hbm>>
      %dma_start3A_493 = tpu.memref_slice %arg9[%mul3A_2] : memref<320000xf32, #tpu.memory_space<hbm>> -> memref<10000xf32, #tpu.memory_space<hbm>>
      tpu.enqueue_dma source(%arg15 : memref<10000xf32, #tpu.memory_space<vmem>>) target(%dma_start3A_493 : memref<10000xf32, #tpu.memory_space<hbm>>) target_semaphore(%run_scoped3A : memref<!tpu.dma_semaphore, #tpu.memory_space<semaphore_mem>>)
      %dma_wait3A_494 = tpu.memref_slice %arg9[%mul3A_2] : memref<320000xf32, #tpu.memory_space<hbm>> -> memref<10000xf32, #tpu.memory_space<hbm>>
      %dma_wait3A_495 = tpu.memref_slice %arg9[%mul3A_2] : memref<320000xf32, #tpu.memory_space<hbm>> -> memref<10000xf32, #tpu.memory_space<hbm>>
      tpu.wait_dma2 semaphore(%run_scoped3A : memref<!tpu.dma_semaphore, #tpu.memory_space<semaphore_mem>>) src(%arg15 : memref<10000xf32, #tpu.memory_space<vmem>>) dst(%dma_wait3A_495 : memref<10000xf32, #tpu.memory_space<hbm>>)
      tpu.yield
    }) : () -> ()
    %scan3A = arith.constant 0 : i32
    %scan3A_487 = arith.constant 0 : i32
    %scan3A_488 = arith.constant 625 : i32
    %scan3A_489 = arith.addi %scan3A_487, %scan3A_488 : i32
    %scan3A_490 = arith.constant 1 : i32
    scf.for %scan3A_492 = %scan3A_487 to %scan3A_489 step %scan3A_490  : i32 {
      %mul3A_493 = arith.constant 16 : i32
      %mul3A_494 = arith.muli %scan3A_492, %mul3A_493 : i32
      %get3A_495 = arith.index_cast %mul3A_494 : i32 to index
      %get3A_496 = tpu.vector_load %arg15[%get3A_495] {strides = array<i32>} : memref<10000xf32, #tpu.memory_space<vmem>>, vector<16xf32>,
      %get3A_497 = arith.index_cast %mul3A_494 : i32 to index
      %get3A_498 = tpu.vector_load %arg13[%get3A_497] {strides = array<i32>} : memref<10000xi32, #tpu.memory_space<vmem>>, vector<16xi32>,
      tpu.vector_store_idx %arg22[%get3A_498], %get3A_496 {add = true} : memref<10000xf32, #tpu.memory_space<vmem>>[vector<16xi32>], vector<16xf32>,
      %get3A_499 = arith.index_cast %mul3A_494 : i32 to index
      %get3A_500 = tpu.vector_load %arg14[%get3A_499] {strides = array<i32>} : memref<10000xi32, #tpu.memory_space<vmem>>, vector<16xi32>,
      tpu.vector_store_idx %arg23[%get3A_500], %get3A_496 {add = true} : memref<64xf32, #tpu.memory_space<vmem>>[vector<16xi32>], vector<16xf32>,
    }
    %scan3A_491 = arith.constant 625 : i32
    "tpu.region"() ({
      %run_scoped3A = tpu.sem_alloc : memref<!tpu.dma_semaphore, #tpu.memory_space<semaphore_mem>>
      %dma_start3A_492 = arith.constant 0 : i32
      %dma_start3A_493 = tpu.memref_slice %arg10[%add3A, %dma_start3A_492] : memref<32x10000xf32, #tpu.memory_space<hbm>> -> memref<1x10000xf32, #tpu.memory_space<hbm>>
      %dma_start3A_494 = tpu.memref_squeeze %dma_start3A_493 : memref<1x10000xf32, #tpu.memory_space<hbm>> -> memref<10000xf32, #tpu.memory_space<hbm>>
      %dma_start3A_495 = arith.constant 0 : i32
      %dma_start3A_496 = tpu.memref_slice %arg10[%add3A, %dma_start3A_495] : memref<32x10000xf32, #tpu.memory_space<hbm>> -> memref<1x10000xf32, #tpu.memory_space<hbm>>
      %dma_start3A_497 = tpu.memref_squeeze %dma_start3A_496 : memref<1x10000xf32, #tpu.memory_space<hbm>> -> memref<10000xf32, #tpu.memory_space<hbm>>
      tpu.enqueue_dma source(%arg22 : memref<10000xf32, #tpu.memory_space<vmem>>) target(%dma_start3A_497 : memref<10000xf32, #tpu.memory_space<hbm>>) target_semaphore(%run_scoped3A : memref<!tpu.dma_semaphore, #tpu.memory_space<semaphore_mem>>)
      %dma_wait3A_498 = arith.constant 0 : i32
      %dma_wait3A_499 = tpu.memref_slice %arg10[%add3A, %dma_wait3A_498] : memref<32x10000xf32, #tpu.memory_space<hbm>> -> memref<1x10000xf32, #tpu.memory_space<hbm>>
      %dma_wait3A_500 = tpu.memref_squeeze %dma_wait3A_499 : memref<1x10000xf32, #tpu.memory_space<hbm>> -> memref<10000xf32, #tpu.memory_space<hbm>>
      %dma_wait3A_501 = arith.constant 0 : i32
      %dma_wait3A_502 = tpu.memref_slice %arg10[%add3A, %dma_wait3A_501] : memref<32x10000xf32, #tpu.memory_space<hbm>> -> memref<1x10000xf32, #tpu.memory_space<hbm>>
      %dma_wait3A_503 = tpu.memref_squeeze %dma_wait3A_502 : memref<1x10000xf32, #tpu.memory_space<hbm>> -> memref<10000xf32, #tpu.memory_space<hbm>>
      tpu.wait_dma2 semaphore(%run_scoped3A : memref<!tpu.dma_semaphore, #tpu.memory_space<semaphore_mem>>) src(%arg22 : memref<10000xf32, #tpu.memory_space<vmem>>) dst(%dma_wait3A_503 : memref<10000xf32, #tpu.memory_space<hbm>>)
      tpu.yield
    }) : () -> ()
    "tpu.region"() ({
      %run_scoped3A = tpu.sem_alloc : memref<!tpu.dma_semaphore, #tpu.memory_space<semaphore_mem>>
      %dma_start3A_492 = arith.constant 0 : i32
      %dma_start3A_493 = tpu.memref_slice %arg11[%add3A, %dma_start3A_492] : memref<32x64xf32, #tpu.memory_space<hbm>> -> memref<1x64xf32, #tpu.memory_space<hbm>>
      %dma_start3A_494 = tpu.memref_squeeze %dma_start3A_493 : memref<1x64xf32, #tpu.memory_space<hbm>> -> memref<64xf32, #tpu.memory_space<hbm>>
      %dma_start3A_495 = arith.constant 0 : i32
      %dma_start3A_496 = tpu.memref_slice %arg11[%add3A, %dma_start3A_495] : memref<32x64xf32, #tpu.memory_space<hbm>> -> memref<1x64xf32, #tpu.memory_space<hbm>>
      %dma_start3A_497 = tpu.memref_squeeze %dma_start3A_496 : memref<1x64xf32, #tpu.memory_space<hbm>> -> memref<64xf32, #tpu.memory_space<hbm>>
      tpu.enqueue_dma source(%arg23 : memref<64xf32, #tpu.memory_space<vmem>>) target(%dma_start3A_497 : memref<64xf32, #tpu.memory_space<hbm>>) target_semaphore(%run_scoped3A : memref<!tpu.dma_semaphore, #tpu.memory_space<semaphore_mem>>)
      %dma_wait3A_498 = arith.constant 0 : i32
      %dma_wait3A_499 = tpu.memref_slice %arg11[%add3A, %dma_wait3A_498] : memref<32x64xf32, #tpu.memory_space<hbm>> -> memref<1x64xf32, #tpu.memory_space<hbm>>
      %dma_wait3A_500 = tpu.memref_squeeze %dma_wait3A_499 : memref<1x64xf32, #tpu.memory_space<hbm>> -> memref<64xf32, #tpu.memory_space<hbm>>
      %dma_wait3A_501 = arith.constant 0 : i32
      %dma_wait3A_502 = tpu.memref_slice %arg11[%add3A, %dma_wait3A_501] : memref<32x64xf32, #tpu.memory_space<hbm>> -> memref<1x64xf32, #tpu.memory_space<hbm>>
      %dma_wait3A_503 = tpu.memref_squeeze %dma_wait3A_502 : memref<1x64xf32, #tpu.memory_space<hbm>> -> memref<64xf32, #tpu.memory_space<hbm>>
      tpu.wait_dma2 semaphore(%run_scoped3A : memref<!tpu.dma_semaphore, #tpu.memory_space<semaphore_mem>>) src(%arg23 : memref<64xf32, #tpu.memory_space<vmem>>) dst(%dma_wait3A_503 : memref<64xf32, #tpu.memory_space<hbm>>)
      tpu.yield
    }) : () -> ()
    return
  }
}

module attributes {stable_mosaic.version = 14 : i64} {
  func.func @_a1_body(%arg0: i32, %arg1: memref<16x6400xbf16, #tpu.memory_space<vmem>>, %arg2: memref<32x64xbf16, #tpu.memory_space<vmem>>, %arg3: memref<16x16xbf16, #tpu.memory_space<vmem>>, %arg4: memref<16x32xbf16, #tpu.memory_space<vmem>>, %arg5: memref<16x1xf32, #tpu.memory_space<vmem>>, %arg6: memref<16x6400xf32, #tpu.memory_space<vmem>>, %arg7: memref<16x64xf32, #tpu.memory_space<vmem>>) attributes {dimension_semantics = [#tpu.dimension_semantics<arbitrary>], iteration_bounds = array<i64: 50>, scalar_prefetch = 0 : i64, scratch_operands = 0 : i64, tpu.core_type = #tpu.core_type<tc>, window_params = [{transform_indices = @transform_0, window_bounds = array<i64: 16, 6400>}, {pipeline_mode = #tpu.pipeline_mode<synchronous>, transform_indices = @transform_1, window_bounds = array<i64: 32, 64>}, {pipeline_mode = #tpu.pipeline_mode<synchronous>, transform_indices = @transform_2, window_bounds = array<i64: 16, 16>}, {pipeline_mode = #tpu.pipeline_mode<synchronous>, transform_indices = @transform_3, window_bounds = array<i64: 16, 32>}, {pipeline_mode = #tpu.pipeline_mode<synchronous>, transform_indices = @transform_4, window_bounds = array<i64: 16, 1>}, {transform_indices = @transform_5, window_bounds = array<i64: 16, 6400>}, {pipeline_mode = #tpu.pipeline_mode<synchronous>, transform_indices = @transform_6, window_bounds = array<i64: 16, 64>}]} {
    %get3A = arith.constant 0 : index
    %get3A_0 = arith.constant 0 : index
    %get3A_1 = vector.load %arg3[%get3A, %get3A_0] : memref<16x16xbf16, #tpu.memory_space<vmem>>, vector<16x16xbf16>
    %get3A_2 = arith.constant 0 : index
    %get3A_3 = arith.constant 0 : index
    %get3A_4 = vector.load %arg1[%get3A_2, %get3A_3] : memref<16x6400xbf16, #tpu.memory_space<vmem>>, vector<16x6400xbf16>
    %dot_general3A = arith.constant dense<0.000000e+00> : vector<16x6400xf32>
    %dot_general3A_5 = tpu.matmul %get3A_1, %get3A_4, %dot_general3A {dimension_numbers = #tpu.dot_dimension_numbers<[1], [0], [0], [1], [0, 0, 1, 1], [], []>, transpose_lhs_hint = false} : vector<16x16xbf16>, vector<16x6400xbf16>, vector<16x6400xf32> -> vector<16x6400xf32>
    %swap3A = arith.constant 0 : index
    %swap3A_6 = arith.constant 0 : index
    %swap3A_7 = vector.load %arg6[%swap3A, %swap3A_6] : memref<16x6400xf32, #tpu.memory_space<vmem>>, vector<16x6400xf32>
    tpu.vector_store %arg6[%swap3A, %swap3A_6], %dot_general3A_5 {strides = array<i32>} : memref<16x6400xf32, #tpu.memory_space<vmem>>, vector<16x6400xf32>,
    %eq3A = arith.constant 0 : i32
    %eq3A_8 = arith.cmpi eq, %arg0, %eq3A : i32
    %convert_element_type3A = arith.extui %eq3A_8 : i1 to i32
    %cond3A = arith.constant 0 : i32
    %cond3A_9 = arith.cmpi ne, %convert_element_type3A, %cond3A : i32
    scf.if %cond3A_9 {
      %get3A_10 = arith.constant 0 : index
      %get3A_11 = arith.constant 0 : index
      %get3A_12 = vector.load %arg4[%get3A_10, %get3A_11] : memref<16x32xbf16, #tpu.memory_space<vmem>>, vector<16x32xbf16>
      %get3A_13 = arith.constant 0 : index
      %get3A_14 = arith.constant 0 : index
      %get3A_15 = vector.load %arg2[%get3A_13, %get3A_14] : memref<32x64xbf16, #tpu.memory_space<vmem>>, vector<32x64xbf16>
      %dot_general3A_16 = arith.constant dense<0.000000e+00> : vector<16x64xf32>
      %dot_general3A_17 = tpu.matmul %get3A_12, %get3A_15, %dot_general3A_16 {dimension_numbers = #tpu.dot_dimension_numbers<[1], [0], [0], [1], [0, 0, 1, 1], [], []>, transpose_lhs_hint = false} : vector<16x32xbf16>, vector<32x64xbf16>, vector<16x64xf32> -> vector<16x64xf32>
      %get3A_18 = arith.constant 0 : index
      %get3A_19 = arith.constant 0 : index
      %get3A_20 = vector.load %arg5[%get3A_18, %get3A_19] : memref<16x1xf32, #tpu.memory_space<vmem>>, vector<16x1xf32>
      %add3A = vector.broadcast %get3A_20 : vector<16x1xf32> to vector<16x64xf32>
      %add3A_21 = arith.addf %dot_general3A_17, %add3A : vector<16x64xf32>
      %swap3A_22 = arith.constant 0 : index
      %swap3A_23 = arith.constant 0 : index
      %swap3A_24 = vector.load %arg7[%swap3A_22, %swap3A_23] : memref<16x64xf32, #tpu.memory_space<vmem>>, vector<16x64xf32>
      tpu.vector_store %arg7[%swap3A_22, %swap3A_23], %add3A_21 {strides = array<i32>} : memref<16x64xf32, #tpu.memory_space<vmem>>, vector<16x64xf32>,
    } else {
    }
    return
  }
  func.func @transform_0(%arg0: i32) -> (i32, i32) {
    %c0_i32 = arith.constant 0 : i32
    %c0_i32_0 = arith.constant 0 : i32
    return %c0_i32, %arg0 : i32, i32
  }
  func.func @transform_1(%arg0: i32) -> (i32, i32) {
    %c0_i32 = arith.constant 0 : i32
    %c0_i32_0 = arith.constant 0 : i32
    %c0_i32_1 = arith.constant 0 : i32
    return %c0_i32, %c0_i32_0 : i32, i32
  }
  func.func @transform_2(%arg0: i32) -> (i32, i32) {
    %c0_i32 = arith.constant 0 : i32
    %c0_i32_0 = arith.constant 0 : i32
    %c0_i32_1 = arith.constant 0 : i32
    return %c0_i32, %c0_i32_0 : i32, i32
  }
  func.func @transform_3(%arg0: i32) -> (i32, i32) {
    %c0_i32 = arith.constant 0 : i32
    %c0_i32_0 = arith.constant 0 : i32
    %c0_i32_1 = arith.constant 0 : i32
    return %c0_i32, %c0_i32_0 : i32, i32
  }
  func.func @transform_4(%arg0: i32) -> (i32, i32) {
    %c0_i32 = arith.constant 0 : i32
    %c0_i32_0 = arith.constant 0 : i32
    %c0_i32_1 = arith.constant 0 : i32
    return %c0_i32, %c0_i32_0 : i32, i32
  }
  func.func @transform_5(%arg0: i32) -> (i32, i32) {
    %c0_i32 = arith.constant 0 : i32
    %c0_i32_0 = arith.constant 0 : i32
    return %c0_i32, %arg0 : i32, i32
  }
  func.func @transform_6(%arg0: i32) -> (i32, i32) {
    %c0_i32 = arith.constant 0 : i32
    %c0_i32_0 = arith.constant 0 : i32
    %c0_i32_1 = arith.constant 0 : i32
    return %c0_i32, %c0_i32_0 : i32, i32
  }
}

module attributes {stable_mosaic.version = 14 : i64} {
  func.func @_a2_body(%arg0: i32, %arg1: memref<10000x128xbf16, #tpu.memory_space<vmem>>, %arg2: memref<24x128xbf16, #tpu.memory_space<vmem>>, %arg3: memref<24x10000xf32, #tpu.memory_space<vmem>>) attributes {dimension_semantics = [#tpu.dimension_semantics<arbitrary>], iteration_bounds = array<i64: 1>, scalar_prefetch = 0 : i64, scratch_operands = 0 : i64, tpu.core_type = #tpu.core_type<tc>, window_params = [{pipeline_mode = #tpu.pipeline_mode<synchronous>, transform_indices = @transform_0, window_bounds = array<i64: 10000, 128>}, {pipeline_mode = #tpu.pipeline_mode<synchronous>, transform_indices = @transform_1, window_bounds = array<i64: 24, 128>}, {pipeline_mode = #tpu.pipeline_mode<synchronous>, transform_indices = @transform_2, window_bounds = array<i64: 24, 10000>}]} {
    %get3A = arith.constant 0 : index
    %get3A_0 = arith.constant 0 : index
    %get3A_1 = vector.load %arg2[%get3A, %get3A_0] : memref<24x128xbf16, #tpu.memory_space<vmem>>, vector<24x128xbf16>
    %get3A_2 = arith.constant 0 : index
    %get3A_3 = arith.constant 0 : index
    %get3A_4 = vector.load %arg1[%get3A_2, %get3A_3] : memref<10000x128xbf16, #tpu.memory_space<vmem>>, vector<10000x128xbf16>
    %dot_general3A = arith.constant dense<0.000000e+00> : vector<24x10000xf32>
    %dot_general3A_5 = tpu.matmul %get3A_1, %get3A_4, %dot_general3A {dimension_numbers = #tpu.dot_dimension_numbers<[1], [1], [0], [0], [0, 0, 1, 0], [], []>, transpose_lhs_hint = false} : vector<24x128xbf16>, vector<10000x128xbf16>, vector<24x10000xf32> -> vector<24x10000xf32>
    %swap3A = arith.constant 0 : index
    %swap3A_6 = arith.constant 0 : index
    %swap3A_7 = vector.load %arg3[%swap3A, %swap3A_6] : memref<24x10000xf32, #tpu.memory_space<vmem>>, vector<24x10000xf32>
    tpu.vector_store %arg3[%swap3A, %swap3A_6], %dot_general3A_5 {strides = array<i32>} : memref<24x10000xf32, #tpu.memory_space<vmem>>, vector<24x10000xf32>,
    return
  }
  func.func @transform_0(%arg0: i32) -> (i32, i32) {
    %c0_i32 = arith.constant 0 : i32
    %c0_i32_0 = arith.constant 0 : i32
    %c0_i32_1 = arith.constant 0 : i32
    return %c0_i32, %c0_i32_0 : i32, i32
  }
  func.func @transform_1(%arg0: i32) -> (i32, i32) {
    %c0_i32 = arith.constant 0 : i32
    %c0_i32_0 = arith.constant 0 : i32
    %c0_i32_1 = arith.constant 0 : i32
    return %c0_i32, %c0_i32_0 : i32, i32
  }
  func.func @transform_2(%arg0: i32) -> (i32, i32) {
    %c0_i32 = arith.constant 0 : i32
    %c0_i32_0 = arith.constant 0 : i32
    %c0_i32_1 = arith.constant 0 : i32
    return %c0_i32, %c0_i32_0 : i32, i32
  }
}

module attributes {stable_mosaic.version = 14 : i64} {
  func.func @_c_body(%arg0: i32, %arg1: memref<10000x128xbf16, #tpu.memory_space<vmem>>, %arg2: memref<32x64xbf16, #tpu.memory_space<vmem>>, %arg3: memref<32x10000xf32, #tpu.memory_space<vmem>>, %arg4: memref<1x10000xf32, #tpu.memory_space<vmem>>, %arg5: memref<10x128xbf16, #tpu.memory_space<vmem>>, %arg6: memref<10x1xf32, #tpu.memory_space<vmem>>, %arg7: memref<10x32xbf16, #tpu.memory_space<vmem>>, %arg8: memref<10x1xf32, #tpu.memory_space<vmem>>, %arg9: memref<10x1xf32, #tpu.memory_space<vmem>>, %arg10: memref<10x1xf32, #tpu.memory_space<vmem>>, %arg11: memref<1x11xbf16, #tpu.memory_space<vmem>>, %arg12: memref<1x10000xf32, #tpu.memory_space<vmem>>, %arg13: memref<1x64xf32, #tpu.memory_space<vmem>>) attributes {dimension_semantics = [#tpu.dimension_semantics<arbitrary>], iteration_bounds = array<i64: 1>, scalar_prefetch = 0 : i64, scratch_operands = 0 : i64, tpu.core_type = #tpu.core_type<tc>, window_params = [{pipeline_mode = #tpu.pipeline_mode<synchronous>, transform_indices = @transform_0, window_bounds = array<i64: 10000, 128>}, {pipeline_mode = #tpu.pipeline_mode<synchronous>, transform_indices = @transform_1, window_bounds = array<i64: 32, 64>}, {pipeline_mode = #tpu.pipeline_mode<synchronous>, transform_indices = @transform_2, window_bounds = array<i64: 32, 10000>}, {pipeline_mode = #tpu.pipeline_mode<synchronous>, transform_indices = @transform_3, window_bounds = array<i64: 1, 10000>}, {pipeline_mode = #tpu.pipeline_mode<synchronous>, transform_indices = @transform_4, window_bounds = array<i64: 10, 128>}, {pipeline_mode = #tpu.pipeline_mode<synchronous>, transform_indices = @transform_5, window_bounds = array<i64: 10, 1>}, {pipeline_mode = #tpu.pipeline_mode<synchronous>, transform_indices = @transform_6, window_bounds = array<i64: 10, 32>}, {pipeline_mode = #tpu.pipeline_mode<synchronous>, transform_indices = @transform_7, window_bounds = array<i64: 10, 1>}, {pipeline_mode = #tpu.pipeline_mode<synchronous>, transform_indices = @transform_8, window_bounds = array<i64: 10, 1>}, {pipeline_mode = #tpu.pipeline_mode<synchronous>, transform_indices = @transform_9, window_bounds = array<i64: 10, 1>}, {pipeline_mode = #tpu.pipeline_mode<synchronous>, transform_indices = @transform_10, window_bounds = array<i64: 1, 11>}, {pipeline_mode = #tpu.pipeline_mode<synchronous>, transform_indices = @transform_11, window_bounds = array<i64: 1, 10000>}, {pipeline_mode = #tpu.pipeline_mode<synchronous>, transform_indices = @transform_12, window_bounds = array<i64: 1, 64>}]} {
    %get3A = arith.constant 0 : index
    %get3A_0 = arith.constant 0 : index
    %get3A_1 = vector.load %arg5[%get3A, %get3A_0] : memref<10x128xbf16, #tpu.memory_space<vmem>>, vector<10x128xbf16>
    %get3A_2 = arith.constant 0 : index
    %get3A_3 = arith.constant 0 : index
    %get3A_4 = vector.load %arg1[%get3A_2, %get3A_3] : memref<10000x128xbf16, #tpu.memory_space<vmem>>, vector<10000x128xbf16>
    %dot_general3A = arith.constant dense<0.000000e+00> : vector<10x10000xf32>
    %dot_general3A_5 = tpu.matmul %get3A_1, %get3A_4, %dot_general3A {dimension_numbers = #tpu.dot_dimension_numbers<[1], [1], [0], [0], [0, 0, 1, 0], [], []>, transpose_lhs_hint = false} : vector<10x128xbf16>, vector<10000x128xbf16>, vector<10x10000xf32> -> vector<10x10000xf32>
    %get3A_6 = arith.constant 0 : index
    %get3A_7 = arith.constant 0 : index
    %get3A_8 = vector.load %arg6[%get3A_6, %get3A_7] : memref<10x1xf32, #tpu.memory_space<vmem>>, vector<10x1xf32>
    %add3A = vector.broadcast %get3A_8 : vector<10x1xf32> to vector<10x10000xf32>
    %add3A_9 = arith.addf %dot_general3A_5, %add3A : vector<10x10000xf32>
    %get3A_10 = arith.constant 0 : index
    %get3A_11 = arith.constant 0 : index
    %get3A_12 = vector.load %arg7[%get3A_10, %get3A_11] : memref<10x32xbf16, #tpu.memory_space<vmem>>, vector<10x32xbf16>
    %get3A_13 = arith.constant 0 : index
    %get3A_14 = arith.constant 0 : index
    %get3A_15 = vector.load %arg2[%get3A_13, %get3A_14] : memref<32x64xbf16, #tpu.memory_space<vmem>>, vector<32x64xbf16>
    %dot_general3A_16 = arith.constant dense<0.000000e+00> : vector<10x64xf32>
    %dot_general3A_17 = tpu.matmul %get3A_12, %get3A_15, %dot_general3A_16 {dimension_numbers = #tpu.dot_dimension_numbers<[1], [0], [0], [1], [0, 0, 1, 1], [], []>, transpose_lhs_hint = false} : vector<10x32xbf16>, vector<32x64xbf16>, vector<10x64xf32> -> vector<10x64xf32>
    %iota3A = tpu.iota {dimensions = array<i32: 0>} : vector<64x10000xi32>
    %convert_element_type3A = arith.sitofp %iota3A : vector<64x10000xi32> to vector<64x10000xf32>
    %get3A_18 = arith.constant 0 : index
    %get3A_19 = arith.constant 0 : index
    %get3A_20 = vector.load %arg4[%get3A_18, %get3A_19] : memref<1x10000xf32, #tpu.memory_space<vmem>>, vector<1x10000xf32>
    %eq3A = vector.broadcast %get3A_20 : vector<1x10000xf32> to vector<64x10000xf32>
    %eq3A_21 = arith.cmpf oeq, %convert_element_type3A, %eq3A : vector<64x10000xf32>
    %convert_element_type3A_22 = arith.extui %eq3A_21 : vector<64x10000xi1> to vector<64x10000xi32>
    %convert_element_type3A_23 = arith.sitofp %convert_element_type3A_22 : vector<64x10000xi32> to vector<64x10000xf32>
    %dot_general3A_24 = arith.constant dense<0.000000e+00> : vector<10x10000xf32>
    %dot_general3A_25 = tpu.matmul %dot_general3A_17, %convert_element_type3A_23, %dot_general3A_24 {dimension_numbers = #tpu.dot_dimension_numbers<[1], [0], [0], [1], [0, 0, 1, 1], [], []>, precision = #tpu.contract_precision<fp32>, transpose_lhs_hint = false} : vector<10x64xf32>, vector<64x10000xf32>, vector<10x10000xf32> -> vector<10x10000xf32>
    %add3A_26 = arith.addf %add3A_9, %dot_general3A_25 : vector<10x10000xf32>
    %get3A_27 = arith.constant 0 : index
    %get3A_28 = arith.constant 0 : index
    %get3A_29 = vector.load %arg3[%get3A_27, %get3A_28] : memref<32x10000xf32, #tpu.memory_space<vmem>>, vector<32x10000xf32>
    %reduce_sum3A = arith.constant dense<0.000000e+00> : vector<10000xf32>
    %reduce_sum3A_30 = vector.multi_reduction <add>, %get3A_29, %reduce_sum3A [0] : vector<32x10000xf32> to vector<10000xf32>
    %broadcast_in_dim3A = vector.shape_cast %reduce_sum3A_30 : vector<10000xf32> to vector<1x10000xf32>
    %convert_element_type3A_31 = arith.truncf %broadcast_in_dim3A : vector<1x10000xf32> to vector<1x10000xbf16>
    %convert_element_type3A_32 = arith.extf %convert_element_type3A_31 : vector<1x10000xbf16> to vector<1x10000xf32>
    %get3A_33 = arith.constant 0 : index
    %get3A_34 = arith.constant 0 : index
    %get3A_35 = vector.load %arg8[%get3A_33, %get3A_34] : memref<10x1xf32, #tpu.memory_space<vmem>>, vector<10x1xf32>
    %mul3A = vector.broadcast %get3A_35 : vector<10x1xf32> to vector<10x10000xf32>
    %mul3A_36 = vector.broadcast %convert_element_type3A_32 : vector<1x10000xf32> to vector<10x10000xf32>
    %mul3A_37 = arith.mulf %mul3A, %mul3A_36 : vector<10x10000xf32>
    %add3A_38 = arith.addf %add3A_26, %mul3A_37 : vector<10x10000xf32>
    %reduce_sum3A_39 = arith.constant dense<0.000000e+00> : vector<10000xf32>
    %reduce_sum3A_40 = vector.multi_reduction <add>, %add3A_38, %reduce_sum3A_39 [0] : vector<10x10000xf32> to vector<10000xf32>
    %broadcast_in_dim3A_41 = vector.shape_cast %reduce_sum3A_40 : vector<10000xf32> to vector<1x10000xf32>
    %div3A = arith.constant 1.000000e+01 : f32
    %div3A_42 = vector.broadcast %div3A : f32 to vector<1x10000xf32>
    %div3A_43 = arith.divf %broadcast_in_dim3A_41, %div3A_42 : vector<1x10000xf32>
    %sub3A = vector.broadcast %div3A_43 : vector<1x10000xf32> to vector<10x10000xf32>
    %sub3A_44 = arith.subf %add3A_38, %sub3A : vector<10x10000xf32>
    %mul3A_45 = arith.mulf %sub3A_44, %sub3A_44 : vector<10x10000xf32>
    %reduce_sum3A_46 = arith.constant dense<0.000000e+00> : vector<10000xf32>
    %reduce_sum3A_47 = vector.multi_reduction <add>, %mul3A_45, %reduce_sum3A_46 [0] : vector<10x10000xf32> to vector<10000xf32>
    %broadcast_in_dim3A_48 = vector.shape_cast %reduce_sum3A_47 : vector<10000xf32> to vector<1x10000xf32>
    %div3A_49 = arith.constant 1.000000e+01 : f32
    %div3A_50 = vector.broadcast %div3A_49 : f32 to vector<1x10000xf32>
    %div3A_51 = arith.divf %broadcast_in_dim3A_48, %div3A_50 : vector<1x10000xf32>
    %add3A_52 = arith.constant 9.99999974E-6 : f32
    %add3A_53 = vector.broadcast %add3A_52 : f32 to vector<1x10000xf32>
    %add3A_54 = arith.addf %div3A_51, %add3A_53 : vector<1x10000xf32>
    %rsqrt3A = math.rsqrt %add3A_54 : vector<1x10000xf32>
    %mul3A_55 = vector.broadcast %rsqrt3A : vector<1x10000xf32> to vector<10x10000xf32>
    %mul3A_56 = arith.mulf %sub3A_44, %mul3A_55 : vector<10x10000xf32>
    %get3A_57 = arith.constant 0 : index
    %get3A_58 = arith.constant 0 : index
    %get3A_59 = vector.load %arg9[%get3A_57, %get3A_58] : memref<10x1xf32, #tpu.memory_space<vmem>>, vector<10x1xf32>
    %mul3A_60 = vector.broadcast %get3A_59 : vector<10x1xf32> to vector<10x10000xf32>
    %mul3A_61 = arith.mulf %mul3A_56, %mul3A_60 : vector<10x10000xf32>
    %get3A_62 = arith.constant 0 : index
    %get3A_63 = arith.constant 0 : index
    %get3A_64 = vector.load %arg10[%get3A_62, %get3A_63] : memref<10x1xf32, #tpu.memory_space<vmem>>, vector<10x1xf32>
    %add3A_65 = vector.broadcast %get3A_64 : vector<10x1xf32> to vector<10x10000xf32>
    %add3A_66 = arith.addf %mul3A_61, %add3A_65 : vector<10x10000xf32>
    %max3A = arith.constant 0.000000e+00 : f32
    %max3A_67 = vector.broadcast %max3A : f32 to vector<10x10000xf32>
    %max3A_68 = arith.maximumf %add3A_66, %max3A_67 : vector<10x10000xf32>
    %broadcast_in_dim3A_69 = arith.constant 1.000000e+00 : f32
    %broadcast_in_dim3A_70 = vector.broadcast %broadcast_in_dim3A_69 : f32 to vector<1x10000xf32>
    %concatenate3A = tpu.concatenate %max3A_68, %broadcast_in_dim3A_70 in 0 : vector<10x10000xf32>, vector<1x10000xf32> -> vector<11x10000xf32>
    %convert_element_type3A_71 = arith.truncf %concatenate3A : vector<11x10000xf32> to vector<11x10000xbf16>
    %get3A_72 = arith.constant 0 : index
    %get3A_73 = arith.constant 0 : index
    %get3A_74 = vector.load %arg11[%get3A_72, %get3A_73] : memref<1x11xbf16, #tpu.memory_space<vmem>>, vector<1x11xbf16>
    %dot_general3A_75 = arith.constant dense<0.000000e+00> : vector<1x10000xf32>
    %dot_general3A_76 = tpu.matmul %get3A_74, %convert_element_type3A_71, %dot_general3A_75 {dimension_numbers = #tpu.dot_dimension_numbers<[1], [0], [0], [1], [0, 0, 1, 1], [], []>, transpose_lhs_hint = false} : vector<1x11xbf16>, vector<11x10000xbf16>, vector<1x10000xf32> -> vector<1x10000xf32>
    %swap3A = arith.constant 0 : index
    %swap3A_77 = arith.constant 0 : index
    %swap3A_78 = vector.load %arg12[%swap3A, %swap3A_77] : memref<1x10000xf32, #tpu.memory_space<vmem>>, vector<1x10000xf32>
    tpu.vector_store %arg12[%swap3A, %swap3A_77], %dot_general3A_76 {strides = array<i32>} : memref<1x10000xf32, #tpu.memory_space<vmem>>, vector<1x10000xf32>,
    %dot_general3A_79 = arith.constant dense<0.000000e+00> : vector<1x64xf32>
    %dot_general3A_80 = tpu.matmul %dot_general3A_76, %convert_element_type3A_23, %dot_general3A_79 {dimension_numbers = #tpu.dot_dimension_numbers<[1], [1], [0], [0], [0, 0, 1, 0], [], []>, precision = #tpu.contract_precision<fp32>, transpose_lhs_hint = false} : vector<1x10000xf32>, vector<64x10000xf32>, vector<1x64xf32> -> vector<1x64xf32>
    %swap3A_81 = arith.constant 0 : index
    %swap3A_82 = arith.constant 0 : index
    %swap3A_83 = vector.load %arg13[%swap3A_81, %swap3A_82] : memref<1x64xf32, #tpu.memory_space<vmem>>, vector<1x64xf32>
    tpu.vector_store %arg13[%swap3A_81, %swap3A_82], %dot_general3A_80 {strides = array<i32>} : memref<1x64xf32, #tpu.memory_space<vmem>>, vector<1x64xf32>,
    return
  }
  func.func @transform_0(%arg0: i32) -> (i32, i32) {
    %c0_i32 = arith.constant 0 : i32
    %c0_i32_0 = arith.constant 0 : i32
    %c0_i32_1 = arith.constant 0 : i32
    return %c0_i32, %c0_i32_0 : i32, i32
  }
  func.func @transform_1(%arg0: i32) -> (i32, i32) {
    %c0_i32 = arith.constant 0 : i32
    %c0_i32_0 = arith.constant 0 : i32
    %c0_i32_1 = arith.constant 0 : i32
    return %c0_i32, %c0_i32_0 : i32, i32
  }
  func.func @transform_2(%arg0: i32) -> (i32, i32) {
    %c0_i32 = arith.constant 0 : i32
    %c0_i32_0 = arith.constant 0 : i32
    %c0_i32_1 = arith.constant 0 : i32
    return %c0_i32, %c0_i32_0 : i32, i32
  }
  func.func @transform_3(%arg0: i32) -> (i32, i32) {
    %c0_i32 = arith.constant 0 : i32
    %c0_i32_0 = arith.constant 0 : i32
    %c0_i32_1 = arith.constant 0 : i32
    return %c0_i32, %c0_i32_0 : i32, i32
  }
  func.func @transform_4(%arg0: i32) -> (i32, i32) {
    %c0_i32 = arith.constant 0 : i32
    %c0_i32_0 = arith.constant 0 : i32
    %c0_i32_1 = arith.constant 0 : i32
    return %c0_i32, %c0_i32_0 : i32, i32
  }
  func.func @transform_5(%arg0: i32) -> (i32, i32) {
    %c0_i32 = arith.constant 0 : i32
    %c0_i32_0 = arith.constant 0 : i32
    %c0_i32_1 = arith.constant 0 : i32
    return %c0_i32, %c0_i32_0 : i32, i32
  }
  func.func @transform_6(%arg0: i32) -> (i32, i32) {
    %c0_i32 = arith.constant 0 : i32
    %c0_i32_0 = arith.constant 0 : i32
    %c0_i32_1 = arith.constant 0 : i32
    return %c0_i32, %c0_i32_0 : i32, i32
  }
  func.func @transform_7(%arg0: i32) -> (i32, i32) {
    %c0_i32 = arith.constant 0 : i32
    %c0_i32_0 = arith.constant 0 : i32
    %c0_i32_1 = arith.constant 0 : i32
    return %c0_i32, %c0_i32_0 : i32, i32
  }
  func.func @transform_8(%arg0: i32) -> (i32, i32) {
    %c0_i32 = arith.constant 0 : i32
    %c0_i32_0 = arith.constant 0 : i32
    %c0_i32_1 = arith.constant 0 : i32
    return %c0_i32, %c0_i32_0 : i32, i32
  }
  func.func @transform_9(%arg0: i32) -> (i32, i32) {
    %c0_i32 = arith.constant 0 : i32
    %c0_i32_0 = arith.constant 0 : i32
    %c0_i32_1 = arith.constant 0 : i32
    return %c0_i32, %c0_i32_0 : i32, i32
  }
  func.func @transform_10(%arg0: i32) -> (i32, i32) {
    %c0_i32 = arith.constant 0 : i32
    %c0_i32_0 = arith.constant 0 : i32
    %c0_i32_1 = arith.constant 0 : i32
    return %c0_i32, %c0_i32_0 : i32, i32
  }
  func.func @transform_11(%arg0: i32) -> (i32, i32) {
    %c0_i32 = arith.constant 0 : i32
    %c0_i32_0 = arith.constant 0 : i32
    %c0_i32_1 = arith.constant 0 : i32
    return %c0_i32, %c0_i32_0 : i32, i32
  }
  func.func @transform_12(%arg0: i32) -> (i32, i32) {
    %c0_i32 = arith.constant 0 : i32
    %c0_i32_0 = arith.constant 0 : i32
    %c0_i32_1 = arith.constant 0 : i32
    return %c0_i32, %c0_i32_0 : i32, i32
  }
}

module attributes {stable_mosaic.version = 14 : i64} {
  func.func @_d_body(%arg0: i32, %arg1: memref<32x64xf32, #tpu.memory_space<vmem>>, %arg2: memref<1x64xf32, #tpu.memory_space<vmem>>, %arg3: memref<32x64xf32, #tpu.memory_space<vmem>>, %arg4: memref<10x35xbf16, #tpu.memory_space<vmem>>, %arg5: memref<10x11xbf16, #tpu.memory_space<vmem>>, %arg6: memref<1x11xbf16, #tpu.memory_space<vmem>>, %arg7: memref<1x64xf32, #tpu.memory_space<vmem>>) attributes {dimension_semantics = [#tpu.dimension_semantics<arbitrary>], iteration_bounds = array<i64: 1>, scalar_prefetch = 0 : i64, scratch_operands = 0 : i64, tpu.core_type = #tpu.core_type<tc>, window_params = [{pipeline_mode = #tpu.pipeline_mode<synchronous>, transform_indices = @transform_0, window_bounds = array<i64: 32, 64>}, {pipeline_mode = #tpu.pipeline_mode<synchronous>, transform_indices = @transform_1, window_bounds = array<i64: 1, 64>}, {pipeline_mode = #tpu.pipeline_mode<synchronous>, transform_indices = @transform_2, window_bounds = array<i64: 32, 64>}, {pipeline_mode = #tpu.pipeline_mode<synchronous>, transform_indices = @transform_3, window_bounds = array<i64: 10, 35>}, {pipeline_mode = #tpu.pipeline_mode<synchronous>, transform_indices = @transform_4, window_bounds = array<i64: 10, 11>}, {pipeline_mode = #tpu.pipeline_mode<synchronous>, transform_indices = @transform_5, window_bounds = array<i64: 1, 11>}, {pipeline_mode = #tpu.pipeline_mode<synchronous>, transform_indices = @transform_6, window_bounds = array<i64: 1, 64>}]} {
    %get3A = arith.constant 0 : index
    %get3A_0 = arith.constant 0 : index
    %get3A_1 = vector.load %arg3[%get3A, %get3A_0] : memref<32x64xf32, #tpu.memory_space<vmem>>, vector<32x64xf32>
    %reduce_sum3A = arith.constant dense<0.000000e+00> : vector<64xf32>
    %reduce_sum3A_2 = vector.multi_reduction <add>, %get3A_1, %reduce_sum3A [0] : vector<32x64xf32> to vector<64xf32>
    %broadcast_in_dim3A = vector.shape_cast %reduce_sum3A_2 : vector<64xf32> to vector<1x64xf32>
    %broadcast_in_dim3A_3 = arith.constant 1.000000e+00 : f32
    %broadcast_in_dim3A_4 = vector.broadcast %broadcast_in_dim3A_3 : f32 to vector<1x64xf32>
    %get3A_5 = arith.constant 0 : index
    %get3A_6 = arith.constant 0 : index
    %get3A_7 = vector.load %arg1[%get3A_5, %get3A_6] : memref<32x64xf32, #tpu.memory_space<vmem>>, vector<32x64xf32>
    %get3A_8 = arith.constant 0 : index
    %get3A_9 = arith.constant 0 : index
    %get3A_10 = vector.load %arg2[%get3A_8, %get3A_9] : memref<1x64xf32, #tpu.memory_space<vmem>>, vector<1x64xf32>
    %concatenate3A = tpu.concatenate %get3A_7, %get3A_10, %broadcast_in_dim3A, %broadcast_in_dim3A_4 in 0 : vector<32x64xf32>, vector<1x64xf32>, vector<1x64xf32>, vector<1x64xf32> -> vector<35x64xf32>
    %convert_element_type3A = arith.truncf %concatenate3A : vector<35x64xf32> to vector<35x64xbf16>
    %get3A_11 = arith.constant 0 : index
    %get3A_12 = arith.constant 0 : index
    %get3A_13 = vector.load %arg4[%get3A_11, %get3A_12] : memref<10x35xbf16, #tpu.memory_space<vmem>>, vector<10x35xbf16>
    %dot_general3A = arith.constant dense<0.000000e+00> : vector<10x64xf32>
    %dot_general3A_14 = tpu.matmul %get3A_13, %convert_element_type3A, %dot_general3A {dimension_numbers = #tpu.dot_dimension_numbers<[1], [0], [0], [1], [0, 0, 1, 1], [], []>, transpose_lhs_hint = false} : vector<10x35xbf16>, vector<35x64xbf16>, vector<10x64xf32> -> vector<10x64xf32>
    %max3A = arith.constant 0.000000e+00 : f32
    %max3A_15 = vector.broadcast %max3A : f32 to vector<10x64xf32>
    %max3A_16 = arith.maximumf %dot_general3A_14, %max3A_15 : vector<10x64xf32>
    %concatenate3A_17 = tpu.concatenate %max3A_16, %broadcast_in_dim3A_4 in 0 : vector<10x64xf32>, vector<1x64xf32> -> vector<11x64xf32>
    %convert_element_type3A_18 = arith.truncf %concatenate3A_17 : vector<11x64xf32> to vector<11x64xbf16>
    %get3A_19 = arith.constant 0 : index
    %get3A_20 = arith.constant 0 : index
    %get3A_21 = vector.load %arg5[%get3A_19, %get3A_20] : memref<10x11xbf16, #tpu.memory_space<vmem>>, vector<10x11xbf16>
    %dot_general3A_22 = arith.constant dense<0.000000e+00> : vector<10x64xf32>
    %dot_general3A_23 = tpu.matmul %get3A_21, %convert_element_type3A_18, %dot_general3A_22 {dimension_numbers = #tpu.dot_dimension_numbers<[1], [0], [0], [1], [0, 0, 1, 1], [], []>, transpose_lhs_hint = false} : vector<10x11xbf16>, vector<11x64xbf16>, vector<10x64xf32> -> vector<10x64xf32>
    %max3A_24 = arith.constant 0.000000e+00 : f32
    %max3A_25 = vector.broadcast %max3A_24 : f32 to vector<10x64xf32>
    %max3A_26 = arith.maximumf %dot_general3A_23, %max3A_25 : vector<10x64xf32>
    %concatenate3A_27 = tpu.concatenate %max3A_26, %broadcast_in_dim3A_4 in 0 : vector<10x64xf32>, vector<1x64xf32> -> vector<11x64xf32>
    %convert_element_type3A_28 = arith.truncf %concatenate3A_27 : vector<11x64xf32> to vector<11x64xbf16>
    %get3A_29 = arith.constant 0 : index
    %get3A_30 = arith.constant 0 : index
    %get3A_31 = vector.load %arg6[%get3A_29, %get3A_30] : memref<1x11xbf16, #tpu.memory_space<vmem>>, vector<1x11xbf16>
    %dot_general3A_32 = arith.constant dense<0.000000e+00> : vector<1x64xf32>
    %dot_general3A_33 = tpu.matmul %get3A_31, %convert_element_type3A_28, %dot_general3A_32 {dimension_numbers = #tpu.dot_dimension_numbers<[1], [0], [0], [1], [0, 0, 1, 1], [], []>, transpose_lhs_hint = false} : vector<1x11xbf16>, vector<11x64xbf16>, vector<1x64xf32> -> vector<1x64xf32>
    %swap3A = arith.constant 0 : index
    %swap3A_34 = arith.constant 0 : index
    %swap3A_35 = vector.load %arg7[%swap3A, %swap3A_34] : memref<1x64xf32, #tpu.memory_space<vmem>>, vector<1x64xf32>
    tpu.vector_store %arg7[%swap3A, %swap3A_34], %dot_general3A_33 {strides = array<i32>} : memref<1x64xf32, #tpu.memory_space<vmem>>, vector<1x64xf32>,
    return
  }
  func.func @transform_0(%arg0: i32) -> (i32, i32) {
    %c0_i32 = arith.constant 0 : i32
    %c0_i32_0 = arith.constant 0 : i32
    %c0_i32_1 = arith.constant 0 : i32
    return %c0_i32, %c0_i32_0 : i32, i32
  }
  func.func @transform_1(%arg0: i32) -> (i32, i32) {
    %c0_i32 = arith.constant 0 : i32
    %c0_i32_0 = arith.constant 0 : i32
    %c0_i32_1 = arith.constant 0 : i32
    return %c0_i32, %c0_i32_0 : i32, i32
  }
  func.func @transform_2(%arg0: i32) -> (i32, i32) {
    %c0_i32 = arith.constant 0 : i32
    %c0_i32_0 = arith.constant 0 : i32
    %c0_i32_1 = arith.constant 0 : i32
    return %c0_i32, %c0_i32_0 : i32, i32
  }
  func.func @transform_3(%arg0: i32) -> (i32, i32) {
    %c0_i32 = arith.constant 0 : i32
    %c0_i32_0 = arith.constant 0 : i32
    %c0_i32_1 = arith.constant 0 : i32
    return %c0_i32, %c0_i32_0 : i32, i32
  }
  func.func @transform_4(%arg0: i32) -> (i32, i32) {
    %c0_i32 = arith.constant 0 : i32
    %c0_i32_0 = arith.constant 0 : i32
    %c0_i32_1 = arith.constant 0 : i32
    return %c0_i32, %c0_i32_0 : i32, i32
  }
  func.func @transform_5(%arg0: i32) -> (i32, i32) {
    %c0_i32 = arith.constant 0 : i32
    %c0_i32_0 = arith.constant 0 : i32
    %c0_i32_1 = arith.constant 0 : i32
    return %c0_i32, %c0_i32_0 : i32, i32
  }
  func.func @transform_6(%arg0: i32) -> (i32, i32) {
    %c0_i32 = arith.constant 0 : i32
    %c0_i32_0 = arith.constant 0 : i32
    %c0_i32_1 = arith.constant 0 : i32
    return %c0_i32, %c0_i32_0 : i32, i32
  }
}

</mosaic_0001>

<sc_bundles>
// kernel: kernel.7.cloned.1.call-start
scs
__scs_entry_jumppad:
0x0: {  	(pc) =	sbr.rel $0x88, $3  }
0x1: {  	(tag) =	ssettag $0x0;
	lr =	simm.s32 $0x1  }
0x2: {  	[smem:$0x3F8B] =	sst lr;
	_ =	strace $0xD0000000  }
0x3: {  	_ = 	snop  }
0x4: {  	_ = 	snop  }
0x5: {  	_ = 	snop  }
0x6: {  	_ = 	snop  }
0x7: {  	_ = 	snop  }
__scs_overlays_trampoline_lowered:
0x8: {  	[smem:$0x3F9A] =	sst s0  }
0x9: {  	[smem:$0x3F9B] =	sst s1  }
0xa: {  	[smem:$0x3F9C] =	sst s2  }
0xb: {  	[smem:$0x3F9D] =	sst s3  }
0xc: {  	[smem:$0x3F9E] =	sst s4  }
0xd: {  	[smem:$0x3F9F] =	sst s5  }
0xe: {  	[smem:$0x3FA0] =	sst s6  }
0xf: {  	[smem:$0x3FA1] =	sst s7  }
0x10: {  	[smem:$0x3FA2] =	sst s8  }
0x11: {  	[smem:$0x3FA3] =	sst s9;
	s0 =	simm.s32 @!p0 $0x0  }
0x12: {  	s1 =	sld [smem:$0x3F89];
	s0 =	simm.s32 @p0 $0x1  }
0x13: {  	[smem:$0x3FA4] =	sst s0;
	s0 =	simm.s32 @!p1 $0x0  }
0x14: {  	s2 =	sld [smem:$0x3F88];
	s0 =	simm.s32 @p1 $0x1  }
0x15: {  	[smem:$0x3FA5] =	sst s0;
	s0 =	simm.s32 @!p2 $0x0  }
0x16: {  	s3 =	sld [smem:$0x3FDB];
	s0 =	simm.s32 @p2 $0x1  }
0x17: {  	s4 =	simm.s32 $0x1BF5;
	[smem:$0x3FA7] =	sst s0  }
0x18: {  	s0 =	sld [smem:$0x3F8A];
	_ =	swait.ge [sflag:s4], $0x0  }
0x19: {  	s7 =	sld [smem:$0x3F8B]  }
0x1a: {  	s8 =	sadd.s32 $0xFFFFE003, lr  }
0x1b: {  	s9 =	sadd.s32 $0xFFFFFEF7, lr;
	s5 =	simm.s32 $0xFFFFFFFF;
	p2 =	slt.u32 s8, $0xFFFFF086  }
0x1c: {  	p1 =	slt.u32 s9, $0xF7A;
	s5 =	simm.s32 @!p2 $0x0  }
0x1d: {  	s5 =	simm.s32 @p1 $0x1;
	p0 =	seq.s32 s7, s2  }
0x1e: {  	s7 =	smul.u32 @!p0 $0xF7A, s2;
	p2 =	seq.s32 @!p0 s5, $0x0  }
0x1f: {  	s9 =	smul.u32 $0xF7A, s1;
	s8 =	simm.s32 @!p0 $0x1BF5;
	p2 =	por !p2, p0  }
0x20: {  	[sflag:s8] =	ssyncset.s32 @!p0 $0xFFFFF086;
	s6 =	sadd.s32 @!p0 s3, s7;
	s7 =	simm.s32 @!p0 $0x108  }
0x21: {  	s3 =	sadd.s32 s3, s9;
	s6 =	sadd.s32 @!p0 $0x88, s6;
	s7 =	simm.s32 @p2 $0x1082  }
0x22: {  	[simem:s7], [sflag:s8] =	dma.local @!p0 [hbm:s6], $0xF7A  }
0x23: {  	s9 =	sor.u32 $0xD0000000, s2;
	s6 =	simm.s32 $0x108;
	_ =	swait.ge @!p0 [sflag:s8], $0x0  }
0x24: {  	s3 =	sadd.s32 $0x88, s3;
	s6 =	simm.s32 @!p1 $0x1082;
	[sflag:s4] =	ssyncset.s32 $0xFFFFF086  }
0x25: {  	[simem:s6], [sflag:s4] =	dma.local [hbm:s3], $0xF7A  }
0x26: {  	[smem:$0x3F8B] =	sst s1;
	(tag) =	ssettag s2;
	_ =	strace s9  }
0x27: {  	s1 =	sld [smem:$0x3F9B]  }
0x28: {  	s2 =	sld [smem:$0x3F9C]  }
0x29: {  	s4 =	sld [smem:$0x3F9E]  }
0x2a: {  	p0 =	seq.s32 s5, $0x0;
	s5 =	sld [smem:$0x3F9F]  }
0x2b: {  	s6 =	sld [smem:$0x3FA0]  }
0x2c: {  	s7 =	sld [smem:$0x3FA1]  }
0x2d: {  	s3 =	simm.s32 $0x108;
	s8 =	sld [smem:$0x3FA2]  }
0x2e: {  	s3 =	simm.s32 @!p0 $0x1082;
	s9 =	sld [smem:$0x3FA3]  }
0x2f: {  	lr =	sadd.s32 s0, s3;
	s0 =	sld [smem:$0x3F9A]  }
0x30: {  	s3 =	sld [smem:$0x3F9D]  }
0x31: {  	[smem:$0x3FA6] =	sst s10  }
0x32: {  	s10 =	sld [smem:$0x3FA4];
	_ =	sdelay $0x3  }
0x33: {  	p0 =	seq.s32 s10, $0x1;
	s10 =	sld [smem:$0x3FA6];
	_ =	sdelay $0x3  }
0x34: {  	[smem:$0x3FA6] =	sst s10  }
0x35: {  	s10 =	sld [smem:$0x3FA5];
	_ =	sdelay $0x3  }
0x36: {  	p1 =	seq.s32 s10, $0x1;
	s10 =	sld [smem:$0x3FA6];
	_ =	sdelay $0x3  }
0x37: {  	[smem:$0x3FA6] =	sst s10  }
0x38: {  	s10 =	sld [smem:$0x3FA7]  }
0x39: {  	_ = 	snop;
	(pc) =	sbr.ind lr, $3  }
0x3a: {  	_ = 	snop  }
0x3b: {  	_ = 	snop  }
0x3c: {  	p2 =	seq.s32 s10, $0x1;
	s10 =	sld [smem:$0x3FA6]  }
0x3d: {  	_ =	shalt  }
0x3e: {  	_ =	shalt  }
0x3f: {  	_ =	shalt  }
0x40: {  	_ =	shalt  }
0x41: {  	_ =	shalt  }
0x42: {  	_ =	shalt  }
0x43: {  	_ =	shalt  }
0x44: {  	_ =	shalt  }
0x45: {  	_ =	shalt  }
0x46: {  	_ =	shalt  }
0x47: {  	_ =	shalt  }
0x48: {  	_ =	shalt  }
0x49: {  	_ =	shalt  }
0x4a: {  	_ =	shalt  }
0x4b: {  	_ =	shalt  }
0x4c: {  	_ =	shalt  }
0x4d: {  	_ =	shalt  }
0x4e: {  	_ =	shalt  }
0x4f: {  	_ =	shalt  }
0x50: {  	_ =	shalt  }
0x51: {  	_ =	shalt  }
0x52: {  	_ =	shalt  }
0x53: {  	_ =	shalt  }
0x54: {  	_ =	shalt  }
0x55: {  	_ =	shalt  }
0x56: {  	_ =	shalt  }
0x57: {  	_ =	shalt  }
0x58: {  	_ =	shalt  }
0x59: {  	_ =	shalt  }
0x5a: {  	_ =	shalt  }
0x5b: {  	_ =	shalt  }
0x5c: {  	_ =	shalt  }
0x5d: {  	_ =	shalt  }
0x5e: {  	_ =	shalt  }
0x5f: {  	_ =	shalt  }
0x60: {  	_ =	shalt  }
0x61: {  	_ =	shalt  }
0x62: {  	_ =	shalt  }
0x63: {  	_ =	shalt  }
0x64: {  	_ =	shalt  }
0x65: {  	_ =	shalt  }
0x66: {  	_ =	shalt  }
0x67: {  	_ =	shalt  }
0x68: {  	_ =	shalt  }
0x69: {  	_ =	shalt  }
0x6a: {  	_ =	shalt  }
0x6b: {  	_ =	shalt  }
0x6c: {  	_ =	shalt  }
0x6d: {  	_ =	shalt  }
0x6e: {  	_ =	shalt  }
0x6f: {  	_ =	shalt  }
0x70: {  	_ =	shalt  }
0x71: {  	_ =	shalt  }
0x72: {  	_ =	shalt  }
0x73: {  	_ =	shalt  }
0x74: {  	_ =	shalt  }
0x75: {  	_ =	shalt  }
0x76: {  	_ =	shalt  }
0x77: {  	_ =	shalt  }
0x78: {  	_ =	shalt  }
0x79: {  	_ =	shalt  }
0x7a: {  	_ =	shalt  }
0x7b: {  	_ =	shalt  }
0x7c: {  	_ =	shalt  }
0x7d: {  	_ =	shalt  }
0x7e: {  	_ =	shalt  }
0x7f: {  	_ =	shalt  }
0x80: {  	_ =	shalt  }
0x81: {  	_ =	shalt  }
0x82: {  	_ =	shalt  }
0x83: {  	_ =	shalt  }
0x84: {  	_ =	shalt  }
0x85: {  	_ =	shalt  }
0x86: {  	_ =	shalt  }
0x87: {  	_ =	shalt  }
.Lfunc_end0:
.L_simem_size_0:
called_computation_lowered:
.L_overlay_start_0:
0x88: {  	s2 =	sld [smem:$0x3FD9]  }
0x89: {  	s3 =	sld [smem:$0x3FFE];
	_ =	sdelay $0x1  }
0x8a: {  	s1 =	srdreg.scid  }
0x8b: {  	s0 =	sand.u32 $0x1, s1  }
0x8c: {  	s14 =	sshll.u32 s0, $0xA;
	s2 =	sadd.s32 s3, s2  }
0x8d: {  	s2 =	sadd.s32 s2, s14  }
0x8e: {  	[smem:$0x3FB2] =	sst s2  }
0x8f: {  	_ = 	snop  }
0x90: {  	s2 =	sld [smem:$0x3FD0];
	_ =	sdelay $0x2  }
0x91: {  	s4 =	simm.s32 $0xA;
	s5 =	simm.s32 $0x10;
	s15 =	sld [smem:$0x3FC4]  }
0x92: {  	[smem:s5], [sflag:s4] =	dma.local [hbm:s2], $0x1  }
0x93: {  	_ =	swait.eq [sflag:s4], $0x1  }
0x94: {  	[sflag:s4] =	ssyncset.done $0x0  }
0x95: {  	s16 =	sld [smem:$0x10];
	[sflag:s4] =	ssyncadd.s32 $0xFFFFFFFF  }
0x96: {  	s17 =	sld [smem:$0x11];
	(tm) =	ssettm $0x1  }
0x97: {  	s18 =	sld [smem:$0x3FFB];
	_ =	sdelay $0x3  }
0x98: {  	_ =	strace s18  }
0x99: {  	s5 =	sld [smem:$0x3FFC];
	_ =	sdelay $0x3  }
0x9a: {  	_ =	strace s5  }
0x9b: {  	s5 =	sld [smem:$0x3FFD];
	_ =	sdelay $0x3  }
0x9c: {  	_ =	strace s5  }
0x9d: {  	_ =	strace $0x8FFFFFFF  }
0x9e: {  	s19 =	sld [smem:$0x3FDB];
	_ =	sdelay $0x1  }
0x9f: {  	s6 =	simm.s32 $_scs_section_size  }
0xa0: {  	s7 =	simm.s32 $_size__tile_overlayer_lowered;
	s8 =	simm.s32 $_tile_overlayer_lowered  }
0xa1: {  	s22 =	simm.s32 $0x1BFF;
	s21 =	sshll.u32 s8, $0x1;
	s5 =	sadd.s32 s6, s19  }
0xa2: {  	s9 =	simm.s32 $0x0;
	s20 =	sshll.u32 s7, $0x1;
	s7 =	sadd.s32 s21, s5  }
0xa3: {  	[timem:s9], [sflag:s22] =	dma.local [hbm:s7], s20  }
0xa4: {  	_ =	swait.ge [sflag:s22], s20  }
0xa5: {  	s6 =	ssub.s32 $0x0, s20;
	[sflag:s22] =	ssyncset.done $0x0  }
0xa6: {  	[sflag:s22] =	ssyncadd.s32 s6;
	_ =	sdelay $0x1  }
0xa7: {  	s23 =	simm.s32 $0x1B8B  }
0xa8: {  	_ =	swait.ge [sflag:s23], $0x1  }
0xa9: {  	[sflag:s23] =	ssyncset.done $0x0  }
0xaa: {  	s25 =	simm.s32 $0x1B8E;
	s24 =	sld [smem:$0x3FFE];
	[sflag:s23] =	ssyncadd.s32 $0xFFFFFFFF  }
0xab: {  	s26 =	simm.s32 $execute0_lowered;
	[smem:$0x3FD2] =	sst s25  }
0xac: {  	s7 =	sshll.u32 s26, $0x1;
	_ =	strace $0x80000046;
	[dreg:$0x1] =	wrdreg $0xFFFFFFFF  }
0xad: {  	s28 =	simm.s32 $_size_execute0_lowered;
	s5 =	sadd.s32 s5, s7;
	[dreg:$0x0] =	wrdreg $0x0  }
0xae: {  	s7 =	sshll.u32 s28, $0x1;
	[dreg:$0x2] =	wrdreg s5  }
0xaf: {  	[dreg:$0x3] =	wrdreg s7  }
0xb0: {  	[dreg:$0x4] =	wrdreg $0xC0  }
0xb1: {  	_ =	task [dreg:s9], $0x5FFFF  }
0xb2: {  	[dreg:$0x1] =	wrdreg $0xFFFFFFFF  }
0xb3: {  	[dreg:$0x0] =	wrdreg $0x60  }
0xb4: {  	[dreg:$0x2] =	wrdreg s24  }
0xb5: {  	[dreg:$0x3] =	wrdreg s16  }
0xb6: {  	[dreg:$0x4] =	wrdreg s15  }
0xb7: {  	[dreg:$0x5] =	wrdreg s17  }
0xb8: {  	[dreg:$0x6] =	wrdreg $0x9  }
0xb9: {  	_ =	task.clear_ibuf [dreg:s9], $0x7FFFF;
	_ =	strace $0x90000046  }
0xba: {  	s29 =	simm.s32 $0x9;
	_ =	strace $0x80000048  }
0xbb: {  	_ =	swait.ge [sflag:s29], $0x1  }
0xbc: {  	[sflag:s29] =	ssyncadd.s32 $0xFFFFFFFF  }
0xbd: {  	_ =	strace $0x90000048  }
0xbe: {  	_ =	sfence  }
0xbf: {  	s30 =	sld [smem:$0x0];
	_ =	sdelay $0x2  }
0xc0: {  	s31 =	sshll.u32 s1, $0xD;
	s1 =	sshrl.u32 s1, $0x2  }
0xc1: {  	s3 =	sand.u32 $0x4000, s31;
	s1 =	sadd.s32 s1, s30  }
0xc2: {  	s0 =	sor.u32 s3, s0;
	s1 =	sshll.u32 s1, $0x11  }
0xc3: {  	s0 =	sor.u32 s1, s0  }
0xc4: {  	s0 =	sadd.s32 $0x8F2B, s0  }
0xc5: {  	[sflag:s0] =	ssyncadd.remote.s32 $0x1  }
0xc6: {  	_ =	sfence.sel $0xFFFF  }
0xc7: {  	[dreg:$0x0] =	wrdreg $0xFFFFFFFF;
	(pc) =	sbr.abs _section_cstart, $3  }
0xc8: {  	[dreg:$0x1] =	wrdreg $0xFFFFFFFF  }
0xc9: {  	_ =	task.clear_ibuf [dreg:s9], $0x2FFFF;
	_ =	strace $0x9FFFFFFF  }
0xca: {  	(tm) =	ssettm $0x7FFFFFFF  }
0xcb: {  	_ =	shalt  }
tec
execute0_lowered:
.L_overlay_start_1:
0x0: {  	(tag) =	ssettag $0x1  }
0x1: {  	s0 =	rddreg [dreg:$0x0]  }
0x2: {  	s11 =	rddreg [dreg:$0x1]  }
0x3: {  	s1 =	rddreg [dreg:$0x2];
	s3 =	stileid.u32  }
0x4: {  	s4 =	rddreg [dreg:$0x3];
	s5 =	sshll.u32 s3, $0x1;
	s3 =	simm.s32 $0x0  }
0x5: {  	s7 =	sadd.s32 $0x16C00, s0;
	[smem:$0x7FF] =	sst s3  }
0x6: {  	s8 =	sadd.s32 $0x16E00, s0;
	_ =	strace $0x80000047;
	[dreg:$0x5] =	wrdreg s7  }
0x7: {  	s2 =	srdreg.scid;
	s10 =	sadd.s32 $0x30D4, s11;
	[dreg:$0x6] =	wrdreg s8  }
0x8: {  	s2 =	sand.u32 $0x1, s2;
	s13 =	sadd.s32 $0x4E2, s11;
	[dreg:$0xb] =	wrdreg s10  }
0x9: {  	s14 =	sadd.s32 $0x35B6, s11;
	s26 =	sadd.s32 $0x9C4, s11;
	[dreg:$0xd] =	wrdreg s13  }
0xa: {  	s28 =	sadd.s32 $0x3A98, s11;
	s29 =	sadd.s32 $0xEA6, s11;
	[dreg:$0xe] =	wrdreg s14  }
0xb: {  	s5 =	sor.u32 s2, s5;
	s2 =	ssub.s32 $0x2, s2;
	[dreg:$0x1b] =	wrdreg s26  }
0xc: {  	s6 =	smul.u32 $0x2710, s5;
	s30 =	sshrl.u32 s2, $0x1;
	[dreg:$0x1c] =	wrdreg s28  }
0xd: {  	[dreg:$0x1d] =	wrdreg s29;
	s2 =	ssub.s32 s2, s30;
	s30 =	sadd.s32 $0x3F7A, s11  }
0xe: {  	s6 =	sshrl.u32 s6, $0x3;
	s25 =	smax.u32 s2, $0x1;
	[dreg:$0x1e] =	wrdreg s30  }
0xf: {  	s0 =	sadd.s32 s6, s0;
	s1 =	sadd.s32 s1, s6;
	[dreg:$0x1a] =	wrdreg s25  }
0x10: {  	s31 =	sadd.s32 $0xCE00, s0;
	[dreg:$0x9] =	wrdreg s1  }
0x11: {  	s8 =	sadd.s32 $0x3000, s0;
	[dreg:$0x7] =	wrdreg s31  }
0x12: {  	s9 =	sadd.s32 $0x9F400, s0;
	[dreg:$0x8] =	wrdreg s8  }
0x13: {  	s12 =	sadd.s32 $0xA9040, s0;
	[dreg:$0xa] =	wrdreg s9  }
0x14: {  	s15 =	sadd.s32 $0xB2C80, s0;
	[dreg:$0xc] =	wrdreg s12  }
0x15: {  	s21 =	sshll.u32 s5, $0x3;
	s16 =	sadd.s32 $0xBC8C0, s0;
	[dreg:$0xf] =	wrdreg s15  }
0x16: {  	s5 =	sadd.s32 $0x4E20, s11;
	s17 =	sadd.s32 $0xC6500, s0;
	[dreg:$0x10] =	wrdreg s16  }
0x17: {  	s7 =	sadd.s32 $0x5302, s11;
	s18 =	sadd.s32 $0xD0140, s0;
	[dreg:$0x11] =	wrdreg s17  }
0x18: {  	s10 =	sadd.s32 $0x2BF2, s11;
	s19 =	sadd.s32 $0xD9D80, s0;
	[dreg:$0x12] =	wrdreg s18  }
0x19: {  	s13 =	simm.s32 $0x1AFF0;
	s20 =	sadd.s32 $0xE39C0, s0;
	[dreg:$0x13] =	wrdreg s19  }
0x1a: {  	s14 =	simm.s32 $0x9C40;
	s22 =	sadd.s32 $0xED600, s0;
	[dreg:$0x14] =	wrdreg s20  }
0x1b: {  	s2 =	sadd.s32 $0x445C, s11;
	s23 =	sadd.s32 $0xF7240, s0;
	[dreg:$0x15] =	wrdreg s22  }
0x1c: {  	s6 =	sadd.s32 $0x222E, s11;
	s1 =	sadd.s32 s4, s21;
	[dreg:$0x16] =	wrdreg s23  }
0x1d: {  	s24 =	sadd.s32 $0x17000, s0;
	s0 =	sadd.s32 $0x20E00, s0;
	[dreg:$0x17] =	wrdreg s1  }
0x1e: {  	s4 =	sadd.s32 $0x1D4C, s11;
	s21 =	simm.s32 $0x2;
	[dreg:$0x18] =	wrdreg s24  }
0x1f: {  	[dreg:$0x19] =	wrdreg s0;
	s31 =	sadd.s32 $0x1388, s11;
	s0 =	sadd.s32 $0x186A, s11  }
0x20: {  	s1 =	sadd.s32 $0x493E, s11;
	s8 =	sadd.s32 $0x2710, s11;
	s9 =	sadd.s32 $0x57E4, s11  }
0x21: {  	s11 =	sadd.s32 $0x5CC6, s11;
	s12 =	simm.s32 $0x3;
	s15 =	simm.s32 $0xEA60  }
0x22: {  	s16 =	simm.s32 $0x13880;
	s17 =	simm.s32 $0x1;
	s18 =	simm.s32 $0xC350  }
0x23: {  	s19 =	simm.s32 $0x11170;
	s20 =	simm.s32 $0x15F90;
	s22 =	simm.s32 $0x186A0  }
0x24: {  	v0 =	vimm.f32 $0.0e+00;
	s23 =	simm.s32 $0x1ADB0;
	s24 =	simm.s32 $0x0;
	[dreg:$0x1f] =	wrdreg s31  }
.LBB2_1:
0x25: {  	s25 =	rddreg [dreg:$0x7]  }
0x26: {  	[tilespmem:s3], [sflag:$0x3] =	stream.linear.gather [hbm4b:s25+s3], $0x2710, $0x38;
	[tilespmem:$0x1B3F0] =	vst v63  }
0x27: {  	_ =	swait.ge [sflag:s12], $0x2710  }
0x28: {  	[sflag:s12] =	ssyncset.done $0x0  }
0x29: {  	s26 =	simm.s32 $0x2710;
	s31 =	rddreg [dreg:$0x8];
	[sflag:s12] =	ssyncadd.s32 $0xFFFFD8F0  }
0x2a: {  	[tilespmem:s26], [sflag:$0x3] =	stream.linear.gather [hbm4b:s31+s3], $0x2710, $0x38;
	[tilespmem:$0x1B3F0] =	vst v63  }
0x2b: {  	_ =	swait.ge [sflag:s12], $0x2710  }
0x2c: {  	[sflag:s12] =	ssyncset.done $0x0  }
0x2d: {  	s28 =	simm.s32 $0x4E20;
	s26 =	rddreg [dreg:$0x9];
	[sflag:s12] =	ssyncadd.s32 $0xFFFFD8F0  }
0x2e: {  	[tilespmem:s28], [sflag:$0x3] =	stream.linear.gather [hbm4b:s26+s3], $0x2710, $0x38;
	[tilespmem:$0x1B3F0] =	vst v63  }
0x2f: {  	_ =	swait.ge [sflag:s12], $0x2710  }
0x30: {  	[sflag:s12] =	ssyncset.done $0x0  }
0x31: {  	s30 =	simm.s32 $0x1ADF0;
	s29 =	rddreg [dreg:$0x5];
	[sflag:s12] =	ssyncadd.s32 $0xFFFFD8F0  }
0x32: {  	[tilespmem:s30], [sflag:$0x3] =	stream.linear.gather [hbm4b:s29+s3], $0x200, $0x38;
	[tilespmem:$0x1B3F0] =	vst v63  }
0x33: {  	_ =	swait.ge [sflag:s12], $0x200  }
0x34: {  	[sflag:s12] =	ssyncset.done $0x0  }
0x35: {  	s31 =	rddreg [dreg:$0x6];
	[sflag:s12] =	ssyncadd.s32 $0xFFFFFE00  }
0x36: {  	[tilespmem:s13], [sflag:$0x3] =	stream.linear.gather [hbm4b:s31+s3], $0x400, $0x38;
	[tilespmem:$0x1B3F0] =	vst v63  }
0x37: {  	_ =	swait.ge [sflag:s12], $0x400  }
0x38: {  	[sflag:s12] =	ssyncset.done $0x0  }
0x39: {  	[sflag:s12] =	ssyncadd.s32 $0xFFFFFC00  }
0x3a: {  	v1 =	vld [tilespmem:$0x1AE90];
	_ =	sdelay $0x3  }
0x3b: {  	s25 =	simm.s32 $0x7570  }
0x3c: {  	[tilespmem:s25+$0xFFFFFFC0] =	vst v1  }
0x3d: {  	[tilespmem:s25+$0x30] =	vst v1  }
0x3e: {  	[tilespmem:s25+$0x20] =	vst v1  }
0x3f: {  	[tilespmem:s25+$0x10] =	vst v1  }
0x40: {  	[tilespmem:s25+$0x0] =	vst v1  }
0x41: {  	[tilespmem:s25+$0xFFFFFFF0] =	vst v1  }
0x42: {  	s26 =	simm.s32 $0x0;
	[tilespmem:s25+$0xFFFFFFE0] =	vst v1  }
.LBB2_2:
0x43: {  	s26 =	sadd.s32 $0x8, s26;
	[tilespmem:s25+$0xFFFFFFD0] =	vst v1;
	s25 =	sadd.s32 $0x80, s25  }
0x44: {  	[tilespmem:s25+$0xFFFFFFC0] =	vst v1;
	p0 =	slt.u32 s26, $0x268  }
0x45: {  	[tilespmem:s25+$0x30] =	vst v1  }
.Ltmp0:
0x46: {  	[tilespmem:s25+$0x20] =	vst v1;
	(pc) =	sbr.rel @p0 .LBB2_2-.Ltmp0, $4  }
0x47: {  	[tilespmem:s25+$0x10] =	vst v1  }
0x48: {  	[tilespmem:s25+$0x0] =	vst v1  }
0x49: {  	[tilespmem:s25+$0xFFFFFFF0] =	vst v1  }
0x4a: {  	[tilespmem:s25+$0xFFFFFFE0] =	vst v1  }
0x4b: {  	[tilespmem:s25+$0xFFFFFFD0] =	vst v1  }
0x4c: {  	s25 =	simm.s32 $0x186E0;
	[tilespmem:$0x9C30] =	vst v1  }
0x4d: {  	[tilespmem:s25+$0xFFFFFFC0] =	vst v0  }
0x4e: {  	[tilespmem:s25+$0x30] =	vst v0  }
0x4f: {  	[tilespmem:s25+$0x20] =	vst v0  }
0x50: {  	[tilespmem:s25+$0x10] =	vst v0  }
0x51: {  	[tilespmem:s25+$0x0] =	vst v0  }
0x52: {  	[tilespmem:s25+$0xFFFFFFF0] =	vst v0  }
0x53: {  	s26 =	simm.s32 $0x0;
	[tilespmem:s25+$0xFFFFFFE0] =	vst v0  }
.LBB2_4:
0x54: {  	s26 =	sadd.s32 $0x8, s26;
	[tilespmem:s25+$0xFFFFFFD0] =	vst v0;
	s25 =	sadd.s32 $0x80, s25  }
0x55: {  	[tilespmem:s25+$0xFFFFFFC0] =	vst v0;
	p0 =	slt.u32 s26, $0x268  }
0x56: {  	[tilespmem:s25+$0x30] =	vst v0  }
.Ltmp1:
0x57: {  	[tilespmem:s25+$0x20] =	vst v0;
	(pc) =	sbr.rel @p0 .LBB2_4-.Ltmp1, $4  }
0x58: {  	[tilespmem:s25+$0x10] =	vst v0  }
0x59: {  	[tilespmem:s25+$0x0] =	vst v0  }
0x5a: {  	[tilespmem:s25+$0xFFFFFFF0] =	vst v0  }
0x5b: {  	[tilespmem:s25+$0xFFFFFFE0] =	vst v0  }
0x5c: {  	[tilespmem:s25+$0xFFFFFFD0] =	vst v0  }
0x5d: {  	[tilespmem:$0x1ADA0] =	vst v0  }
0x5e: {  	[tilespmem:$0x1ADB0] =	vst v0  }
0x5f: {  	[tilespmem:$0x1ADC0] =	vst v0  }
0x60: {  	[tilespmem:$0x1ADD0] =	vst v0  }
0x61: {  	[tilespmem:$0x1ADE0] =	vst v0;
	s25 =	rddreg [dreg:$0xa]  }
0x62: {  	[tilespmem:s14], [sflag:$0x1] =	stream.linear.gather [hbm4b:s25+s3], $0x2710, $0x38;
	[tilespmem:$0x1B3F0] =	vst v63  }
0x63: {  	s26 =	rddreg [dreg:$0x1]  }
0x64: {  	[tilespmem:s15], [sflag:$0x1] =	stream.linear.gather [hbm4b:s26+s3], $0x2710, $0x38;
	[tilespmem:$0x1B3F0] =	vst v63  }
0x65: {  	s26 =	rddreg [dreg:$0xb]  }
0x66: {  	[tilespmem:s16], [sflag:$0x1] =	stream.linear.gather [hbm4b:s26+s3], $0x2710, $0x38;
	[tilespmem:$0x1B3F0] =	vst v63  }
0x67: {  	_ =	swait.ge [sflag:s17], $0x2710  }
0x68: {  	[sflag:s17] =	ssyncset.done $0x0  }
0x69: {  	[sflag:s17] =	ssyncadd.s32 $0xFFFFD8F0  }
0x6a: {  	_ =	swait.ge [sflag:s17], $0x2710  }
0x6b: {  	[sflag:s17] =	ssyncset.done $0x0  }
0x6c: {  	[sflag:s17] =	ssyncadd.s32 $0xFFFFD8F0  }
0x6d: {  	_ =	swait.ge [sflag:s17], $0x2710  }
0x6e: {  	[sflag:s17] =	ssyncset.done $0x0  }
0x6f: {  	s26 =	rddreg [dreg:$0xc];
	[sflag:s17] =	ssyncadd.s32 $0xFFFFD8F0  }
0x70: {  	[tilespmem:s18], [sflag:$0x2] =	stream.linear.gather [hbm4b:s26+s3], $0x2710, $0x38;
	[tilespmem:$0x1B3F0] =	vst v63  }
0x71: {  	s26 =	rddreg [dreg:$0xd]  }
0x72: {  	[tilespmem:s19], [sflag:$0x2] =	stream.linear.gather [hbm4b:s26+s3], $0x2710, $0x38;
	[tilespmem:$0x1B3F0] =	vst v63  }
0x73: {  	s26 =	rddreg [dreg:$0xe]  }
0x74: {  	[tilespmem:s20], [sflag:$0x2] =	stream.linear.gather [hbm4b:s26+s3], $0x2710, $0x38;
	[tilespmem:$0x1B3F0] =	vst v63  }
0x75: {  	s25 =	simm.s32 $0x20;
	v1 =	vld [tilespmem:$0x1ADF0]  }
0x76: {  	v2 =	vld [tilespmem:s25+$0x10]  }
0x77: {  	s26 =	simm.s32 $0x2730;
	v3 =	vld [tilespmem:s25+$0xFFFFFFE0]  }
0x78: {  	v4 =	vld [tilespmem:s26+$0x10]  }
0x79: {  	s28 =	simm.s32 $0x4E40;
	v5 =	vld [tilespmem:s25+$0xFFFFFFF0]  }
0x7a: {  	v6 =	vld [tilespmem:s28+$0x10]  }
0x7b: {  	v7 =	vld [tilespmem:s25+$0x0]  }
0x7c: {  	v8 =	vld [tilespmem:s26+$0xFFFFFFE0]  }
0x7d: {  	s29 =	simm.s32 $0x9C60;
	v9 =	vld [tilespmem:s26+$0xFFFFFFF0]  }
0x7e: {  	v10 =	vld [tilespmem:s29+$0x10]  }
0x7f: {  	v11 =	vld [tilespmem:s26+$0x0]  }
0x80: {  	v2 =	vld.idx.msk [tilespmem:v2+s15+$0x0], $0xffff  }
0x81: {  	v12 =	vld [tilespmem:s28+$0xFFFFFFE0]  }
0x82: {  	v4 =	vld.idx.msk [tilespmem:v4+s16+$0x0], $0xffff  }
0x83: {  	v13 =	vld [tilespmem:s28+$0xFFFFFFF0]  }
0x84: {  	v6 =	vld.idx.msk [tilespmem:v6+s13+$0x0], $0xffff  }
0x85: {  	v15 =	vld [tilespmem:s29+$0x0];
	v2 =	vadd.f32 v2, v10  }
0x86: {  	v16 =	vld [tilespmem:s29+$0xFFFFFFE0];
	s25 =	simm.s32 $0x7550  }
0x87: {  	v17 =	vld [tilespmem:s25+$0x10];
	v2 =	vadd.f32 v4, v2  }
0x88: {  	v3 =	vld.idx.msk [tilespmem:v3+s15+$0x0], $0xffff  }
0x89: {  	v14 =	vld.idx.msk [tilespmem:v7+s15+$0x0], $0xffff;
	v2 =	vadd.f32 v6, v2  }
0x8a: {  	v8 =	vld.idx.msk [tilespmem:v8+s16+$0x0], $0xffff  }
0x8b: {  	v10 =	vld [tilespmem:s28+$0x0];
	v2 =	vmax.f32 v2, $0.0e+00  }
0x8c: {  	v4 =	vld.idx.msk [tilespmem:v5+s15+$0x0], $0xffff;
	v6 =	vshrl.u32 v2, $0x10  }
0x8d: {  	v5 =	vld [tilespmem:s29+$0xFFFFFFF0];
	v6 =	vand.u32 $0x1, v6  }
0x8e: {  	v9 =	vld.idx.msk [tilespmem:v9+s16+$0x0], $0xffff;
	v2 =	vadd.s32 v6, v2  }
0x8f: {  	v11 =	vld.idx.msk [tilespmem:v11+s16+$0x0], $0xffff;
	v2 =	vadd.s32 $0x7FFF, v2  }
0x90: {  	v7 =	vld.idx.msk [tilespmem:v13+s13+$0x0], $0xffff;
	v2 =	vand.u32 $0xFFFF0000, v2  }
0x91: {  	v6 =	vld.idx.msk [tilespmem:v12+s13+$0x0], $0xffff;
	v2 =	vmul.f32 v2, v1  }
0x92: {  	v61 =	vadd.f32 v3, v16;
	v3 =	vld [tilespmem:s25+$0xFFFFFFE0];
	v4 =	vadd.f32 v4, v5  }
0x93: {  	v62 =	vadd.f32 v14, v15;
	v5 =	vld.idx.msk [tilespmem:v10+s13+$0x0], $0xffff;
	v63 =	vadd.f32 v2, v17  }
0x94: {  	v8 =	vadd.f32 v8, v61;
	v10 =	vadd.f32 v9, v4;
	v4 =	vld [tilespmem:s25+$0x0]  }
0x95: {  	s30 =	simm.s32 $0x0;
	s31 =	simm.s32 $0x60;
	v9 =	vadd.f32 v11, v62;
	v2 =	vld [tilespmem:s25+$0xFFFFFFF0];
	[tilespmem:s25+$0x10] =	vst v63  }
.LBB2_6:
0x96: {  	v11 =	vld [tilespmem:s31+$0x10];
	s30 =	sadd.s32 $0x4, s30;
	v6 =	vadd.f32 v6, v8  }
0x97: {  	v7 =	vadd.f32 v7, v10;
	s26 =	sadd.s32 $0x40, s26;
	v8 =	vld [tilespmem:s31+$0xFFFFFFE0];
	p0 =	slt.u32 s30, $0x26C  }
0x98: {  	v5 =	vadd.f32 v5, v9;
	v10 =	vld [tilespmem:s26+$0x10];
	v6 =	vmax.f32 v6, $0.0e+00  }
0x99: {  	s28 =	sadd.s32 $0x40, s28;
	v7 =	vmax.f32 v7, $0.0e+00;
	v9 =	vld [tilespmem:s31+$0xFFFFFFF0];
	v12 =	vshrl.u32 v6, $0x10  }
0x9a: {  	v14 =	vshrl.u32 v7, $0x10;
	v5 =	vmax.f32 v5, $0.0e+00;
	v13 =	vld [tilespmem:s28+$0x10];
	v12 =	vand.u32 $0x1, v12  }
0x9b: {  	v15 =	vld [tilespmem:s31+$0x0];
	v6 =	vadd.s32 v12, v6;
	v12 =	vand.u32 $0x1, v14;
	v14 =	vshrl.u32 v5, $0x10  }
0x9c: {  	v16 =	vld [tilespmem:s26+$0xFFFFFFE0];
	v6 =	vadd.s32 $0x7FFF, v6;
	v7 =	vadd.s32 v12, v7;
	v12 =	vand.u32 $0x1, v14  }
0x9d: {  	v14 =	vld [tilespmem:s26+$0xFFFFFFF0];
	v6 =	vand.u32 $0xFFFF0000, v6;
	v7 =	vadd.s32 $0x7FFF, v7;
	v5 =	vadd.s32 v12, v5  }
0x9e: {  	s29 =	sadd.s32 $0x40, s29;
	v11 =	vld.idx.msk [tilespmem:v11+s15+$0x0], $0xffff;
	v6 =	vmul.f32 v6, v1;
	v7 =	vand.u32 $0xFFFF0000, v7;
	v5 =	vadd.s32 $0x7FFF, v5  }
0x9f: {  	v12 =	vld [tilespmem:s29+$0x10];
	v7 =	vmul.f32 v7, v1;
	v5 =	vand.u32 $0xFFFF0000, v5  }
0xa0: {  	v10 =	vld.idx.msk [tilespmem:v10+s16+$0x0], $0xffff;
	v3 =	vadd.f32 v6, v3;
	v5 =	vmul.f32 v5, v1  }
0xa1: {  	v6 =	vld [tilespmem:s26+$0x0];
	v2 =	vadd.f32 v7, v2  }
0xa2: {  	v7 =	vld.idx.msk [tilespmem:v13+s13+$0x0], $0xffff;
	[tilespmem:s25+$0xFFFFFFE0] =	vst v3;
	v3 =	vadd.f32 v5, v4  }
0xa3: {  	v4 =	vld [tilespmem:s28+$0xFFFFFFE0];
	[tilespmem:s25+$0xFFFFFFF0] =	vst v2  }
0xa4: {  	v2 =	vld [tilespmem:s28+$0xFFFFFFF0];
	v5 =	vadd.f32 v11, v12;
	[tilespmem:s25+$0x0] =	vst v3  }
0xa5: {  	v3 =	vld [tilespmem:s28+$0x0]  }
0xa6: {  	v8 =	vld.idx.msk [tilespmem:v8+s15+$0x0], $0xffff;
	v5 =	vadd.f32 v10, v5  }
0xa7: {  	v9 =	vld.idx.msk [tilespmem:v9+s15+$0x0], $0xffff  }
0xa8: {  	v10 =	vld.idx.msk [tilespmem:v15+s15+$0x0], $0xffff;
	v5 =	vadd.f32 v7, v5  }
0xa9: {  	v7 =	vld [tilespmem:s29+$0xFFFFFFF0]  }
0xaa: {  	v11 =	vld [tilespmem:s29+$0x0];
	v5 =	vmax.f32 v5, $0.0e+00  }
0xab: {  	v12 =	vld [tilespmem:s29+$0xFFFFFFE0];
	v13 =	vshrl.u32 v5, $0x10  }
0xac: {  	s25 =	sadd.s32 $0x40, s25;
	v15 =	vld.idx.msk [tilespmem:v16+s16+$0x0], $0xffff;
	v13 =	vand.u32 $0x1, v13  }
0xad: {  	v16 =	vld [tilespmem:s25+$0x10];
	v5 =	vadd.s32 v13, v5  }
0xae: {  	v9 =	vadd.f32 v9, v7;
	v13 =	vld.idx.msk [tilespmem:v14+s16+$0x0], $0xffff;
	v5 =	vadd.s32 $0x7FFF, v5  }
0xaf: {  	v11 =	vadd.f32 v10, v11;
	v14 =	vld.idx.msk [tilespmem:v6+s16+$0x0], $0xffff;
	v5 =	vand.u32 $0xFFFF0000, v5  }
0xb0: {  	v8 =	vadd.f32 v8, v12;
	v6 =	vld.idx.msk [tilespmem:v4+s13+$0x0], $0xffff;
	v4 =	vmul.f32 v5, v1  }
.Ltmp2:
0xb1: {  	v7 =	vld.idx.msk [tilespmem:v2+s13+$0x0], $0xffff;
	(pc) =	sbr.rel @p0 .LBB2_6-.Ltmp2, $4  }
0xb2: {  	v8 =	vadd.f32 v15, v8;
	v5 =	vld.idx.msk [tilespmem:v3+s13+$0x0], $0xffff;
	v4 =	vadd.f32 v4, v16  }
0xb3: {  	v3 =	vld [tilespmem:s25+$0xFFFFFFE0]  }
0xb4: {  	v10 =	vadd.f32 v13, v9;
	v2 =	vld [tilespmem:s25+$0xFFFFFFF0];
	[tilespmem:s25+$0x10] =	vst v4  }
0xb5: {  	s31 =	sadd.s32 $0x40, s31;
	v9 =	vadd.f32 v14, v11;
	v4 =	vld [tilespmem:s25+$0x0]  }
0xb6: {  	v6 =	vadd.f32 v6, v8  }
0xb7: {  	v7 =	vadd.f32 v7, v10  }
0xb8: {  	v5 =	vadd.f32 v5, v9;
	v6 =	vmax.f32 v6, $0.0e+00  }
0xb9: {  	v7 =	vmax.f32 v7, $0.0e+00;
	v8 =	vshrl.u32 v6, $0x10  }
0xba: {  	v9 =	vshrl.u32 v7, $0x10;
	v5 =	vmax.f32 v5, $0.0e+00;
	v8 =	vand.u32 $0x1, v8  }
0xbb: {  	v6 =	vadd.s32 v8, v6;
	v8 =	vand.u32 $0x1, v9;
	v9 =	vshrl.u32 v5, $0x10  }
0xbc: {  	v6 =	vadd.s32 $0x7FFF, v6;
	v7 =	vadd.s32 v8, v7;
	v8 =	vand.u32 $0x1, v9  }
0xbd: {  	v6 =	vand.u32 $0xFFFF0000, v6;
	v7 =	vadd.s32 $0x7FFF, v7;
	v5 =	vadd.s32 v8, v5  }
0xbe: {  	v6 =	vmul.f32 v6, v1;
	v7 =	vand.u32 $0xFFFF0000, v7;
	v5 =	vadd.s32 $0x7FFF, v5  }
0xbf: {  	v7 =	vmul.f32 v7, v1;
	v5 =	vand.u32 $0xFFFF0000, v5  }
0xc0: {  	v3 =	vadd.f32 v6, v3;
	v5 =	vmul.f32 v5, v1  }
0xc1: {  	v2 =	vadd.f32 v7, v2  }
0xc2: {  	[tilespmem:s25+$0xFFFFFFE0] =	vst v3;
	v3 =	vadd.f32 v5, v4  }
0xc3: {  	[tilespmem:s25+$0xFFFFFFF0] =	vst v2  }
0xc4: {  	[tilespmem:s25+$0x0] =	vst v3  }
0xc5: {  	v2 =	vld [tilespmem:$0x2700];
	_ =	sdelay $0x1  }
0xc6: {  	v3 =	vld [tilespmem:$0x4E10];
	_ =	sdelay $0x1  }
0xc7: {  	v4 =	vld [tilespmem:$0x7520];
	_ =	sdelay $0x2  }
0xc8: {  	v5 =	vld [tilespmem:$0xC340]  }
0xc9: {  	v2 =	vld.idx.msk [tilespmem:v2+s15+$0x0], $0xffff;
	_ =	sdelay $0x1  }
0xca: {  	v3 =	vld.idx.msk [tilespmem:v3+s16+$0x0], $0xffff;
	_ =	sdelay $0x1  }
0xcb: {  	v4 =	vld.idx.msk [tilespmem:v4+s13+$0x0], $0xffff  }
0xcc: {  	v2 =	vadd.f32 v2, v5;
	_ =	sdelay $0x1  }
0xcd: {  	v2 =	vadd.f32 v3, v2;
	_ =	sdelay $0x1  }
0xce: {  	v2 =	vadd.f32 v4, v2;
	_ =	sdelay $0x1  }
0xcf: {  	v2 =	vmax.f32 v2, $0.0e+00  }
0xd0: {  	v3 =	vshrl.u32 v2, $0x10  }
0xd1: {  	v3 =	vand.u32 $0x1, v3  }
0xd2: {  	v4 =	vld [tilespmem:$0x9C30];
	v2 =	vadd.s32 v3, v2  }
0xd3: {  	v2 =	vadd.s32 $0x7FFF, v2  }
0xd4: {  	v2 =	vand.u32 $0xFFFF0000, v2  }
0xd5: {  	v1 =	vmul.f32 v2, v1;
	_ =	sdelay $0x1  }
0xd6: {  	v1 =	vadd.f32 v1, v4;
	_ =	sdelay $0x1  }
0xd7: {  	[tilespmem:$0x9C30] =	vst v1  }
0xd8: {  	_ =	swait.ge [sflag:s21], $0x2710  }
0xd9: {  	[sflag:s21] =	ssyncset.done $0x0  }
0xda: {  	[sflag:s21] =	ssyncadd.s32 $0xFFFFD8F0  }
0xdb: {  	_ =	swait.ge [sflag:s21], $0x2710  }
0xdc: {  	[sflag:s21] =	ssyncset.done $0x0  }
0xdd: {  	[sflag:s21] =	ssyncadd.s32 $0xFFFFD8F0  }
0xde: {  	_ =	swait.ge [sflag:s21], $0x2710  }
0xdf: {  	[sflag:s21] =	ssyncset.done $0x0  }
0xe0: {  	s26 =	rddreg [dreg:$0xf];
	[sflag:s21] =	ssyncadd.s32 $0xFFFFD8F0  }
0xe1: {  	[tilespmem:s14], [sflag:$0x1] =	stream.linear.gather [hbm4b:s26+s3], $0x2710, $0x38;
	[tilespmem:$0x1B3F0] =	vst v63  }
0xe2: {  	s26 =	rddreg [dreg:$0x1b]  }
0xe3: {  	[tilespmem:s15], [sflag:$0x1] =	stream.linear.gather [hbm4b:s26+s3], $0x2710, $0x38;
	[tilespmem:$0x1B3F0] =	vst v63  }
0xe4: {  	s26 =	rddreg [dreg:$0x1c]  }
0xe5: {  	[tilespmem:s16], [sflag:$0x1] =	stream.linear.gather [hbm4b:s26+s3], $0x2710, $0x38;
	[tilespmem:$0x1B3F0] =	vst v63  }
0xe6: {  	s26 =	simm.s32 $0x20;
	v1 =	vld [tilespmem:$0x1AE00]  }
0xe7: {  	s25 =	simm.s32 $0x2730;
	v2 =	vld [tilespmem:s26+$0x10]  }
0xe8: {  	s28 =	simm.s32 $0x4E40;
	v3 =	vld [tilespmem:s25+$0x10]  }
0xe9: {  	v4 =	vld [tilespmem:s28+$0x10]  }
0xea: {  	v5 =	vld [tilespmem:s26+$0xFFFFFFE0]  }
0xeb: {  	v6 =	vld [tilespmem:s26+$0xFFFFFFF0]  }
0xec: {  	v7 =	vld [tilespmem:s26+$0x0]  }
0xed: {  	v8 =	vld [tilespmem:s25+$0xFFFFFFE0]  }
0xee: {  	s29 =	simm.s32 $0xC370;
	v9 =	vld [tilespmem:s25+$0xFFFFFFF0]  }
0xef: {  	v10 =	vld [tilespmem:s29+$0x10]  }
0xf0: {  	v11 =	vld [tilespmem:s25+$0x0];
	v4 =	vadd.s32 $0x40, v4  }
0xf1: {  	v2 =	vld.idx.msk [tilespmem:v2+s19+$0x0], $0xffff  }
0xf2: {  	v12 =	vld [tilespmem:s28+$0xFFFFFFE0]  }
0xf3: {  	v3 =	vld.idx.msk [tilespmem:v3+s20+$0x0], $0xffff  }
0xf4: {  	v13 =	vld [tilespmem:s28+$0xFFFFFFF0]  }
0xf5: {  	v4 =	vld.idx.msk [tilespmem:v4+s13+$0x0], $0xffff  }
0xf6: {  	v15 =	vld [tilespmem:s29+$0x0];
	v2 =	vadd.f32 v2, v10  }
0xf7: {  	v61 =	vld [tilespmem:s29+$0xFFFFFFE0];
	s26 =	simm.s32 $0x7550  }
0xf8: {  	v16 =	vld [tilespmem:s26+$0x10];
	v2 =	vadd.f32 v3, v2  }
0xf9: {  	v10 =	vld [tilespmem:s28+$0x0]  }
0xfa: {  	v5 =	vld.idx.msk [tilespmem:v5+s19+$0x0], $0xffff;
	v2 =	vadd.f32 v4, v2  }
0xfb: {  	v14 =	vld.idx.msk [tilespmem:v7+s19+$0x0], $0xffff  }
0xfc: {  	v3 =	vld.idx.msk [tilespmem:v6+s19+$0x0], $0xffff;
	v6 =	vadd.s32 $0x40, v12;
	v2 =	vmax.f32 v2, $0.0e+00  }
0xfd: {  	v13 =	vadd.s32 $0x40, v13;
	v4 =	vld [tilespmem:s29+$0xFFFFFFF0];
	v7 =	vshrl.u32 v2, $0x10  }
0xfe: {  	v8 =	vld.idx.msk [tilespmem:v8+s20+$0x0], $0xffff;
	v10 =	vadd.s32 $0x40, v10;
	v7 =	vand.u32 $0x1, v7  }
0xff: {  	v9 =	vld.idx.msk [tilespmem:v9+s20+$0x0], $0xffff;
	v2 =	vadd.s32 v7, v2  }
0x100: {  	v11 =	vld.idx.msk [tilespmem:v11+s20+$0x0], $0xffff;
	v2 =	vadd.s32 $0x7FFF, v2  }
0x101: {  	v7 =	vld.idx.msk [tilespmem:v6+s13+$0x0], $0xffff;
	v2 =	vand.u32 $0xFFFF0000, v2  }
0x102: {  	v6 =	vld.idx.msk [tilespmem:v13+s13+$0x0], $0xffff;
	v4 =	vadd.f32 v3, v4;
	v3 =	vadd.f32 v5, v61;
	v2 =	vmul.f32 v2, v1  }
0x103: {  	v62 =	vadd.f32 v14, v15;
	v5 =	vld.idx.msk [tilespmem:v10+s13+$0x0], $0xffff  }
0x104: {  	v8 =	vadd.f32 v8, v3;
	v3 =	vld [tilespmem:s26+$0xFFFFFFF0];
	v63 =	vadd.f32 v2, v16  }
0x105: {  	v10 =	vadd.f32 v9, v4;
	v4 =	vld [tilespmem:s26+$0x0]  }
0x106: {  	s30 =	simm.s32 $0x0;
	s31 =	simm.s32 $0x60;
	v9 =	vadd.f32 v11, v62;
	v2 =	vld [tilespmem:s26+$0xFFFFFFE0];
	[tilespmem:s26+$0x10] =	vst v63  }
.LBB2_8:
0x107: {  	v11 =	vld [tilespmem:s31+$0x10];
	s30 =	sadd.s32 $0x4, s30;
	v7 =	vadd.f32 v7, v8;
	s25 =	sadd.s32 $0x40, s25  }
0x108: {  	v6 =	vadd.f32 v6, v10;
	s28 =	sadd.s32 $0x40, s28;
	v8 =	vld [tilespmem:s25+$0x10];
	p0 =	slt.u32 s30, $0x26C  }
0x109: {  	v5 =	vadd.f32 v5, v9;
	v10 =	vld [tilespmem:s28+$0x10];
	v7 =	vmax.f32 v7, $0.0e+00  }
0x10a: {  	v6 =	vmax.f32 v6, $0.0e+00;
	v9 =	vld [tilespmem:s31+$0xFFFFFFE0];
	v12 =	vshrl.u32 v7, $0x10  }
0x10b: {  	v14 =	vshrl.u32 v6, $0x10;
	v5 =	vmax.f32 v5, $0.0e+00;
	v13 =	vld [tilespmem:s31+$0xFFFFFFF0];
	v12 =	vand.u32 $0x1, v12  }
0x10c: {  	v15 =	vld [tilespmem:s31+$0x0];
	v7 =	vadd.s32 v12, v7;
	v12 =	vand.u32 $0x1, v14;
	v14 =	vshrl.u32 v5, $0x10  }
0x10d: {  	v16 =	vld [tilespmem:s25+$0xFFFFFFE0];
	v7 =	vadd.s32 $0x7FFF, v7;
	v6 =	vadd.s32 v12, v6;
	v12 =	vand.u32 $0x1, v14  }
0x10e: {  	v14 =	vld [tilespmem:s25+$0xFFFFFFF0];
	v10 =	vadd.s32 $0x40, v10;
	v6 =	vadd.s32 $0x7FFF, v6;
	v5 =	vadd.s32 v12, v5  }
0x10f: {  	s29 =	sadd.s32 $0x40, s29;
	v7 =	vand.u32 $0xFFFF0000, v7;
	v11 =	vld.idx.msk [tilespmem:v11+s19+$0x0], $0xffff;
	v6 =	vand.u32 $0xFFFF0000, v6;
	v5 =	vadd.s32 $0x7FFF, v5  }
0x110: {  	v7 =	vmul.f32 v7, v1;
	v12 =	vld [tilespmem:s29+$0x10];
	v6 =	vmul.f32 v6, v1;
	v5 =	vand.u32 $0xFFFF0000, v5  }
0x111: {  	v8 =	vld.idx.msk [tilespmem:v8+s20+$0x0], $0xffff;
	v5 =	vmul.f32 v5, v1  }
0x112: {  	v2 =	vadd.f32 v7, v2;
	v17 =	vld [tilespmem:s25+$0x0];
	v3 =	vadd.f32 v6, v3  }
0x113: {  	v6 =	vld.idx.msk [tilespmem:v10+s13+$0x0], $0xffff;
	v4 =	vadd.f32 v5, v4  }
0x114: {  	v5 =	vld [tilespmem:s28+$0xFFFFFFE0];
	[tilespmem:s26+$0xFFFFFFE0] =	vst v2  }
0x115: {  	v2 =	vld [tilespmem:s28+$0xFFFFFFF0];
	v7 =	vadd.f32 v11, v12;
	[tilespmem:s26+$0xFFFFFFF0] =	vst v3  }
0x116: {  	v3 =	vld [tilespmem:s28+$0x0];
	[tilespmem:s26+$0x0] =	vst v4  }
0x117: {  	v4 =	vld.idx.msk [tilespmem:v9+s19+$0x0], $0xffff;
	v7 =	vadd.f32 v8, v7  }
0x118: {  	v8 =	vld.idx.msk [tilespmem:v13+s19+$0x0], $0xffff  }
0x119: {  	v5 =	vadd.s32 $0x40, v5;
	v9 =	vld.idx.msk [tilespmem:v15+s19+$0x0], $0xffff;
	v6 =	vadd.f32 v6, v7  }
0x11a: {  	v7 =	vld [tilespmem:s29+$0xFFFFFFF0];
	v2 =	vadd.s32 $0x40, v2  }
0x11b: {  	v10 =	vld [tilespmem:s29+$0x0];
	v3 =	vadd.s32 $0x40, v3;
	v6 =	vmax.f32 v6, $0.0e+00  }
0x11c: {  	v11 =	vld [tilespmem:s29+$0xFFFFFFE0];
	v12 =	vshrl.u32 v6, $0x10  }
0x11d: {  	s26 =	sadd.s32 $0x40, s26;
	v13 =	vld.idx.msk [tilespmem:v16+s20+$0x0], $0xffff;
	v12 =	vand.u32 $0x1, v12  }
0x11e: {  	v15 =	vld [tilespmem:s26+$0x10];
	v6 =	vadd.s32 v12, v6  }
0x11f: {  	v12 =	vadd.f32 v8, v7;
	v14 =	vld.idx.msk [tilespmem:v14+s20+$0x0], $0xffff;
	v6 =	vadd.s32 $0x7FFF, v6  }
0x120: {  	v9 =	vadd.f32 v9, v10;
	v16 =	vld.idx.msk [tilespmem:v17+s20+$0x0], $0xffff;
	v6 =	vand.u32 $0xFFFF0000, v6  }
0x121: {  	v4 =	vadd.f32 v4, v11;
	v7 =	vld.idx.msk [tilespmem:v5+s13+$0x0], $0xffff;
	v10 =	vmul.f32 v6, v1  }
.Ltmp3:
0x122: {  	v6 =	vld.idx.msk [tilespmem:v2+s13+$0x0], $0xffff;
	(pc) =	sbr.rel @p0 .LBB2_8-.Ltmp3, $4  }
0x123: {  	v8 =	vadd.f32 v13, v4;
	v5 =	vld.idx.msk [tilespmem:v3+s13+$0x0], $0xffff;
	v4 =	vadd.f32 v10, v15  }
0x124: {  	v2 =	vld [tilespmem:s26+$0xFFFFFFE0]  }
0x125: {  	v10 =	vadd.f32 v14, v12;
	v3 =	vld [tilespmem:s26+$0xFFFFFFF0];
	[tilespmem:s26+$0x10] =	vst v4  }
0x126: {  	s31 =	sadd.s32 $0x40, s31;
	v9 =	vadd.f32 v16, v9;
	v4 =	vld [tilespmem:s26+$0x0]  }
0x127: {  	v7 =	vadd.f32 v7, v8  }
0x128: {  	v6 =	vadd.f32 v6, v10  }
0x129: {  	v5 =	vadd.f32 v5, v9;
	v7 =	vmax.f32 v7, $0.0e+00  }
0x12a: {  	v6 =	vmax.f32 v6, $0.0e+00;
	v8 =	vshrl.u32 v7, $0x10  }
0x12b: {  	v9 =	vshrl.u32 v6, $0x10;
	v5 =	vmax.f32 v5, $0.0e+00;
	v8 =	vand.u32 $0x1, v8  }
0x12c: {  	v7 =	vadd.s32 v8, v7;
	v8 =	vand.u32 $0x1, v9;
	v9 =	vshrl.u32 v5, $0x10  }
0x12d: {  	v7 =	vadd.s32 $0x7FFF, v7;
	v6 =	vadd.s32 v8, v6;
	v8 =	vand.u32 $0x1, v9  }
0x12e: {  	v6 =	vadd.s32 $0x7FFF, v6;
	v5 =	vadd.s32 v8, v5;
	v7 =	vand.u32 $0xFFFF0000, v7  }
0x12f: {  	v6 =	vand.u32 $0xFFFF0000, v6;
	v5 =	vadd.s32 $0x7FFF, v5;
	v7 =	vmul.f32 v7, v1  }
0x130: {  	v6 =	vmul.f32 v6, v1;
	v5 =	vand.u32 $0xFFFF0000, v5  }
0x131: {  	v5 =	vmul.f32 v5, v1;
	v2 =	vadd.f32 v7, v2  }
0x132: {  	v3 =	vadd.f32 v6, v3  }
0x133: {  	v4 =	vadd.f32 v5, v4;
	[tilespmem:s26+$0xFFFFFFE0] =	vst v2  }
0x134: {  	[tilespmem:s26+$0xFFFFFFF0] =	vst v3  }
0x135: {  	[tilespmem:s26+$0x0] =	vst v4  }
0x136: {  	v2 =	vld [tilespmem:$0x2700]  }
0x137: {  	v3 =	vld [tilespmem:$0x4E10]  }
0x138: {  	v4 =	vld [tilespmem:$0x7520];
	_ =	sdelay $0x4  }
0x139: {  	v5 =	vld [tilespmem:$0xEA50];
	v4 =	vadd.s32 $0x40, v4  }
0x13a: {  	v2 =	vld.idx.msk [tilespmem:v2+s19+$0x0], $0xffff;
	_ =	sdelay $0x1  }
0x13b: {  	v3 =	vld.idx.msk [tilespmem:v3+s20+$0x0], $0xffff;
	_ =	sdelay $0x1  }
0x13c: {  	v4 =	vld.idx.msk [tilespmem:v4+s13+$0x0], $0xffff  }
0x13d: {  	v2 =	vadd.f32 v2, v5;
	_ =	sdelay $0x1  }
0x13e: {  	v2 =	vadd.f32 v3, v2;
	_ =	sdelay $0x1  }
0x13f: {  	v2 =	vadd.f32 v4, v2;
	_ =	sdelay $0x1  }
0x140: {  	v2 =	vmax.f32 v2, $0.0e+00  }
0x141: {  	v3 =	vshrl.u32 v2, $0x10  }
0x142: {  	v3 =	vand.u32 $0x1, v3  }
0x143: {  	v4 =	vld [tilespmem:$0x9C30];
	v2 =	vadd.s32 v3, v2  }
0x144: {  	v2 =	vadd.s32 $0x7FFF, v2  }
0x145: {  	v2 =	vand.u32 $0xFFFF0000, v2  }
0x146: {  	v1 =	vmul.f32 v2, v1;
	_ =	sdelay $0x1  }
0x147: {  	v1 =	vadd.f32 v1, v4;
	_ =	sdelay $0x1  }
0x148: {  	[tilespmem:$0x9C30] =	vst v1  }
0x149: {  	_ =	swait.ge [sflag:s17], $0x2710  }
0x14a: {  	[sflag:s17] =	ssyncset.done $0x0  }
0x14b: {  	[sflag:s17] =	ssyncadd.s32 $0xFFFFD8F0  }
0x14c: {  	_ =	swait.ge [sflag:s17], $0x2710  }
0x14d: {  	[sflag:s17] =	ssyncset.done $0x0  }
0x14e: {  	[sflag:s17] =	ssyncadd.s32 $0xFFFFD8F0  }
0x14f: {  	_ =	swait.ge [sflag:s17], $0x2710  }
0x150: {  	[sflag:s17] =	ssyncset.done $0x0  }
0x151: {  	s25 =	rddreg [dreg:$0x10];
	[sflag:s17] =	ssyncadd.s32 $0xFFFFD8F0  }
0x152: {  	[tilespmem:s18], [sflag:$0x2] =	stream.linear.gather [hbm4b:s25+s3], $0x2710, $0x38;
	[tilespmem:$0x1B3F0] =	vst v63  }
0x153: {  	s26 =	rddreg [dreg:$0x1d]  }
0x154: {  	[tilespmem:s19], [sflag:$0x2] =	stream.linear.gather [hbm4b:s26+s3], $0x2710, $0x38;
	[tilespmem:$0x1B3F0] =	vst v63  }
0x155: {  	s26 =	rddreg [dreg:$0x1e]  }
0x156: {  	[tilespmem:s20], [sflag:$0x2] =	stream.linear.gather [hbm4b:s26+s3], $0x2710, $0x38;
	[tilespmem:$0x1B3F0] =	vst v63  }
0x157: {  	s26 =	simm.s32 $0x20;
	v1 =	vld [tilespmem:$0x1AE10]  }
0x158: {  	s25 =	simm.s32 $0x2730;
	v2 =	vld [tilespmem:s26+$0x10]  }
0x159: {  	s28 =	simm.s32 $0x4E40;
	v3 =	vld [tilespmem:s25+$0x10]  }
0x15a: {  	v4 =	vld [tilespmem:s28+$0x10]  }
0x15b: {  	v5 =	vld [tilespmem:s26+$0xFFFFFFE0]  }
0x15c: {  	v6 =	vld [tilespmem:s26+$0xFFFFFFF0]  }
0x15d: {  	v7 =	vld [tilespmem:s26+$0x0]  }
0x15e: {  	v8 =	vld [tilespmem:s25+$0xFFFFFFE0]  }
0x15f: {  	s29 =	simm.s32 $0x9C60;
	v9 =	vld [tilespmem:s25+$0xFFFFFFF0]  }
0x160: {  	v10 =	vld [tilespmem:s29+$0x10]  }
0x161: {  	v11 =	vld [tilespmem:s25+$0x0];
	v4 =	vadd.s32 $0x80, v4  }
0x162: {  	v2 =	vld.idx.msk [tilespmem:v2+s15+$0x0], $0xffff  }
0x163: {  	v12 =	vld [tilespmem:s28+$0xFFFFFFE0]  }
0x164: {  	v3 =	vld.idx.msk [tilespmem:v3+s16+$0x0], $0xffff  }
0x165: {  	v13 =	vld [tilespmem:s28+$0xFFFFFFF0]  }
0x166: {  	v4 =	vld.idx.msk [tilespmem:v4+s13+$0x0], $0xffff  }
0x167: {  	v15 =	vld [tilespmem:s29+$0x0];
	v2 =	vadd.f32 v2, v10  }
0x168: {  	v61 =	vld [tilespmem:s29+$0xFFFFFFE0];
	s26 =	simm.s32 $0x7550  }
0x169: {  	v16 =	vld [tilespmem:s26+$0x10];
	v2 =	vadd.f32 v3, v2  }
0x16a: {  	v10 =	vld [tilespmem:s28+$0x0]  }
0x16b: {  	v5 =	vld.idx.msk [tilespmem:v5+s15+$0x0], $0xffff;
	v2 =	vadd.f32 v4, v2  }
0x16c: {  	v14 =	vld.idx.msk [tilespmem:v7+s15+$0x0], $0xffff  }
0x16d: {  	v3 =	vld.idx.msk [tilespmem:v6+s15+$0x0], $0xffff;
	v6 =	vadd.s32 $0x80, v12;
	v2 =	vmax.f32 v2, $0.0e+00  }
0x16e: {  	v13 =	vadd.s32 $0x80, v13;
	v4 =	vld [tilespmem:s29+$0xFFFFFFF0];
	v7 =	vshrl.u32 v2, $0x10  }
0x16f: {  	v8 =	vld.idx.msk [tilespmem:v8+s16+$0x0], $0xffff;
	v10 =	vadd.s32 $0x80, v10;
	v7 =	vand.u32 $0x1, v7  }
0x170: {  	v9 =	vld.idx.msk [tilespmem:v9+s16+$0x0], $0xffff;
	v2 =	vadd.s32 v7, v2  }
0x171: {  	v11 =	vld.idx.msk [tilespmem:v11+s16+$0x0], $0xffff;
	v2 =	vadd.s32 $0x7FFF, v2  }
0x172: {  	v7 =	vld.idx.msk [tilespmem:v6+s13+$0x0], $0xffff;
	v2 =	vand.u32 $0xFFFF0000, v2  }
0x173: {  	v6 =	vld.idx.msk [tilespmem:v13+s13+$0x0], $0xffff;
	v4 =	vadd.f32 v3, v4;
	v3 =	vadd.f32 v5, v61;
	v2 =	vmul.f32 v2, v1  }
0x174: {  	v62 =	vadd.f32 v14, v15;
	v5 =	vld.idx.msk [tilespmem:v10+s13+$0x0], $0xffff  }
0x175: {  	v8 =	vadd.f32 v8, v3;
	v3 =	vld [tilespmem:s26+$0xFFFFFFF0];
	v63 =	vadd.f32 v2, v16  }
0x176: {  	v10 =	vadd.f32 v9, v4;
	v4 =	vld [tilespmem:s26+$0x0]  }
0x177: {  	s30 =	simm.s32 $0x0;
	s31 =	simm.s32 $0x60;
	v9 =	vadd.f32 v11, v62;
	v2 =	vld [tilespmem:s26+$0xFFFFFFE0];
	[tilespmem:s26+$0x10] =	vst v63  }
.LBB2_10:
0x178: {  	v11 =	vld [tilespmem:s31+$0x10];
	s30 =	sadd.s32 $0x4, s30;
	v7 =	vadd.f32 v7, v8;
	s25 =	sadd.s32 $0x40, s25  }
0x179: {  	v6 =	vadd.f32 v6, v10;
	s28 =	sadd.s32 $0x40, s28;
	v8 =	vld [tilespmem:s25+$0x10];
	p0 =	slt.u32 s30, $0x26C  }
0x17a: {  	v5 =	vadd.f32 v5, v9;
	v10 =	vld [tilespmem:s28+$0x10];
	v7 =	vmax.f32 v7, $0.0e+00  }
0x17b: {  	v6 =	vmax.f32 v6, $0.0e+00;
	v9 =	vld [tilespmem:s31+$0xFFFFFFE0];
	v12 =	vshrl.u32 v7, $0x10  }
0x17c: {  	v14 =	vshrl.u32 v6, $0x10;
	v5 =	vmax.f32 v5, $0.0e+00;
	v13 =	vld [tilespmem:s31+$0xFFFFFFF0];
	v12 =	vand.u32 $0x1, v12  }
0x17d: {  	v15 =	vld [tilespmem:s31+$0x0];
	v7 =	vadd.s32 v12, v7;
	v12 =	vand.u32 $0x1, v14;
	v14 =	vshrl.u32 v5, $0x10  }
0x17e: {  	v16 =	vld [tilespmem:s25+$0xFFFFFFE0];
	v7 =	vadd.s32 $0x7FFF, v7;
	v6 =	vadd.s32 v12, v6;
	v12 =	vand.u32 $0x1, v14  }
0x17f: {  	v14 =	vld [tilespmem:s25+$0xFFFFFFF0];
	v10 =	vadd.s32 $0x80, v10;
	v6 =	vadd.s32 $0x7FFF, v6;
	v5 =	vadd.s32 v12, v5  }
0x180: {  	s29 =	sadd.s32 $0x40, s29;
	v7 =	vand.u32 $0xFFFF0000, v7;
	v11 =	vld.idx.msk [tilespmem:v11+s15+$0x0], $0xffff;
	v6 =	vand.u32 $0xFFFF0000, v6;
	v5 =	vadd.s32 $0x7FFF, v5  }
0x181: {  	v7 =	vmul.f32 v7, v1;
	v12 =	vld [tilespmem:s29+$0x10];
	v6 =	vmul.f32 v6, v1;
	v5 =	vand.u32 $0xFFFF0000, v5  }
0x182: {  	v8 =	vld.idx.msk [tilespmem:v8+s16+$0x0], $0xffff;
	v5 =	vmul.f32 v5, v1  }
0x183: {  	v2 =	vadd.f32 v7, v2;
	v17 =	vld [tilespmem:s25+$0x0];
	v3 =	vadd.f32 v6, v3  }
0x184: {  	v6 =	vld.idx.msk [tilespmem:v10+s13+$0x0], $0xffff;
	v4 =	vadd.f32 v5, v4  }
0x185: {  	v5 =	vld [tilespmem:s28+$0xFFFFFFE0];
	[tilespmem:s26+$0xFFFFFFE0] =	vst v2  }
0x186: {  	v2 =	vld [tilespmem:s28+$0xFFFFFFF0];
	v7 =	vadd.f32 v11, v12;
	[tilespmem:s26+$0xFFFFFFF0] =	vst v3  }
0x187: {  	v3 =	vld [tilespmem:s28+$0x0];
	[tilespmem:s26+$0x0] =	vst v4  }
0x188: {  	v4 =	vld.idx.msk [tilespmem:v9+s15+$0x0], $0xffff;
	v7 =	vadd.f32 v8, v7  }
0x189: {  	v8 =	vld.idx.msk [tilespmem:v13+s15+$0x0], $0xffff  }
0x18a: {  	v5 =	vadd.s32 $0x80, v5;
	v9 =	vld.idx.msk [tilespmem:v15+s15+$0x0], $0xffff;
	v6 =	vadd.f32 v6, v7  }
0x18b: {  	v7 =	vld [tilespmem:s29+$0xFFFFFFF0];
	v2 =	vadd.s32 $0x80, v2  }
0x18c: {  	v10 =	vld [tilespmem:s29+$0x0];
	v3 =	vadd.s32 $0x80, v3;
	v6 =	vmax.f32 v6, $0.0e+00  }
0x18d: {  	v11 =	vld [tilespmem:s29+$0xFFFFFFE0];
	v12 =	vshrl.u32 v6, $0x10  }
0x18e: {  	s26 =	sadd.s32 $0x40, s26;
	v13 =	vld.idx.msk [tilespmem:v16+s16+$0x0], $0xffff;
	v12 =	vand.u32 $0x1, v12  }
0x18f: {  	v15 =	vld [tilespmem:s26+$0x10];
	v6 =	vadd.s32 v12, v6  }
0x190: {  	v12 =	vadd.f32 v8, v7;
	v14 =	vld.idx.msk [tilespmem:v14+s16+$0x0], $0xffff;
	v6 =	vadd.s32 $0x7FFF, v6  }
0x191: {  	v9 =	vadd.f32 v9, v10;
	v16 =	vld.idx.msk [tilespmem:v17+s16+$0x0], $0xffff;
	v6 =	vand.u32 $0xFFFF0000, v6  }
0x192: {  	v4 =	vadd.f32 v4, v11;
	v7 =	vld.idx.msk [tilespmem:v5+s13+$0x0], $0xffff;
	v10 =	vmul.f32 v6, v1  }
.Ltmp4:
0x193: {  	v6 =	vld.idx.msk [tilespmem:v2+s13+$0x0], $0xffff;
	(pc) =	sbr.rel @p0 .LBB2_10-.Ltmp4, $4  }
0x194: {  	v8 =	vadd.f32 v13, v4;
	v5 =	vld.idx.msk [tilespmem:v3+s13+$0x0], $0xffff;
	v4 =	vadd.f32 v10, v15  }
0x195: {  	v2 =	vld [tilespmem:s26+$0xFFFFFFE0]  }
0x196: {  	v10 =	vadd.f32 v14, v12;
	v3 =	vld [tilespmem:s26+$0xFFFFFFF0];
	[tilespmem:s26+$0x10] =	vst v4  }
0x197: {  	s31 =	sadd.s32 $0x40, s31;
	v9 =	vadd.f32 v16, v9;
	v4 =	vld [tilespmem:s26+$0x0]  }
0x198: {  	v7 =	vadd.f32 v7, v8  }
0x199: {  	v6 =	vadd.f32 v6, v10  }
0x19a: {  	v5 =	vadd.f32 v5, v9;
	v7 =	vmax.f32 v7, $0.0e+00  }
0x19b: {  	v6 =	vmax.f32 v6, $0.0e+00;
	v8 =	vshrl.u32 v7, $0x10  }
0x19c: {  	v9 =	vshrl.u32 v6, $0x10;
	v5 =	vmax.f32 v5, $0.0e+00;
	v8 =	vand.u32 $0x1, v8  }
0x19d: {  	v7 =	vadd.s32 v8, v7;
	v8 =	vand.u32 $0x1, v9;
	v9 =	vshrl.u32 v5, $0x10  }
0x19e: {  	v7 =	vadd.s32 $0x7FFF, v7;
	v6 =	vadd.s32 v8, v6;
	v8 =	vand.u32 $0x1, v9  }
0x19f: {  	v6 =	vadd.s32 $0x7FFF, v6;
	v5 =	vadd.s32 v8, v5;
	v7 =	vand.u32 $0xFFFF0000, v7  }
0x1a0: {  	v6 =	vand.u32 $0xFFFF0000, v6;
	v5 =	vadd.s32 $0x7FFF, v5;
	v7 =	vmul.f32 v7, v1  }
0x1a1: {  	v6 =	vmul.f32 v6, v1;
	v5 =	vand.u32 $0xFFFF0000, v5  }
0x1a2: {  	v5 =	vmul.f32 v5, v1;
	v2 =	vadd.f32 v7, v2  }
0x1a3: {  	v3 =	vadd.f32 v6, v3  }
0x1a4: {  	v4 =	vadd.f32 v5, v4;
	[tilespmem:s26+$0xFFFFFFE0] =	vst v2  }
0x1a5: {  	[tilespmem:s26+$0xFFFFFFF0] =	vst v3  }
0x1a6: {  	[tilespmem:s26+$0x0] =	vst v4  }
0x1a7: {  	v2 =	vld [tilespmem:$0x2700]  }
0x1a8: {  	v3 =	vld [tilespmem:$0x4E10]  }
0x1a9: {  	v4 =	vld [tilespmem:$0x7520];
	_ =	sdelay $0x4  }
0x1aa: {  	v5 =	vld [tilespmem:$0xC340];
	v4 =	vadd.s32 $0x80, v4  }
0x1ab: {  	v2 =	vld.idx.msk [tilespmem:v2+s15+$0x0], $0xffff;
	_ =	sdelay $0x1  }
0x1ac: {  	v3 =	vld.idx.msk [tilespmem:v3+s16+$0x0], $0xffff;
	_ =	sdelay $0x1  }
0x1ad: {  	v4 =	vld.idx.msk [tilespmem:v4+s13+$0x0], $0xffff  }
0x1ae: {  	v2 =	vadd.f32 v2, v5;
	_ =	sdelay $0x1  }
0x1af: {  	v2 =	vadd.f32 v3, v2;
	_ =	sdelay $0x1  }
0x1b0: {  	v2 =	vadd.f32 v4, v2;
	_ =	sdelay $0x1  }
0x1b1: {  	v2 =	vmax.f32 v2, $0.0e+00  }
0x1b2: {  	v3 =	vshrl.u32 v2, $0x10  }
0x1b3: {  	v3 =	vand.u32 $0x1, v3  }
0x1b4: {  	v4 =	vld [tilespmem:$0x9C30];
	v2 =	vadd.s32 v3, v2  }
0x1b5: {  	v2 =	vadd.s32 $0x7FFF, v2  }
0x1b6: {  	v2 =	vand.u32 $0xFFFF0000, v2  }
0x1b7: {  	v1 =	vmul.f32 v2, v1;
	_ =	sdelay $0x1  }
0x1b8: {  	v1 =	vadd.f32 v1, v4;
	_ =	sdelay $0x1  }
0x1b9: {  	[tilespmem:$0x9C30] =	vst v1  }
0x1ba: {  	_ =	swait.ge [sflag:s21], $0x2710  }
0x1bb: {  	[sflag:s21] =	ssyncset.done $0x0  }
0x1bc: {  	[sflag:s21] =	ssyncadd.s32 $0xFFFFD8F0  }
0x1bd: {  	_ =	swait.ge [sflag:s21], $0x2710  }
0x1be: {  	[sflag:s21] =	ssyncset.done $0x0  }
0x1bf: {  	[sflag:s21] =	ssyncadd.s32 $0xFFFFD8F0  }
0x1c0: {  	_ =	swait.ge [sflag:s21], $0x2710  }
0x1c1: {  	[sflag:s21] =	ssyncset.done $0x0  }
0x1c2: {  	s25 =	rddreg [dreg:$0x11];
	[sflag:s21] =	ssyncadd.s32 $0xFFFFD8F0  }
0x1c3: {  	[tilespmem:s14], [sflag:$0x1] =	stream.linear.gather [hbm4b:s25+s3], $0x2710, $0x38;
	[tilespmem:$0x1B3F0] =	vst v63  }
0x1c4: {  	s26 =	rddreg [dreg:$0x1f]  }
0x1c5: {  	[tilespmem:s15], [sflag:$0x1] =	stream.linear.gather [hbm4b:s26+s3], $0x2710, $0x38;
	[tilespmem:$0x1B3F0] =	vst v63  }
0x1c6: {  	_ = 	snop  }
0x1c7: {  	[tilespmem:s16], [sflag:$0x1] =	stream.linear.gather [hbm4b:s2+s3], $0x2710, $0x38;
	[tilespmem:$0x1B3F0] =	vst v63  }
0x1c8: {  	s26 =	simm.s32 $0x20;
	v1 =	vld [tilespmem:$0x1AE20]  }
0x1c9: {  	s25 =	simm.s32 $0x2730;
	v2 =	vld [tilespmem:s26+$0x10]  }
0x1ca: {  	s28 =	simm.s32 $0x4E40;
	v3 =	vld [tilespmem:s25+$0x10]  }
0x1cb: {  	v4 =	vld [tilespmem:s28+$0x10]  }
0x1cc: {  	v5 =	vld [tilespmem:s26+$0xFFFFFFE0]  }
0x1cd: {  	v6 =	vld [tilespmem:s26+$0xFFFFFFF0]  }
0x1ce: {  	v7 =	vld [tilespmem:s26+$0x0]  }
0x1cf: {  	v8 =	vld [tilespmem:s25+$0xFFFFFFE0]  }
0x1d0: {  	s29 =	simm.s32 $0xC370;
	v9 =	vld [tilespmem:s25+$0xFFFFFFF0]  }
0x1d1: {  	v10 =	vld [tilespmem:s29+$0x10]  }
0x1d2: {  	v11 =	vld [tilespmem:s25+$0x0];
	v4 =	vadd.s32 $0xC0, v4  }
0x1d3: {  	v2 =	vld.idx.msk [tilespmem:v2+s19+$0x0], $0xffff  }
0x1d4: {  	v12 =	vld [tilespmem:s28+$0xFFFFFFE0]  }
0x1d5: {  	v3 =	vld.idx.msk [tilespmem:v3+s20+$0x0], $0xffff  }
0x1d6: {  	v13 =	vld [tilespmem:s28+$0xFFFFFFF0]  }
0x1d7: {  	v4 =	vld.idx.msk [tilespmem:v4+s13+$0x0], $0xffff  }
0x1d8: {  	v15 =	vld [tilespmem:s29+$0x0];
	v2 =	vadd.f32 v2, v10  }
0x1d9: {  	v61 =	vld [tilespmem:s29+$0xFFFFFFE0];
	s26 =	simm.s32 $0x7550  }
0x1da: {  	v16 =	vld [tilespmem:s26+$0x10];
	v2 =	vadd.f32 v3, v2  }
0x1db: {  	v10 =	vld [tilespmem:s28+$0x0]  }
0x1dc: {  	v5 =	vld.idx.msk [tilespmem:v5+s19+$0x0], $0xffff;
	v2 =	vadd.f32 v4, v2  }
0x1dd: {  	v14 =	vld.idx.msk [tilespmem:v7+s19+$0x0], $0xffff  }
0x1de: {  	v3 =	vld.idx.msk [tilespmem:v6+s19+$0x0], $0xffff;
	v6 =	vadd.s32 $0xC0, v12;
	v2 =	vmax.f32 v2, $0.0e+00  }
0x1df: {  	v13 =	vadd.s32 $0xC0, v13;
	v4 =	vld [tilespmem:s29+$0xFFFFFFF0];
	v7 =	vshrl.u32 v2, $0x10  }
0x1e0: {  	v8 =	vld.idx.msk [tilespmem:v8+s20+$0x0], $0xffff;
	v10 =	vadd.s32 $0xC0, v10;
	v7 =	vand.u32 $0x1, v7  }
0x1e1: {  	v9 =	vld.idx.msk [tilespmem:v9+s20+$0x0], $0xffff;
	v2 =	vadd.s32 v7, v2  }
0x1e2: {  	v11 =	vld.idx.msk [tilespmem:v11+s20+$0x0], $0xffff;
	v2 =	vadd.s32 $0x7FFF, v2  }
0x1e3: {  	v7 =	vld.idx.msk [tilespmem:v6+s13+$0x0], $0xffff;
	v2 =	vand.u32 $0xFFFF0000, v2  }
0x1e4: {  	v6 =	vld.idx.msk [tilespmem:v13+s13+$0x0], $0xffff;
	v4 =	vadd.f32 v3, v4;
	v3 =	vadd.f32 v5, v61;
	v2 =	vmul.f32 v2, v1  }
0x1e5: {  	v62 =	vadd.f32 v14, v15;
	v5 =	vld.idx.msk [tilespmem:v10+s13+$0x0], $0xffff  }
0x1e6: {  	v8 =	vadd.f32 v8, v3;
	v3 =	vld [tilespmem:s26+$0xFFFFFFF0];
	v63 =	vadd.f32 v2, v16  }
0x1e7: {  	v10 =	vadd.f32 v9, v4;
	v4 =	vld [tilespmem:s26+$0x0]  }
0x1e8: {  	s30 =	simm.s32 $0x0;
	s31 =	simm.s32 $0x60;
	v9 =	vadd.f32 v11, v62;
	v2 =	vld [tilespmem:s26+$0xFFFFFFE0];
	[tilespmem:s26+$0x10] =	vst v63  }
.LBB2_12:
0x1e9: {  	v11 =	vld [tilespmem:s31+$0x10];
	s30 =	sadd.s32 $0x4, s30;
	v7 =	vadd.f32 v7, v8;
	s25 =	sadd.s32 $0x40, s25  }
0x1ea: {  	v6 =	vadd.f32 v6, v10;
	s28 =	sadd.s32 $0x40, s28;
	v8 =	vld [tilespmem:s25+$0x10];
	p0 =	slt.u32 s30, $0x26C  }
0x1eb: {  	v5 =	vadd.f32 v5, v9;
	v10 =	vld [tilespmem:s28+$0x10];
	v7 =	vmax.f32 v7, $0.0e+00  }
0x1ec: {  	v6 =	vmax.f32 v6, $0.0e+00;
	v9 =	vld [tilespmem:s31+$0xFFFFFFE0];
	v12 =	vshrl.u32 v7, $0x10  }
0x1ed: {  	v14 =	vshrl.u32 v6, $0x10;
	v5 =	vmax.f32 v5, $0.0e+00;
	v13 =	vld [tilespmem:s31+$0xFFFFFFF0];
	v12 =	vand.u32 $0x1, v12  }
0x1ee: {  	v15 =	vld [tilespmem:s31+$0x0];
	v7 =	vadd.s32 v12, v7;
	v12 =	vand.u32 $0x1, v14;
	v14 =	vshrl.u32 v5, $0x10  }
0x1ef: {  	v16 =	vld [tilespmem:s25+$0xFFFFFFE0];
	v7 =	vadd.s32 $0x7FFF, v7;
	v6 =	vadd.s32 v12, v6;
	v12 =	vand.u32 $0x1, v14  }
0x1f0: {  	v14 =	vld [tilespmem:s25+$0xFFFFFFF0];
	v10 =	vadd.s32 $0xC0, v10;
	v6 =	vadd.s32 $0x7FFF, v6;
	v5 =	vadd.s32 v12, v5  }
0x1f1: {  	s29 =	sadd.s32 $0x40, s29;
	v7 =	vand.u32 $0xFFFF0000, v7;
	v11 =	vld.idx.msk [tilespmem:v11+s19+$0x0], $0xffff;
	v6 =	vand.u32 $0xFFFF0000, v6;
	v5 =	vadd.s32 $0x7FFF, v5  }
0x1f2: {  	v7 =	vmul.f32 v7, v1;
	v12 =	vld [tilespmem:s29+$0x10];
	v6 =	vmul.f32 v6, v1;
	v5 =	vand.u32 $0xFFFF0000, v5  }
0x1f3: {  	v8 =	vld.idx.msk [tilespmem:v8+s20+$0x0], $0xffff;
	v5 =	vmul.f32 v5, v1  }
0x1f4: {  	v2 =	vadd.f32 v7, v2;
	v17 =	vld [tilespmem:s25+$0x0];
	v3 =	vadd.f32 v6, v3  }
0x1f5: {  	v6 =	vld.idx.msk [tilespmem:v10+s13+$0x0], $0xffff;
	v4 =	vadd.f32 v5, v4  }
0x1f6: {  	v5 =	vld [tilespmem:s28+$0xFFFFFFE0];
	[tilespmem:s26+$0xFFFFFFE0] =	vst v2  }
0x1f7: {  	v2 =	vld [tilespmem:s28+$0xFFFFFFF0];
	v7 =	vadd.f32 v11, v12;
	[tilespmem:s26+$0xFFFFFFF0] =	vst v3  }
0x1f8: {  	v3 =	vld [tilespmem:s28+$0x0];
	[tilespmem:s26+$0x0] =	vst v4  }
0x1f9: {  	v4 =	vld.idx.msk [tilespmem:v9+s19+$0x0], $0xffff;
	v7 =	vadd.f32 v8, v7  }
0x1fa: {  	v8 =	vld.idx.msk [tilespmem:v13+s19+$0x0], $0xffff  }
0x1fb: {  	v5 =	vadd.s32 $0xC0, v5;
	v9 =	vld.idx.msk [tilespmem:v15+s19+$0x0], $0xffff;
	v6 =	vadd.f32 v6, v7  }
0x1fc: {  	v7 =	vld [tilespmem:s29+$0xFFFFFFF0];
	v2 =	vadd.s32 $0xC0, v2  }
0x1fd: {  	v10 =	vld [tilespmem:s29+$0x0];
	v3 =	vadd.s32 $0xC0, v3;
	v6 =	vmax.f32 v6, $0.0e+00  }
0x1fe: {  	v11 =	vld [tilespmem:s29+$0xFFFFFFE0];
	v12 =	vshrl.u32 v6, $0x10  }
0x1ff: {  	s26 =	sadd.s32 $0x40, s26;
	v13 =	vld.idx.msk [tilespmem:v16+s20+$0x0], $0xffff;
	v12 =	vand.u32 $0x1, v12  }
0x200: {  	v15 =	vld [tilespmem:s26+$0x10];
	v6 =	vadd.s32 v12, v6  }
0x201: {  	v12 =	vadd.f32 v8, v7;
	v14 =	vld.idx.msk [tilespmem:v14+s20+$0x0], $0xffff;
	v6 =	vadd.s32 $0x7FFF, v6  }
0x202: {  	v9 =	vadd.f32 v9, v10;
	v16 =	vld.idx.msk [tilespmem:v17+s20+$0x0], $0xffff;
	v6 =	vand.u32 $0xFFFF0000, v6  }
0x203: {  	v4 =	vadd.f32 v4, v11;
	v7 =	vld.idx.msk [tilespmem:v5+s13+$0x0], $0xffff;
	v10 =	vmul.f32 v6, v1  }
.Ltmp5:
0x204: {  	v6 =	vld.idx.msk [tilespmem:v2+s13+$0x0], $0xffff;
	(pc) =	sbr.rel @p0 .LBB2_12-.Ltmp5, $4  }
0x205: {  	v8 =	vadd.f32 v13, v4;
	v5 =	vld.idx.msk [tilespmem:v3+s13+$0x0], $0xffff;
	v4 =	vadd.f32 v10, v15  }
0x206: {  	v2 =	vld [tilespmem:s26+$0xFFFFFFE0]  }
0x207: {  	v10 =	vadd.f32 v14, v12;
	v3 =	vld [tilespmem:s26+$0xFFFFFFF0];
	[tilespmem:s26+$0x10] =	vst v4  }
0x208: {  	s31 =	sadd.s32 $0x40, s31;
	v9 =	vadd.f32 v16, v9;
	v4 =	vld [tilespmem:s26+$0x0]  }
0x209: {  	v7 =	vadd.f32 v7, v8  }
0x20a: {  	v6 =	vadd.f32 v6, v10  }
0x20b: {  	v5 =	vadd.f32 v5, v9;
	v7 =	vmax.f32 v7, $0.0e+00  }
0x20c: {  	v6 =	vmax.f32 v6, $0.0e+00;
	v8 =	vshrl.u32 v7, $0x10  }
0x20d: {  	v9 =	vshrl.u32 v6, $0x10;
	v5 =	vmax.f32 v5, $0.0e+00;
	v8 =	vand.u32 $0x1, v8  }
0x20e: {  	v7 =	vadd.s32 v8, v7;
	v8 =	vand.u32 $0x1, v9;
	v9 =	vshrl.u32 v5, $0x10  }
0x20f: {  	v7 =	vadd.s32 $0x7FFF, v7;
	v6 =	vadd.s32 v8, v6;
	v8 =	vand.u32 $0x1, v9  }
0x210: {  	v6 =	vadd.s32 $0x7FFF, v6;
	v5 =	vadd.s32 v8, v5;
	v7 =	vand.u32 $0xFFFF0000, v7  }
0x211: {  	v6 =	vand.u32 $0xFFFF0000, v6;
	v5 =	vadd.s32 $0x7FFF, v5;
	v7 =	vmul.f32 v7, v1  }
0x212: {  	v6 =	vmul.f32 v6, v1;
	v5 =	vand.u32 $0xFFFF0000, v5  }
0x213: {  	v5 =	vmul.f32 v5, v1;
	v2 =	vadd.f32 v7, v2  }
0x214: {  	v3 =	vadd.f32 v6, v3  }
0x215: {  	v4 =	vadd.f32 v5, v4;
	[tilespmem:s26+$0xFFFFFFE0] =	vst v2  }
0x216: {  	[tilespmem:s26+$0xFFFFFFF0] =	vst v3  }
0x217: {  	[tilespmem:s26+$0x0] =	vst v4  }
0x218: {  	v2 =	vld [tilespmem:$0x2700]  }
0x219: {  	v3 =	vld [tilespmem:$0x4E10]  }
0x21a: {  	v4 =	vld [tilespmem:$0x7520];
	_ =	sdelay $0x4  }
0x21b: {  	v5 =	vld [tilespmem:$0xEA50];
	v4 =	vadd.s32 $0xC0, v4  }
0x21c: {  	v2 =	vld.idx.msk [tilespmem:v2+s19+$0x0], $0xffff;
	_ =	sdelay $0x1  }
0x21d: {  	v3 =	vld.idx.msk [tilespmem:v3+s20+$0x0], $0xffff;
	_ =	sdelay $0x1  }
0x21e: {  	v4 =	vld.idx.msk [tilespmem:v4+s13+$0x0], $0xffff  }
0x21f: {  	v2 =	vadd.f32 v2, v5;
	_ =	sdelay $0x1  }
0x220: {  	v2 =	vadd.f32 v3, v2;
	_ =	sdelay $0x1  }
0x221: {  	v2 =	vadd.f32 v4, v2;
	_ =	sdelay $0x1  }
0x222: {  	v2 =	vmax.f32 v2, $0.0e+00  }
0x223: {  	v3 =	vshrl.u32 v2, $0x10  }
0x224: {  	v3 =	vand.u32 $0x1, v3  }
0x225: {  	v4 =	vld [tilespmem:$0x9C30];
	v2 =	vadd.s32 v3, v2  }
0x226: {  	v2 =	vadd.s32 $0x7FFF, v2  }
0x227: {  	v2 =	vand.u32 $0xFFFF0000, v2  }
0x228: {  	v1 =	vmul.f32 v2, v1;
	_ =	sdelay $0x1  }
0x229: {  	v1 =	vadd.f32 v1, v4;
	_ =	sdelay $0x1  }
0x22a: {  	[tilespmem:$0x9C30] =	vst v1  }
0x22b: {  	_ =	swait.ge [sflag:s17], $0x2710  }
0x22c: {  	[sflag:s17] =	ssyncset.done $0x0  }
0x22d: {  	[sflag:s17] =	ssyncadd.s32 $0xFFFFD8F0  }
0x22e: {  	_ =	swait.ge [sflag:s17], $0x2710  }
0x22f: {  	[sflag:s17] =	ssyncset.done $0x0  }
0x230: {  	[sflag:s17] =	ssyncadd.s32 $0xFFFFD8F0  }
0x231: {  	_ =	swait.ge [sflag:s17], $0x2710  }
0x232: {  	[sflag:s17] =	ssyncset.done $0x0  }
0x233: {  	s25 =	rddreg [dreg:$0x12];
	[sflag:s17] =	ssyncadd.s32 $0xFFFFD8F0  }
0x234: {  	[tilespmem:s18], [sflag:$0x2] =	stream.linear.gather [hbm4b:s25+s3], $0x2710, $0x38;
	[tilespmem:$0x1B3F0] =	vst v63  }
0x235: {  	_ = 	snop  }
0x236: {  	[tilespmem:s19], [sflag:$0x2] =	stream.linear.gather [hbm4b:s0+s3], $0x2710, $0x38;
	[tilespmem:$0x1B3F0] =	vst v63  }
0x237: {  	_ = 	snop  }
0x238: {  	[tilespmem:s20], [sflag:$0x2] =	stream.linear.gather [hbm4b:s1+s3], $0x2710, $0x38;
	[tilespmem:$0x1B3F0] =	vst v63  }
0x239: {  	s26 =	simm.s32 $0x20;
	v1 =	vld [tilespmem:$0x1AE30]  }
0x23a: {  	s25 =	simm.s32 $0x2730;
	v2 =	vld [tilespmem:s26+$0x10]  }
0x23b: {  	s28 =	simm.s32 $0x4E40;
	v3 =	vld [tilespmem:s25+$0x10]  }
0x23c: {  	v4 =	vld [tilespmem:s28+$0x10]  }
0x23d: {  	v5 =	vld [tilespmem:s26+$0xFFFFFFE0]  }
0x23e: {  	v6 =	vld [tilespmem:s26+$0xFFFFFFF0]  }
0x23f: {  	v7 =	vld [tilespmem:s26+$0x0]  }
0x240: {  	v8 =	vld [tilespmem:s25+$0xFFFFFFE0]  }
0x241: {  	s29 =	simm.s32 $0x9C60;
	v9 =	vld [tilespmem:s25+$0xFFFFFFF0]  }
0x242: {  	v10 =	vld [tilespmem:s29+$0x10]  }
0x243: {  	v11 =	vld [tilespmem:s25+$0x0];
	v4 =	vadd.s32 $0x100, v4  }
0x244: {  	v2 =	vld.idx.msk [tilespmem:v2+s15+$0x0], $0xffff  }
0x245: {  	v12 =	vld [tilespmem:s28+$0xFFFFFFE0]  }
0x246: {  	v3 =	vld.idx.msk [tilespmem:v3+s16+$0x0], $0xffff  }
0x247: {  	v13 =	vld [tilespmem:s28+$0xFFFFFFF0]  }
0x248: {  	v4 =	vld.idx.msk [tilespmem:v4+s13+$0x0], $0xffff  }
0x249: {  	v15 =	vld [tilespmem:s29+$0x0];
	v2 =	vadd.f32 v2, v10  }
0x24a: {  	v61 =	vld [tilespmem:s29+$0xFFFFFFE0];
	s26 =	simm.s32 $0x7550  }
0x24b: {  	v16 =	vld [tilespmem:s26+$0x10];
	v2 =	vadd.f32 v3, v2  }
0x24c: {  	v10 =	vld [tilespmem:s28+$0x0]  }
0x24d: {  	v5 =	vld.idx.msk [tilespmem:v5+s15+$0x0], $0xffff;
	v2 =	vadd.f32 v4, v2  }
0x24e: {  	v14 =	vld.idx.msk [tilespmem:v7+s15+$0x0], $0xffff  }
0x24f: {  	v3 =	vld.idx.msk [tilespmem:v6+s15+$0x0], $0xffff;
	v6 =	vadd.s32 $0x100, v12;
	v2 =	vmax.f32 v2, $0.0e+00  }
0x250: {  	v13 =	vadd.s32 $0x100, v13;
	v4 =	vld [tilespmem:s29+$0xFFFFFFF0];
	v7 =	vshrl.u32 v2, $0x10  }
0x251: {  	v8 =	vld.idx.msk [tilespmem:v8+s16+$0x0], $0xffff;
	v10 =	vadd.s32 $0x100, v10;
	v7 =	vand.u32 $0x1, v7  }
0x252: {  	v9 =	vld.idx.msk [tilespmem:v9+s16+$0x0], $0xffff;
	v2 =	vadd.s32 v7, v2  }
0x253: {  	v11 =	vld.idx.msk [tilespmem:v11+s16+$0x0], $0xffff;
	v2 =	vadd.s32 $0x7FFF, v2  }
0x254: {  	v7 =	vld.idx.msk [tilespmem:v6+s13+$0x0], $0xffff;
	v2 =	vand.u32 $0xFFFF0000, v2  }
0x255: {  	v6 =	vld.idx.msk [tilespmem:v13+s13+$0x0], $0xffff;
	v4 =	vadd.f32 v3, v4;
	v3 =	vadd.f32 v5, v61;
	v2 =	vmul.f32 v2, v1  }
0x256: {  	v62 =	vadd.f32 v14, v15;
	v5 =	vld.idx.msk [tilespmem:v10+s13+$0x0], $0xffff  }
0x257: {  	v8 =	vadd.f32 v8, v3;
	v3 =	vld [tilespmem:s26+$0xFFFFFFF0];
	v63 =	vadd.f32 v2, v16  }
0x258: {  	v10 =	vadd.f32 v9, v4;
	v4 =	vld [tilespmem:s26+$0x0]  }
0x259: {  	s30 =	simm.s32 $0x0;
	s31 =	simm.s32 $0x60;
	v9 =	vadd.f32 v11, v62;
	v2 =	vld [tilespmem:s26+$0xFFFFFFE0];
	[tilespmem:s26+$0x10] =	vst v63  }
.LBB2_14:
0x25a: {  	v11 =	vld [tilespmem:s31+$0x10];
	s30 =	sadd.s32 $0x4, s30;
	v7 =	vadd.f32 v7, v8;
	s25 =	sadd.s32 $0x40, s25  }
0x25b: {  	v6 =	vadd.f32 v6, v10;
	s28 =	sadd.s32 $0x40, s28;
	v8 =	vld [tilespmem:s25+$0x10];
	p0 =	slt.u32 s30, $0x26C  }
0x25c: {  	v5 =	vadd.f32 v5, v9;
	v10 =	vld [tilespmem:s28+$0x10];
	v7 =	vmax.f32 v7, $0.0e+00  }
0x25d: {  	v6 =	vmax.f32 v6, $0.0e+00;
	v9 =	vld [tilespmem:s31+$0xFFFFFFE0];
	v12 =	vshrl.u32 v7, $0x10  }
0x25e: {  	v14 =	vshrl.u32 v6, $0x10;
	v5 =	vmax.f32 v5, $0.0e+00;
	v13 =	vld [tilespmem:s31+$0xFFFFFFF0];
	v12 =	vand.u32 $0x1, v12  }
0x25f: {  	v15 =	vld [tilespmem:s31+$0x0];
	v7 =	vadd.s32 v12, v7;
	v12 =	vand.u32 $0x1, v14;
	v14 =	vshrl.u32 v5, $0x10  }
0x260: {  	v16 =	vld [tilespmem:s25+$0xFFFFFFE0];
	v7 =	vadd.s32 $0x7FFF, v7;
	v6 =	vadd.s32 v12, v6;
	v12 =	vand.u32 $0x1, v14  }
0x261: {  	v14 =	vld [tilespmem:s25+$0xFFFFFFF0];
	v10 =	vadd.s32 $0x100, v10;
	v6 =	vadd.s32 $0x7FFF, v6;
	v5 =	vadd.s32 v12, v5  }
0x262: {  	s29 =	sadd.s32 $0x40, s29;
	v7 =	vand.u32 $0xFFFF0000, v7;
	v11 =	vld.idx.msk [tilespmem:v11+s15+$0x0], $0xffff;
	v6 =	vand.u32 $0xFFFF0000, v6;
	v5 =	vadd.s32 $0x7FFF, v5  }
0x263: {  	v7 =	vmul.f32 v7, v1;
	v12 =	vld [tilespmem:s29+$0x10];
	v6 =	vmul.f32 v6, v1;
	v5 =	vand.u32 $0xFFFF0000, v5  }
0x264: {  	v8 =	vld.idx.msk [tilespmem:v8+s16+$0x0], $0xffff;
	v5 =	vmul.f32 v5, v1  }
0x265: {  	v2 =	vadd.f32 v7, v2;
	v17 =	vld [tilespmem:s25+$0x0];
	v3 =	vadd.f32 v6, v3  }
0x266: {  	v6 =	vld.idx.msk [tilespmem:v10+s13+$0x0], $0xffff;
	v4 =	vadd.f32 v5, v4  }
0x267: {  	v5 =	vld [tilespmem:s28+$0xFFFFFFE0];
	[tilespmem:s26+$0xFFFFFFE0] =	vst v2  }
0x268: {  	v2 =	vld [tilespmem:s28+$0xFFFFFFF0];
	v7 =	vadd.f32 v11, v12;
	[tilespmem:s26+$0xFFFFFFF0] =	vst v3  }
0x269: {  	v3 =	vld [tilespmem:s28+$0x0];
	[tilespmem:s26+$0x0] =	vst v4  }
0x26a: {  	v4 =	vld.idx.msk [tilespmem:v9+s15+$0x0], $0xffff;
	v7 =	vadd.f32 v8, v7  }
0x26b: {  	v8 =	vld.idx.msk [tilespmem:v13+s15+$0x0], $0xffff  }
0x26c: {  	v5 =	vadd.s32 $0x100, v5;
	v9 =	vld.idx.msk [tilespmem:v15+s15+$0x0], $0xffff;
	v6 =	vadd.f32 v6, v7  }
0x26d: {  	v7 =	vld [tilespmem:s29+$0xFFFFFFF0];
	v2 =	vadd.s32 $0x100, v2  }
0x26e: {  	v10 =	vld [tilespmem:s29+$0x0];
	v3 =	vadd.s32 $0x100, v3;
	v6 =	vmax.f32 v6, $0.0e+00  }
0x26f: {  	v11 =	vld [tilespmem:s29+$0xFFFFFFE0];
	v12 =	vshrl.u32 v6, $0x10  }
0x270: {  	s26 =	sadd.s32 $0x40, s26;
	v13 =	vld.idx.msk [tilespmem:v16+s16+$0x0], $0xffff;
	v12 =	vand.u32 $0x1, v12  }
0x271: {  	v15 =	vld [tilespmem:s26+$0x10];
	v6 =	vadd.s32 v12, v6  }
0x272: {  	v12 =	vadd.f32 v8, v7;
	v14 =	vld.idx.msk [tilespmem:v14+s16+$0x0], $0xffff;
	v6 =	vadd.s32 $0x7FFF, v6  }
0x273: {  	v9 =	vadd.f32 v9, v10;
	v16 =	vld.idx.msk [tilespmem:v17+s16+$0x0], $0xffff;
	v6 =	vand.u32 $0xFFFF0000, v6  }
0x274: {  	v4 =	vadd.f32 v4, v11;
	v7 =	vld.idx.msk [tilespmem:v5+s13+$0x0], $0xffff;
	v10 =	vmul.f32 v6, v1  }
.Ltmp6:
0x275: {  	v6 =	vld.idx.msk [tilespmem:v2+s13+$0x0], $0xffff;
	(pc) =	sbr.rel @p0 .LBB2_14-.Ltmp6, $4  }
0x276: {  	v8 =	vadd.f32 v13, v4;
	v5 =	vld.idx.msk [tilespmem:v3+s13+$0x0], $0xffff;
	v4 =	vadd.f32 v10, v15  }
0x277: {  	v2 =	vld [tilespmem:s26+$0xFFFFFFE0]  }
0x278: {  	v10 =	vadd.f32 v14, v12;
	v3 =	vld [tilespmem:s26+$0xFFFFFFF0];
	[tilespmem:s26+$0x10] =	vst v4  }
0x279: {  	s31 =	sadd.s32 $0x40, s31;
	v9 =	vadd.f32 v16, v9;
	v4 =	vld [tilespmem:s26+$0x0]  }
0x27a: {  	v7 =	vadd.f32 v7, v8  }
0x27b: {  	v6 =	vadd.f32 v6, v10  }
0x27c: {  	v5 =	vadd.f32 v5, v9;
	v7 =	vmax.f32 v7, $0.0e+00  }
0x27d: {  	v6 =	vmax.f32 v6, $0.0e+00;
	v8 =	vshrl.u32 v7, $0x10  }
0x27e: {  	v9 =	vshrl.u32 v6, $0x10;
	v5 =	vmax.f32 v5, $0.0e+00;
	v8 =	vand.u32 $0x1, v8  }
0x27f: {  	v7 =	vadd.s32 v8, v7;
	v8 =	vand.u32 $0x1, v9;
	v9 =	vshrl.u32 v5, $0x10  }
0x280: {  	v7 =	vadd.s32 $0x7FFF, v7;
	v6 =	vadd.s32 v8, v6;
	v8 =	vand.u32 $0x1, v9  }
0x281: {  	v6 =	vadd.s32 $0x7FFF, v6;
	v5 =	vadd.s32 v8, v5;
	v7 =	vand.u32 $0xFFFF0000, v7  }
0x282: {  	v6 =	vand.u32 $0xFFFF0000, v6;
	v5 =	vadd.s32 $0x7FFF, v5;
	v7 =	vmul.f32 v7, v1  }
0x283: {  	v6 =	vmul.f32 v6, v1;
	v5 =	vand.u32 $0xFFFF0000, v5  }
0x284: {  	v5 =	vmul.f32 v5, v1;
	v2 =	vadd.f32 v7, v2  }
0x285: {  	v3 =	vadd.f32 v6, v3  }
0x286: {  	v4 =	vadd.f32 v5, v4;
	[tilespmem:s26+$0xFFFFFFE0] =	vst v2  }
0x287: {  	[tilespmem:s26+$0xFFFFFFF0] =	vst v3  }
0x288: {  	[tilespmem:s26+$0x0] =	vst v4  }
0x289: {  	v2 =	vld [tilespmem:$0x2700]  }
0x28a: {  	v3 =	vld [tilespmem:$0x4E10]  }
0x28b: {  	v4 =	vld [tilespmem:$0x7520];
	_ =	sdelay $0x4  }
0x28c: {  	v5 =	vld [tilespmem:$0xC340];
	v4 =	vadd.s32 $0x100, v4  }
0x28d: {  	v2 =	vld.idx.msk [tilespmem:v2+s15+$0x0], $0xffff;
	_ =	sdelay $0x1  }
0x28e: {  	v3 =	vld.idx.msk [tilespmem:v3+s16+$0x0], $0xffff;
	_ =	sdelay $0x1  }
0x28f: {  	v4 =	vld.idx.msk [tilespmem:v4+s13+$0x0], $0xffff  }
0x290: {  	v2 =	vadd.f32 v2, v5;
	_ =	sdelay $0x1  }
0x291: {  	v2 =	vadd.f32 v3, v2;
	_ =	sdelay $0x1  }
0x292: {  	v2 =	vadd.f32 v4, v2;
	_ =	sdelay $0x1  }
0x293: {  	v2 =	vmax.f32 v2, $0.0e+00  }
0x294: {  	v3 =	vshrl.u32 v2, $0x10  }
0x295: {  	v3 =	vand.u32 $0x1, v3  }
0x296: {  	v4 =	vld [tilespmem:$0x9C30];
	v2 =	vadd.s32 v3, v2  }
0x297: {  	v2 =	vadd.s32 $0x7FFF, v2  }
0x298: {  	v2 =	vand.u32 $0xFFFF0000, v2  }
0x299: {  	v1 =	vmul.f32 v2, v1;
	_ =	sdelay $0x1  }
0x29a: {  	v1 =	vadd.f32 v1, v4;
	_ =	sdelay $0x1  }
0x29b: {  	[tilespmem:$0x9C30] =	vst v1  }
0x29c: {  	_ =	swait.ge [sflag:s21], $0x2710  }
0x29d: {  	[sflag:s21] =	ssyncset.done $0x0  }
0x29e: {  	[sflag:s21] =	ssyncadd.s32 $0xFFFFD8F0  }
0x29f: {  	_ =	swait.ge [sflag:s21], $0x2710  }
0x2a0: {  	[sflag:s21] =	ssyncset.done $0x0  }
0x2a1: {  	[sflag:s21] =	ssyncadd.s32 $0xFFFFD8F0  }
0x2a2: {  	_ =	swait.ge [sflag:s21], $0x2710  }
0x2a3: {  	[sflag:s21] =	ssyncset.done $0x0  }
0x2a4: {  	s25 =	rddreg [dreg:$0x13];
	[sflag:s21] =	ssyncadd.s32 $0xFFFFD8F0  }
0x2a5: {  	[tilespmem:s14], [sflag:$0x1] =	stream.linear.gather [hbm4b:s25+s3], $0x2710, $0x38;
	[tilespmem:$0x1B3F0] =	vst v63  }
0x2a6: {  	_ = 	snop  }
0x2a7: {  	[tilespmem:s15], [sflag:$0x1] =	stream.linear.gather [hbm4b:s4+s3], $0x2710, $0x38;
	[tilespmem:$0x1B3F0] =	vst v63  }
0x2a8: {  	_ = 	snop  }
0x2a9: {  	[tilespmem:s16], [sflag:$0x1] =	stream.linear.gather [hbm4b:s5+s3], $0x2710, $0x38;
	[tilespmem:$0x1B3F0] =	vst v63  }
0x2aa: {  	s26 =	simm.s32 $0x20;
	v1 =	vld [tilespmem:$0x1AE40]  }
0x2ab: {  	s25 =	simm.s32 $0x2730;
	v2 =	vld [tilespmem:s26+$0x10]  }
0x2ac: {  	s28 =	simm.s32 $0x4E40;
	v3 =	vld [tilespmem:s25+$0x10]  }
0x2ad: {  	v4 =	vld [tilespmem:s28+$0x10]  }
0x2ae: {  	v5 =	vld [tilespmem:s26+$0xFFFFFFE0]  }
0x2af: {  	v6 =	vld [tilespmem:s26+$0xFFFFFFF0]  }
0x2b0: {  	v7 =	vld [tilespmem:s26+$0x0]  }
0x2b1: {  	v8 =	vld [tilespmem:s25+$0xFFFFFFE0]  }
0x2b2: {  	s29 =	simm.s32 $0xC370;
	v9 =	vld [tilespmem:s25+$0xFFFFFFF0]  }
0x2b3: {  	v10 =	vld [tilespmem:s29+$0x10]  }
0x2b4: {  	v11 =	vld [tilespmem:s25+$0x0];
	v4 =	vadd.s32 $0x140, v4  }
0x2b5: {  	v2 =	vld.idx.msk [tilespmem:v2+s19+$0x0], $0xffff  }
0x2b6: {  	v12 =	vld [tilespmem:s28+$0xFFFFFFE0]  }
0x2b7: {  	v3 =	vld.idx.msk [tilespmem:v3+s20+$0x0], $0xffff  }
0x2b8: {  	v13 =	vld [tilespmem:s28+$0xFFFFFFF0]  }
0x2b9: {  	v4 =	vld.idx.msk [tilespmem:v4+s13+$0x0], $0xffff  }
0x2ba: {  	v15 =	vld [tilespmem:s29+$0x0];
	v2 =	vadd.f32 v2, v10  }
0x2bb: {  	v61 =	vld [tilespmem:s29+$0xFFFFFFE0];
	s26 =	simm.s32 $0x7550  }
0x2bc: {  	v16 =	vld [tilespmem:s26+$0x10];
	v2 =	vadd.f32 v3, v2  }
0x2bd: {  	v10 =	vld [tilespmem:s28+$0x0]  }
0x2be: {  	v5 =	vld.idx.msk [tilespmem:v5+s19+$0x0], $0xffff;
	v2 =	vadd.f32 v4, v2  }
0x2bf: {  	v14 =	vld.idx.msk [tilespmem:v7+s19+$0x0], $0xffff  }
0x2c0: {  	v3 =	vld.idx.msk [tilespmem:v6+s19+$0x0], $0xffff;
	v6 =	vadd.s32 $0x140, v12;
	v2 =	vmax.f32 v2, $0.0e+00  }
0x2c1: {  	v13 =	vadd.s32 $0x140, v13;
	v4 =	vld [tilespmem:s29+$0xFFFFFFF0];
	v7 =	vshrl.u32 v2, $0x10  }
0x2c2: {  	v8 =	vld.idx.msk [tilespmem:v8+s20+$0x0], $0xffff;
	v10 =	vadd.s32 $0x140, v10;
	v7 =	vand.u32 $0x1, v7  }
0x2c3: {  	v9 =	vld.idx.msk [tilespmem:v9+s20+$0x0], $0xffff;
	v2 =	vadd.s32 v7, v2  }
0x2c4: {  	v11 =	vld.idx.msk [tilespmem:v11+s20+$0x0], $0xffff;
	v2 =	vadd.s32 $0x7FFF, v2  }
0x2c5: {  	v7 =	vld.idx.msk [tilespmem:v6+s13+$0x0], $0xffff;
	v2 =	vand.u32 $0xFFFF0000, v2  }
0x2c6: {  	v6 =	vld.idx.msk [tilespmem:v13+s13+$0x0], $0xffff;
	v4 =	vadd.f32 v3, v4;
	v3 =	vadd.f32 v5, v61;
	v2 =	vmul.f32 v2, v1  }
0x2c7: {  	v62 =	vadd.f32 v14, v15;
	v5 =	vld.idx.msk [tilespmem:v10+s13+$0x0], $0xffff  }
0x2c8: {  	v8 =	vadd.f32 v8, v3;
	v3 =	vld [tilespmem:s26+$0xFFFFFFF0];
	v63 =	vadd.f32 v2, v16  }
0x2c9: {  	v10 =	vadd.f32 v9, v4;
	v4 =	vld [tilespmem:s26+$0x0]  }
0x2ca: {  	s30 =	simm.s32 $0x0;
	s31 =	simm.s32 $0x60;
	v9 =	vadd.f32 v11, v62;
	v2 =	vld [tilespmem:s26+$0xFFFFFFE0];
	[tilespmem:s26+$0x10] =	vst v63  }
.LBB2_16:
0x2cb: {  	v11 =	vld [tilespmem:s31+$0x10];
	s30 =	sadd.s32 $0x4, s30;
	v7 =	vadd.f32 v7, v8;
	s25 =	sadd.s32 $0x40, s25  }
0x2cc: {  	v6 =	vadd.f32 v6, v10;
	s28 =	sadd.s32 $0x40, s28;
	v8 =	vld [tilespmem:s25+$0x10];
	p0 =	slt.u32 s30, $0x26C  }
0x2cd: {  	v5 =	vadd.f32 v5, v9;
	v10 =	vld [tilespmem:s28+$0x10];
	v7 =	vmax.f32 v7, $0.0e+00  }
0x2ce: {  	v6 =	vmax.f32 v6, $0.0e+00;
	v9 =	vld [tilespmem:s31+$0xFFFFFFE0];
	v12 =	vshrl.u32 v7, $0x10  }
0x2cf: {  	v14 =	vshrl.u32 v6, $0x10;
	v5 =	vmax.f32 v5, $0.0e+00;
	v13 =	vld [tilespmem:s31+$0xFFFFFFF0];
	v12 =	vand.u32 $0x1, v12  }
0x2d0: {  	v15 =	vld [tilespmem:s31+$0x0];
	v7 =	vadd.s32 v12, v7;
	v12 =	vand.u32 $0x1, v14;
	v14 =	vshrl.u32 v5, $0x10  }
0x2d1: {  	v16 =	vld [tilespmem:s25+$0xFFFFFFE0];
	v7 =	vadd.s32 $0x7FFF, v7;
	v6 =	vadd.s32 v12, v6;
	v12 =	vand.u32 $0x1, v14  }
0x2d2: {  	v14 =	vld [tilespmem:s25+$0xFFFFFFF0];
	v10 =	vadd.s32 $0x140, v10;
	v6 =	vadd.s32 $0x7FFF, v6;
	v5 =	vadd.s32 v12, v5  }
0x2d3: {  	s29 =	sadd.s32 $0x40, s29;
	v7 =	vand.u32 $0xFFFF0000, v7;
	v11 =	vld.idx.msk [tilespmem:v11+s19+$0x0], $0xffff;
	v6 =	vand.u32 $0xFFFF0000, v6;
	v5 =	vadd.s32 $0x7FFF, v5  }
0x2d4: {  	v7 =	vmul.f32 v7, v1;
	v12 =	vld [tilespmem:s29+$0x10];
	v6 =	vmul.f32 v6, v1;
	v5 =	vand.u32 $0xFFFF0000, v5  }
0x2d5: {  	v8 =	vld.idx.msk [tilespmem:v8+s20+$0x0], $0xffff;
	v5 =	vmul.f32 v5, v1  }
0x2d6: {  	v2 =	vadd.f32 v7, v2;
	v17 =	vld [tilespmem:s25+$0x0];
	v3 =	vadd.f32 v6, v3  }
0x2d7: {  	v6 =	vld.idx.msk [tilespmem:v10+s13+$0x0], $0xffff;
	v4 =	vadd.f32 v5, v4  }
0x2d8: {  	v5 =	vld [tilespmem:s28+$0xFFFFFFE0];
	[tilespmem:s26+$0xFFFFFFE0] =	vst v2  }
0x2d9: {  	v2 =	vld [tilespmem:s28+$0xFFFFFFF0];
	v7 =	vadd.f32 v11, v12;
	[tilespmem:s26+$0xFFFFFFF0] =	vst v3  }
0x2da: {  	v3 =	vld [tilespmem:s28+$0x0];
	[tilespmem:s26+$0x0] =	vst v4  }
0x2db: {  	v4 =	vld.idx.msk [tilespmem:v9+s19+$0x0], $0xffff;
	v7 =	vadd.f32 v8, v7  }
0x2dc: {  	v8 =	vld.idx.msk [tilespmem:v13+s19+$0x0], $0xffff  }
0x2dd: {  	v5 =	vadd.s32 $0x140, v5;
	v9 =	vld.idx.msk [tilespmem:v15+s19+$0x0], $0xffff;
	v6 =	vadd.f32 v6, v7  }
0x2de: {  	v7 =	vld [tilespmem:s29+$0xFFFFFFF0];
	v2 =	vadd.s32 $0x140, v2  }
0x2df: {  	v10 =	vld [tilespmem:s29+$0x0];
	v3 =	vadd.s32 $0x140, v3;
	v6 =	vmax.f32 v6, $0.0e+00  }
0x2e0: {  	v11 =	vld [tilespmem:s29+$0xFFFFFFE0];
	v12 =	vshrl.u32 v6, $0x10  }
0x2e1: {  	s26 =	sadd.s32 $0x40, s26;
	v13 =	vld.idx.msk [tilespmem:v16+s20+$0x0], $0xffff;
	v12 =	vand.u32 $0x1, v12  }
0x2e2: {  	v15 =	vld [tilespmem:s26+$0x10];
	v6 =	vadd.s32 v12, v6  }
0x2e3: {  	v12 =	vadd.f32 v8, v7;
	v14 =	vld.idx.msk [tilespmem:v14+s20+$0x0], $0xffff;
	v6 =	vadd.s32 $0x7FFF, v6  }
0x2e4: {  	v9 =	vadd.f32 v9, v10;
	v16 =	vld.idx.msk [tilespmem:v17+s20+$0x0], $0xffff;
	v6 =	vand.u32 $0xFFFF0000, v6  }
0x2e5: {  	v4 =	vadd.f32 v4, v11;
	v7 =	vld.idx.msk [tilespmem:v5+s13+$0x0], $0xffff;
	v10 =	vmul.f32 v6, v1  }
.Ltmp7:
0x2e6: {  	v6 =	vld.idx.msk [tilespmem:v2+s13+$0x0], $0xffff;
	(pc) =	sbr.rel @p0 .LBB2_16-.Ltmp7, $4  }
0x2e7: {  	v8 =	vadd.f32 v13, v4;
	v5 =	vld.idx.msk [tilespmem:v3+s13+$0x0], $0xffff;
	v4 =	vadd.f32 v10, v15  }
0x2e8: {  	v2 =	vld [tilespmem:s26+$0xFFFFFFE0]  }
0x2e9: {  	v10 =	vadd.f32 v14, v12;
	v3 =	vld [tilespmem:s26+$0xFFFFFFF0];
	[tilespmem:s26+$0x10] =	vst v4  }
0x2ea: {  	s31 =	sadd.s32 $0x40, s31;
	v9 =	vadd.f32 v16, v9;
	v4 =	vld [tilespmem:s26+$0x0]  }
0x2eb: {  	v7 =	vadd.f32 v7, v8  }
0x2ec: {  	v6 =	vadd.f32 v6, v10  }
0x2ed: {  	v5 =	vadd.f32 v5, v9;
	v7 =	vmax.f32 v7, $0.0e+00  }
0x2ee: {  	v6 =	vmax.f32 v6, $0.0e+00;
	v8 =	vshrl.u32 v7, $0x10  }
0x2ef: {  	v9 =	vshrl.u32 v6, $0x10;
	v5 =	vmax.f32 v5, $0.0e+00;
	v8 =	vand.u32 $0x1, v8  }
0x2f0: {  	v7 =	vadd.s32 v8, v7;
	v8 =	vand.u32 $0x1, v9;
	v9 =	vshrl.u32 v5, $0x10  }
0x2f1: {  	v7 =	vadd.s32 $0x7FFF, v7;
	v6 =	vadd.s32 v8, v6;
	v8 =	vand.u32 $0x1, v9  }
0x2f2: {  	v6 =	vadd.s32 $0x7FFF, v6;
	v5 =	vadd.s32 v8, v5;
	v7 =	vand.u32 $0xFFFF0000, v7  }
0x2f3: {  	v6 =	vand.u32 $0xFFFF0000, v6;
	v5 =	vadd.s32 $0x7FFF, v5;
	v7 =	vmul.f32 v7, v1  }
0x2f4: {  	v6 =	vmul.f32 v6, v1;
	v5 =	vand.u32 $0xFFFF0000, v5  }
0x2f5: {  	v5 =	vmul.f32 v5, v1;
	v2 =	vadd.f32 v7, v2  }
0x2f6: {  	v3 =	vadd.f32 v6, v3  }
0x2f7: {  	v4 =	vadd.f32 v5, v4;
	[tilespmem:s26+$0xFFFFFFE0] =	vst v2  }
0x2f8: {  	[tilespmem:s26+$0xFFFFFFF0] =	vst v3  }
0x2f9: {  	[tilespmem:s26+$0x0] =	vst v4  }
0x2fa: {  	v2 =	vld [tilespmem:$0x2700]  }
0x2fb: {  	v3 =	vld [tilespmem:$0x4E10]  }
0x2fc: {  	v4 =	vld [tilespmem:$0x7520];
	_ =	sdelay $0x4  }
0x2fd: {  	v5 =	vld [tilespmem:$0xEA50];
	v4 =	vadd.s32 $0x140, v4  }
0x2fe: {  	v2 =	vld.idx.msk [tilespmem:v2+s19+$0x0], $0xffff;
	_ =	sdelay $0x1  }
0x2ff: {  	v3 =	vld.idx.msk [tilespmem:v3+s20+$0x0], $0xffff;
	_ =	sdelay $0x1  }
0x300: {  	v4 =	vld.idx.msk [tilespmem:v4+s13+$0x0], $0xffff  }
0x301: {  	v2 =	vadd.f32 v2, v5;
	_ =	sdelay $0x1  }
0x302: {  	v2 =	vadd.f32 v3, v2;
	_ =	sdelay $0x1  }
0x303: {  	v2 =	vadd.f32 v4, v2;
	_ =	sdelay $0x1  }
0x304: {  	v2 =	vmax.f32 v2, $0.0e+00  }
0x305: {  	v3 =	vshrl.u32 v2, $0x10  }
0x306: {  	v3 =	vand.u32 $0x1, v3  }
0x307: {  	v4 =	vld [tilespmem:$0x9C30];
	v2 =	vadd.s32 v3, v2  }
0x308: {  	v2 =	vadd.s32 $0x7FFF, v2  }
0x309: {  	v2 =	vand.u32 $0xFFFF0000, v2  }
0x30a: {  	v1 =	vmul.f32 v2, v1;
	_ =	sdelay $0x1  }
0x30b: {  	v1 =	vadd.f32 v1, v4;
	_ =	sdelay $0x1  }
0x30c: {  	[tilespmem:$0x9C30] =	vst v1  }
0x30d: {  	_ =	swait.ge [sflag:s17], $0x2710  }
0x30e: {  	[sflag:s17] =	ssyncset.done $0x0  }
0x30f: {  	[sflag:s17] =	ssyncadd.s32 $0xFFFFD8F0  }
0x310: {  	_ =	swait.ge [sflag:s17], $0x2710  }
0x311: {  	[sflag:s17] =	ssyncset.done $0x0  }
0x312: {  	[sflag:s17] =	ssyncadd.s32 $0xFFFFD8F0  }
0x313: {  	_ =	swait.ge [sflag:s17], $0x2710  }
0x314: {  	[sflag:s17] =	ssyncset.done $0x0  }
0x315: {  	s25 =	rddreg [dreg:$0x14];
	[sflag:s17] =	ssyncadd.s32 $0xFFFFD8F0  }
0x316: {  	[tilespmem:s18], [sflag:$0x2] =	stream.linear.gather [hbm4b:s25+s3], $0x2710, $0x38;
	[tilespmem:$0x1B3F0] =	vst v63  }
0x317: {  	_ = 	snop  }
0x318: {  	[tilespmem:s19], [sflag:$0x2] =	stream.linear.gather [hbm4b:s6+s3], $0x2710, $0x38;
	[tilespmem:$0x1B3F0] =	vst v63  }
0x319: {  	_ = 	snop  }
0x31a: {  	[tilespmem:s20], [sflag:$0x2] =	stream.linear.gather [hbm4b:s7+s3], $0x2710, $0x38;
	[tilespmem:$0x1B3F0] =	vst v63  }
0x31b: {  	s26 =	simm.s32 $0x20;
	v1 =	vld [tilespmem:$0x1AE50]  }
0x31c: {  	s25 =	simm.s32 $0x2730;
	v2 =	vld [tilespmem:s26+$0x10]  }
0x31d: {  	s28 =	simm.s32 $0x4E40;
	v3 =	vld [tilespmem:s25+$0x10]  }
0x31e: {  	v4 =	vld [tilespmem:s28+$0x10]  }
0x31f: {  	v5 =	vld [tilespmem:s26+$0xFFFFFFE0]  }
0x320: {  	v6 =	vld [tilespmem:s26+$0xFFFFFFF0]  }
0x321: {  	v7 =	vld [tilespmem:s26+$0x0]  }
0x322: {  	v8 =	vld [tilespmem:s25+$0xFFFFFFE0]  }
0x323: {  	s29 =	simm.s32 $0x9C60;
	v9 =	vld [tilespmem:s25+$0xFFFFFFF0]  }
0x324: {  	v10 =	vld [tilespmem:s29+$0x10]  }
0x325: {  	v11 =	vld [tilespmem:s25+$0x0];
	v4 =	vadd.s32 $0x180, v4  }
0x326: {  	v2 =	vld.idx.msk [tilespmem:v2+s15+$0x0], $0xffff  }
0x327: {  	v12 =	vld [tilespmem:s28+$0xFFFFFFE0]  }
0x328: {  	v3 =	vld.idx.msk [tilespmem:v3+s16+$0x0], $0xffff  }
0x329: {  	v13 =	vld [tilespmem:s28+$0xFFFFFFF0]  }
0x32a: {  	v4 =	vld.idx.msk [tilespmem:v4+s13+$0x0], $0xffff  }
0x32b: {  	v15 =	vld [tilespmem:s29+$0x0];
	v2 =	vadd.f32 v2, v10  }
0x32c: {  	v61 =	vld [tilespmem:s29+$0xFFFFFFE0];
	s26 =	simm.s32 $0x7550  }
0x32d: {  	v16 =	vld [tilespmem:s26+$0x10];
	v2 =	vadd.f32 v3, v2  }
0x32e: {  	v10 =	vld [tilespmem:s28+$0x0]  }
0x32f: {  	v5 =	vld.idx.msk [tilespmem:v5+s15+$0x0], $0xffff;
	v2 =	vadd.f32 v4, v2  }
0x330: {  	v14 =	vld.idx.msk [tilespmem:v7+s15+$0x0], $0xffff  }
0x331: {  	v3 =	vld.idx.msk [tilespmem:v6+s15+$0x0], $0xffff;
	v6 =	vadd.s32 $0x180, v12;
	v2 =	vmax.f32 v2, $0.0e+00  }
0x332: {  	v13 =	vadd.s32 $0x180, v13;
	v4 =	vld [tilespmem:s29+$0xFFFFFFF0];
	v7 =	vshrl.u32 v2, $0x10  }
0x333: {  	v8 =	vld.idx.msk [tilespmem:v8+s16+$0x0], $0xffff;
	v10 =	vadd.s32 $0x180, v10;
	v7 =	vand.u32 $0x1, v7  }
0x334: {  	v9 =	vld.idx.msk [tilespmem:v9+s16+$0x0], $0xffff;
	v2 =	vadd.s32 v7, v2  }
0x335: {  	v11 =	vld.idx.msk [tilespmem:v11+s16+$0x0], $0xffff;
	v2 =	vadd.s32 $0x7FFF, v2  }
0x336: {  	v7 =	vld.idx.msk [tilespmem:v6+s13+$0x0], $0xffff;
	v2 =	vand.u32 $0xFFFF0000, v2  }
0x337: {  	v6 =	vld.idx.msk [tilespmem:v13+s13+$0x0], $0xffff;
	v4 =	vadd.f32 v3, v4;
	v3 =	vadd.f32 v5, v61;
	v2 =	vmul.f32 v2, v1  }
0x338: {  	v62 =	vadd.f32 v14, v15;
	v5 =	vld.idx.msk [tilespmem:v10+s13+$0x0], $0xffff  }
0x339: {  	v8 =	vadd.f32 v8, v3;
	v3 =	vld [tilespmem:s26+$0xFFFFFFF0];
	v63 =	vadd.f32 v2, v16  }
0x33a: {  	v10 =	vadd.f32 v9, v4;
	v4 =	vld [tilespmem:s26+$0x0]  }
0x33b: {  	s30 =	simm.s32 $0x0;
	s31 =	simm.s32 $0x60;
	v9 =	vadd.f32 v11, v62;
	v2 =	vld [tilespmem:s26+$0xFFFFFFE0];
	[tilespmem:s26+$0x10] =	vst v63  }
.LBB2_18:
0x33c: {  	v11 =	vld [tilespmem:s31+$0x10];
	s30 =	sadd.s32 $0x4, s30;
	v7 =	vadd.f32 v7, v8;
	s25 =	sadd.s32 $0x40, s25  }
0x33d: {  	v6 =	vadd.f32 v6, v10;
	s28 =	sadd.s32 $0x40, s28;
	v8 =	vld [tilespmem:s25+$0x10];
	p0 =	slt.u32 s30, $0x26C  }
0x33e: {  	v5 =	vadd.f32 v5, v9;
	v10 =	vld [tilespmem:s28+$0x10];
	v7 =	vmax.f32 v7, $0.0e+00  }
0x33f: {  	v6 =	vmax.f32 v6, $0.0e+00;
	v9 =	vld [tilespmem:s31+$0xFFFFFFE0];
	v12 =	vshrl.u32 v7, $0x10  }
0x340: {  	v14 =	vshrl.u32 v6, $0x10;
	v5 =	vmax.f32 v5, $0.0e+00;
	v13 =	vld [tilespmem:s31+$0xFFFFFFF0];
	v12 =	vand.u32 $0x1, v12  }
0x341: {  	v15 =	vld [tilespmem:s31+$0x0];
	v7 =	vadd.s32 v12, v7;
	v12 =	vand.u32 $0x1, v14;
	v14 =	vshrl.u32 v5, $0x10  }
0x342: {  	v16 =	vld [tilespmem:s25+$0xFFFFFFE0];
	v7 =	vadd.s32 $0x7FFF, v7;
	v6 =	vadd.s32 v12, v6;
	v12 =	vand.u32 $0x1, v14  }
0x343: {  	v14 =	vld [tilespmem:s25+$0xFFFFFFF0];
	v10 =	vadd.s32 $0x180, v10;
	v6 =	vadd.s32 $0x7FFF, v6;
	v5 =	vadd.s32 v12, v5  }
0x344: {  	s29 =	sadd.s32 $0x40, s29;
	v7 =	vand.u32 $0xFFFF0000, v7;
	v11 =	vld.idx.msk [tilespmem:v11+s15+$0x0], $0xffff;
	v6 =	vand.u32 $0xFFFF0000, v6;
	v5 =	vadd.s32 $0x7FFF, v5  }
0x345: {  	v7 =	vmul.f32 v7, v1;
	v12 =	vld [tilespmem:s29+$0x10];
	v6 =	vmul.f32 v6, v1;
	v5 =	vand.u32 $0xFFFF0000, v5  }
0x346: {  	v8 =	vld.idx.msk [tilespmem:v8+s16+$0x0], $0xffff;
	v5 =	vmul.f32 v5, v1  }
0x347: {  	v2 =	vadd.f32 v7, v2;
	v17 =	vld [tilespmem:s25+$0x0];
	v3 =	vadd.f32 v6, v3  }
0x348: {  	v6 =	vld.idx.msk [tilespmem:v10+s13+$0x0], $0xffff;
	v4 =	vadd.f32 v5, v4  }
0x349: {  	v5 =	vld [tilespmem:s28+$0xFFFFFFE0];
	[tilespmem:s26+$0xFFFFFFE0] =	vst v2  }
0x34a: {  	v2 =	vld [tilespmem:s28+$0xFFFFFFF0];
	v7 =	vadd.f32 v11, v12;
	[tilespmem:s26+$0xFFFFFFF0] =	vst v3  }
0x34b: {  	v3 =	vld [tilespmem:s28+$0x0];
	[tilespmem:s26+$0x0] =	vst v4  }
0x34c: {  	v4 =	vld.idx.msk [tilespmem:v9+s15+$0x0], $0xffff;
	v7 =	vadd.f32 v8, v7  }
0x34d: {  	v8 =	vld.idx.msk [tilespmem:v13+s15+$0x0], $0xffff  }
0x34e: {  	v5 =	vadd.s32 $0x180, v5;
	v9 =	vld.idx.msk [tilespmem:v15+s15+$0x0], $0xffff;
	v6 =	vadd.f32 v6, v7  }
0x34f: {  	v7 =	vld [tilespmem:s29+$0xFFFFFFF0];
	v2 =	vadd.s32 $0x180, v2  }
0x350: {  	v10 =	vld [tilespmem:s29+$0x0];
	v3 =	vadd.s32 $0x180, v3;
	v6 =	vmax.f32 v6, $0.0e+00  }
0x351: {  	v11 =	vld [tilespmem:s29+$0xFFFFFFE0];
	v12 =	vshrl.u32 v6, $0x10  }
0x352: {  	s26 =	sadd.s32 $0x40, s26;
	v13 =	vld.idx.msk [tilespmem:v16+s16+$0x0], $0xffff;
	v12 =	vand.u32 $0x1, v12  }
0x353: {  	v15 =	vld [tilespmem:s26+$0x10];
	v6 =	vadd.s32 v12, v6  }
0x354: {  	v12 =	vadd.f32 v8, v7;
	v14 =	vld.idx.msk [tilespmem:v14+s16+$0x0], $0xffff;
	v6 =	vadd.s32 $0x7FFF, v6  }
0x355: {  	v9 =	vadd.f32 v9, v10;
	v16 =	vld.idx.msk [tilespmem:v17+s16+$0x0], $0xffff;
	v6 =	vand.u32 $0xFFFF0000, v6  }
0x356: {  	v4 =	vadd.f32 v4, v11;
	v7 =	vld.idx.msk [tilespmem:v5+s13+$0x0], $0xffff;
	v10 =	vmul.f32 v6, v1  }
.Ltmp8:
0x357: {  	v6 =	vld.idx.msk [tilespmem:v2+s13+$0x0], $0xffff;
	(pc) =	sbr.rel @p0 .LBB2_18-.Ltmp8, $4  }
0x358: {  	v8 =	vadd.f32 v13, v4;
	v5 =	vld.idx.msk [tilespmem:v3+s13+$0x0], $0xffff;
	v4 =	vadd.f32 v10, v15  }
0x359: {  	v2 =	vld [tilespmem:s26+$0xFFFFFFE0]  }
0x35a: {  	v10 =	vadd.f32 v14, v12;
	v3 =	vld [tilespmem:s26+$0xFFFFFFF0];
	[tilespmem:s26+$0x10] =	vst v4  }
0x35b: {  	s31 =	sadd.s32 $0x40, s31;
	v9 =	vadd.f32 v16, v9;
	v4 =	vld [tilespmem:s26+$0x0]  }
0x35c: {  	v7 =	vadd.f32 v7, v8  }
0x35d: {  	v6 =	vadd.f32 v6, v10  }
0x35e: {  	v5 =	vadd.f32 v5, v9;
	v7 =	vmax.f32 v7, $0.0e+00  }
0x35f: {  	v6 =	vmax.f32 v6, $0.0e+00;
	v8 =	vshrl.u32 v7, $0x10  }
0x360: {  	v9 =	vshrl.u32 v6, $0x10;
	v5 =	vmax.f32 v5, $0.0e+00;
	v8 =	vand.u32 $0x1, v8  }
0x361: {  	v7 =	vadd.s32 v8, v7;
	v8 =	vand.u32 $0x1, v9;
	v9 =	vshrl.u32 v5, $0x10  }
0x362: {  	v7 =	vadd.s32 $0x7FFF, v7;
	v6 =	vadd.s32 v8, v6;
	v8 =	vand.u32 $0x1, v9  }
0x363: {  	v6 =	vadd.s32 $0x7FFF, v6;
	v5 =	vadd.s32 v8, v5;
	v7 =	vand.u32 $0xFFFF0000, v7  }
0x364: {  	v6 =	vand.u32 $0xFFFF0000, v6;
	v5 =	vadd.s32 $0x7FFF, v5;
	v7 =	vmul.f32 v7, v1  }
0x365: {  	v6 =	vmul.f32 v6, v1;
	v5 =	vand.u32 $0xFFFF0000, v5  }
0x366: {  	v5 =	vmul.f32 v5, v1;
	v2 =	vadd.f32 v7, v2  }
0x367: {  	v3 =	vadd.f32 v6, v3  }
0x368: {  	v4 =	vadd.f32 v5, v4;
	[tilespmem:s26+$0xFFFFFFE0] =	vst v2  }
0x369: {  	[tilespmem:s26+$0xFFFFFFF0] =	vst v3  }
0x36a: {  	[tilespmem:s26+$0x0] =	vst v4  }
0x36b: {  	v2 =	vld [tilespmem:$0x2700]  }
0x36c: {  	v3 =	vld [tilespmem:$0x4E10]  }
0x36d: {  	v4 =	vld [tilespmem:$0x7520];
	_ =	sdelay $0x4  }
0x36e: {  	v5 =	vld [tilespmem:$0xC340];
	v4 =	vadd.s32 $0x180, v4  }
0x36f: {  	v2 =	vld.idx.msk [tilespmem:v2+s15+$0x0], $0xffff;
	_ =	sdelay $0x1  }
0x370: {  	v3 =	vld.idx.msk [tilespmem:v3+s16+$0x0], $0xffff;
	_ =	sdelay $0x1  }
0x371: {  	v4 =	vld.idx.msk [tilespmem:v4+s13+$0x0], $0xffff  }
0x372: {  	v2 =	vadd.f32 v2, v5;
	_ =	sdelay $0x1  }
0x373: {  	v2 =	vadd.f32 v3, v2;
	_ =	sdelay $0x1  }
0x374: {  	v2 =	vadd.f32 v4, v2;
	_ =	sdelay $0x1  }
0x375: {  	v2 =	vmax.f32 v2, $0.0e+00  }
0x376: {  	v3 =	vshrl.u32 v2, $0x10  }
0x377: {  	v3 =	vand.u32 $0x1, v3  }
0x378: {  	v4 =	vld [tilespmem:$0x9C30];
	v2 =	vadd.s32 v3, v2  }
0x379: {  	v2 =	vadd.s32 $0x7FFF, v2  }
0x37a: {  	v2 =	vand.u32 $0xFFFF0000, v2  }
0x37b: {  	v1 =	vmul.f32 v2, v1;
	_ =	sdelay $0x1  }
0x37c: {  	v1 =	vadd.f32 v1, v4;
	_ =	sdelay $0x1  }
0x37d: {  	[tilespmem:$0x9C30] =	vst v1  }
0x37e: {  	_ =	swait.ge [sflag:s21], $0x2710  }
0x37f: {  	[sflag:s21] =	ssyncset.done $0x0  }
0x380: {  	[sflag:s21] =	ssyncadd.s32 $0xFFFFD8F0  }
0x381: {  	_ =	swait.ge [sflag:s21], $0x2710  }
0x382: {  	[sflag:s21] =	ssyncset.done $0x0  }
0x383: {  	[sflag:s21] =	ssyncadd.s32 $0xFFFFD8F0  }
0x384: {  	_ =	swait.ge [sflag:s21], $0x2710  }
0x385: {  	[sflag:s21] =	ssyncset.done $0x0  }
0x386: {  	s25 =	rddreg [dreg:$0x15];
	[sflag:s21] =	ssyncadd.s32 $0xFFFFD8F0  }
0x387: {  	[tilespmem:s14], [sflag:$0x1] =	stream.linear.gather [hbm4b:s25+s3], $0x2710, $0x38;
	[tilespmem:$0x1B3F0] =	vst v63  }
0x388: {  	_ = 	snop  }
0x389: {  	[tilespmem:s15], [sflag:$0x1] =	stream.linear.gather [hbm4b:s8+s3], $0x2710, $0x38;
	[tilespmem:$0x1B3F0] =	vst v63  }
0x38a: {  	_ = 	snop  }
0x38b: {  	[tilespmem:s16], [sflag:$0x1] =	stream.linear.gather [hbm4b:s9+s3], $0x2710, $0x38;
	[tilespmem:$0x1B3F0] =	vst v63  }
0x38c: {  	s26 =	simm.s32 $0x20;
	v1 =	vld [tilespmem:$0x1AE60]  }
0x38d: {  	s25 =	simm.s32 $0x2730;
	v2 =	vld [tilespmem:s26+$0x10]  }
0x38e: {  	s28 =	simm.s32 $0x4E40;
	v3 =	vld [tilespmem:s25+$0x10]  }
0x38f: {  	v4 =	vld [tilespmem:s28+$0x10]  }
0x390: {  	v5 =	vld [tilespmem:s26+$0xFFFFFFE0]  }
0x391: {  	v6 =	vld [tilespmem:s26+$0xFFFFFFF0]  }
0x392: {  	v7 =	vld [tilespmem:s26+$0x0]  }
0x393: {  	v8 =	vld [tilespmem:s25+$0xFFFFFFE0]  }
0x394: {  	s29 =	simm.s32 $0xC370;
	v9 =	vld [tilespmem:s25+$0xFFFFFFF0]  }
0x395: {  	v10 =	vld [tilespmem:s29+$0x10]  }
0x396: {  	v11 =	vld [tilespmem:s25+$0x0];
	v4 =	vadd.s32 $0x1C0, v4  }
0x397: {  	v2 =	vld.idx.msk [tilespmem:v2+s19+$0x0], $0xffff  }
0x398: {  	v12 =	vld [tilespmem:s28+$0xFFFFFFE0]  }
0x399: {  	v3 =	vld.idx.msk [tilespmem:v3+s20+$0x0], $0xffff  }
0x39a: {  	v13 =	vld [tilespmem:s28+$0xFFFFFFF0]  }
0x39b: {  	v4 =	vld.idx.msk [tilespmem:v4+s13+$0x0], $0xffff  }
0x39c: {  	v15 =	vld [tilespmem:s29+$0x0];
	v2 =	vadd.f32 v2, v10  }
0x39d: {  	v61 =	vld [tilespmem:s29+$0xFFFFFFE0];
	s26 =	simm.s32 $0x7550  }
0x39e: {  	v16 =	vld [tilespmem:s26+$0x10];
	v2 =	vadd.f32 v3, v2  }
0x39f: {  	v10 =	vld [tilespmem:s28+$0x0]  }
0x3a0: {  	v5 =	vld.idx.msk [tilespmem:v5+s19+$0x0], $0xffff;
	v2 =	vadd.f32 v4, v2  }
0x3a1: {  	v14 =	vld.idx.msk [tilespmem:v7+s19+$0x0], $0xffff  }
0x3a2: {  	v3 =	vld.idx.msk [tilespmem:v6+s19+$0x0], $0xffff;
	v6 =	vadd.s32 $0x1C0, v12;
	v2 =	vmax.f32 v2, $0.0e+00  }
0x3a3: {  	v13 =	vadd.s32 $0x1C0, v13;
	v4 =	vld [tilespmem:s29+$0xFFFFFFF0];
	v7 =	vshrl.u32 v2, $0x10  }
0x3a4: {  	v8 =	vld.idx.msk [tilespmem:v8+s20+$0x0], $0xffff;
	v10 =	vadd.s32 $0x1C0, v10;
	v7 =	vand.u32 $0x1, v7  }
0x3a5: {  	v9 =	vld.idx.msk [tilespmem:v9+s20+$0x0], $0xffff;
	v2 =	vadd.s32 v7, v2  }
0x3a6: {  	v11 =	vld.idx.msk [tilespmem:v11+s20+$0x0], $0xffff;
	v2 =	vadd.s32 $0x7FFF, v2  }
0x3a7: {  	v7 =	vld.idx.msk [tilespmem:v6+s13+$0x0], $0xffff;
	v2 =	vand.u32 $0xFFFF0000, v2  }
0x3a8: {  	v6 =	vld.idx.msk [tilespmem:v13+s13+$0x0], $0xffff;
	v4 =	vadd.f32 v3, v4;
	v3 =	vadd.f32 v5, v61;
	v2 =	vmul.f32 v2, v1  }
0x3a9: {  	v62 =	vadd.f32 v14, v15;
	v5 =	vld.idx.msk [tilespmem:v10+s13+$0x0], $0xffff  }
0x3aa: {  	v8 =	vadd.f32 v8, v3;
	v3 =	vld [tilespmem:s26+$0xFFFFFFF0];
	v63 =	vadd.f32 v2, v16  }
0x3ab: {  	v10 =	vadd.f32 v9, v4;
	v4 =	vld [tilespmem:s26+$0x0]  }
0x3ac: {  	s30 =	simm.s32 $0x0;
	s31 =	simm.s32 $0x60;
	v9 =	vadd.f32 v11, v62;
	v2 =	vld [tilespmem:s26+$0xFFFFFFE0];
	[tilespmem:s26+$0x10] =	vst v63  }
.LBB2_20:
0x3ad: {  	v11 =	vld [tilespmem:s31+$0x10];
	s30 =	sadd.s32 $0x4, s30;
	v7 =	vadd.f32 v7, v8;
	s25 =	sadd.s32 $0x40, s25  }
0x3ae: {  	v6 =	vadd.f32 v6, v10;
	s28 =	sadd.s32 $0x40, s28;
	v8 =	vld [tilespmem:s25+$0x10];
	p0 =	slt.u32 s30, $0x26C  }
0x3af: {  	v5 =	vadd.f32 v5, v9;
	v10 =	vld [tilespmem:s28+$0x10];
	v7 =	vmax.f32 v7, $0.0e+00  }
0x3b0: {  	v6 =	vmax.f32 v6, $0.0e+00;
	v9 =	vld [tilespmem:s31+$0xFFFFFFE0];
	v12 =	vshrl.u32 v7, $0x10  }
0x3b1: {  	v14 =	vshrl.u32 v6, $0x10;
	v5 =	vmax.f32 v5, $0.0e+00;
	v13 =	vld [tilespmem:s31+$0xFFFFFFF0];
	v12 =	vand.u32 $0x1, v12  }
0x3b2: {  	v15 =	vld [tilespmem:s31+$0x0];
	v7 =	vadd.s32 v12, v7;
	v12 =	vand.u32 $0x1, v14;
	v14 =	vshrl.u32 v5, $0x10  }
0x3b3: {  	v16 =	vld [tilespmem:s25+$0xFFFFFFE0];
	v7 =	vadd.s32 $0x7FFF, v7;
	v6 =	vadd.s32 v12, v6;
	v12 =	vand.u32 $0x1, v14  }
0x3b4: {  	v14 =	vld [tilespmem:s25+$0xFFFFFFF0];
	v10 =	vadd.s32 $0x1C0, v10;
	v6 =	vadd.s32 $0x7FFF, v6;
	v5 =	vadd.s32 v12, v5  }
0x3b5: {  	s29 =	sadd.s32 $0x40, s29;
	v7 =	vand.u32 $0xFFFF0000, v7;
	v11 =	vld.idx.msk [tilespmem:v11+s19+$0x0], $0xffff;
	v6 =	vand.u32 $0xFFFF0000, v6;
	v5 =	vadd.s32 $0x7FFF, v5  }
0x3b6: {  	v7 =	vmul.f32 v7, v1;
	v12 =	vld [tilespmem:s29+$0x10];
	v6 =	vmul.f32 v6, v1;
	v5 =	vand.u32 $0xFFFF0000, v5  }
0x3b7: {  	v8 =	vld.idx.msk [tilespmem:v8+s20+$0x0], $0xffff;
	v5 =	vmul.f32 v5, v1  }
0x3b8: {  	v2 =	vadd.f32 v7, v2;
	v17 =	vld [tilespmem:s25+$0x0];
	v3 =	vadd.f32 v6, v3  }
0x3b9: {  	v6 =	vld.idx.msk [tilespmem:v10+s13+$0x0], $0xffff;
	v4 =	vadd.f32 v5, v4  }
0x3ba: {  	v5 =	vld [tilespmem:s28+$0xFFFFFFE0];
	[tilespmem:s26+$0xFFFFFFE0] =	vst v2  }
0x3bb: {  	v2 =	vld [tilespmem:s28+$0xFFFFFFF0];
	v7 =	vadd.f32 v11, v12;
	[tilespmem:s26+$0xFFFFFFF0] =	vst v3  }
0x3bc: {  	v3 =	vld [tilespmem:s28+$0x0];
	[tilespmem:s26+$0x0] =	vst v4  }
0x3bd: {  	v4 =	vld.idx.msk [tilespmem:v9+s19+$0x0], $0xffff;
	v7 =	vadd.f32 v8, v7  }
0x3be: {  	v8 =	vld.idx.msk [tilespmem:v13+s19+$0x0], $0xffff  }
0x3bf: {  	v5 =	vadd.s32 $0x1C0, v5;
	v9 =	vld.idx.msk [tilespmem:v15+s19+$0x0], $0xffff;
	v6 =	vadd.f32 v6, v7  }
0x3c0: {  	v7 =	vld [tilespmem:s29+$0xFFFFFFF0];
	v2 =	vadd.s32 $0x1C0, v2  }
0x3c1: {  	v10 =	vld [tilespmem:s29+$0x0];
	v3 =	vadd.s32 $0x1C0, v3;
	v6 =	vmax.f32 v6, $0.0e+00  }
0x3c2: {  	v11 =	vld [tilespmem:s29+$0xFFFFFFE0];
	v12 =	vshrl.u32 v6, $0x10  }
0x3c3: {  	s26 =	sadd.s32 $0x40, s26;
	v13 =	vld.idx.msk [tilespmem:v16+s20+$0x0], $0xffff;
	v12 =	vand.u32 $0x1, v12  }
0x3c4: {  	v15 =	vld [tilespmem:s26+$0x10];
	v6 =	vadd.s32 v12, v6  }
0x3c5: {  	v12 =	vadd.f32 v8, v7;
	v14 =	vld.idx.msk [tilespmem:v14+s20+$0x0], $0xffff;
	v6 =	vadd.s32 $0x7FFF, v6  }
0x3c6: {  	v9 =	vadd.f32 v9, v10;
	v16 =	vld.idx.msk [tilespmem:v17+s20+$0x0], $0xffff;
	v6 =	vand.u32 $0xFFFF0000, v6  }
0x3c7: {  	v4 =	vadd.f32 v4, v11;
	v7 =	vld.idx.msk [tilespmem:v5+s13+$0x0], $0xffff;
	v10 =	vmul.f32 v6, v1  }
.Ltmp9:
0x3c8: {  	v6 =	vld.idx.msk [tilespmem:v2+s13+$0x0], $0xffff;
	(pc) =	sbr.rel @p0 .LBB2_20-.Ltmp9, $4  }
0x3c9: {  	v8 =	vadd.f32 v13, v4;
	v5 =	vld.idx.msk [tilespmem:v3+s13+$0x0], $0xffff;
	v4 =	vadd.f32 v10, v15  }
0x3ca: {  	v2 =	vld [tilespmem:s26+$0xFFFFFFE0]  }
0x3cb: {  	v10 =	vadd.f32 v14, v12;
	v3 =	vld [tilespmem:s26+$0xFFFFFFF0];
	[tilespmem:s26+$0x10] =	vst v4  }
0x3cc: {  	s31 =	sadd.s32 $0x40, s31;
	v9 =	vadd.f32 v16, v9;
	v4 =	vld [tilespmem:s26+$0x0]  }
0x3cd: {  	v7 =	vadd.f32 v7, v8  }
0x3ce: {  	v6 =	vadd.f32 v6, v10  }
0x3cf: {  	v5 =	vadd.f32 v5, v9;
	v7 =	vmax.f32 v7, $0.0e+00  }
0x3d0: {  	v6 =	vmax.f32 v6, $0.0e+00;
	v8 =	vshrl.u32 v7, $0x10  }
0x3d1: {  	v9 =	vshrl.u32 v6, $0x10;
	v5 =	vmax.f32 v5, $0.0e+00;
	v8 =	vand.u32 $0x1, v8  }
0x3d2: {  	v7 =	vadd.s32 v8, v7;
	v8 =	vand.u32 $0x1, v9;
	v9 =	vshrl.u32 v5, $0x10  }
0x3d3: {  	v7 =	vadd.s32 $0x7FFF, v7;
	v6 =	vadd.s32 v8, v6;
	v8 =	vand.u32 $0x1, v9  }
0x3d4: {  	v6 =	vadd.s32 $0x7FFF, v6;
	v5 =	vadd.s32 v8, v5;
	v7 =	vand.u32 $0xFFFF0000, v7  }
0x3d5: {  	v6 =	vand.u32 $0xFFFF0000, v6;
	v5 =	vadd.s32 $0x7FFF, v5;
	v7 =	vmul.f32 v7, v1  }
0x3d6: {  	v6 =	vmul.f32 v6, v1;
	v5 =	vand.u32 $0xFFFF0000, v5  }
0x3d7: {  	v5 =	vmul.f32 v5, v1;
	v2 =	vadd.f32 v7, v2  }
0x3d8: {  	v3 =	vadd.f32 v6, v3  }
0x3d9: {  	v4 =	vadd.f32 v5, v4;
	[tilespmem:s26+$0xFFFFFFE0] =	vst v2  }
0x3da: {  	[tilespmem:s26+$0xFFFFFFF0] =	vst v3  }
0x3db: {  	[tilespmem:s26+$0x0] =	vst v4  }
0x3dc: {  	v2 =	vld [tilespmem:$0x2700]  }
0x3dd: {  	v3 =	vld [tilespmem:$0x4E10]  }
0x3de: {  	v4 =	vld [tilespmem:$0x7520];
	_ =	sdelay $0x4  }
0x3df: {  	v5 =	vld [tilespmem:$0xEA50];
	v4 =	vadd.s32 $0x1C0, v4  }
0x3e0: {  	v2 =	vld.idx.msk [tilespmem:v2+s19+$0x0], $0xffff;
	_ =	sdelay $0x1  }
0x3e1: {  	v3 =	vld.idx.msk [tilespmem:v3+s20+$0x0], $0xffff;
	_ =	sdelay $0x1  }
0x3e2: {  	v4 =	vld.idx.msk [tilespmem:v4+s13+$0x0], $0xffff  }
0x3e3: {  	v2 =	vadd.f32 v2, v5;
	_ =	sdelay $0x1  }
0x3e4: {  	v2 =	vadd.f32 v3, v2;
	_ =	sdelay $0x1  }
0x3e5: {  	v2 =	vadd.f32 v4, v2;
	_ =	sdelay $0x1  }
0x3e6: {  	v2 =	vmax.f32 v2, $0.0e+00  }
0x3e7: {  	v3 =	vshrl.u32 v2, $0x10  }
0x3e8: {  	v3 =	vand.u32 $0x1, v3  }
0x3e9: {  	v4 =	vld [tilespmem:$0x9C30];
	v2 =	vadd.s32 v3, v2  }
0x3ea: {  	v2 =	vadd.s32 $0x7FFF, v2  }
0x3eb: {  	v2 =	vand.u32 $0xFFFF0000, v2  }
0x3ec: {  	v1 =	vmul.f32 v2, v1;
	_ =	sdelay $0x1  }
0x3ed: {  	v1 =	vadd.f32 v1, v4;
	_ =	sdelay $0x1  }
0x3ee: {  	[tilespmem:$0x9C30] =	vst v1  }
0x3ef: {  	_ =	swait.ge [sflag:s17], $0x2710  }
0x3f0: {  	[sflag:s17] =	ssyncset.done $0x0  }
0x3f1: {  	[sflag:s17] =	ssyncadd.s32 $0xFFFFD8F0  }
0x3f2: {  	_ =	swait.ge [sflag:s17], $0x2710  }
0x3f3: {  	[sflag:s17] =	ssyncset.done $0x0  }
0x3f4: {  	[sflag:s17] =	ssyncadd.s32 $0xFFFFD8F0  }
0x3f5: {  	_ =	swait.ge [sflag:s17], $0x2710  }
0x3f6: {  	[sflag:s17] =	ssyncset.done $0x0  }
0x3f7: {  	s25 =	rddreg [dreg:$0x16];
	[sflag:s17] =	ssyncadd.s32 $0xFFFFD8F0  }
0x3f8: {  	[tilespmem:s18], [sflag:$0x2] =	stream.linear.gather [hbm4b:s25+s3], $0x2710, $0x38;
	[tilespmem:$0x1B3F0] =	vst v63  }
0x3f9: {  	_ = 	snop  }
0x3fa: {  	[tilespmem:s19], [sflag:$0x2] =	stream.linear.gather [hbm4b:s10+s3], $0x2710, $0x38;
	[tilespmem:$0x1B3F0] =	vst v63  }
0x3fb: {  	_ = 	snop  }
0x3fc: {  	[tilespmem:s20], [sflag:$0x2] =	stream.linear.gather [hbm4b:s11+s3], $0x2710, $0x38;
	[tilespmem:$0x1B3F0] =	vst v63  }
0x3fd: {  	s26 =	simm.s32 $0x20;
	v1 =	vld [tilespmem:$0x1AE70]  }
0x3fe: {  	s25 =	simm.s32 $0x2730;
	v2 =	vld [tilespmem:s26+$0x10]  }
0x3ff: {  	s28 =	simm.s32 $0x4E40;
	v3 =	vld [tilespmem:s25+$0x10]  }
0x400: {  	v4 =	vld [tilespmem:s28+$0x10]  }
0x401: {  	v5 =	vld [tilespmem:s26+$0xFFFFFFE0]  }
0x402: {  	v6 =	vld [tilespmem:s26+$0xFFFFFFF0]  }
0x403: {  	v7 =	vld [tilespmem:s26+$0x0]  }
0x404: {  	v8 =	vld [tilespmem:s25+$0xFFFFFFE0]  }
0x405: {  	s29 =	simm.s32 $0x9C60;
	v9 =	vld [tilespmem:s25+$0xFFFFFFF0]  }
0x406: {  	v10 =	vld [tilespmem:s29+$0x10]  }
0x407: {  	v11 =	vld [tilespmem:s25+$0x0];
	v4 =	vadd.s32 $0x200, v4  }
0x408: {  	v2 =	vld.idx.msk [tilespmem:v2+s15+$0x0], $0xffff  }
0x409: {  	v12 =	vld [tilespmem:s28+$0xFFFFFFE0]  }
0x40a: {  	v3 =	vld.idx.msk [tilespmem:v3+s16+$0x0], $0xffff  }
0x40b: {  	v13 =	vld [tilespmem:s28+$0xFFFFFFF0]  }
0x40c: {  	v4 =	vld.idx.msk [tilespmem:v4+s13+$0x0], $0xffff  }
0x40d: {  	v15 =	vld [tilespmem:s29+$0x0];
	v2 =	vadd.f32 v2, v10  }
0x40e: {  	v61 =	vld [tilespmem:s29+$0xFFFFFFE0];
	s26 =	simm.s32 $0x7550  }
0x40f: {  	v16 =	vld [tilespmem:s26+$0x10];
	v2 =	vadd.f32 v3, v2  }
0x410: {  	v10 =	vld [tilespmem:s28+$0x0]  }
0x411: {  	v5 =	vld.idx.msk [tilespmem:v5+s15+$0x0], $0xffff;
	v2 =	vadd.f32 v4, v2  }
0x412: {  	v14 =	vld.idx.msk [tilespmem:v7+s15+$0x0], $0xffff  }
0x413: {  	v3 =	vld.idx.msk [tilespmem:v6+s15+$0x0], $0xffff;
	v6 =	vadd.s32 $0x200, v12;
	v2 =	vmax.f32 v2, $0.0e+00  }
0x414: {  	v13 =	vadd.s32 $0x200, v13;
	v4 =	vld [tilespmem:s29+$0xFFFFFFF0];
	v7 =	vshrl.u32 v2, $0x10  }
0x415: {  	v8 =	vld.idx.msk [tilespmem:v8+s16+$0x0], $0xffff;
	v10 =	vadd.s32 $0x200, v10;
	v7 =	vand.u32 $0x1, v7  }
0x416: {  	v9 =	vld.idx.msk [tilespmem:v9+s16+$0x0], $0xffff;
	v2 =	vadd.s32 v7, v2  }
0x417: {  	v11 =	vld.idx.msk [tilespmem:v11+s16+$0x0], $0xffff;
	v2 =	vadd.s32 $0x7FFF, v2  }
0x418: {  	v7 =	vld.idx.msk [tilespmem:v6+s13+$0x0], $0xffff;
	v2 =	vand.u32 $0xFFFF0000, v2  }
0x419: {  	v6 =	vld.idx.msk [tilespmem:v13+s13+$0x0], $0xffff;
	v4 =	vadd.f32 v3, v4;
	v3 =	vadd.f32 v5, v61;
	v2 =	vmul.f32 v2, v1  }
0x41a: {  	v62 =	vadd.f32 v14, v15;
	v5 =	vld.idx.msk [tilespmem:v10+s13+$0x0], $0xffff  }
0x41b: {  	v8 =	vadd.f32 v8, v3;
	v3 =	vld [tilespmem:s26+$0xFFFFFFF0];
	v63 =	vadd.f32 v2, v16  }
0x41c: {  	v10 =	vadd.f32 v9, v4;
	v4 =	vld [tilespmem:s26+$0x0]  }
0x41d: {  	s30 =	simm.s32 $0x0;
	s31 =	simm.s32 $0x60;
	v9 =	vadd.f32 v11, v62;
	v2 =	vld [tilespmem:s26+$0xFFFFFFE0];
	[tilespmem:s26+$0x10] =	vst v63  }
.LBB2_22:
0x41e: {  	v11 =	vld [tilespmem:s31+$0x10];
	s30 =	sadd.s32 $0x4, s30;
	v7 =	vadd.f32 v7, v8;
	s25 =	sadd.s32 $0x40, s25  }
0x41f: {  	v6 =	vadd.f32 v6, v10;
	s28 =	sadd.s32 $0x40, s28;
	v8 =	vld [tilespmem:s25+$0x10];
	p0 =	slt.u32 s30, $0x26C  }
0x420: {  	v5 =	vadd.f32 v5, v9;
	v10 =	vld [tilespmem:s28+$0x10];
	v7 =	vmax.f32 v7, $0.0e+00  }
0x421: {  	v6 =	vmax.f32 v6, $0.0e+00;
	v9 =	vld [tilespmem:s31+$0xFFFFFFE0];
	v12 =	vshrl.u32 v7, $0x10  }
0x422: {  	v14 =	vshrl.u32 v6, $0x10;
	v5 =	vmax.f32 v5, $0.0e+00;
	v13 =	vld [tilespmem:s31+$0xFFFFFFF0];
	v12 =	vand.u32 $0x1, v12  }
0x423: {  	v15 =	vld [tilespmem:s31+$0x0];
	v7 =	vadd.s32 v12, v7;
	v12 =	vand.u32 $0x1, v14;
	v14 =	vshrl.u32 v5, $0x10  }
0x424: {  	v16 =	vld [tilespmem:s25+$0xFFFFFFE0];
	v7 =	vadd.s32 $0x7FFF, v7;
	v6 =	vadd.s32 v12, v6;
	v12 =	vand.u32 $0x1, v14  }
0x425: {  	v14 =	vld [tilespmem:s25+$0xFFFFFFF0];
	v10 =	vadd.s32 $0x200, v10;
	v6 =	vadd.s32 $0x7FFF, v6;
	v5 =	vadd.s32 v12, v5  }
0x426: {  	s29 =	sadd.s32 $0x40, s29;
	v7 =	vand.u32 $0xFFFF0000, v7;
	v11 =	vld.idx.msk [tilespmem:v11+s15+$0x0], $0xffff;
	v6 =	vand.u32 $0xFFFF0000, v6;
	v5 =	vadd.s32 $0x7FFF, v5  }
0x427: {  	v7 =	vmul.f32 v7, v1;
	v12 =	vld [tilespmem:s29+$0x10];
	v6 =	vmul.f32 v6, v1;
	v5 =	vand.u32 $0xFFFF0000, v5  }
0x428: {  	v8 =	vld.idx.msk [tilespmem:v8+s16+$0x0], $0xffff;
	v5 =	vmul.f32 v5, v1  }
0x429: {  	v2 =	vadd.f32 v7, v2;
	v17 =	vld [tilespmem:s25+$0x0];
	v3 =	vadd.f32 v6, v3  }
0x42a: {  	v6 =	vld.idx.msk [tilespmem:v10+s13+$0x0], $0xffff;
	v4 =	vadd.f32 v5, v4  }
0x42b: {  	v5 =	vld [tilespmem:s28+$0xFFFFFFE0];
	[tilespmem:s26+$0xFFFFFFE0] =	vst v2  }
0x42c: {  	v2 =	vld [tilespmem:s28+$0xFFFFFFF0];
	v7 =	vadd.f32 v11, v12;
	[tilespmem:s26+$0xFFFFFFF0] =	vst v3  }
0x42d: {  	v3 =	vld [tilespmem:s28+$0x0];
	[tilespmem:s26+$0x0] =	vst v4  }
0x42e: {  	v4 =	vld.idx.msk [tilespmem:v9+s15+$0x0], $0xffff;
	v7 =	vadd.f32 v8, v7  }
0x42f: {  	v8 =	vld.idx.msk [tilespmem:v13+s15+$0x0], $0xffff  }
0x430: {  	v5 =	vadd.s32 $0x200, v5;
	v9 =	vld.idx.msk [tilespmem:v15+s15+$0x0], $0xffff;
	v6 =	vadd.f32 v6, v7  }
0x431: {  	v7 =	vld [tilespmem:s29+$0xFFFFFFF0];
	v2 =	vadd.s32 $0x200, v2  }
0x432: {  	v10 =	vld [tilespmem:s29+$0x0];
	v3 =	vadd.s32 $0x200, v3;
	v6 =	vmax.f32 v6, $0.0e+00  }
0x433: {  	v11 =	vld [tilespmem:s29+$0xFFFFFFE0];
	v12 =	vshrl.u32 v6, $0x10  }
0x434: {  	s26 =	sadd.s32 $0x40, s26;
	v13 =	vld.idx.msk [tilespmem:v16+s16+$0x0], $0xffff;
	v12 =	vand.u32 $0x1, v12  }
0x435: {  	v15 =	vld [tilespmem:s26+$0x10];
	v6 =	vadd.s32 v12, v6  }
0x436: {  	v12 =	vadd.f32 v8, v7;
	v14 =	vld.idx.msk [tilespmem:v14+s16+$0x0], $0xffff;
	v6 =	vadd.s32 $0x7FFF, v6  }
0x437: {  	v9 =	vadd.f32 v9, v10;
	v16 =	vld.idx.msk [tilespmem:v17+s16+$0x0], $0xffff;
	v6 =	vand.u32 $0xFFFF0000, v6  }
0x438: {  	v4 =	vadd.f32 v4, v11;
	v7 =	vld.idx.msk [tilespmem:v5+s13+$0x0], $0xffff;
	v10 =	vmul.f32 v6, v1  }
.Ltmp10:
0x439: {  	v6 =	vld.idx.msk [tilespmem:v2+s13+$0x0], $0xffff;
	(pc) =	sbr.rel @p0 .LBB2_22-.Ltmp10, $4  }
0x43a: {  	v8 =	vadd.f32 v13, v4;
	v5 =	vld.idx.msk [tilespmem:v3+s13+$0x0], $0xffff;
	v4 =	vadd.f32 v10, v15  }
0x43b: {  	v2 =	vld [tilespmem:s26+$0xFFFFFFE0]  }
0x43c: {  	v10 =	vadd.f32 v14, v12;
	v3 =	vld [tilespmem:s26+$0xFFFFFFF0];
	[tilespmem:s26+$0x10] =	vst v4  }
0x43d: {  	s31 =	sadd.s32 $0x40, s31;
	v9 =	vadd.f32 v16, v9;
	v4 =	vld [tilespmem:s26+$0x0]  }
0x43e: {  	v7 =	vadd.f32 v7, v8  }
0x43f: {  	v6 =	vadd.f32 v6, v10  }
0x440: {  	v5 =	vadd.f32 v5, v9;
	v7 =	vmax.f32 v7, $0.0e+00  }
0x441: {  	v6 =	vmax.f32 v6, $0.0e+00;
	v8 =	vshrl.u32 v7, $0x10  }
0x442: {  	v9 =	vshrl.u32 v6, $0x10;
	v5 =	vmax.f32 v5, $0.0e+00;
	v8 =	vand.u32 $0x1, v8  }
0x443: {  	v7 =	vadd.s32 v8, v7;
	v8 =	vand.u32 $0x1, v9;
	v9 =	vshrl.u32 v5, $0x10  }
0x444: {  	v7 =	vadd.s32 $0x7FFF, v7;
	v6 =	vadd.s32 v8, v6;
	v8 =	vand.u32 $0x1, v9  }
0x445: {  	v6 =	vadd.s32 $0x7FFF, v6;
	v5 =	vadd.s32 v8, v5;
	v7 =	vand.u32 $0xFFFF0000, v7  }
0x446: {  	v6 =	vand.u32 $0xFFFF0000, v6;
	v5 =	vadd.s32 $0x7FFF, v5;
	v7 =	vmul.f32 v7, v1  }
0x447: {  	v6 =	vmul.f32 v6, v1;
	v5 =	vand.u32 $0xFFFF0000, v5  }
0x448: {  	v5 =	vmul.f32 v5, v1;
	v2 =	vadd.f32 v7, v2  }
0x449: {  	v3 =	vadd.f32 v6, v3  }
0x44a: {  	v4 =	vadd.f32 v5, v4;
	[tilespmem:s26+$0xFFFFFFE0] =	vst v2  }
0x44b: {  	[tilespmem:s26+$0xFFFFFFF0] =	vst v3  }
0x44c: {  	[tilespmem:s26+$0x0] =	vst v4  }
0x44d: {  	v2 =	vld [tilespmem:$0x2700]  }
0x44e: {  	v3 =	vld [tilespmem:$0x4E10]  }
0x44f: {  	v4 =	vld [tilespmem:$0x7520];
	_ =	sdelay $0x4  }
0x450: {  	v5 =	vld [tilespmem:$0xC340];
	v4 =	vadd.s32 $0x200, v4  }
0x451: {  	v2 =	vld.idx.msk [tilespmem:v2+s15+$0x0], $0xffff;
	_ =	sdelay $0x1  }
0x452: {  	v3 =	vld.idx.msk [tilespmem:v3+s16+$0x0], $0xffff;
	_ =	sdelay $0x1  }
0x453: {  	v4 =	vld.idx.msk [tilespmem:v4+s13+$0x0], $0xffff  }
0x454: {  	v2 =	vadd.f32 v2, v5;
	_ =	sdelay $0x1  }
0x455: {  	v2 =	vadd.f32 v3, v2;
	_ =	sdelay $0x1  }
0x456: {  	v2 =	vadd.f32 v4, v2;
	_ =	sdelay $0x1  }
0x457: {  	v2 =	vmax.f32 v2, $0.0e+00  }
0x458: {  	v3 =	vshrl.u32 v2, $0x10  }
0x459: {  	v3 =	vand.u32 $0x1, v3  }
0x45a: {  	v4 =	vld [tilespmem:$0x9C30];
	v2 =	vadd.s32 v3, v2  }
0x45b: {  	v2 =	vadd.s32 $0x7FFF, v2  }
0x45c: {  	v2 =	vand.u32 $0xFFFF0000, v2  }
0x45d: {  	v1 =	vmul.f32 v2, v1;
	_ =	sdelay $0x1  }
0x45e: {  	v1 =	vadd.f32 v1, v4;
	_ =	sdelay $0x1  }
0x45f: {  	[tilespmem:$0x9C30] =	vst v1  }
0x460: {  	_ =	swait.ge [sflag:s21], $0x2710  }
0x461: {  	[sflag:s21] =	ssyncset.done $0x0  }
0x462: {  	[sflag:s21] =	ssyncadd.s32 $0xFFFFD8F0  }
0x463: {  	_ =	swait.ge [sflag:s21], $0x2710  }
0x464: {  	[sflag:s21] =	ssyncset.done $0x0  }
0x465: {  	[sflag:s21] =	ssyncadd.s32 $0xFFFFD8F0  }
0x466: {  	_ =	swait.ge [sflag:s21], $0x2710  }
0x467: {  	[sflag:s21] =	ssyncset.done $0x0  }
0x468: {  	[sflag:s21] =	ssyncadd.s32 $0xFFFFD8F0  }
0x469: {  	s26 =	simm.s32 $0x20;
	v1 =	vld [tilespmem:$0x1AE80]  }
0x46a: {  	s25 =	simm.s32 $0x2730;
	v2 =	vld [tilespmem:s26+$0x10]  }
0x46b: {  	s28 =	simm.s32 $0x4E40;
	v3 =	vld [tilespmem:s25+$0x10]  }
0x46c: {  	v4 =	vld [tilespmem:s28+$0x10]  }
0x46d: {  	v5 =	vld [tilespmem:s26+$0xFFFFFFE0]  }
0x46e: {  	v6 =	vld [tilespmem:s26+$0xFFFFFFF0]  }
0x46f: {  	v7 =	vld [tilespmem:s26+$0x0]  }
0x470: {  	v8 =	vld [tilespmem:s25+$0xFFFFFFE0]  }
0x471: {  	s29 =	simm.s32 $0xC370;
	v9 =	vld [tilespmem:s25+$0xFFFFFFF0]  }
0x472: {  	v10 =	vld [tilespmem:s29+$0x10]  }
0x473: {  	v11 =	vld [tilespmem:s25+$0x0];
	v4 =	vadd.s32 $0x240, v4  }
0x474: {  	v2 =	vld.idx.msk [tilespmem:v2+s19+$0x0], $0xffff  }
0x475: {  	v12 =	vld [tilespmem:s28+$0xFFFFFFE0]  }
0x476: {  	v3 =	vld.idx.msk [tilespmem:v3+s20+$0x0], $0xffff  }
0x477: {  	v13 =	vld [tilespmem:s28+$0xFFFFFFF0]  }
0x478: {  	v4 =	vld.idx.msk [tilespmem:v4+s13+$0x0], $0xffff  }
0x479: {  	v15 =	vld [tilespmem:s29+$0x0];
	v2 =	vadd.f32 v2, v10  }
0x47a: {  	v61 =	vld [tilespmem:s29+$0xFFFFFFE0];
	s26 =	simm.s32 $0x7550  }
0x47b: {  	v16 =	vld [tilespmem:s26+$0x10];
	v2 =	vadd.f32 v3, v2  }
0x47c: {  	v10 =	vld [tilespmem:s28+$0x0]  }
0x47d: {  	v5 =	vld.idx.msk [tilespmem:v5+s19+$0x0], $0xffff;
	v2 =	vadd.f32 v4, v2  }
0x47e: {  	v14 =	vld.idx.msk [tilespmem:v7+s19+$0x0], $0xffff  }
0x47f: {  	v3 =	vld.idx.msk [tilespmem:v6+s19+$0x0], $0xffff;
	v6 =	vadd.s32 $0x240, v12;
	v2 =	vmax.f32 v2, $0.0e+00  }
0x480: {  	v13 =	vadd.s32 $0x240, v13;
	v4 =	vld [tilespmem:s29+$0xFFFFFFF0];
	v7 =	vshrl.u32 v2, $0x10  }
0x481: {  	v8 =	vld.idx.msk [tilespmem:v8+s20+$0x0], $0xffff;
	v10 =	vadd.s32 $0x240, v10;
	v7 =	vand.u32 $0x1, v7  }
0x482: {  	v9 =	vld.idx.msk [tilespmem:v9+s20+$0x0], $0xffff;
	v2 =	vadd.s32 v7, v2  }
0x483: {  	v11 =	vld.idx.msk [tilespmem:v11+s20+$0x0], $0xffff;
	v2 =	vadd.s32 $0x7FFF, v2  }
0x484: {  	v7 =	vld.idx.msk [tilespmem:v6+s13+$0x0], $0xffff;
	v2 =	vand.u32 $0xFFFF0000, v2  }
0x485: {  	v6 =	vld.idx.msk [tilespmem:v13+s13+$0x0], $0xffff;
	v4 =	vadd.f32 v3, v4;
	v3 =	vadd.f32 v5, v61;
	v2 =	vmul.f32 v2, v1  }
0x486: {  	v62 =	vadd.f32 v14, v15;
	v5 =	vld.idx.msk [tilespmem:v10+s13+$0x0], $0xffff  }
0x487: {  	v8 =	vadd.f32 v8, v3;
	v3 =	vld [tilespmem:s26+$0xFFFFFFF0];
	v63 =	vadd.f32 v2, v16  }
0x488: {  	v10 =	vadd.f32 v9, v4;
	v4 =	vld [tilespmem:s26+$0x0]  }
0x489: {  	s30 =	simm.s32 $0x0;
	s31 =	simm.s32 $0x60;
	v9 =	vadd.f32 v11, v62;
	v2 =	vld [tilespmem:s26+$0xFFFFFFE0];
	[tilespmem:s26+$0x10] =	vst v63  }
.LBB2_24:
0x48a: {  	v11 =	vld [tilespmem:s31+$0x10];
	s30 =	sadd.s32 $0x4, s30;
	v7 =	vadd.f32 v7, v8;
	s25 =	sadd.s32 $0x40, s25  }
0x48b: {  	v6 =	vadd.f32 v6, v10;
	s28 =	sadd.s32 $0x40, s28;
	v8 =	vld [tilespmem:s25+$0x10];
	p0 =	slt.u32 s30, $0x26C  }
0x48c: {  	v5 =	vadd.f32 v5, v9;
	v10 =	vld [tilespmem:s28+$0x10];
	v7 =	vmax.f32 v7, $0.0e+00  }
0x48d: {  	v6 =	vmax.f32 v6, $0.0e+00;
	v9 =	vld [tilespmem:s31+$0xFFFFFFE0];
	v12 =	vshrl.u32 v7, $0x10  }
0x48e: {  	v14 =	vshrl.u32 v6, $0x10;
	v5 =	vmax.f32 v5, $0.0e+00;
	v13 =	vld [tilespmem:s31+$0xFFFFFFF0];
	v12 =	vand.u32 $0x1, v12  }
0x48f: {  	v15 =	vld [tilespmem:s31+$0x0];
	v7 =	vadd.s32 v12, v7;
	v12 =	vand.u32 $0x1, v14;
	v14 =	vshrl.u32 v5, $0x10  }
0x490: {  	v16 =	vld [tilespmem:s25+$0xFFFFFFE0];
	v7 =	vadd.s32 $0x7FFF, v7;
	v6 =	vadd.s32 v12, v6;
	v12 =	vand.u32 $0x1, v14  }
0x491: {  	v14 =	vld [tilespmem:s25+$0xFFFFFFF0];
	v10 =	vadd.s32 $0x240, v10;
	v6 =	vadd.s32 $0x7FFF, v6;
	v5 =	vadd.s32 v12, v5  }
0x492: {  	s29 =	sadd.s32 $0x40, s29;
	v7 =	vand.u32 $0xFFFF0000, v7;
	v11 =	vld.idx.msk [tilespmem:v11+s19+$0x0], $0xffff;
	v6 =	vand.u32 $0xFFFF0000, v6;
	v5 =	vadd.s32 $0x7FFF, v5  }
0x493: {  	v7 =	vmul.f32 v7, v1;
	v12 =	vld [tilespmem:s29+$0x10];
	v6 =	vmul.f32 v6, v1;
	v5 =	vand.u32 $0xFFFF0000, v5  }
0x494: {  	v8 =	vld.idx.msk [tilespmem:v8+s20+$0x0], $0xffff;
	v5 =	vmul.f32 v5, v1  }
0x495: {  	v2 =	vadd.f32 v7, v2;
	v17 =	vld [tilespmem:s25+$0x0];
	v3 =	vadd.f32 v6, v3  }
0x496: {  	v6 =	vld.idx.msk [tilespmem:v10+s13+$0x0], $0xffff;
	v4 =	vadd.f32 v5, v4  }
0x497: {  	v5 =	vld [tilespmem:s28+$0xFFFFFFE0];
	[tilespmem:s26+$0xFFFFFFE0] =	vst v2  }
0x498: {  	v2 =	vld [tilespmem:s28+$0xFFFFFFF0];
	v7 =	vadd.f32 v11, v12;
	[tilespmem:s26+$0xFFFFFFF0] =	vst v3  }
0x499: {  	v3 =	vld [tilespmem:s28+$0x0];
	[tilespmem:s26+$0x0] =	vst v4  }
0x49a: {  	v4 =	vld.idx.msk [tilespmem:v9+s19+$0x0], $0xffff;
	v7 =	vadd.f32 v8, v7  }
0x49b: {  	v8 =	vld.idx.msk [tilespmem:v13+s19+$0x0], $0xffff  }
0x49c: {  	v5 =	vadd.s32 $0x240, v5;
	v9 =	vld.idx.msk [tilespmem:v15+s19+$0x0], $0xffff;
	v6 =	vadd.f32 v6, v7  }
0x49d: {  	v7 =	vld [tilespmem:s29+$0xFFFFFFF0];
	v2 =	vadd.s32 $0x240, v2  }
0x49e: {  	v10 =	vld [tilespmem:s29+$0x0];
	v3 =	vadd.s32 $0x240, v3;
	v6 =	vmax.f32 v6, $0.0e+00  }
0x49f: {  	v11 =	vld [tilespmem:s29+$0xFFFFFFE0];
	v12 =	vshrl.u32 v6, $0x10  }
0x4a0: {  	s26 =	sadd.s32 $0x40, s26;
	v13 =	vld.idx.msk [tilespmem:v16+s20+$0x0], $0xffff;
	v12 =	vand.u32 $0x1, v12  }
0x4a1: {  	v15 =	vld [tilespmem:s26+$0x10];
	v6 =	vadd.s32 v12, v6  }
0x4a2: {  	v12 =	vadd.f32 v8, v7;
	v14 =	vld.idx.msk [tilespmem:v14+s20+$0x0], $0xffff;
	v6 =	vadd.s32 $0x7FFF, v6  }
0x4a3: {  	v9 =	vadd.f32 v9, v10;
	v16 =	vld.idx.msk [tilespmem:v17+s20+$0x0], $0xffff;
	v6 =	vand.u32 $0xFFFF0000, v6  }
0x4a4: {  	v4 =	vadd.f32 v4, v11;
	v7 =	vld.idx.msk [tilespmem:v5+s13+$0x0], $0xffff;
	v10 =	vmul.f32 v6, v1  }
.Ltmp11:
0x4a5: {  	v6 =	vld.idx.msk [tilespmem:v2+s13+$0x0], $0xffff;
	(pc) =	sbr.rel @p0 .LBB2_24-.Ltmp11, $4  }
0x4a6: {  	v8 =	vadd.f32 v13, v4;
	v5 =	vld.idx.msk [tilespmem:v3+s13+$0x0], $0xffff;
	v4 =	vadd.f32 v10, v15  }
0x4a7: {  	v2 =	vld [tilespmem:s26+$0xFFFFFFE0]  }
0x4a8: {  	v10 =	vadd.f32 v14, v12;
	v3 =	vld [tilespmem:s26+$0xFFFFFFF0];
	[tilespmem:s26+$0x10] =	vst v4  }
0x4a9: {  	s31 =	sadd.s32 $0x40, s31;
	v9 =	vadd.f32 v16, v9;
	v4 =	vld [tilespmem:s26+$0x0]  }
0x4aa: {  	v7 =	vadd.f32 v7, v8  }
0x4ab: {  	v6 =	vadd.f32 v6, v10  }
0x4ac: {  	v5 =	vadd.f32 v5, v9;
	v7 =	vmax.f32 v7, $0.0e+00  }
0x4ad: {  	v6 =	vmax.f32 v6, $0.0e+00;
	v57 =	vshrl.u32 v7, $0x10  }
0x4ae: {  	v58 =	vshrl.u32 v6, $0x10;
	v5 =	vmax.f32 v5, $0.0e+00;
	v8 =	vand.u32 $0x1, v57  }
0x4af: {  	v59 =	vand.u32 $0x1, v58;
	v60 =	vshrl.u32 v5, $0x10;
	v7 =	vadd.s32 v8, v7  }
0x4b0: {  	v6 =	vadd.s32 v59, v6;
	v61 =	vand.u32 $0x1, v60;
	v7 =	vadd.s32 $0x7FFF, v7  }
0x4b1: {  	v6 =	vadd.s32 $0x7FFF, v6;
	v5 =	vadd.s32 v61, v5;
	v7 =	vand.u32 $0xFFFF0000, v7  }
0x4b2: {  	v6 =	vand.u32 $0xFFFF0000, v6;
	v5 =	vadd.s32 $0x7FFF, v5;
	v7 =	vmul.f32 v7, v1  }
0x4b3: {  	v6 =	vmul.f32 v6, v1;
	v5 =	vand.u32 $0xFFFF0000, v5  }
0x4b4: {  	v5 =	vmul.f32 v5, v1;
	v2 =	vadd.f32 v7, v2  }
0x4b5: {  	v3 =	vadd.f32 v6, v3  }
0x4b6: {  	v4 =	vadd.f32 v5, v4;
	[tilespmem:s26+$0xFFFFFFE0] =	vst v2  }
0x4b7: {  	[tilespmem:s26+$0xFFFFFFF0] =	vst v3  }
0x4b8: {  	[tilespmem:s26+$0x0] =	vst v4  }
0x4b9: {  	v2 =	vld [tilespmem:$0x2700]  }
0x4ba: {  	v3 =	vld [tilespmem:$0x4E10]  }
0x4bb: {  	v4 =	vld [tilespmem:$0x7520];
	_ =	sdelay $0x4  }
0x4bc: {  	v62 =	vld [tilespmem:$0xEA50];
	v4 =	vadd.s32 $0x240, v4  }
0x4bd: {  	v2 =	vld.idx.msk [tilespmem:v2+s19+$0x0], $0xffff;
	_ =	sdelay $0x1  }
0x4be: {  	v3 =	vld.idx.msk [tilespmem:v3+s20+$0x0], $0xffff;
	_ =	sdelay $0x1  }
0x4bf: {  	v4 =	vld.idx.msk [tilespmem:v4+s13+$0x0], $0xffff  }
0x4c0: {  	v2 =	vadd.f32 v2, v62;
	_ =	sdelay $0x1  }
0x4c1: {  	v2 =	vadd.f32 v3, v2;
	_ =	sdelay $0x1  }
0x4c2: {  	v2 =	vadd.f32 v4, v2;
	_ =	sdelay $0x1  }
0x4c3: {  	v2 =	vmax.f32 v2, $0.0e+00  }
0x4c4: {  	v3 =	vshrl.u32 v2, $0x10  }
0x4c5: {  	v3 =	vand.u32 $0x1, v3  }
0x4c6: {  	v63 =	vld [tilespmem:$0x9C30];
	v2 =	vadd.s32 v3, v2  }
0x4c7: {  	v2 =	vadd.s32 $0x7FFF, v2  }
0x4c8: {  	v2 =	vand.u32 $0xFFFF0000, v2  }
0x4c9: {  	v1 =	vmul.f32 v2, v1;
	_ =	sdelay $0x1  }
0x4ca: {  	v1 =	vadd.f32 v1, v63;
	_ =	sdelay $0x1  }
0x4cb: {  	s25 =	simm.s32 $0x0;
	s28 =	simm.s32 $0x7530;
	s26 =	rddreg [dreg:$0x18];
	[tilespmem:$0x9C30] =	vst v1  }
0x4cc: {  	[hbm4b:s26+s25] =	stream.linear.scatter [tilespmem:s28], [sflag:$0x3], $0x2710, $0x38;
	[tilespmem:$0x1B3F0] =	vst v63  }
0x4cd: {  	_ =	swait.ge [sflag:s12], $0x2710  }
0x4ce: {  	[sflag:s12] =	ssyncset.done $0x0  }
0x4cf: {  	s31 =	simm.s32 $0x0;
	[sflag:s12] =	ssyncadd.s32 $0xFFFFD8F0  }
0x4d0: {  	v2 =	vld [tilespmem:s31+$0x2710];
	_ =	sdelay $0x2  }
0x4d1: {  	v1 =	vld [tilespmem:s31+$0x7530];
	_ =	sdelay $0x4  }
0x4d2: {  	[tilespmem:v2+s22+$0x0] =	vst.idx.add.f32.msk $0xffff, v1  }
0x4d3: {  	s25 =	simm.s32 $0x40;
	s26 =	simm.s32 $0x80;
	v2 =	vld [tilespmem:s31+$0x4E20]  }
.LBB2_26:
0x4d4: {  	_ =	sdelay $0x5  }
0x4d5: {  	p0 =	sne.s32 s26, $0x9C00  }
0x4d6: {  	s28 =	sshra.s32 s25, $0x2;
	s25 =	smov.u32 s26;
	s26 =	sadd.s32 $0x40, s26;
	[tilespmem:v2+s23+$0x0] =	vst.idx.add.f32.msk $0xffff, v1  }
0x4d7: {  	v2 =	vld [tilespmem:s28+$0x2710];
	_ =	sdelay $0x2  }
0x4d8: {  	v1 =	vld [tilespmem:s28+$0x7530];
	_ =	sdelay $0x1  }
.Ltmp12:
0x4d9: {  	(pc) =	sbr.rel @p0 .LBB2_26-.Ltmp12, $3  }
0x4da: {  	_ =	sdelay $0x1  }
0x4db: {  	[tilespmem:v2+s22+$0x0] =	vst.idx.add.f32.msk $0xffff, v1  }
0x4dc: {  	v2 =	vld [tilespmem:s28+$0x4E20]  }
0x4dd: {  	_ =	sdelay $0x7  }
0x4de: {  	s25 =	sshra.s32 s25, $0x2;
	[tilespmem:v2+s23+$0x0] =	vst.idx.add.f32.msk $0xffff, v1  }
0x4df: {  	v1 =	vld [tilespmem:s25+$0x2710];
	_ =	sdelay $0x2  }
0x4e0: {  	v2 =	vld [tilespmem:s25+$0x7530];
	_ =	sdelay $0x4  }
0x4e1: {  	[tilespmem:v1+s22+$0x0] =	vst.idx.add.f32.msk $0xffff, v2  }
0x4e2: {  	v1 =	vld [tilespmem:s25+$0x4E20];
	_ =	sdelay $0x7  }
0x4e3: {  	s29 =	rddreg [dreg:$0x19];
	[tilespmem:v1+s23+$0x0] =	vst.idx.add.f32.msk $0xffff, v2  }
0x4e4: {  	[hbm4b:s29+s3] =	stream.linear.scatter [tilespmem:s22], [sflag:$0x3], $0x2710, $0x38;
	[tilespmem:$0x1B3F0] =	vst v63  }
0x4e5: {  	_ =	swait.ge [sflag:s12], $0x2710  }
0x4e6: {  	[sflag:s12] =	ssyncset.done $0x0  }
0x4e7: {  	s30 =	rddreg [dreg:$0x17];
	[sflag:s12] =	ssyncadd.s32 $0xFFFFD8F0  }
0x4e8: {  	[hbm4b:s30+s3] =	stream.linear.scatter [tilespmem:s23], [sflag:$0x3], $0x40, $0x38;
	[tilespmem:$0x1B3F0] =	vst v63  }
0x4e9: {  	_ =	swait.ge [sflag:s12], $0x40  }
0x4ea: {  	s24 =	sadd.s32 $0x1, s24;
	s31 =	rddreg [dreg:$0x1a]  }
0x4eb: {  	p0 =	sne.s32 s24, s31  }
.Ltmp13:
0x4ec: {  	_ = 	snop;
	(pc) =	sbr.rel @p0 .LBB2_1-.Ltmp13, $3  }
0x4ed: {  	_ =	sdelay $0x1  }
0x4ee: {  	[sflag:s12] =	ssyncset.done $0x0  }
0x4ef: {  	[sflag:s12] =	ssyncadd.s32 $0xFFFFFFC0  }
0x4f0: {  	_ =	sfence.sel $0x180000  }
0x4f1: {  	[bflag:$0x0] =	sbarrier.arrive $0xFFFF  }
0x4f2: {  	_ =	strace $0x90000047  }
0x4f3: {  	s0 =	stileid.u32;
	[bflag:$0x2] =	sbarrier.arrive $0xFFFF  }
0x4f4: {  	p0 =	sne.s32 s0, $0x0;
	s0 =	rddreg [dreg:$0x4]  }
0x4f5: {  	s0 =	sadd.s32 @!p0 $0x100000, s0  }
0x4f6: {  	[sflag:s0] =	ssyncadd.tile.s32 @!p0 $0x1;
	_ =	shalt  }
.Lfunc_end2:
_tile_overlayer_lowered:
.L_overlay_start_2:
0x4f7: {  	(tag) =	ssettag $0x2  }
0x4f8: {  	s0 =	rddreg [dreg:$0x0];
	s2 =	stileid.u32  }
0x4f9: {  	s1 =	rddreg [dreg:$0x1];
	p0 =	sne.s32 s2, $0x0  }
0x4fa: {  	s3 =	rddreg [dreg:$0x2];
	[bflag:$0x3] =	sbarrier.arrive $0xFFFF;
	s2 =	simm.s32 @!p0 $0x1C03  }
0x4fb: {  	[timem:s3], [sflag:s2] =	dma.local @!p0 [hbm:s0], s1  }
0x4fc: {  	s0 =	simm.s32 @!p0 $0x3  }
0x4fd: {  	_ =	swait.ge @!p0 [sflag:s0], s1  }
0x4fe: {  	s1 =	ssub.s32 @!p0 $0x0, s1;
	[sflag:s0] =	ssyncset.done @!p0 $0x0  }
0x4ff: {  	[sflag:s0] =	ssyncadd.s32 @!p0 s1  }
0x500: {  	[bflag:$0x3] =	sbarrier.arrive $0xFFFF  }
0x501: {  	_ =	shalt  }

</sc_bundles>
